<compile_context>
chip_gen: v7x
topology: tpu7x:2x2x1
jax: 0.10.2.dev20260603
libtpu: 0.0.44.dev20260713+nightly
codegen_flags: <defaults>
</compile_context>

<pallas_src>
import functools

import jax
import jax.numpy as jnp
from jax import lax
from jax.experimental import pallas as pl
from jax.experimental.pallas import tpu as pltpu
from jax.experimental.pallas import tpu_sc as plsc

NC = 2
NS = 16
NW = NC * NS
L = 16
K = 128


def _mesh():
    return plsc.VectorSubcoreMesh(
        core_axis_name="c", subcore_axis_name="s", num_cores=NC,
        num_subcores=NS)


def _norm_body(chunks, npad, row_h, col_h, ew_h, norm_h,
               row_v, col_v, ew_v, dis_v, nrm_v, t_v, acc_sp, sem_s):
    cid = lax.axis_index("c")
    sid = lax.axis_index("s")
    npt = npad // NS
    cpt = 2 * chunks

    @pl.when(cid == 0)
    def _():
        zero = jnp.zeros((L,), jnp.float32)
        pltpu.sync_copy(col_h.at[pl.ds(cpt * sid, cpt)], col_v)
        pltpu.sync_copy(ew_h.at[pl.ds(cpt * sid, cpt)], ew_v)
        for i in range(npt // L):
            t_v[pl.ds(L * i, L)] = zero
        pltpu.sync_copy(t_v, acc_sp.at[pl.ds(npt * sid, npt)])
        plsc.subcore_barrier()

        def step_a(ci, carry):
            pltpu.async_copy(ew_v.at[ci], acc_sp.at[col_v.at[ci]], sem_s,
                             add=True)
            return carry
        lax.fori_loop(0, cpt, step_a, 0)

        def drain_a(ci, carry):
            pltpu.make_async_copy(ew_v.at[0], acc_sp.at[col_v.at[0]],
                                  sem_s).wait()
            return carry
        lax.fori_loop(0, cpt, drain_a, 0)
        plsc.subcore_barrier()

        pltpu.sync_copy(acc_sp.at[pl.ds(npt * sid, npt)], t_v)
        for i in range(npt // L):
            d = t_v[pl.ds(L * i, L)]
            yi = lax.bitcast_convert_type(d, jnp.int32)
            yi = jnp.int32(0x5F3759DF) - lax.shift_right_logical(yi, 1)
            y = lax.bitcast_convert_type(yi, jnp.float32)
            for _ in range(3):
                y = y * (1.5 - 0.5 * d * y * y)
            t_v[pl.ds(L * i, L)] = y
        pltpu.sync_copy(t_v, acc_sp.at[pl.ds(npt * sid, npt)])
        plsc.subcore_barrier()
        pltpu.sync_copy(acc_sp, dis_v)

        pltpu.sync_copy(row_h.at[pl.ds(cpt * sid, cpt)], row_v)
        lane = lax.iota(jnp.int32, L)

        @plsc.parallel_loop(0, cpt * (K // L), 1, unroll=4)
        def _(g):
            ci16 = jnp.full((L,), g // (K // L), jnp.int32)
            off = lane + L * (g % (K // L))
            r16 = plsc.load_gather(row_v, [ci16, off])
            c16 = plsc.load_gather(col_v, [ci16, off])
            w16 = plsc.load_gather(ew_v, [ci16, off])
            dr = plsc.load_gather(dis_v, [r16])
            dc = plsc.load_gather(dis_v, [c16])
            plsc.store_scatter(nrm_v, [ci16, off], dr * w16 * dc)
        pltpu.sync_copy(nrm_v, norm_h.at[pl.ds(cpt * sid, cpt)])


def _make_norm_kernel(chunks, npad):
    cpt = 2 * chunks
    return pl.kernel(
        functools.partial(_norm_body, chunks, npad),
        out_type=jax.ShapeDtypeStruct((NW * chunks, K), jnp.float32),
        mesh=_mesh(),
        compiler_params=pltpu.CompilerParams(needs_layout_passes=False),
        scratch_types=[
            pltpu.VMEM((cpt, K), jnp.int32),
            pltpu.VMEM((cpt, K), jnp.int32),
            pltpu.VMEM((cpt, K), jnp.float32),
            pltpu.VMEM((npad,), jnp.float32),
            pltpu.VMEM((cpt, K), jnp.float32),
            pltpu.VMEM((npad // NS,), jnp.float32),
            pltpu.VMEM_SHARED((npad,), jnp.float32),
            pltpu.SemaphoreType.DMA,
        ],
    )


def _msg_body(chunks, npad, d,
              h_h, row_h, col_h, nrm_h, a0_h, a1_h,
              rowb, colb, nrmb, rows_a, rows_b, acc_sp,
              sem_a, sem_b, sem_p):
    cid = lax.axis_index("c")
    sid = lax.axis_index("s")
    wid = 2 * sid + cid
    npt = npad // NS
    nv = d // L
    base = chunks * wid
    nblk = chunks // 8

    zero = jnp.zeros((L,), jnp.float32)

    def zr(r, carry):
        for v in range(nv):
            rows_a[r, pl.ds(L * v, L)] = zero
        return carry
    lax.fori_loop(0, K, zr, 0)
    for k in range(npt // K):
        pltpu.sync_copy(rows_a, acc_sp.at[pl.ds(npt * sid + K * k, K)])
    pltpu.sync_copy(row_h.at[pl.ds(base, 8)], rowb.at[0])
    pltpu.sync_copy(col_h.at[pl.ds(base, 8)], colb.at[0])
    pltpu.sync_copy(nrm_h.at[pl.ds(base, 8)], nrmb.at[0])
    plsc.subcore_barrier()
    pltpu.async_copy(h_h.at[rowb.at[0].at[0]], rows_a, sem_a)
    pltpu.async_copy(h_h.at[rowb.at[0].at[1]], rows_b, sem_b)

    lane = lax.iota(jnp.int32, L)

    def scale(rows_v, par, j):
        j16 = jnp.full((L,), j, jnp.int32)
        p16 = jnp.full((L,), par, jnp.int32)

        @plsc.parallel_loop(0, K, 1, unroll=4)
        def _(e):
            e16 = jnp.full((L,), e, jnp.int32)
            s16 = plsc.load_gather(nrmb, [p16, j16, e16])
            for v in range(nv):
                off = lane + L * v
                x = plsc.load_gather(rows_v, [e16, off])
                plsc.store_scatter(rows_v, [e16, off], x * s16)
    def halfstep(rows_v, sem, c, par, j):
        pltpu.make_async_copy(h_h.at[pl.ds(0, K)], rows_v, sem).wait()
        scale(rows_v, par, j)
        pltpu.sync_copy(rows_v, acc_sp.at[colb.at[par].at[j]], add=True)
        c2 = c + 2

        @pl.when(c2 < chunks)
        def _():
            blk2 = c2 // 8
            pltpu.async_copy(
                h_h.at[rowb.at[blk2 % 2].at[c2 - 8 * blk2]], rows_v, sem)

    def step(i, carry):
        c0 = 2 * i
        blk = i // 4
        par = blk % 2
        j0 = c0 - 8 * blk

        @pl.when((j0 == 0) & (blk + 1 < nblk))
        def _():
            src = base + 8 * (blk + 1)
            pp = 1 - par
            pltpu.async_copy(row_h.at[pl.ds(src, 8)], rowb.at[pp], sem_p)
            pltpu.async_copy(col_h.at[pl.ds(src, 8)], colb.at[pp], sem_p)
            pltpu.async_copy(nrm_h.at[pl.ds(src, 8)], nrmb.at[pp], sem_p)

        @pl.when((j0 == 6) & (blk + 1 < nblk))
        def _():
            pp = 1 - par
            pltpu.make_async_copy(row_h.at[pl.ds(0, 8)],
                                  rowb.at[pp], sem_p).wait()
            pltpu.make_async_copy(col_h.at[pl.ds(0, 8)],
                                  colb.at[pp], sem_p).wait()
            pltpu.make_async_copy(nrm_h.at[pl.ds(0, 8)],
                                  nrmb.at[pp], sem_p).wait()

        halfstep(rows_a, sem_a, c0, par, j0)
        halfstep(rows_b, sem_b, c0 + 1, par, j0 + 1)
        return carry
    lax.fori_loop(0, chunks // 2, step, 0)
    plsc.subcore_barrier()

    @pl.when(cid == 0)
    def _():
        pltpu.sync_copy(acc_sp.at[pl.ds(npt * sid, npt)],
                        a0_h.at[pl.ds(npt * sid, npt)])

    @pl.when(cid == 1)
    def _():
        pltpu.sync_copy(acc_sp.at[pl.ds(npt * sid, npt)],
                        a1_h.at[pl.ds(npt * sid, npt)])


def _make_msg_kernel(chunks, npad, d):
    return pl.kernel(
        functools.partial(_msg_body, chunks, npad, d),
        out_type=[jax.ShapeDtypeStruct((npad, d), jnp.float32),
                  jax.ShapeDtypeStruct((npad, d), jnp.float32)],
        mesh=_mesh(),
        compiler_params=pltpu.CompilerParams(needs_layout_passes=False),
        scratch_types=[
            pltpu.VMEM((2, 8, K), jnp.int32),
            pltpu.VMEM((2, 8, K), jnp.int32),
            pltpu.VMEM((2, 8, K), jnp.float32),
            pltpu.VMEM((K, d), jnp.float32),
            pltpu.VMEM((K, d), jnp.float32),
            pltpu.VMEM_SHARED((npad, d), jnp.float32),
            pltpu.SemaphoreType.DMA,
            pltpu.SemaphoreType.DMA,
            pltpu.SemaphoreType.DMA,
        ],
    )


def _pick_bm(n):
    for bm in (2000, 1000, 500, 200, 100, 8):
        if n % bm == 0:
            return bm
    return n


def _tc_matmul(x, w):
    n, d = x.shape
    bm = _pick_bm(n)

    def body(x_ref, w_ref, o_ref):
        o_ref[...] = jnp.dot(x_ref[...], w_ref[...],
                             preferred_element_type=jnp.float32)
    return pl.pallas_call(
        body,
        grid=(n // bm,),
        in_specs=[pl.BlockSpec((bm, d), lambda j: (j, 0)),
                  pl.BlockSpec(w.shape, lambda j: (0, 0))],
        out_specs=pl.BlockSpec((bm, w.shape[1]), lambda j: (j, 0)),
        out_shape=jax.ShapeDtypeStruct((n, w.shape[1]), jnp.float32),
    )(x, w)


def _tc_relu_matmul(n, a0, a1, b, w, bout=None):
    d = a0.shape[1]
    bm = _pick_bm(n)
    b2 = b.reshape(1, d)
    args = [a0, a1, b2, w]
    in_specs = [pl.BlockSpec((bm, d), lambda j: (j, 0)),
                pl.BlockSpec((bm, d), lambda j: (j, 0)),
                pl.BlockSpec((1, d), lambda j: (0, 0)),
                pl.BlockSpec(w.shape, lambda j: (0, 0))]
    if bout is not None:
        args.append(bout.reshape(1, w.shape[1]))
        in_specs.append(pl.BlockSpec((1, w.shape[1]), lambda j: (0, 0)))

    def body(a0_ref, a1_ref, b_ref, w_ref, *rest):
        o_ref = rest[-1]
        t = jnp.maximum(a0_ref[...] + a1_ref[...] + b_ref[...], 0.0)
        o = jnp.dot(t, w_ref[...], preferred_element_type=jnp.float32)
        if bout is not None:
            o = o + rest[0][...]
        o_ref[...] = o
    return pl.pallas_call(
        body,
        grid=(n // bm,),
        in_specs=in_specs,
        out_specs=pl.BlockSpec((bm, w.shape[1]), lambda j: (j, 0)),
        out_shape=jax.ShapeDtypeStruct((n, w.shape[1]), jnp.float32),
    )(*args)


def kernel(x, edge_index, edge_attr, W1, b1, W2, b2, Wout, bout):
    n, d = x.shape
    e = edge_index.shape[1]

    loop = jnp.arange(n, dtype=jnp.int32)
    ep_real = e + n
    chunks = 8 * (-(-ep_real // (NW * K * 8)))
    ep = NW * K * chunks
    pad = ep - ep_real
    padi = jnp.arange(pad, dtype=jnp.int32)
    row = jnp.concatenate(
        [edge_index[0].astype(jnp.int32), loop,
         padi % n]).reshape(NW * chunks, K)
    col = jnp.concatenate(
        [edge_index[1].astype(jnp.int32), loop,
         padi % n]).reshape(NW * chunks, K)
    ew = jnp.concatenate(
        [edge_attr.astype(jnp.float32), jnp.ones((n,), jnp.float32),
         jnp.zeros((pad,), jnp.float32)]).reshape(NW * chunks, K)

    npt = -(-n // (NS * K)) * K
    npad = NS * npt

    norm = _make_norm_kernel(chunks, npad)(row, col, ew)
    msg = _make_msg_kernel(chunks, npad, d)

    h1 = _tc_matmul(x.astype(jnp.float32), W1)
    a0, a1 = msg(h1, row, col, norm)
    h2 = _tc_relu_matmul(n, a0, a1, b1, W2)
    c0, c1 = msg(h2, row, col, norm)
    out = _tc_relu_matmul(n, c0, c1, b2, Wout, bout)
    return out

# --- scband reference (transcript-rebuilt; emitter-appended) ---
"""Pipeline reference for scband-torch-gcn-77627238908321 (READ-ONLY COPY).

The authoritative reference and input builder live on the scoring server;
editing this copy changes nothing except your own understanding.
"""

import jax, jax.numpy as jnp
import numpy as np

N = 10000
E = 320000
D = 128


def gcn_conv(x, edge_index, edge_weight, W, b):
    # PyG GCNConv with add_self_loops=True, symmetric normalization, scalar edge weights.
    n = x.shape[0]
    loop = jnp.arange(n, dtype=edge_index.dtype)
    row = jnp.concatenate([edge_index[0], loop])
    col = jnp.concatenate([edge_index[1], loop])
    ew = jnp.concatenate([edge_weight, jnp.ones((n,), dtype=x.dtype)])
    deg = jnp.zeros((n,), dtype=x.dtype).at[col].add(ew)
    deg_inv_sqrt = jnp.where(deg > 0, deg ** -0.5, 0.0)
    norm = deg_inv_sqrt[row] * ew * deg_inv_sqrt[col]
    h = x @ W  # linear transform first (lin in GCNConv)
    msg = h[row] * norm[:, None]  # gather + scale
    out = jnp.zeros_like(h).at[col].add(msg)  # scatter-add aggregation at targets
    return out + b


def setup_inputs(seed: int = 0) -> dict:
    key = jax.random.key(seed)
    ks = jax.random.split(key, 10)
    x = jax.random.normal(ks[0], (N, D), dtype=jnp.float32)
    edge_index = jax.random.randint(ks[1], (2, E), 0, N).astype(jnp.int32)
    edge_attr = jax.random.uniform(ks[2], (E,), dtype=jnp.float32)
    s = 1.0 / np.sqrt(D)
    W1 = jax.random.normal(ks[3], (D, 128), dtype=jnp.float32) * s
    b1 = jnp.zeros((128,), dtype=jnp.float32)
    W2 = jax.random.normal(ks[4], (128, 128), dtype=jnp.float32) * s
    b2 = jnp.zeros((128,), dtype=jnp.float32)
    Wout = jax.random.normal(ks[5], (128, 128), dtype=jnp.float32) * s
    bout = jnp.zeros((128,), dtype=jnp.float32)
    return {"x": x, "edge_index": edge_index, "edge_attr": edge_attr,
            "W1": W1, "b1": b1, "W2": W2, "b2": b2, "Wout": Wout, "bout": bout}


def reference(x, edge_index, edge_attr, W1, b1, W2, b2, Wout, bout):
    # encoder_sizes=[], decoder_sizes=[]: input GCNConv -> relu -> GCNConv -> relu -> output Linear
    out = gcn_conv(x, edge_index, edge_attr, W1, b1)
    out = jax.nn.relu(out)
    out = gcn_conv(out, edge_index, edge_attr, W2, b2)
    out = jax.nn.relu(out)
    out = out @ Wout + bout
    return out

if __name__ == "__main__":
    import jax
    _d = setup_inputs()
    print(jax.jit(kernel)(*tuple(_d.values())))

</pallas_src>

<mosaic_0001>
#map = affine_map<(d0, d1) -> (0, 0)>
module attributes {stable_mosaic.version = 14 : i64} {
  func.func @_norm_body(%arg0: i32, %arg1: i32, %arg2: memref<2816x128xi32, #tpu.memory_space<hbm>>, %arg3: memref<2816x128xi32, #tpu.memory_space<hbm>>, %arg4: memref<2816x128xf32, #tpu.memory_space<hbm>>, %arg5: memref<2816x128xf32, #tpu.memory_space<hbm>>, %arg6: memref<176x128xi32, #tpu.memory_space<vmem>>, %arg7: memref<176x128xi32, #tpu.memory_space<vmem>>, %arg8: memref<176x128xf32, #tpu.memory_space<vmem>>, %arg9: memref<10240xf32, #tpu.memory_space<vmem>>, %arg10: memref<176x128xf32, #tpu.memory_space<vmem>>, %arg11: memref<640xf32, #tpu.memory_space<vmem>>, %arg12: memref<10240xf32, #tpu.memory_space<vmem_shared>>, %arg13: memref<!tpu.dma_semaphore, #tpu.memory_space<semaphore_mem>>) attributes {dimension_semantics = [#tpu.dimension_semantics<core_parallel>, #tpu.dimension_semantics<subcore_parallel>], iteration_bounds = array<i64: 2, 16>, scalar_prefetch = 0 : i64, scratch_operands = 8 : i64, tpu.core_type = #tpu.core_type<sc_vector_subcore>, window_params = [{transform_indices = #map}, {transform_indices = #map}, {transform_indices = #map}, {transform_indices = #map}]} {
    %eq3A = arith.constant 0 : i32
    %eq3A_0 = arith.cmpi eq, %arg0, %eq3A : i32
    %convert_element_type3A = arith.extui %eq3A_0 : i1 to i32
    %cond3A = arith.constant 0 : i32
    %cond3A_1 = arith.cmpi ne, %convert_element_type3A, %cond3A : i32
    scf.if %cond3A_1 {
      %broadcast_in_dim3A = arith.constant 0.000000e+00 : f32
      %broadcast_in_dim3A_2 = vector.broadcast %broadcast_in_dim3A : f32 to vector<16xf32>
      %mul3A = arith.constant 176 : i32
      %mul3A_3 = arith.muli %mul3A, %arg1 : i32
      "tpu.region"() ({
        %run_scoped3A = tpu.sem_alloc : memref<!tpu.dma_semaphore, #tpu.memory_space<semaphore_mem>>
        %dma_start3A = arith.constant 0 : i32
        %dma_start3A_1666 = tpu.memref_slice %arg3[%mul3A_3, %dma_start3A] : memref<2816x128xi32, #tpu.memory_space<hbm>> -> memref<176x128xi32, #tpu.memory_space<hbm>>
        %dma_start3A_1667 = arith.constant 0 : i32
        %dma_start3A_1668 = tpu.memref_slice %arg3[%mul3A_3, %dma_start3A_1667] : memref<2816x128xi32, #tpu.memory_space<hbm>> -> memref<176x128xi32, #tpu.memory_space<hbm>>
        tpu.enqueue_dma source(%dma_start3A_1668 : memref<176x128xi32, #tpu.memory_space<hbm>>) target(%arg7 : memref<176x128xi32, #tpu.memory_space<vmem>>) target_semaphore(%run_scoped3A : memref<!tpu.dma_semaphore, #tpu.memory_space<semaphore_mem>>)
        %dma_wait3A = arith.constant 0 : i32
        %dma_wait3A_1669 = tpu.memref_slice %arg3[%mul3A_3, %dma_wait3A] : memref<2816x128xi32, #tpu.memory_space<hbm>> -> memref<176x128xi32, #tpu.memory_space<hbm>>
        %dma_wait3A_1670 = arith.constant 0 : i32
        %dma_wait3A_1671 = tpu.memref_slice %arg3[%mul3A_3, %dma_wait3A_1670] : memref<2816x128xi32, #tpu.memory_space<hbm>> -> memref<176x128xi32, #tpu.memory_space<hbm>>
        tpu.wait_dma2 semaphore(%run_scoped3A : memref<!tpu.dma_semaphore, #tpu.memory_space<semaphore_mem>>) src(%dma_wait3A_1671 : memref<176x128xi32, #tpu.memory_space<hbm>>) dst(%arg7 : memref<176x128xi32, #tpu.memory_space<vmem>>)
        tpu.yield
      }) : () -> ()
      %mul3A_4 = arith.constant 176 : i32
      %mul3A_5 = arith.muli %mul3A_4, %arg1 : i32
      "tpu.region"() ({
        %run_scoped3A = tpu.sem_alloc : memref<!tpu.dma_semaphore, #tpu.memory_space<semaphore_mem>>
        %dma_start3A = arith.constant 0 : i32
        %dma_start3A_1666 = tpu.memref_slice %arg4[%mul3A_5, %dma_start3A] : memref<2816x128xf32, #tpu.memory_space<hbm>> -> memref<176x128xf32, #tpu.memory_space<hbm>>
        %dma_start3A_1667 = arith.constant 0 : i32
        %dma_start3A_1668 = tpu.memref_slice %arg4[%mul3A_5, %dma_start3A_1667] : memref<2816x128xf32, #tpu.memory_space<hbm>> -> memref<176x128xf32, #tpu.memory_space<hbm>>
        tpu.enqueue_dma source(%dma_start3A_1668 : memref<176x128xf32, #tpu.memory_space<hbm>>) target(%arg8 : memref<176x128xf32, #tpu.memory_space<vmem>>) target_semaphore(%run_scoped3A : memref<!tpu.dma_semaphore, #tpu.memory_space<semaphore_mem>>)
        %dma_wait3A = arith.constant 0 : i32
        %dma_wait3A_1669 = tpu.memref_slice %arg4[%mul3A_5, %dma_wait3A] : memref<2816x128xf32, #tpu.memory_space<hbm>> -> memref<176x128xf32, #tpu.memory_space<hbm>>
        %dma_wait3A_1670 = arith.constant 0 : i32
        %dma_wait3A_1671 = tpu.memref_slice %arg4[%mul3A_5, %dma_wait3A_1670] : memref<2816x128xf32, #tpu.memory_space<hbm>> -> memref<176x128xf32, #tpu.memory_space<hbm>>
        tpu.wait_dma2 semaphore(%run_scoped3A : memref<!tpu.dma_semaphore, #tpu.memory_space<semaphore_mem>>) src(%dma_wait3A_1671 : memref<176x128xf32, #tpu.memory_space<hbm>>) dst(%arg8 : memref<176x128xf32, #tpu.memory_space<vmem>>)
        tpu.yield
      }) : () -> ()
      %swap3A = arith.constant 0 : index
      %swap3A_6 = tpu.vector_load %arg11[%swap3A] {strides = array<i32>} : memref<640xf32, #tpu.memory_space<vmem>>, vector<16xf32>,
      tpu.vector_store %arg11[%swap3A], %broadcast_in_dim3A_2 {strides = array<i32>} : memref<640xf32, #tpu.memory_space<vmem>>, vector<16xf32>,
      %swap3A_7 = arith.constant 16 : index
      %swap3A_8 = tpu.vector_load %arg11[%swap3A_7] {strides = array<i32>} : memref<640xf32, #tpu.memory_space<vmem>>, vector<16xf32>,
      tpu.vector_store %arg11[%swap3A_7], %broadcast_in_dim3A_2 {strides = array<i32>} : memref<640xf32, #tpu.memory_space<vmem>>, vector<16xf32>,
      %swap3A_9 = arith.constant 32 : index
      %swap3A_10 = tpu.vector_load %arg11[%swap3A_9] {strides = array<i32>} : memref<640xf32, #tpu.memory_space<vmem>>, vector<16xf32>,
      tpu.vector_store %arg11[%swap3A_9], %broadcast_in_dim3A_2 {strides = array<i32>} : memref<640xf32, #tpu.memory_space<vmem>>, vector<16xf32>,
      %swap3A_11 = arith.constant 48 : index
      %swap3A_12 = tpu.vector_load %arg11[%swap3A_11] {strides = array<i32>} : memref<640xf32, #tpu.memory_space<vmem>>, vector<16xf32>,
      tpu.vector_store %arg11[%swap3A_11], %broadcast_in_dim3A_2 {strides = array<i32>} : memref<640xf32, #tpu.memory_space<vmem>>, vector<16xf32>,
      %swap3A_13 = arith.constant 64 : index
      %swap3A_14 = tpu.vector_load %arg11[%swap3A_13] {strides = array<i32>} : memref<640xf32, #tpu.memory_space<vmem>>, vector<16xf32>,
      tpu.vector_store %arg11[%swap3A_13], %broadcast_in_dim3A_2 {strides = array<i32>} : memref<640xf32, #tpu.memory_space<vmem>>, vector<16xf32>,
      %swap3A_15 = arith.constant 80 : index
      %swap3A_16 = tpu.vector_load %arg11[%swap3A_15] {strides = array<i32>} : memref<640xf32, #tpu.memory_space<vmem>>, vector<16xf32>,
      tpu.vector_store %arg11[%swap3A_15], %broadcast_in_dim3A_2 {strides = array<i32>} : memref<640xf32, #tpu.memory_space<vmem>>, vector<16xf32>,
      %swap3A_17 = arith.constant 96 : index
      %swap3A_18 = tpu.vector_load %arg11[%swap3A_17] {strides = array<i32>} : memref<640xf32, #tpu.memory_space<vmem>>, vector<16xf32>,
      tpu.vector_store %arg11[%swap3A_17], %broadcast_in_dim3A_2 {strides = array<i32>} : memref<640xf32, #tpu.memory_space<vmem>>, vector<16xf32>,
      %swap3A_19 = arith.constant 112 : index
      %swap3A_20 = tpu.vector_load %arg11[%swap3A_19] {strides = array<i32>} : memref<640xf32, #tpu.memory_space<vmem>>, vector<16xf32>,
      tpu.vector_store %arg11[%swap3A_19], %broadcast_in_dim3A_2 {strides = array<i32>} : memref<640xf32, #tpu.memory_space<vmem>>, vector<16xf32>,
      %swap3A_21 = arith.constant 128 : index
      %swap3A_22 = tpu.vector_load %arg11[%swap3A_21] {strides = array<i32>} : memref<640xf32, #tpu.memory_space<vmem>>, vector<16xf32>,
      tpu.vector_store %arg11[%swap3A_21], %broadcast_in_dim3A_2 {strides = array<i32>} : memref<640xf32, #tpu.memory_space<vmem>>, vector<16xf32>,
      %swap3A_23 = arith.constant 144 : index
      %swap3A_24 = tpu.vector_load %arg11[%swap3A_23] {strides = array<i32>} : memref<640xf32, #tpu.memory_space<vmem>>, vector<16xf32>,
      tpu.vector_store %arg11[%swap3A_23], %broadcast_in_dim3A_2 {strides = array<i32>} : memref<640xf32, #tpu.memory_space<vmem>>, vector<16xf32>,
      %swap3A_25 = arith.constant 160 : index
      %swap3A_26 = tpu.vector_load %arg11[%swap3A_25] {strides = array<i32>} : memref<640xf32, #tpu.memory_space<vmem>>, vector<16xf32>,
      tpu.vector_store %arg11[%swap3A_25], %broadcast_in_dim3A_2 {strides = array<i32>} : memref<640xf32, #tpu.memory_space<vmem>>, vector<16xf32>,
      %swap3A_27 = arith.constant 176 : index
      %swap3A_28 = tpu.vector_load %arg11[%swap3A_27] {strides = array<i32>} : memref<640xf32, #tpu.memory_space<vmem>>, vector<16xf32>,
      tpu.vector_store %arg11[%swap3A_27], %broadcast_in_dim3A_2 {strides = array<i32>} : memref<640xf32, #tpu.memory_space<vmem>>, vector<16xf32>,
      %swap3A_29 = arith.constant 192 : index
      %swap3A_30 = tpu.vector_load %arg11[%swap3A_29] {strides = array<i32>} : memref<640xf32, #tpu.memory_space<vmem>>, vector<16xf32>,
      tpu.vector_store %arg11[%swap3A_29], %broadcast_in_dim3A_2 {strides = array<i32>} : memref<640xf32, #tpu.memory_space<vmem>>, vector<16xf32>,
      %swap3A_31 = arith.constant 208 : index
      %swap3A_32 = tpu.vector_load %arg11[%swap3A_31] {strides = array<i32>} : memref<640xf32, #tpu.memory_space<vmem>>, vector<16xf32>,
      tpu.vector_store %arg11[%swap3A_31], %broadcast_in_dim3A_2 {strides = array<i32>} : memref<640xf32, #tpu.memory_space<vmem>>, vector<16xf32>,
      %swap3A_33 = arith.constant 224 : index
      %swap3A_34 = tpu.vector_load %arg11[%swap3A_33] {strides = array<i32>} : memref<640xf32, #tpu.memory_space<vmem>>, vector<16xf32>,
      tpu.vector_store %arg11[%swap3A_33], %broadcast_in_dim3A_2 {strides = array<i32>} : memref<640xf32, #tpu.memory_space<vmem>>, vector<16xf32>,
      %swap3A_35 = arith.constant 240 : index
      %swap3A_36 = tpu.vector_load %arg11[%swap3A_35] {strides = array<i32>} : memref<640xf32, #tpu.memory_space<vmem>>, vector<16xf32>,
      tpu.vector_store %arg11[%swap3A_35], %broadcast_in_dim3A_2 {strides = array<i32>} : memref<640xf32, #tpu.memory_space<vmem>>, vector<16xf32>,
      %swap3A_37 = arith.constant 256 : index
      %swap3A_38 = tpu.vector_load %arg11[%swap3A_37] {strides = array<i32>} : memref<640xf32, #tpu.memory_space<vmem>>, vector<16xf32>,
      tpu.vector_store %arg11[%swap3A_37], %broadcast_in_dim3A_2 {strides = array<i32>} : memref<640xf32, #tpu.memory_space<vmem>>, vector<16xf32>,
      %swap3A_39 = arith.constant 272 : index
      %swap3A_40 = tpu.vector_load %arg11[%swap3A_39] {strides = array<i32>} : memref<640xf32, #tpu.memory_space<vmem>>, vector<16xf32>,
      tpu.vector_store %arg11[%swap3A_39], %broadcast_in_dim3A_2 {strides = array<i32>} : memref<640xf32, #tpu.memory_space<vmem>>, vector<16xf32>,
      %swap3A_41 = arith.constant 288 : index
      %swap3A_42 = tpu.vector_load %arg11[%swap3A_41] {strides = array<i32>} : memref<640xf32, #tpu.memory_space<vmem>>, vector<16xf32>,
      tpu.vector_store %arg11[%swap3A_41], %broadcast_in_dim3A_2 {strides = array<i32>} : memref<640xf32, #tpu.memory_space<vmem>>, vector<16xf32>,
      %swap3A_43 = arith.constant 304 : index
      %swap3A_44 = tpu.vector_load %arg11[%swap3A_43] {strides = array<i32>} : memref<640xf32, #tpu.memory_space<vmem>>, vector<16xf32>,
      tpu.vector_store %arg11[%swap3A_43], %broadcast_in_dim3A_2 {strides = array<i32>} : memref<640xf32, #tpu.memory_space<vmem>>, vector<16xf32>,
      %swap3A_45 = arith.constant 320 : index
      %swap3A_46 = tpu.vector_load %arg11[%swap3A_45] {strides = array<i32>} : memref<640xf32, #tpu.memory_space<vmem>>, vector<16xf32>,
      tpu.vector_store %arg11[%swap3A_45], %broadcast_in_dim3A_2 {strides = array<i32>} : memref<640xf32, #tpu.memory_space<vmem>>, vector<16xf32>,
      %swap3A_47 = arith.constant 336 : index
      %swap3A_48 = tpu.vector_load %arg11[%swap3A_47] {strides = array<i32>} : memref<640xf32, #tpu.memory_space<vmem>>, vector<16xf32>,
      tpu.vector_store %arg11[%swap3A_47], %broadcast_in_dim3A_2 {strides = array<i32>} : memref<640xf32, #tpu.memory_space<vmem>>, vector<16xf32>,
      %swap3A_49 = arith.constant 352 : index
      %swap3A_50 = tpu.vector_load %arg11[%swap3A_49] {strides = array<i32>} : memref<640xf32, #tpu.memory_space<vmem>>, vector<16xf32>,
      tpu.vector_store %arg11[%swap3A_49], %broadcast_in_dim3A_2 {strides = array<i32>} : memref<640xf32, #tpu.memory_space<vmem>>, vector<16xf32>,
      %swap3A_51 = arith.constant 368 : index
      %swap3A_52 = tpu.vector_load %arg11[%swap3A_51] {strides = array<i32>} : memref<640xf32, #tpu.memory_space<vmem>>, vector<16xf32>,
      tpu.vector_store %arg11[%swap3A_51], %broadcast_in_dim3A_2 {strides = array<i32>} : memref<640xf32, #tpu.memory_space<vmem>>, vector<16xf32>,
      %swap3A_53 = arith.constant 384 : index
      %swap3A_54 = tpu.vector_load %arg11[%swap3A_53] {strides = array<i32>} : memref<640xf32, #tpu.memory_space<vmem>>, vector<16xf32>,
      tpu.vector_store %arg11[%swap3A_53], %broadcast_in_dim3A_2 {strides = array<i32>} : memref<640xf32, #tpu.memory_space<vmem>>, vector<16xf32>,
      %swap3A_55 = arith.constant 400 : index
      %swap3A_56 = tpu.vector_load %arg11[%swap3A_55] {strides = array<i32>} : memref<640xf32, #tpu.memory_space<vmem>>, vector<16xf32>,
      tpu.vector_store %arg11[%swap3A_55], %broadcast_in_dim3A_2 {strides = array<i32>} : memref<640xf32, #tpu.memory_space<vmem>>, vector<16xf32>,
      %swap3A_57 = arith.constant 416 : index
      %swap3A_58 = tpu.vector_load %arg11[%swap3A_57] {strides = array<i32>} : memref<640xf32, #tpu.memory_space<vmem>>, vector<16xf32>,
      tpu.vector_store %arg11[%swap3A_57], %broadcast_in_dim3A_2 {strides = array<i32>} : memref<640xf32, #tpu.memory_space<vmem>>, vector<16xf32>,
      %swap3A_59 = arith.constant 432 : index
      %swap3A_60 = tpu.vector_load %arg11[%swap3A_59] {strides = array<i32>} : memref<640xf32, #tpu.memory_space<vmem>>, vector<16xf32>,
      tpu.vector_store %arg11[%swap3A_59], %broadcast_in_dim3A_2 {strides = array<i32>} : memref<640xf32, #tpu.memory_space<vmem>>, vector<16xf32>,
      %swap3A_61 = arith.constant 448 : index
      %swap3A_62 = tpu.vector_load %arg11[%swap3A_61] {strides = array<i32>} : memref<640xf32, #tpu.memory_space<vmem>>, vector<16xf32>,
      tpu.vector_store %arg11[%swap3A_61], %broadcast_in_dim3A_2 {strides = array<i32>} : memref<640xf32, #tpu.memory_space<vmem>>, vector<16xf32>,
      %swap3A_63 = arith.constant 464 : index
      %swap3A_64 = tpu.vector_load %arg11[%swap3A_63] {strides = array<i32>} : memref<640xf32, #tpu.memory_space<vmem>>, vector<16xf32>,
      tpu.vector_store %arg11[%swap3A_63], %broadcast_in_dim3A_2 {strides = array<i32>} : memref<640xf32, #tpu.memory_space<vmem>>, vector<16xf32>,
      %swap3A_65 = arith.constant 480 : index
      %swap3A_66 = tpu.vector_load %arg11[%swap3A_65] {strides = array<i32>} : memref<640xf32, #tpu.memory_space<vmem>>, vector<16xf32>,
      tpu.vector_store %arg11[%swap3A_65], %broadcast_in_dim3A_2 {strides = array<i32>} : memref<640xf32, #tpu.memory_space<vmem>>, vector<16xf32>,
      %swap3A_67 = arith.constant 496 : index
      %swap3A_68 = tpu.vector_load %arg11[%swap3A_67] {strides = array<i32>} : memref<640xf32, #tpu.memory_space<vmem>>, vector<16xf32>,
      tpu.vector_store %arg11[%swap3A_67], %broadcast_in_dim3A_2 {strides = array<i32>} : memref<640xf32, #tpu.memory_space<vmem>>, vector<16xf32>,
      %swap3A_69 = arith.constant 512 : index
      %swap3A_70 = tpu.vector_load %arg11[%swap3A_69] {strides = array<i32>} : memref<640xf32, #tpu.memory_space<vmem>>, vector<16xf32>,
      tpu.vector_store %arg11[%swap3A_69], %broadcast_in_dim3A_2 {strides = array<i32>} : memref<640xf32, #tpu.memory_space<vmem>>, vector<16xf32>,
      %swap3A_71 = arith.constant 528 : index
      %swap3A_72 = tpu.vector_load %arg11[%swap3A_71] {strides = array<i32>} : memref<640xf32, #tpu.memory_space<vmem>>, vector<16xf32>,
      tpu.vector_store %arg11[%swap3A_71], %broadcast_in_dim3A_2 {strides = array<i32>} : memref<640xf32, #tpu.memory_space<vmem>>, vector<16xf32>,
      %swap3A_73 = arith.constant 544 : index
      %swap3A_74 = tpu.vector_load %arg11[%swap3A_73] {strides = array<i32>} : memref<640xf32, #tpu.memory_space<vmem>>, vector<16xf32>,
      tpu.vector_store %arg11[%swap3A_73], %broadcast_in_dim3A_2 {strides = array<i32>} : memref<640xf32, #tpu.memory_space<vmem>>, vector<16xf32>,
      %swap3A_75 = arith.constant 560 : index
      %swap3A_76 = tpu.vector_load %arg11[%swap3A_75] {strides = array<i32>} : memref<640xf32, #tpu.memory_space<vmem>>, vector<16xf32>,
      tpu.vector_store %arg11[%swap3A_75], %broadcast_in_dim3A_2 {strides = array<i32>} : memref<640xf32, #tpu.memory_space<vmem>>, vector<16xf32>,
      %swap3A_77 = arith.constant 576 : index
      %swap3A_78 = tpu.vector_load %arg11[%swap3A_77] {strides = array<i32>} : memref<640xf32, #tpu.memory_space<vmem>>, vector<16xf32>,
      tpu.vector_store %arg11[%swap3A_77], %broadcast_in_dim3A_2 {strides = array<i32>} : memref<640xf32, #tpu.memory_space<vmem>>, vector<16xf32>,
      %swap3A_79 = arith.constant 592 : index
      %swap3A_80 = tpu.vector_load %arg11[%swap3A_79] {strides = array<i32>} : memref<640xf32, #tpu.memory_space<vmem>>, vector<16xf32>,
      tpu.vector_store %arg11[%swap3A_79], %broadcast_in_dim3A_2 {strides = array<i32>} : memref<640xf32, #tpu.memory_space<vmem>>, vector<16xf32>,
      %swap3A_81 = arith.constant 608 : index
      %swap3A_82 = tpu.vector_load %arg11[%swap3A_81] {strides = array<i32>} : memref<640xf32, #tpu.memory_space<vmem>>, vector<16xf32>,
      tpu.vector_store %arg11[%swap3A_81], %broadcast_in_dim3A_2 {strides = array<i32>} : memref<640xf32, #tpu.memory_space<vmem>>, vector<16xf32>,
      %swap3A_83 = arith.constant 624 : index
      %swap3A_84 = tpu.vector_load %arg11[%swap3A_83] {strides = array<i32>} : memref<640xf32, #tpu.memory_space<vmem>>, vector<16xf32>,
      tpu.vector_store %arg11[%swap3A_83], %broadcast_in_dim3A_2 {strides = array<i32>} : memref<640xf32, #tpu.memory_space<vmem>>, vector<16xf32>,
      %mul3A_85 = arith.constant 640 : i32
      %mul3A_86 = arith.muli %mul3A_85, %arg1 : i32
      "tpu.region"() ({
        %run_scoped3A = tpu.sem_alloc : memref<!tpu.dma_semaphore, #tpu.memory_space<semaphore_mem>>
        %dma_start3A = tpu.memref_slice %arg12[%mul3A_86] : memref<10240xf32, #tpu.memory_space<vmem_shared>> -> memref<640xf32, #tpu.memory_space<vmem_shared>>
        %dma_start3A_1666 = tpu.memref_slice %arg12[%mul3A_86] : memref<10240xf32, #tpu.memory_space<vmem_shared>> -> memref<640xf32, #tpu.memory_space<vmem_shared>>
        tpu.enqueue_dma source(%arg11 : memref<640xf32, #tpu.memory_space<vmem>>) target(%dma_start3A_1666 : memref<640xf32, #tpu.memory_space<vmem_shared>>) target_semaphore(%run_scoped3A : memref<!tpu.dma_semaphore, #tpu.memory_space<semaphore_mem>>)
        %dma_wait3A = tpu.memref_slice %arg12[%mul3A_86] : memref<10240xf32, #tpu.memory_space<vmem_shared>> -> memref<640xf32, #tpu.memory_space<vmem_shared>>
        %dma_wait3A_1667 = tpu.memref_slice %arg12[%mul3A_86] : memref<10240xf32, #tpu.memory_space<vmem_shared>> -> memref<640xf32, #tpu.memory_space<vmem_shared>>
        tpu.wait_dma2 semaphore(%run_scoped3A : memref<!tpu.dma_semaphore, #tpu.memory_space<semaphore_mem>>) src(%arg11 : memref<640xf32, #tpu.memory_space<vmem>>) dst(%dma_wait3A_1667 : memref<640xf32, #tpu.memory_space<vmem_shared>>)
        tpu.yield
      }) : () -> ()
      %barrier3A = arith.constant 0 : index
      tpu.barrier barrier_id(%barrier3A)
      %scan3A = arith.constant 0 : i32
      %scan3A_87 = arith.constant 0 : i32
      %scan3A_88 = arith.constant 176 : i32
      %scan3A_89 = arith.addi %scan3A_87, %scan3A_88 : i32
      %scan3A_90 = arith.constant 1 : i32
      scf.for %scan3A_1666 = %scan3A_87 to %scan3A_89 step %scan3A_90  : i32 {
        %dma_start3A = arith.constant 0 : i32
        %dma_start3A_1667 = tpu.memref_slice %arg8[%scan3A_1666, %dma_start3A] : memref<176x128xf32, #tpu.memory_space<vmem>> -> memref<1x128xf32, #tpu.memory_space<vmem>>
        %dma_start3A_1668 = tpu.memref_squeeze %dma_start3A_1667 : memref<1x128xf32, #tpu.memory_space<vmem>> -> memref<128xf32, #tpu.memory_space<vmem>>
        %dma_start3A_1669 = arith.constant 0 : i32
        %dma_start3A_1670 = tpu.memref_slice %arg7[%scan3A_1666, %dma_start3A_1669] : memref<176x128xi32, #tpu.memory_space<vmem>> -> memref<1x128xi32, #tpu.memory_space<vmem>>
        %dma_start3A_1671 = tpu.memref_squeeze %dma_start3A_1670 : memref<1x128xi32, #tpu.memory_space<vmem>> -> memref<128xi32, #tpu.memory_space<vmem>>
        %dma_start3A_1672 = arith.constant 0 : i32
        %dma_start3A_1673 = tpu.memref_slice %arg12[%dma_start3A_1672] : memref<10240xf32, #tpu.memory_space<vmem_shared>> -> memref<10240xf32, #tpu.memory_space<vmem_shared>>
        tpu.enqueue_indirect_dma source(%dma_start3A_1668 : memref<128xf32, #tpu.memory_space<vmem>>) target(%dma_start3A_1673 : memref<10240xf32, #tpu.memory_space<vmem_shared>>) offsets(%dma_start3A_1671 : memref<128xi32, #tpu.memory_space<vmem>>) semaphore(%arg13 : memref<!tpu.dma_semaphore, #tpu.memory_space<semaphore_mem>>) {add = true}
      }
      %scan3A_91 = arith.constant 176 : i32
      %scan3A_92 = arith.constant 0 : i32
      %scan3A_93 = arith.constant 0 : i32
      %scan3A_94 = arith.constant 176 : i32
      %scan3A_95 = arith.addi %scan3A_93, %scan3A_94 : i32
      %scan3A_96 = arith.constant 1 : i32
      scf.for %scan3A_1666 = %scan3A_93 to %scan3A_95 step %scan3A_96  : i32 {
        %dma_wait3A = arith.constant 0 : i32
        %dma_wait3A_1667 = arith.constant 0 : i32
        %dma_wait3A_1668 = arith.constant 0 : i32
        %dma_wait3A_1669 = tpu.memref_slice %arg8[%dma_wait3A, %dma_wait3A_1668] : memref<176x128xf32, #tpu.memory_space<vmem>> -> memref<1x128xf32, #tpu.memory_space<vmem>>
        %dma_wait3A_1670 = tpu.memref_squeeze %dma_wait3A_1669 : memref<1x128xf32, #tpu.memory_space<vmem>> -> memref<128xf32, #tpu.memory_space<vmem>>
        %dma_wait3A_1671 = arith.constant 0 : i32
        %dma_wait3A_1672 = tpu.memref_slice %arg7[%dma_wait3A_1667, %dma_wait3A_1671] : memref<176x128xi32, #tpu.memory_space<vmem>> -> memref<1x128xi32, #tpu.memory_space<vmem>>
        %dma_wait3A_1673 = tpu.memref_squeeze %dma_wait3A_1672 : memref<1x128xi32, #tpu.memory_space<vmem>> -> memref<128xi32, #tpu.memory_space<vmem>>
        %dma_wait3A_1674 = arith.constant 0 : i32
        %dma_wait3A_1675 = tpu.memref_slice %arg12[%dma_wait3A_1674] : memref<10240xf32, #tpu.memory_space<vmem_shared>> -> memref<10240xf32, #tpu.memory_space<vmem_shared>>
        tpu.wait_indirect_dma semaphore(%arg13 : memref<!tpu.dma_semaphore, #tpu.memory_space<semaphore_mem>>) src(%dma_wait3A_1670 : memref<128xf32, #tpu.memory_space<vmem>>) dst(%dma_wait3A_1675 : memref<10240xf32, #tpu.memory_space<vmem_shared>>)
      }
      %scan3A_97 = arith.constant 176 : i32
      %barrier3A_98 = arith.constant 0 : index
      tpu.barrier barrier_id(%barrier3A_98)
      %mul3A_99 = arith.constant 640 : i32
      %mul3A_100 = arith.muli %mul3A_99, %arg1 : i32
      "tpu.region"() ({
        %run_scoped3A = tpu.sem_alloc : memref<!tpu.dma_semaphore, #tpu.memory_space<semaphore_mem>>
        %dma_start3A = tpu.memref_slice %arg12[%mul3A_100] : memref<10240xf32, #tpu.memory_space<vmem_shared>> -> memref<640xf32, #tpu.memory_space<vmem_shared>>
        %dma_start3A_1666 = tpu.memref_slice %arg12[%mul3A_100] : memref<10240xf32, #tpu.memory_space<vmem_shared>> -> memref<640xf32, #tpu.memory_space<vmem_shared>>
        tpu.enqueue_dma source(%dma_start3A_1666 : memref<640xf32, #tpu.memory_space<vmem_shared>>) target(%arg11 : memref<640xf32, #tpu.memory_space<vmem>>) target_semaphore(%run_scoped3A : memref<!tpu.dma_semaphore, #tpu.memory_space<semaphore_mem>>)
        %dma_wait3A = tpu.memref_slice %arg12[%mul3A_100] : memref<10240xf32, #tpu.memory_space<vmem_shared>> -> memref<640xf32, #tpu.memory_space<vmem_shared>>
        %dma_wait3A_1667 = tpu.memref_slice %arg12[%mul3A_100] : memref<10240xf32, #tpu.memory_space<vmem_shared>> -> memref<640xf32, #tpu.memory_space<vmem_shared>>
        tpu.wait_dma2 semaphore(%run_scoped3A : memref<!tpu.dma_semaphore, #tpu.memory_space<semaphore_mem>>) src(%dma_wait3A_1667 : memref<640xf32, #tpu.memory_space<vmem_shared>>) dst(%arg11 : memref<640xf32, #tpu.memory_space<vmem>>)
        tpu.yield
      }) : () -> ()
      %get3A = arith.constant 0 : index
      %get3A_101 = tpu.vector_load %arg11[%get3A] {strides = array<i32>} : memref<640xf32, #tpu.memory_space<vmem>>, vector<16xf32>,
      %bitcast_convert_type3A = tpu.bitcast %get3A_101 : vector<16xf32> -> vector<16xi32>
      %shift_right_logical3A = arith.constant 1 : i32
      %shift_right_logical3A_102 = vector.broadcast %shift_right_logical3A : i32 to vector<16xi32>
      %shift_right_logical3A_103 = arith.shrui %bitcast_convert_type3A, %shift_right_logical3A_102 : vector<16xi32>
      %sub3A = arith.constant 1597463007 : i32
      %sub3A_104 = vector.broadcast %sub3A : i32 to vector<16xi32>
      %sub3A_105 = arith.subi %sub3A_104, %shift_right_logical3A_103 : vector<16xi32>
      %bitcast_convert_type3A_106 = tpu.bitcast %sub3A_105 : vector<16xi32> -> vector<16xf32>
      %mul3A_107 = arith.constant 5.000000e-01 : f32
      %mul3A_108 = vector.broadcast %mul3A_107 : f32 to vector<16xf32>
      %mul3A_109 = arith.mulf %mul3A_108, %get3A_101 : vector<16xf32>
      %mul3A_110 = arith.mulf %mul3A_109, %bitcast_convert_type3A_106 : vector<16xf32>
      %mul3A_111 = arith.mulf %mul3A_110, %bitcast_convert_type3A_106 : vector<16xf32>
      %sub3A_112 = arith.constant 1.500000e+00 : f32
      %sub3A_113 = vector.broadcast %sub3A_112 : f32 to vector<16xf32>
      %sub3A_114 = arith.subf %sub3A_113, %mul3A_111 : vector<16xf32>
      %mul3A_115 = arith.mulf %bitcast_convert_type3A_106, %sub3A_114 : vector<16xf32>
      %mul3A_116 = arith.constant 5.000000e-01 : f32
      %mul3A_117 = vector.broadcast %mul3A_116 : f32 to vector<16xf32>
      %mul3A_118 = arith.mulf %mul3A_117, %get3A_101 : vector<16xf32>
      %mul3A_119 = arith.mulf %mul3A_118, %mul3A_115 : vector<16xf32>
      %mul3A_120 = arith.mulf %mul3A_119, %mul3A_115 : vector<16xf32>
      %sub3A_121 = arith.constant 1.500000e+00 : f32
      %sub3A_122 = vector.broadcast %sub3A_121 : f32 to vector<16xf32>
      %sub3A_123 = arith.subf %sub3A_122, %mul3A_120 : vector<16xf32>
      %mul3A_124 = arith.mulf %mul3A_115, %sub3A_123 : vector<16xf32>
      %mul3A_125 = arith.constant 5.000000e-01 : f32
      %mul3A_126 = vector.broadcast %mul3A_125 : f32 to vector<16xf32>
      %mul3A_127 = arith.mulf %mul3A_126, %get3A_101 : vector<16xf32>
      %mul3A_128 = arith.mulf %mul3A_127, %mul3A_124 : vector<16xf32>
      %mul3A_129 = arith.mulf %mul3A_128, %mul3A_124 : vector<16xf32>
      %sub3A_130 = arith.constant 1.500000e+00 : f32
      %sub3A_131 = vector.broadcast %sub3A_130 : f32 to vector<16xf32>
      %sub3A_132 = arith.subf %sub3A_131, %mul3A_129 : vector<16xf32>
      %mul3A_133 = arith.mulf %mul3A_124, %sub3A_132 : vector<16xf32>
      %swap3A_134 = arith.constant 0 : index
      %swap3A_135 = tpu.vector_load %arg11[%swap3A_134] {strides = array<i32>} : memref<640xf32, #tpu.memory_space<vmem>>, vector<16xf32>,
      tpu.vector_store %arg11[%swap3A_134], %mul3A_133 {strides = array<i32>} : memref<640xf32, #tpu.memory_space<vmem>>, vector<16xf32>,
      %get3A_136 = arith.constant 16 : index
      %get3A_137 = tpu.vector_load %arg11[%get3A_136] {strides = array<i32>} : memref<640xf32, #tpu.memory_space<vmem>>, vector<16xf32>,
      %bitcast_convert_type3A_138 = tpu.bitcast %get3A_137 : vector<16xf32> -> vector<16xi32>
      %shift_right_logical3A_139 = arith.constant 1 : i32
      %shift_right_logical3A_140 = vector.broadcast %shift_right_logical3A_139 : i32 to vector<16xi32>
      %shift_right_logical3A_141 = arith.shrui %bitcast_convert_type3A_138, %shift_right_logical3A_140 : vector<16xi32>
      %sub3A_142 = arith.constant 1597463007 : i32
      %sub3A_143 = vector.broadcast %sub3A_142 : i32 to vector<16xi32>
      %sub3A_144 = arith.subi %sub3A_143, %shift_right_logical3A_141 : vector<16xi32>
      %bitcast_convert_type3A_145 = tpu.bitcast %sub3A_144 : vector<16xi32> -> vector<16xf32>
      %mul3A_146 = arith.constant 5.000000e-01 : f32
      %mul3A_147 = vector.broadcast %mul3A_146 : f32 to vector<16xf32>
      %mul3A_148 = arith.mulf %mul3A_147, %get3A_137 : vector<16xf32>
      %mul3A_149 = arith.mulf %mul3A_148, %bitcast_convert_type3A_145 : vector<16xf32>
      %mul3A_150 = arith.mulf %mul3A_149, %bitcast_convert_type3A_145 : vector<16xf32>
      %sub3A_151 = arith.constant 1.500000e+00 : f32
      %sub3A_152 = vector.broadcast %sub3A_151 : f32 to vector<16xf32>
      %sub3A_153 = arith.subf %sub3A_152, %mul3A_150 : vector<16xf32>
      %mul3A_154 = arith.mulf %bitcast_convert_type3A_145, %sub3A_153 : vector<16xf32>
      %mul3A_155 = arith.constant 5.000000e-01 : f32
      %mul3A_156 = vector.broadcast %mul3A_155 : f32 to vector<16xf32>
      %mul3A_157 = arith.mulf %mul3A_156, %get3A_137 : vector<16xf32>
      %mul3A_158 = arith.mulf %mul3A_157, %mul3A_154 : vector<16xf32>
      %mul3A_159 = arith.mulf %mul3A_158, %mul3A_154 : vector<16xf32>
      %sub3A_160 = arith.constant 1.500000e+00 : f32
      %sub3A_161 = vector.broadcast %sub3A_160 : f32 to vector<16xf32>
      %sub3A_162 = arith.subf %sub3A_161, %mul3A_159 : vector<16xf32>
      %mul3A_163 = arith.mulf %mul3A_154, %sub3A_162 : vector<16xf32>
      %mul3A_164 = arith.constant 5.000000e-01 : f32
      %mul3A_165 = vector.broadcast %mul3A_164 : f32 to vector<16xf32>
      %mul3A_166 = arith.mulf %mul3A_165, %get3A_137 : vector<16xf32>
      %mul3A_167 = arith.mulf %mul3A_166, %mul3A_163 : vector<16xf32>
      %mul3A_168 = arith.mulf %mul3A_167, %mul3A_163 : vector<16xf32>
      %sub3A_169 = arith.constant 1.500000e+00 : f32
      %sub3A_170 = vector.broadcast %sub3A_169 : f32 to vector<16xf32>
      %sub3A_171 = arith.subf %sub3A_170, %mul3A_168 : vector<16xf32>
      %mul3A_172 = arith.mulf %mul3A_163, %sub3A_171 : vector<16xf32>
      %swap3A_173 = arith.constant 16 : index
      %swap3A_174 = tpu.vector_load %arg11[%swap3A_173] {strides = array<i32>} : memref<640xf32, #tpu.memory_space<vmem>>, vector<16xf32>,
      tpu.vector_store %arg11[%swap3A_173], %mul3A_172 {strides = array<i32>} : memref<640xf32, #tpu.memory_space<vmem>>, vector<16xf32>,
      %get3A_175 = arith.constant 32 : index
      %get3A_176 = tpu.vector_load %arg11[%get3A_175] {strides = array<i32>} : memref<640xf32, #tpu.memory_space<vmem>>, vector<16xf32>,
      %bitcast_convert_type3A_177 = tpu.bitcast %get3A_176 : vector<16xf32> -> vector<16xi32>
      %shift_right_logical3A_178 = arith.constant 1 : i32
      %shift_right_logical3A_179 = vector.broadcast %shift_right_logical3A_178 : i32 to vector<16xi32>
      %shift_right_logical3A_180 = arith.shrui %bitcast_convert_type3A_177, %shift_right_logical3A_179 : vector<16xi32>
      %sub3A_181 = arith.constant 1597463007 : i32
      %sub3A_182 = vector.broadcast %sub3A_181 : i32 to vector<16xi32>
      %sub3A_183 = arith.subi %sub3A_182, %shift_right_logical3A_180 : vector<16xi32>
      %bitcast_convert_type3A_184 = tpu.bitcast %sub3A_183 : vector<16xi32> -> vector<16xf32>
      %mul3A_185 = arith.constant 5.000000e-01 : f32
      %mul3A_186 = vector.broadcast %mul3A_185 : f32 to vector<16xf32>
      %mul3A_187 = arith.mulf %mul3A_186, %get3A_176 : vector<16xf32>
      %mul3A_188 = arith.mulf %mul3A_187, %bitcast_convert_type3A_184 : vector<16xf32>
      %mul3A_189 = arith.mulf %mul3A_188, %bitcast_convert_type3A_184 : vector<16xf32>
      %sub3A_190 = arith.constant 1.500000e+00 : f32
      %sub3A_191 = vector.broadcast %sub3A_190 : f32 to vector<16xf32>
      %sub3A_192 = arith.subf %sub3A_191, %mul3A_189 : vector<16xf32>
      %mul3A_193 = arith.mulf %bitcast_convert_type3A_184, %sub3A_192 : vector<16xf32>
      %mul3A_194 = arith.constant 5.000000e-01 : f32
      %mul3A_195 = vector.broadcast %mul3A_194 : f32 to vector<16xf32>
      %mul3A_196 = arith.mulf %mul3A_195, %get3A_176 : vector<16xf32>
      %mul3A_197 = arith.mulf %mul3A_196, %mul3A_193 : vector<16xf32>
      %mul3A_198 = arith.mulf %mul3A_197, %mul3A_193 : vector<16xf32>
      %sub3A_199 = arith.constant 1.500000e+00 : f32
      %sub3A_200 = vector.broadcast %sub3A_199 : f32 to vector<16xf32>
      %sub3A_201 = arith.subf %sub3A_200, %mul3A_198 : vector<16xf32>
      %mul3A_202 = arith.mulf %mul3A_193, %sub3A_201 : vector<16xf32>
      %mul3A_203 = arith.constant 5.000000e-01 : f32
      %mul3A_204 = vector.broadcast %mul3A_203 : f32 to vector<16xf32>
      %mul3A_205 = arith.mulf %mul3A_204, %get3A_176 : vector<16xf32>
      %mul3A_206 = arith.mulf %mul3A_205, %mul3A_202 : vector<16xf32>
      %mul3A_207 = arith.mulf %mul3A_206, %mul3A_202 : vector<16xf32>
      %sub3A_208 = arith.constant 1.500000e+00 : f32
      %sub3A_209 = vector.broadcast %sub3A_208 : f32 to vector<16xf32>
      %sub3A_210 = arith.subf %sub3A_209, %mul3A_207 : vector<16xf32>
      %mul3A_211 = arith.mulf %mul3A_202, %sub3A_210 : vector<16xf32>
      %swap3A_212 = arith.constant 32 : index
      %swap3A_213 = tpu.vector_load %arg11[%swap3A_212] {strides = array<i32>} : memref<640xf32, #tpu.memory_space<vmem>>, vector<16xf32>,
      tpu.vector_store %arg11[%swap3A_212], %mul3A_211 {strides = array<i32>} : memref<640xf32, #tpu.memory_space<vmem>>, vector<16xf32>,
      %get3A_214 = arith.constant 48 : index
      %get3A_215 = tpu.vector_load %arg11[%get3A_214] {strides = array<i32>} : memref<640xf32, #tpu.memory_space<vmem>>, vector<16xf32>,
      %bitcast_convert_type3A_216 = tpu.bitcast %get3A_215 : vector<16xf32> -> vector<16xi32>
      %shift_right_logical3A_217 = arith.constant 1 : i32
      %shift_right_logical3A_218 = vector.broadcast %shift_right_logical3A_217 : i32 to vector<16xi32>
      %shift_right_logical3A_219 = arith.shrui %bitcast_convert_type3A_216, %shift_right_logical3A_218 : vector<16xi32>
      %sub3A_220 = arith.constant 1597463007 : i32
      %sub3A_221 = vector.broadcast %sub3A_220 : i32 to vector<16xi32>
      %sub3A_222 = arith.subi %sub3A_221, %shift_right_logical3A_219 : vector<16xi32>
      %bitcast_convert_type3A_223 = tpu.bitcast %sub3A_222 : vector<16xi32> -> vector<16xf32>
      %mul3A_224 = arith.constant 5.000000e-01 : f32
      %mul3A_225 = vector.broadcast %mul3A_224 : f32 to vector<16xf32>
      %mul3A_226 = arith.mulf %mul3A_225, %get3A_215 : vector<16xf32>
      %mul3A_227 = arith.mulf %mul3A_226, %bitcast_convert_type3A_223 : vector<16xf32>
      %mul3A_228 = arith.mulf %mul3A_227, %bitcast_convert_type3A_223 : vector<16xf32>
      %sub3A_229 = arith.constant 1.500000e+00 : f32
      %sub3A_230 = vector.broadcast %sub3A_229 : f32 to vector<16xf32>
      %sub3A_231 = arith.subf %sub3A_230, %mul3A_228 : vector<16xf32>
      %mul3A_232 = arith.mulf %bitcast_convert_type3A_223, %sub3A_231 : vector<16xf32>
      %mul3A_233 = arith.constant 5.000000e-01 : f32
      %mul3A_234 = vector.broadcast %mul3A_233 : f32 to vector<16xf32>
      %mul3A_235 = arith.mulf %mul3A_234, %get3A_215 : vector<16xf32>
      %mul3A_236 = arith.mulf %mul3A_235, %mul3A_232 : vector<16xf32>
      %mul3A_237 = arith.mulf %mul3A_236, %mul3A_232 : vector<16xf32>
      %sub3A_238 = arith.constant 1.500000e+00 : f32
      %sub3A_239 = vector.broadcast %sub3A_238 : f32 to vector<16xf32>
      %sub3A_240 = arith.subf %sub3A_239, %mul3A_237 : vector<16xf32>
      %mul3A_241 = arith.mulf %mul3A_232, %sub3A_240 : vector<16xf32>
      %mul3A_242 = arith.constant 5.000000e-01 : f32
      %mul3A_243 = vector.broadcast %mul3A_242 : f32 to vector<16xf32>
      %mul3A_244 = arith.mulf %mul3A_243, %get3A_215 : vector<16xf32>
      %mul3A_245 = arith.mulf %mul3A_244, %mul3A_241 : vector<16xf32>
      %mul3A_246 = arith.mulf %mul3A_245, %mul3A_241 : vector<16xf32>
      %sub3A_247 = arith.constant 1.500000e+00 : f32
      %sub3A_248 = vector.broadcast %sub3A_247 : f32 to vector<16xf32>
      %sub3A_249 = arith.subf %sub3A_248, %mul3A_246 : vector<16xf32>
      %mul3A_250 = arith.mulf %mul3A_241, %sub3A_249 : vector<16xf32>
      %swap3A_251 = arith.constant 48 : index
      %swap3A_252 = tpu.vector_load %arg11[%swap3A_251] {strides = array<i32>} : memref<640xf32, #tpu.memory_space<vmem>>, vector<16xf32>,
      tpu.vector_store %arg11[%swap3A_251], %mul3A_250 {strides = array<i32>} : memref<640xf32, #tpu.memory_space<vmem>>, vector<16xf32>,
      %get3A_253 = arith.constant 64 : index
      %get3A_254 = tpu.vector_load %arg11[%get3A_253] {strides = array<i32>} : memref<640xf32, #tpu.memory_space<vmem>>, vector<16xf32>,
      %bitcast_convert_type3A_255 = tpu.bitcast %get3A_254 : vector<16xf32> -> vector<16xi32>
      %shift_right_logical3A_256 = arith.constant 1 : i32
      %shift_right_logical3A_257 = vector.broadcast %shift_right_logical3A_256 : i32 to vector<16xi32>
      %shift_right_logical3A_258 = arith.shrui %bitcast_convert_type3A_255, %shift_right_logical3A_257 : vector<16xi32>
      %sub3A_259 = arith.constant 1597463007 : i32
      %sub3A_260 = vector.broadcast %sub3A_259 : i32 to vector<16xi32>
      %sub3A_261 = arith.subi %sub3A_260, %shift_right_logical3A_258 : vector<16xi32>
      %bitcast_convert_type3A_262 = tpu.bitcast %sub3A_261 : vector<16xi32> -> vector<16xf32>
      %mul3A_263 = arith.constant 5.000000e-01 : f32
      %mul3A_264 = vector.broadcast %mul3A_263 : f32 to vector<16xf32>
      %mul3A_265 = arith.mulf %mul3A_264, %get3A_254 : vector<16xf32>
      %mul3A_266 = arith.mulf %mul3A_265, %bitcast_convert_type3A_262 : vector<16xf32>
      %mul3A_267 = arith.mulf %mul3A_266, %bitcast_convert_type3A_262 : vector<16xf32>
      %sub3A_268 = arith.constant 1.500000e+00 : f32
      %sub3A_269 = vector.broadcast %sub3A_268 : f32 to vector<16xf32>
      %sub3A_270 = arith.subf %sub3A_269, %mul3A_267 : vector<16xf32>
      %mul3A_271 = arith.mulf %bitcast_convert_type3A_262, %sub3A_270 : vector<16xf32>
      %mul3A_272 = arith.constant 5.000000e-01 : f32
      %mul3A_273 = vector.broadcast %mul3A_272 : f32 to vector<16xf32>
      %mul3A_274 = arith.mulf %mul3A_273, %get3A_254 : vector<16xf32>
      %mul3A_275 = arith.mulf %mul3A_274, %mul3A_271 : vector<16xf32>
      %mul3A_276 = arith.mulf %mul3A_275, %mul3A_271 : vector<16xf32>
      %sub3A_277 = arith.constant 1.500000e+00 : f32
      %sub3A_278 = vector.broadcast %sub3A_277 : f32 to vector<16xf32>
      %sub3A_279 = arith.subf %sub3A_278, %mul3A_276 : vector<16xf32>
      %mul3A_280 = arith.mulf %mul3A_271, %sub3A_279 : vector<16xf32>
      %mul3A_281 = arith.constant 5.000000e-01 : f32
      %mul3A_282 = vector.broadcast %mul3A_281 : f32 to vector<16xf32>
      %mul3A_283 = arith.mulf %mul3A_282, %get3A_254 : vector<16xf32>
      %mul3A_284 = arith.mulf %mul3A_283, %mul3A_280 : vector<16xf32>
      %mul3A_285 = arith.mulf %mul3A_284, %mul3A_280 : vector<16xf32>
      %sub3A_286 = arith.constant 1.500000e+00 : f32
      %sub3A_287 = vector.broadcast %sub3A_286 : f32 to vector<16xf32>
      %sub3A_288 = arith.subf %sub3A_287, %mul3A_285 : vector<16xf32>
      %mul3A_289 = arith.mulf %mul3A_280, %sub3A_288 : vector<16xf32>
      %swap3A_290 = arith.constant 64 : index
      %swap3A_291 = tpu.vector_load %arg11[%swap3A_290] {strides = array<i32>} : memref<640xf32, #tpu.memory_space<vmem>>, vector<16xf32>,
      tpu.vector_store %arg11[%swap3A_290], %mul3A_289 {strides = array<i32>} : memref<640xf32, #tpu.memory_space<vmem>>, vector<16xf32>,
      %get3A_292 = arith.constant 80 : index
      %get3A_293 = tpu.vector_load %arg11[%get3A_292] {strides = array<i32>} : memref<640xf32, #tpu.memory_space<vmem>>, vector<16xf32>,
      %bitcast_convert_type3A_294 = tpu.bitcast %get3A_293 : vector<16xf32> -> vector<16xi32>
      %shift_right_logical3A_295 = arith.constant 1 : i32
      %shift_right_logical3A_296 = vector.broadcast %shift_right_logical3A_295 : i32 to vector<16xi32>
      %shift_right_logical3A_297 = arith.shrui %bitcast_convert_type3A_294, %shift_right_logical3A_296 : vector<16xi32>
      %sub3A_298 = arith.constant 1597463007 : i32
      %sub3A_299 = vector.broadcast %sub3A_298 : i32 to vector<16xi32>
      %sub3A_300 = arith.subi %sub3A_299, %shift_right_logical3A_297 : vector<16xi32>
      %bitcast_convert_type3A_301 = tpu.bitcast %sub3A_300 : vector<16xi32> -> vector<16xf32>
      %mul3A_302 = arith.constant 5.000000e-01 : f32
      %mul3A_303 = vector.broadcast %mul3A_302 : f32 to vector<16xf32>
      %mul3A_304 = arith.mulf %mul3A_303, %get3A_293 : vector<16xf32>
      %mul3A_305 = arith.mulf %mul3A_304, %bitcast_convert_type3A_301 : vector<16xf32>
      %mul3A_306 = arith.mulf %mul3A_305, %bitcast_convert_type3A_301 : vector<16xf32>
      %sub3A_307 = arith.constant 1.500000e+00 : f32
      %sub3A_308 = vector.broadcast %sub3A_307 : f32 to vector<16xf32>
      %sub3A_309 = arith.subf %sub3A_308, %mul3A_306 : vector<16xf32>
      %mul3A_310 = arith.mulf %bitcast_convert_type3A_301, %sub3A_309 : vector<16xf32>
      %mul3A_311 = arith.constant 5.000000e-01 : f32
      %mul3A_312 = vector.broadcast %mul3A_311 : f32 to vector<16xf32>
      %mul3A_313 = arith.mulf %mul3A_312, %get3A_293 : vector<16xf32>
      %mul3A_314 = arith.mulf %mul3A_313, %mul3A_310 : vector<16xf32>
      %mul3A_315 = arith.mulf %mul3A_314, %mul3A_310 : vector<16xf32>
      %sub3A_316 = arith.constant 1.500000e+00 : f32
      %sub3A_317 = vector.broadcast %sub3A_316 : f32 to vector<16xf32>
      %sub3A_318 = arith.subf %sub3A_317, %mul3A_315 : vector<16xf32>
      %mul3A_319 = arith.mulf %mul3A_310, %sub3A_318 : vector<16xf32>
      %mul3A_320 = arith.constant 5.000000e-01 : f32
      %mul3A_321 = vector.broadcast %mul3A_320 : f32 to vector<16xf32>
      %mul3A_322 = arith.mulf %mul3A_321, %get3A_293 : vector<16xf32>
      %mul3A_323 = arith.mulf %mul3A_322, %mul3A_319 : vector<16xf32>
      %mul3A_324 = arith.mulf %mul3A_323, %mul3A_319 : vector<16xf32>
      %sub3A_325 = arith.constant 1.500000e+00 : f32
      %sub3A_326 = vector.broadcast %sub3A_325 : f32 to vector<16xf32>
      %sub3A_327 = arith.subf %sub3A_326, %mul3A_324 : vector<16xf32>
      %mul3A_328 = arith.mulf %mul3A_319, %sub3A_327 : vector<16xf32>
      %swap3A_329 = arith.constant 80 : index
      %swap3A_330 = tpu.vector_load %arg11[%swap3A_329] {strides = array<i32>} : memref<640xf32, #tpu.memory_space<vmem>>, vector<16xf32>,
      tpu.vector_store %arg11[%swap3A_329], %mul3A_328 {strides = array<i32>} : memref<640xf32, #tpu.memory_space<vmem>>, vector<16xf32>,
      %get3A_331 = arith.constant 96 : index
      %get3A_332 = tpu.vector_load %arg11[%get3A_331] {strides = array<i32>} : memref<640xf32, #tpu.memory_space<vmem>>, vector<16xf32>,
      %bitcast_convert_type3A_333 = tpu.bitcast %get3A_332 : vector<16xf32> -> vector<16xi32>
      %shift_right_logical3A_334 = arith.constant 1 : i32
      %shift_right_logical3A_335 = vector.broadcast %shift_right_logical3A_334 : i32 to vector<16xi32>
      %shift_right_logical3A_336 = arith.shrui %bitcast_convert_type3A_333, %shift_right_logical3A_335 : vector<16xi32>
      %sub3A_337 = arith.constant 1597463007 : i32
      %sub3A_338 = vector.broadcast %sub3A_337 : i32 to vector<16xi32>
      %sub3A_339 = arith.subi %sub3A_338, %shift_right_logical3A_336 : vector<16xi32>
      %bitcast_convert_type3A_340 = tpu.bitcast %sub3A_339 : vector<16xi32> -> vector<16xf32>
      %mul3A_341 = arith.constant 5.000000e-01 : f32
      %mul3A_342 = vector.broadcast %mul3A_341 : f32 to vector<16xf32>
      %mul3A_343 = arith.mulf %mul3A_342, %get3A_332 : vector<16xf32>
      %mul3A_344 = arith.mulf %mul3A_343, %bitcast_convert_type3A_340 : vector<16xf32>
      %mul3A_345 = arith.mulf %mul3A_344, %bitcast_convert_type3A_340 : vector<16xf32>
      %sub3A_346 = arith.constant 1.500000e+00 : f32
      %sub3A_347 = vector.broadcast %sub3A_346 : f32 to vector<16xf32>
      %sub3A_348 = arith.subf %sub3A_347, %mul3A_345 : vector<16xf32>
      %mul3A_349 = arith.mulf %bitcast_convert_type3A_340, %sub3A_348 : vector<16xf32>
      %mul3A_350 = arith.constant 5.000000e-01 : f32
      %mul3A_351 = vector.broadcast %mul3A_350 : f32 to vector<16xf32>
      %mul3A_352 = arith.mulf %mul3A_351, %get3A_332 : vector<16xf32>
      %mul3A_353 = arith.mulf %mul3A_352, %mul3A_349 : vector<16xf32>
      %mul3A_354 = arith.mulf %mul3A_353, %mul3A_349 : vector<16xf32>
      %sub3A_355 = arith.constant 1.500000e+00 : f32
      %sub3A_356 = vector.broadcast %sub3A_355 : f32 to vector<16xf32>
      %sub3A_357 = arith.subf %sub3A_356, %mul3A_354 : vector<16xf32>
      %mul3A_358 = arith.mulf %mul3A_349, %sub3A_357 : vector<16xf32>
      %mul3A_359 = arith.constant 5.000000e-01 : f32
      %mul3A_360 = vector.broadcast %mul3A_359 : f32 to vector<16xf32>
      %mul3A_361 = arith.mulf %mul3A_360, %get3A_332 : vector<16xf32>
      %mul3A_362 = arith.mulf %mul3A_361, %mul3A_358 : vector<16xf32>
      %mul3A_363 = arith.mulf %mul3A_362, %mul3A_358 : vector<16xf32>
      %sub3A_364 = arith.constant 1.500000e+00 : f32
      %sub3A_365 = vector.broadcast %sub3A_364 : f32 to vector<16xf32>
      %sub3A_366 = arith.subf %sub3A_365, %mul3A_363 : vector<16xf32>
      %mul3A_367 = arith.mulf %mul3A_358, %sub3A_366 : vector<16xf32>
      %swap3A_368 = arith.constant 96 : index
      %swap3A_369 = tpu.vector_load %arg11[%swap3A_368] {strides = array<i32>} : memref<640xf32, #tpu.memory_space<vmem>>, vector<16xf32>,
      tpu.vector_store %arg11[%swap3A_368], %mul3A_367 {strides = array<i32>} : memref<640xf32, #tpu.memory_space<vmem>>, vector<16xf32>,
      %get3A_370 = arith.constant 112 : index
      %get3A_371 = tpu.vector_load %arg11[%get3A_370] {strides = array<i32>} : memref<640xf32, #tpu.memory_space<vmem>>, vector<16xf32>,
      %bitcast_convert_type3A_372 = tpu.bitcast %get3A_371 : vector<16xf32> -> vector<16xi32>
      %shift_right_logical3A_373 = arith.constant 1 : i32
      %shift_right_logical3A_374 = vector.broadcast %shift_right_logical3A_373 : i32 to vector<16xi32>
      %shift_right_logical3A_375 = arith.shrui %bitcast_convert_type3A_372, %shift_right_logical3A_374 : vector<16xi32>
      %sub3A_376 = arith.constant 1597463007 : i32
      %sub3A_377 = vector.broadcast %sub3A_376 : i32 to vector<16xi32>
      %sub3A_378 = arith.subi %sub3A_377, %shift_right_logical3A_375 : vector<16xi32>
      %bitcast_convert_type3A_379 = tpu.bitcast %sub3A_378 : vector<16xi32> -> vector<16xf32>
      %mul3A_380 = arith.constant 5.000000e-01 : f32
      %mul3A_381 = vector.broadcast %mul3A_380 : f32 to vector<16xf32>
      %mul3A_382 = arith.mulf %mul3A_381, %get3A_371 : vector<16xf32>
      %mul3A_383 = arith.mulf %mul3A_382, %bitcast_convert_type3A_379 : vector<16xf32>
      %mul3A_384 = arith.mulf %mul3A_383, %bitcast_convert_type3A_379 : vector<16xf32>
      %sub3A_385 = arith.constant 1.500000e+00 : f32
      %sub3A_386 = vector.broadcast %sub3A_385 : f32 to vector<16xf32>
      %sub3A_387 = arith.subf %sub3A_386, %mul3A_384 : vector<16xf32>
      %mul3A_388 = arith.mulf %bitcast_convert_type3A_379, %sub3A_387 : vector<16xf32>
      %mul3A_389 = arith.constant 5.000000e-01 : f32
      %mul3A_390 = vector.broadcast %mul3A_389 : f32 to vector<16xf32>
      %mul3A_391 = arith.mulf %mul3A_390, %get3A_371 : vector<16xf32>
      %mul3A_392 = arith.mulf %mul3A_391, %mul3A_388 : vector<16xf32>
      %mul3A_393 = arith.mulf %mul3A_392, %mul3A_388 : vector<16xf32>
      %sub3A_394 = arith.constant 1.500000e+00 : f32
      %sub3A_395 = vector.broadcast %sub3A_394 : f32 to vector<16xf32>
      %sub3A_396 = arith.subf %sub3A_395, %mul3A_393 : vector<16xf32>
      %mul3A_397 = arith.mulf %mul3A_388, %sub3A_396 : vector<16xf32>
      %mul3A_398 = arith.constant 5.000000e-01 : f32
      %mul3A_399 = vector.broadcast %mul3A_398 : f32 to vector<16xf32>
      %mul3A_400 = arith.mulf %mul3A_399, %get3A_371 : vector<16xf32>
      %mul3A_401 = arith.mulf %mul3A_400, %mul3A_397 : vector<16xf32>
      %mul3A_402 = arith.mulf %mul3A_401, %mul3A_397 : vector<16xf32>
      %sub3A_403 = arith.constant 1.500000e+00 : f32
      %sub3A_404 = vector.broadcast %sub3A_403 : f32 to vector<16xf32>
      %sub3A_405 = arith.subf %sub3A_404, %mul3A_402 : vector<16xf32>
      %mul3A_406 = arith.mulf %mul3A_397, %sub3A_405 : vector<16xf32>
      %swap3A_407 = arith.constant 112 : index
      %swap3A_408 = tpu.vector_load %arg11[%swap3A_407] {strides = array<i32>} : memref<640xf32, #tpu.memory_space<vmem>>, vector<16xf32>,
      tpu.vector_store %arg11[%swap3A_407], %mul3A_406 {strides = array<i32>} : memref<640xf32, #tpu.memory_space<vmem>>, vector<16xf32>,
      %get3A_409 = arith.constant 128 : index
      %get3A_410 = tpu.vector_load %arg11[%get3A_409] {strides = array<i32>} : memref<640xf32, #tpu.memory_space<vmem>>, vector<16xf32>,
      %bitcast_convert_type3A_411 = tpu.bitcast %get3A_410 : vector<16xf32> -> vector<16xi32>
      %shift_right_logical3A_412 = arith.constant 1 : i32
      %shift_right_logical3A_413 = vector.broadcast %shift_right_logical3A_412 : i32 to vector<16xi32>
      %shift_right_logical3A_414 = arith.shrui %bitcast_convert_type3A_411, %shift_right_logical3A_413 : vector<16xi32>
      %sub3A_415 = arith.constant 1597463007 : i32
      %sub3A_416 = vector.broadcast %sub3A_415 : i32 to vector<16xi32>
      %sub3A_417 = arith.subi %sub3A_416, %shift_right_logical3A_414 : vector<16xi32>
      %bitcast_convert_type3A_418 = tpu.bitcast %sub3A_417 : vector<16xi32> -> vector<16xf32>
      %mul3A_419 = arith.constant 5.000000e-01 : f32
      %mul3A_420 = vector.broadcast %mul3A_419 : f32 to vector<16xf32>
      %mul3A_421 = arith.mulf %mul3A_420, %get3A_410 : vector<16xf32>
      %mul3A_422 = arith.mulf %mul3A_421, %bitcast_convert_type3A_418 : vector<16xf32>
      %mul3A_423 = arith.mulf %mul3A_422, %bitcast_convert_type3A_418 : vector<16xf32>
      %sub3A_424 = arith.constant 1.500000e+00 : f32
      %sub3A_425 = vector.broadcast %sub3A_424 : f32 to vector<16xf32>
      %sub3A_426 = arith.subf %sub3A_425, %mul3A_423 : vector<16xf32>
      %mul3A_427 = arith.mulf %bitcast_convert_type3A_418, %sub3A_426 : vector<16xf32>
      %mul3A_428 = arith.constant 5.000000e-01 : f32
      %mul3A_429 = vector.broadcast %mul3A_428 : f32 to vector<16xf32>
      %mul3A_430 = arith.mulf %mul3A_429, %get3A_410 : vector<16xf32>
      %mul3A_431 = arith.mulf %mul3A_430, %mul3A_427 : vector<16xf32>
      %mul3A_432 = arith.mulf %mul3A_431, %mul3A_427 : vector<16xf32>
      %sub3A_433 = arith.constant 1.500000e+00 : f32
      %sub3A_434 = vector.broadcast %sub3A_433 : f32 to vector<16xf32>
      %sub3A_435 = arith.subf %sub3A_434, %mul3A_432 : vector<16xf32>
      %mul3A_436 = arith.mulf %mul3A_427, %sub3A_435 : vector<16xf32>
      %mul3A_437 = arith.constant 5.000000e-01 : f32
      %mul3A_438 = vector.broadcast %mul3A_437 : f32 to vector<16xf32>
      %mul3A_439 = arith.mulf %mul3A_438, %get3A_410 : vector<16xf32>
      %mul3A_440 = arith.mulf %mul3A_439, %mul3A_436 : vector<16xf32>
      %mul3A_441 = arith.mulf %mul3A_440, %mul3A_436 : vector<16xf32>
      %sub3A_442 = arith.constant 1.500000e+00 : f32
      %sub3A_443 = vector.broadcast %sub3A_442 : f32 to vector<16xf32>
      %sub3A_444 = arith.subf %sub3A_443, %mul3A_441 : vector<16xf32>
      %mul3A_445 = arith.mulf %mul3A_436, %sub3A_444 : vector<16xf32>
      %swap3A_446 = arith.constant 128 : index
      %swap3A_447 = tpu.vector_load %arg11[%swap3A_446] {strides = array<i32>} : memref<640xf32, #tpu.memory_space<vmem>>, vector<16xf32>,
      tpu.vector_store %arg11[%swap3A_446], %mul3A_445 {strides = array<i32>} : memref<640xf32, #tpu.memory_space<vmem>>, vector<16xf32>,
      %get3A_448 = arith.constant 144 : index
      %get3A_449 = tpu.vector_load %arg11[%get3A_448] {strides = array<i32>} : memref<640xf32, #tpu.memory_space<vmem>>, vector<16xf32>,
      %bitcast_convert_type3A_450 = tpu.bitcast %get3A_449 : vector<16xf32> -> vector<16xi32>
      %shift_right_logical3A_451 = arith.constant 1 : i32
      %shift_right_logical3A_452 = vector.broadcast %shift_right_logical3A_451 : i32 to vector<16xi32>
      %shift_right_logical3A_453 = arith.shrui %bitcast_convert_type3A_450, %shift_right_logical3A_452 : vector<16xi32>
      %sub3A_454 = arith.constant 1597463007 : i32
      %sub3A_455 = vector.broadcast %sub3A_454 : i32 to vector<16xi32>
      %sub3A_456 = arith.subi %sub3A_455, %shift_right_logical3A_453 : vector<16xi32>
      %bitcast_convert_type3A_457 = tpu.bitcast %sub3A_456 : vector<16xi32> -> vector<16xf32>
      %mul3A_458 = arith.constant 5.000000e-01 : f32
      %mul3A_459 = vector.broadcast %mul3A_458 : f32 to vector<16xf32>
      %mul3A_460 = arith.mulf %mul3A_459, %get3A_449 : vector<16xf32>
      %mul3A_461 = arith.mulf %mul3A_460, %bitcast_convert_type3A_457 : vector<16xf32>
      %mul3A_462 = arith.mulf %mul3A_461, %bitcast_convert_type3A_457 : vector<16xf32>
      %sub3A_463 = arith.constant 1.500000e+00 : f32
      %sub3A_464 = vector.broadcast %sub3A_463 : f32 to vector<16xf32>
      %sub3A_465 = arith.subf %sub3A_464, %mul3A_462 : vector<16xf32>
      %mul3A_466 = arith.mulf %bitcast_convert_type3A_457, %sub3A_465 : vector<16xf32>
      %mul3A_467 = arith.constant 5.000000e-01 : f32
      %mul3A_468 = vector.broadcast %mul3A_467 : f32 to vector<16xf32>
      %mul3A_469 = arith.mulf %mul3A_468, %get3A_449 : vector<16xf32>
      %mul3A_470 = arith.mulf %mul3A_469, %mul3A_466 : vector<16xf32>
      %mul3A_471 = arith.mulf %mul3A_470, %mul3A_466 : vector<16xf32>
      %sub3A_472 = arith.constant 1.500000e+00 : f32
      %sub3A_473 = vector.broadcast %sub3A_472 : f32 to vector<16xf32>
      %sub3A_474 = arith.subf %sub3A_473, %mul3A_471 : vector<16xf32>
      %mul3A_475 = arith.mulf %mul3A_466, %sub3A_474 : vector<16xf32>
      %mul3A_476 = arith.constant 5.000000e-01 : f32
      %mul3A_477 = vector.broadcast %mul3A_476 : f32 to vector<16xf32>
      %mul3A_478 = arith.mulf %mul3A_477, %get3A_449 : vector<16xf32>
      %mul3A_479 = arith.mulf %mul3A_478, %mul3A_475 : vector<16xf32>
      %mul3A_480 = arith.mulf %mul3A_479, %mul3A_475 : vector<16xf32>
      %sub3A_481 = arith.constant 1.500000e+00 : f32
      %sub3A_482 = vector.broadcast %sub3A_481 : f32 to vector<16xf32>
      %sub3A_483 = arith.subf %sub3A_482, %mul3A_480 : vector<16xf32>
      %mul3A_484 = arith.mulf %mul3A_475, %sub3A_483 : vector<16xf32>
      %swap3A_485 = arith.constant 144 : index
      %swap3A_486 = tpu.vector_load %arg11[%swap3A_485] {strides = array<i32>} : memref<640xf32, #tpu.memory_space<vmem>>, vector<16xf32>,
      tpu.vector_store %arg11[%swap3A_485], %mul3A_484 {strides = array<i32>} : memref<640xf32, #tpu.memory_space<vmem>>, vector<16xf32>,
      %get3A_487 = arith.constant 160 : index
      %get3A_488 = tpu.vector_load %arg11[%get3A_487] {strides = array<i32>} : memref<640xf32, #tpu.memory_space<vmem>>, vector<16xf32>,
      %bitcast_convert_type3A_489 = tpu.bitcast %get3A_488 : vector<16xf32> -> vector<16xi32>
      %shift_right_logical3A_490 = arith.constant 1 : i32
      %shift_right_logical3A_491 = vector.broadcast %shift_right_logical3A_490 : i32 to vector<16xi32>
      %shift_right_logical3A_492 = arith.shrui %bitcast_convert_type3A_489, %shift_right_logical3A_491 : vector<16xi32>
      %sub3A_493 = arith.constant 1597463007 : i32
      %sub3A_494 = vector.broadcast %sub3A_493 : i32 to vector<16xi32>
      %sub3A_495 = arith.subi %sub3A_494, %shift_right_logical3A_492 : vector<16xi32>
      %bitcast_convert_type3A_496 = tpu.bitcast %sub3A_495 : vector<16xi32> -> vector<16xf32>
      %mul3A_497 = arith.constant 5.000000e-01 : f32
      %mul3A_498 = vector.broadcast %mul3A_497 : f32 to vector<16xf32>
      %mul3A_499 = arith.mulf %mul3A_498, %get3A_488 : vector<16xf32>
      %mul3A_500 = arith.mulf %mul3A_499, %bitcast_convert_type3A_496 : vector<16xf32>
      %mul3A_501 = arith.mulf %mul3A_500, %bitcast_convert_type3A_496 : vector<16xf32>
      %sub3A_502 = arith.constant 1.500000e+00 : f32
      %sub3A_503 = vector.broadcast %sub3A_502 : f32 to vector<16xf32>
      %sub3A_504 = arith.subf %sub3A_503, %mul3A_501 : vector<16xf32>
      %mul3A_505 = arith.mulf %bitcast_convert_type3A_496, %sub3A_504 : vector<16xf32>
      %mul3A_506 = arith.constant 5.000000e-01 : f32
      %mul3A_507 = vector.broadcast %mul3A_506 : f32 to vector<16xf32>
      %mul3A_508 = arith.mulf %mul3A_507, %get3A_488 : vector<16xf32>
      %mul3A_509 = arith.mulf %mul3A_508, %mul3A_505 : vector<16xf32>
      %mul3A_510 = arith.mulf %mul3A_509, %mul3A_505 : vector<16xf32>
      %sub3A_511 = arith.constant 1.500000e+00 : f32
      %sub3A_512 = vector.broadcast %sub3A_511 : f32 to vector<16xf32>
      %sub3A_513 = arith.subf %sub3A_512, %mul3A_510 : vector<16xf32>
      %mul3A_514 = arith.mulf %mul3A_505, %sub3A_513 : vector<16xf32>
      %mul3A_515 = arith.constant 5.000000e-01 : f32
      %mul3A_516 = vector.broadcast %mul3A_515 : f32 to vector<16xf32>
      %mul3A_517 = arith.mulf %mul3A_516, %get3A_488 : vector<16xf32>
      %mul3A_518 = arith.mulf %mul3A_517, %mul3A_514 : vector<16xf32>
      %mul3A_519 = arith.mulf %mul3A_518, %mul3A_514 : vector<16xf32>
      %sub3A_520 = arith.constant 1.500000e+00 : f32
      %sub3A_521 = vector.broadcast %sub3A_520 : f32 to vector<16xf32>
      %sub3A_522 = arith.subf %sub3A_521, %mul3A_519 : vector<16xf32>
      %mul3A_523 = arith.mulf %mul3A_514, %sub3A_522 : vector<16xf32>
      %swap3A_524 = arith.constant 160 : index
      %swap3A_525 = tpu.vector_load %arg11[%swap3A_524] {strides = array<i32>} : memref<640xf32, #tpu.memory_space<vmem>>, vector<16xf32>,
      tpu.vector_store %arg11[%swap3A_524], %mul3A_523 {strides = array<i32>} : memref<640xf32, #tpu.memory_space<vmem>>, vector<16xf32>,
      %get3A_526 = arith.constant 176 : index
      %get3A_527 = tpu.vector_load %arg11[%get3A_526] {strides = array<i32>} : memref<640xf32, #tpu.memory_space<vmem>>, vector<16xf32>,
      %bitcast_convert_type3A_528 = tpu.bitcast %get3A_527 : vector<16xf32> -> vector<16xi32>
      %shift_right_logical3A_529 = arith.constant 1 : i32
      %shift_right_logical3A_530 = vector.broadcast %shift_right_logical3A_529 : i32 to vector<16xi32>
      %shift_right_logical3A_531 = arith.shrui %bitcast_convert_type3A_528, %shift_right_logical3A_530 : vector<16xi32>
      %sub3A_532 = arith.constant 1597463007 : i32
      %sub3A_533 = vector.broadcast %sub3A_532 : i32 to vector<16xi32>
      %sub3A_534 = arith.subi %sub3A_533, %shift_right_logical3A_531 : vector<16xi32>
      %bitcast_convert_type3A_535 = tpu.bitcast %sub3A_534 : vector<16xi32> -> vector<16xf32>
      %mul3A_536 = arith.constant 5.000000e-01 : f32
      %mul3A_537 = vector.broadcast %mul3A_536 : f32 to vector<16xf32>
      %mul3A_538 = arith.mulf %mul3A_537, %get3A_527 : vector<16xf32>
      %mul3A_539 = arith.mulf %mul3A_538, %bitcast_convert_type3A_535 : vector<16xf32>
      %mul3A_540 = arith.mulf %mul3A_539, %bitcast_convert_type3A_535 : vector<16xf32>
      %sub3A_541 = arith.constant 1.500000e+00 : f32
      %sub3A_542 = vector.broadcast %sub3A_541 : f32 to vector<16xf32>
      %sub3A_543 = arith.subf %sub3A_542, %mul3A_540 : vector<16xf32>
      %mul3A_544 = arith.mulf %bitcast_convert_type3A_535, %sub3A_543 : vector<16xf32>
      %mul3A_545 = arith.constant 5.000000e-01 : f32
      %mul3A_546 = vector.broadcast %mul3A_545 : f32 to vector<16xf32>
      %mul3A_547 = arith.mulf %mul3A_546, %get3A_527 : vector<16xf32>
      %mul3A_548 = arith.mulf %mul3A_547, %mul3A_544 : vector<16xf32>
      %mul3A_549 = arith.mulf %mul3A_548, %mul3A_544 : vector<16xf32>
      %sub3A_550 = arith.constant 1.500000e+00 : f32
      %sub3A_551 = vector.broadcast %sub3A_550 : f32 to vector<16xf32>
      %sub3A_552 = arith.subf %sub3A_551, %mul3A_549 : vector<16xf32>
      %mul3A_553 = arith.mulf %mul3A_544, %sub3A_552 : vector<16xf32>
      %mul3A_554 = arith.constant 5.000000e-01 : f32
      %mul3A_555 = vector.broadcast %mul3A_554 : f32 to vector<16xf32>
      %mul3A_556 = arith.mulf %mul3A_555, %get3A_527 : vector<16xf32>
      %mul3A_557 = arith.mulf %mul3A_556, %mul3A_553 : vector<16xf32>
      %mul3A_558 = arith.mulf %mul3A_557, %mul3A_553 : vector<16xf32>
      %sub3A_559 = arith.constant 1.500000e+00 : f32
      %sub3A_560 = vector.broadcast %sub3A_559 : f32 to vector<16xf32>
      %sub3A_561 = arith.subf %sub3A_560, %mul3A_558 : vector<16xf32>
      %mul3A_562 = arith.mulf %mul3A_553, %sub3A_561 : vector<16xf32>
      %swap3A_563 = arith.constant 176 : index
      %swap3A_564 = tpu.vector_load %arg11[%swap3A_563] {strides = array<i32>} : memref<640xf32, #tpu.memory_space<vmem>>, vector<16xf32>,
      tpu.vector_store %arg11[%swap3A_563], %mul3A_562 {strides = array<i32>} : memref<640xf32, #tpu.memory_space<vmem>>, vector<16xf32>,
      %get3A_565 = arith.constant 192 : index
      %get3A_566 = tpu.vector_load %arg11[%get3A_565] {strides = array<i32>} : memref<640xf32, #tpu.memory_space<vmem>>, vector<16xf32>,
      %bitcast_convert_type3A_567 = tpu.bitcast %get3A_566 : vector<16xf32> -> vector<16xi32>
      %shift_right_logical3A_568 = arith.constant 1 : i32
      %shift_right_logical3A_569 = vector.broadcast %shift_right_logical3A_568 : i32 to vector<16xi32>
      %shift_right_logical3A_570 = arith.shrui %bitcast_convert_type3A_567, %shift_right_logical3A_569 : vector<16xi32>
      %sub3A_571 = arith.constant 1597463007 : i32
      %sub3A_572 = vector.broadcast %sub3A_571 : i32 to vector<16xi32>
      %sub3A_573 = arith.subi %sub3A_572, %shift_right_logical3A_570 : vector<16xi32>
      %bitcast_convert_type3A_574 = tpu.bitcast %sub3A_573 : vector<16xi32> -> vector<16xf32>
      %mul3A_575 = arith.constant 5.000000e-01 : f32
      %mul3A_576 = vector.broadcast %mul3A_575 : f32 to vector<16xf32>
      %mul3A_577 = arith.mulf %mul3A_576, %get3A_566 : vector<16xf32>
      %mul3A_578 = arith.mulf %mul3A_577, %bitcast_convert_type3A_574 : vector<16xf32>
      %mul3A_579 = arith.mulf %mul3A_578, %bitcast_convert_type3A_574 : vector<16xf32>
      %sub3A_580 = arith.constant 1.500000e+00 : f32
      %sub3A_581 = vector.broadcast %sub3A_580 : f32 to vector<16xf32>
      %sub3A_582 = arith.subf %sub3A_581, %mul3A_579 : vector<16xf32>
      %mul3A_583 = arith.mulf %bitcast_convert_type3A_574, %sub3A_582 : vector<16xf32>
      %mul3A_584 = arith.constant 5.000000e-01 : f32
      %mul3A_585 = vector.broadcast %mul3A_584 : f32 to vector<16xf32>
      %mul3A_586 = arith.mulf %mul3A_585, %get3A_566 : vector<16xf32>
      %mul3A_587 = arith.mulf %mul3A_586, %mul3A_583 : vector<16xf32>
      %mul3A_588 = arith.mulf %mul3A_587, %mul3A_583 : vector<16xf32>
      %sub3A_589 = arith.constant 1.500000e+00 : f32
      %sub3A_590 = vector.broadcast %sub3A_589 : f32 to vector<16xf32>
      %sub3A_591 = arith.subf %sub3A_590, %mul3A_588 : vector<16xf32>
      %mul3A_592 = arith.mulf %mul3A_583, %sub3A_591 : vector<16xf32>
      %mul3A_593 = arith.constant 5.000000e-01 : f32
      %mul3A_594 = vector.broadcast %mul3A_593 : f32 to vector<16xf32>
      %mul3A_595 = arith.mulf %mul3A_594, %get3A_566 : vector<16xf32>
      %mul3A_596 = arith.mulf %mul3A_595, %mul3A_592 : vector<16xf32>
      %mul3A_597 = arith.mulf %mul3A_596, %mul3A_592 : vector<16xf32>
      %sub3A_598 = arith.constant 1.500000e+00 : f32
      %sub3A_599 = vector.broadcast %sub3A_598 : f32 to vector<16xf32>
      %sub3A_600 = arith.subf %sub3A_599, %mul3A_597 : vector<16xf32>
      %mul3A_601 = arith.mulf %mul3A_592, %sub3A_600 : vector<16xf32>
      %swap3A_602 = arith.constant 192 : index
      %swap3A_603 = tpu.vector_load %arg11[%swap3A_602] {strides = array<i32>} : memref<640xf32, #tpu.memory_space<vmem>>, vector<16xf32>,
      tpu.vector_store %arg11[%swap3A_602], %mul3A_601 {strides = array<i32>} : memref<640xf32, #tpu.memory_space<vmem>>, vector<16xf32>,
      %get3A_604 = arith.constant 208 : index
      %get3A_605 = tpu.vector_load %arg11[%get3A_604] {strides = array<i32>} : memref<640xf32, #tpu.memory_space<vmem>>, vector<16xf32>,
      %bitcast_convert_type3A_606 = tpu.bitcast %get3A_605 : vector<16xf32> -> vector<16xi32>
      %shift_right_logical3A_607 = arith.constant 1 : i32
      %shift_right_logical3A_608 = vector.broadcast %shift_right_logical3A_607 : i32 to vector<16xi32>
      %shift_right_logical3A_609 = arith.shrui %bitcast_convert_type3A_606, %shift_right_logical3A_608 : vector<16xi32>
      %sub3A_610 = arith.constant 1597463007 : i32
      %sub3A_611 = vector.broadcast %sub3A_610 : i32 to vector<16xi32>
      %sub3A_612 = arith.subi %sub3A_611, %shift_right_logical3A_609 : vector<16xi32>
      %bitcast_convert_type3A_613 = tpu.bitcast %sub3A_612 : vector<16xi32> -> vector<16xf32>
      %mul3A_614 = arith.constant 5.000000e-01 : f32
      %mul3A_615 = vector.broadcast %mul3A_614 : f32 to vector<16xf32>
      %mul3A_616 = arith.mulf %mul3A_615, %get3A_605 : vector<16xf32>
      %mul3A_617 = arith.mulf %mul3A_616, %bitcast_convert_type3A_613 : vector<16xf32>
      %mul3A_618 = arith.mulf %mul3A_617, %bitcast_convert_type3A_613 : vector<16xf32>
      %sub3A_619 = arith.constant 1.500000e+00 : f32
      %sub3A_620 = vector.broadcast %sub3A_619 : f32 to vector<16xf32>
      %sub3A_621 = arith.subf %sub3A_620, %mul3A_618 : vector<16xf32>
      %mul3A_622 = arith.mulf %bitcast_convert_type3A_613, %sub3A_621 : vector<16xf32>
      %mul3A_623 = arith.constant 5.000000e-01 : f32
      %mul3A_624 = vector.broadcast %mul3A_623 : f32 to vector<16xf32>
      %mul3A_625 = arith.mulf %mul3A_624, %get3A_605 : vector<16xf32>
      %mul3A_626 = arith.mulf %mul3A_625, %mul3A_622 : vector<16xf32>
      %mul3A_627 = arith.mulf %mul3A_626, %mul3A_622 : vector<16xf32>
      %sub3A_628 = arith.constant 1.500000e+00 : f32
      %sub3A_629 = vector.broadcast %sub3A_628 : f32 to vector<16xf32>
      %sub3A_630 = arith.subf %sub3A_629, %mul3A_627 : vector<16xf32>
      %mul3A_631 = arith.mulf %mul3A_622, %sub3A_630 : vector<16xf32>
      %mul3A_632 = arith.constant 5.000000e-01 : f32
      %mul3A_633 = vector.broadcast %mul3A_632 : f32 to vector<16xf32>
      %mul3A_634 = arith.mulf %mul3A_633, %get3A_605 : vector<16xf32>
      %mul3A_635 = arith.mulf %mul3A_634, %mul3A_631 : vector<16xf32>
      %mul3A_636 = arith.mulf %mul3A_635, %mul3A_631 : vector<16xf32>
      %sub3A_637 = arith.constant 1.500000e+00 : f32
      %sub3A_638 = vector.broadcast %sub3A_637 : f32 to vector<16xf32>
      %sub3A_639 = arith.subf %sub3A_638, %mul3A_636 : vector<16xf32>
      %mul3A_640 = arith.mulf %mul3A_631, %sub3A_639 : vector<16xf32>
      %swap3A_641 = arith.constant 208 : index
      %swap3A_642 = tpu.vector_load %arg11[%swap3A_641] {strides = array<i32>} : memref<640xf32, #tpu.memory_space<vmem>>, vector<16xf32>,
      tpu.vector_store %arg11[%swap3A_641], %mul3A_640 {strides = array<i32>} : memref<640xf32, #tpu.memory_space<vmem>>, vector<16xf32>,
      %get3A_643 = arith.constant 224 : index
      %get3A_644 = tpu.vector_load %arg11[%get3A_643] {strides = array<i32>} : memref<640xf32, #tpu.memory_space<vmem>>, vector<16xf32>,
      %bitcast_convert_type3A_645 = tpu.bitcast %get3A_644 : vector<16xf32> -> vector<16xi32>
      %shift_right_logical3A_646 = arith.constant 1 : i32
      %shift_right_logical3A_647 = vector.broadcast %shift_right_logical3A_646 : i32 to vector<16xi32>
      %shift_right_logical3A_648 = arith.shrui %bitcast_convert_type3A_645, %shift_right_logical3A_647 : vector<16xi32>
      %sub3A_649 = arith.constant 1597463007 : i32
      %sub3A_650 = vector.broadcast %sub3A_649 : i32 to vector<16xi32>
      %sub3A_651 = arith.subi %sub3A_650, %shift_right_logical3A_648 : vector<16xi32>
      %bitcast_convert_type3A_652 = tpu.bitcast %sub3A_651 : vector<16xi32> -> vector<16xf32>
      %mul3A_653 = arith.constant 5.000000e-01 : f32
      %mul3A_654 = vector.broadcast %mul3A_653 : f32 to vector<16xf32>
      %mul3A_655 = arith.mulf %mul3A_654, %get3A_644 : vector<16xf32>
      %mul3A_656 = arith.mulf %mul3A_655, %bitcast_convert_type3A_652 : vector<16xf32>
      %mul3A_657 = arith.mulf %mul3A_656, %bitcast_convert_type3A_652 : vector<16xf32>
      %sub3A_658 = arith.constant 1.500000e+00 : f32
      %sub3A_659 = vector.broadcast %sub3A_658 : f32 to vector<16xf32>
      %sub3A_660 = arith.subf %sub3A_659, %mul3A_657 : vector<16xf32>
      %mul3A_661 = arith.mulf %bitcast_convert_type3A_652, %sub3A_660 : vector<16xf32>
      %mul3A_662 = arith.constant 5.000000e-01 : f32
      %mul3A_663 = vector.broadcast %mul3A_662 : f32 to vector<16xf32>
      %mul3A_664 = arith.mulf %mul3A_663, %get3A_644 : vector<16xf32>
      %mul3A_665 = arith.mulf %mul3A_664, %mul3A_661 : vector<16xf32>
      %mul3A_666 = arith.mulf %mul3A_665, %mul3A_661 : vector<16xf32>
      %sub3A_667 = arith.constant 1.500000e+00 : f32
      %sub3A_668 = vector.broadcast %sub3A_667 : f32 to vector<16xf32>
      %sub3A_669 = arith.subf %sub3A_668, %mul3A_666 : vector<16xf32>
      %mul3A_670 = arith.mulf %mul3A_661, %sub3A_669 : vector<16xf32>
      %mul3A_671 = arith.constant 5.000000e-01 : f32
      %mul3A_672 = vector.broadcast %mul3A_671 : f32 to vector<16xf32>
      %mul3A_673 = arith.mulf %mul3A_672, %get3A_644 : vector<16xf32>
      %mul3A_674 = arith.mulf %mul3A_673, %mul3A_670 : vector<16xf32>
      %mul3A_675 = arith.mulf %mul3A_674, %mul3A_670 : vector<16xf32>
      %sub3A_676 = arith.constant 1.500000e+00 : f32
      %sub3A_677 = vector.broadcast %sub3A_676 : f32 to vector<16xf32>
      %sub3A_678 = arith.subf %sub3A_677, %mul3A_675 : vector<16xf32>
      %mul3A_679 = arith.mulf %mul3A_670, %sub3A_678 : vector<16xf32>
      %swap3A_680 = arith.constant 224 : index
      %swap3A_681 = tpu.vector_load %arg11[%swap3A_680] {strides = array<i32>} : memref<640xf32, #tpu.memory_space<vmem>>, vector<16xf32>,
      tpu.vector_store %arg11[%swap3A_680], %mul3A_679 {strides = array<i32>} : memref<640xf32, #tpu.memory_space<vmem>>, vector<16xf32>,
      %get3A_682 = arith.constant 240 : index
      %get3A_683 = tpu.vector_load %arg11[%get3A_682] {strides = array<i32>} : memref<640xf32, #tpu.memory_space<vmem>>, vector<16xf32>,
      %bitcast_convert_type3A_684 = tpu.bitcast %get3A_683 : vector<16xf32> -> vector<16xi32>
      %shift_right_logical3A_685 = arith.constant 1 : i32
      %shift_right_logical3A_686 = vector.broadcast %shift_right_logical3A_685 : i32 to vector<16xi32>
      %shift_right_logical3A_687 = arith.shrui %bitcast_convert_type3A_684, %shift_right_logical3A_686 : vector<16xi32>
      %sub3A_688 = arith.constant 1597463007 : i32
      %sub3A_689 = vector.broadcast %sub3A_688 : i32 to vector<16xi32>
      %sub3A_690 = arith.subi %sub3A_689, %shift_right_logical3A_687 : vector<16xi32>
      %bitcast_convert_type3A_691 = tpu.bitcast %sub3A_690 : vector<16xi32> -> vector<16xf32>
      %mul3A_692 = arith.constant 5.000000e-01 : f32
      %mul3A_693 = vector.broadcast %mul3A_692 : f32 to vector<16xf32>
      %mul3A_694 = arith.mulf %mul3A_693, %get3A_683 : vector<16xf32>
      %mul3A_695 = arith.mulf %mul3A_694, %bitcast_convert_type3A_691 : vector<16xf32>
      %mul3A_696 = arith.mulf %mul3A_695, %bitcast_convert_type3A_691 : vector<16xf32>
      %sub3A_697 = arith.constant 1.500000e+00 : f32
      %sub3A_698 = vector.broadcast %sub3A_697 : f32 to vector<16xf32>
      %sub3A_699 = arith.subf %sub3A_698, %mul3A_696 : vector<16xf32>
      %mul3A_700 = arith.mulf %bitcast_convert_type3A_691, %sub3A_699 : vector<16xf32>
      %mul3A_701 = arith.constant 5.000000e-01 : f32
      %mul3A_702 = vector.broadcast %mul3A_701 : f32 to vector<16xf32>
      %mul3A_703 = arith.mulf %mul3A_702, %get3A_683 : vector<16xf32>
      %mul3A_704 = arith.mulf %mul3A_703, %mul3A_700 : vector<16xf32>
      %mul3A_705 = arith.mulf %mul3A_704, %mul3A_700 : vector<16xf32>
      %sub3A_706 = arith.constant 1.500000e+00 : f32
      %sub3A_707 = vector.broadcast %sub3A_706 : f32 to vector<16xf32>
      %sub3A_708 = arith.subf %sub3A_707, %mul3A_705 : vector<16xf32>
      %mul3A_709 = arith.mulf %mul3A_700, %sub3A_708 : vector<16xf32>
      %mul3A_710 = arith.constant 5.000000e-01 : f32
      %mul3A_711 = vector.broadcast %mul3A_710 : f32 to vector<16xf32>
      %mul3A_712 = arith.mulf %mul3A_711, %get3A_683 : vector<16xf32>
      %mul3A_713 = arith.mulf %mul3A_712, %mul3A_709 : vector<16xf32>
      %mul3A_714 = arith.mulf %mul3A_713, %mul3A_709 : vector<16xf32>
      %sub3A_715 = arith.constant 1.500000e+00 : f32
      %sub3A_716 = vector.broadcast %sub3A_715 : f32 to vector<16xf32>
      %sub3A_717 = arith.subf %sub3A_716, %mul3A_714 : vector<16xf32>
      %mul3A_718 = arith.mulf %mul3A_709, %sub3A_717 : vector<16xf32>
      %swap3A_719 = arith.constant 240 : index
      %swap3A_720 = tpu.vector_load %arg11[%swap3A_719] {strides = array<i32>} : memref<640xf32, #tpu.memory_space<vmem>>, vector<16xf32>,
      tpu.vector_store %arg11[%swap3A_719], %mul3A_718 {strides = array<i32>} : memref<640xf32, #tpu.memory_space<vmem>>, vector<16xf32>,
      %get3A_721 = arith.constant 256 : index
      %get3A_722 = tpu.vector_load %arg11[%get3A_721] {strides = array<i32>} : memref<640xf32, #tpu.memory_space<vmem>>, vector<16xf32>,
      %bitcast_convert_type3A_723 = tpu.bitcast %get3A_722 : vector<16xf32> -> vector<16xi32>
      %shift_right_logical3A_724 = arith.constant 1 : i32
      %shift_right_logical3A_725 = vector.broadcast %shift_right_logical3A_724 : i32 to vector<16xi32>
      %shift_right_logical3A_726 = arith.shrui %bitcast_convert_type3A_723, %shift_right_logical3A_725 : vector<16xi32>
      %sub3A_727 = arith.constant 1597463007 : i32
      %sub3A_728 = vector.broadcast %sub3A_727 : i32 to vector<16xi32>
      %sub3A_729 = arith.subi %sub3A_728, %shift_right_logical3A_726 : vector<16xi32>
      %bitcast_convert_type3A_730 = tpu.bitcast %sub3A_729 : vector<16xi32> -> vector<16xf32>
      %mul3A_731 = arith.constant 5.000000e-01 : f32
      %mul3A_732 = vector.broadcast %mul3A_731 : f32 to vector<16xf32>
      %mul3A_733 = arith.mulf %mul3A_732, %get3A_722 : vector<16xf32>
      %mul3A_734 = arith.mulf %mul3A_733, %bitcast_convert_type3A_730 : vector<16xf32>
      %mul3A_735 = arith.mulf %mul3A_734, %bitcast_convert_type3A_730 : vector<16xf32>
      %sub3A_736 = arith.constant 1.500000e+00 : f32
      %sub3A_737 = vector.broadcast %sub3A_736 : f32 to vector<16xf32>
      %sub3A_738 = arith.subf %sub3A_737, %mul3A_735 : vector<16xf32>
      %mul3A_739 = arith.mulf %bitcast_convert_type3A_730, %sub3A_738 : vector<16xf32>
      %mul3A_740 = arith.constant 5.000000e-01 : f32
      %mul3A_741 = vector.broadcast %mul3A_740 : f32 to vector<16xf32>
      %mul3A_742 = arith.mulf %mul3A_741, %get3A_722 : vector<16xf32>
      %mul3A_743 = arith.mulf %mul3A_742, %mul3A_739 : vector<16xf32>
      %mul3A_744 = arith.mulf %mul3A_743, %mul3A_739 : vector<16xf32>
      %sub3A_745 = arith.constant 1.500000e+00 : f32
      %sub3A_746 = vector.broadcast %sub3A_745 : f32 to vector<16xf32>
      %sub3A_747 = arith.subf %sub3A_746, %mul3A_744 : vector<16xf32>
      %mul3A_748 = arith.mulf %mul3A_739, %sub3A_747 : vector<16xf32>
      %mul3A_749 = arith.constant 5.000000e-01 : f32
      %mul3A_750 = vector.broadcast %mul3A_749 : f32 to vector<16xf32>
      %mul3A_751 = arith.mulf %mul3A_750, %get3A_722 : vector<16xf32>
      %mul3A_752 = arith.mulf %mul3A_751, %mul3A_748 : vector<16xf32>
      %mul3A_753 = arith.mulf %mul3A_752, %mul3A_748 : vector<16xf32>
      %sub3A_754 = arith.constant 1.500000e+00 : f32
      %sub3A_755 = vector.broadcast %sub3A_754 : f32 to vector<16xf32>
      %sub3A_756 = arith.subf %sub3A_755, %mul3A_753 : vector<16xf32>
      %mul3A_757 = arith.mulf %mul3A_748, %sub3A_756 : vector<16xf32>
      %swap3A_758 = arith.constant 256 : index
      %swap3A_759 = tpu.vector_load %arg11[%swap3A_758] {strides = array<i32>} : memref<640xf32, #tpu.memory_space<vmem>>, vector<16xf32>,
      tpu.vector_store %arg11[%swap3A_758], %mul3A_757 {strides = array<i32>} : memref<640xf32, #tpu.memory_space<vmem>>, vector<16xf32>,
      %get3A_760 = arith.constant 272 : index
      %get3A_761 = tpu.vector_load %arg11[%get3A_760] {strides = array<i32>} : memref<640xf32, #tpu.memory_space<vmem>>, vector<16xf32>,
      %bitcast_convert_type3A_762 = tpu.bitcast %get3A_761 : vector<16xf32> -> vector<16xi32>
      %shift_right_logical3A_763 = arith.constant 1 : i32
      %shift_right_logical3A_764 = vector.broadcast %shift_right_logical3A_763 : i32 to vector<16xi32>
      %shift_right_logical3A_765 = arith.shrui %bitcast_convert_type3A_762, %shift_right_logical3A_764 : vector<16xi32>
      %sub3A_766 = arith.constant 1597463007 : i32
      %sub3A_767 = vector.broadcast %sub3A_766 : i32 to vector<16xi32>
      %sub3A_768 = arith.subi %sub3A_767, %shift_right_logical3A_765 : vector<16xi32>
      %bitcast_convert_type3A_769 = tpu.bitcast %sub3A_768 : vector<16xi32> -> vector<16xf32>
      %mul3A_770 = arith.constant 5.000000e-01 : f32
      %mul3A_771 = vector.broadcast %mul3A_770 : f32 to vector<16xf32>
      %mul3A_772 = arith.mulf %mul3A_771, %get3A_761 : vector<16xf32>
      %mul3A_773 = arith.mulf %mul3A_772, %bitcast_convert_type3A_769 : vector<16xf32>
      %mul3A_774 = arith.mulf %mul3A_773, %bitcast_convert_type3A_769 : vector<16xf32>
      %sub3A_775 = arith.constant 1.500000e+00 : f32
      %sub3A_776 = vector.broadcast %sub3A_775 : f32 to vector<16xf32>
      %sub3A_777 = arith.subf %sub3A_776, %mul3A_774 : vector<16xf32>
      %mul3A_778 = arith.mulf %bitcast_convert_type3A_769, %sub3A_777 : vector<16xf32>
      %mul3A_779 = arith.constant 5.000000e-01 : f32
      %mul3A_780 = vector.broadcast %mul3A_779 : f32 to vector<16xf32>
      %mul3A_781 = arith.mulf %mul3A_780, %get3A_761 : vector<16xf32>
      %mul3A_782 = arith.mulf %mul3A_781, %mul3A_778 : vector<16xf32>
      %mul3A_783 = arith.mulf %mul3A_782, %mul3A_778 : vector<16xf32>
      %sub3A_784 = arith.constant 1.500000e+00 : f32
      %sub3A_785 = vector.broadcast %sub3A_784 : f32 to vector<16xf32>
      %sub3A_786 = arith.subf %sub3A_785, %mul3A_783 : vector<16xf32>
      %mul3A_787 = arith.mulf %mul3A_778, %sub3A_786 : vector<16xf32>
      %mul3A_788 = arith.constant 5.000000e-01 : f32
      %mul3A_789 = vector.broadcast %mul3A_788 : f32 to vector<16xf32>
      %mul3A_790 = arith.mulf %mul3A_789, %get3A_761 : vector<16xf32>
      %mul3A_791 = arith.mulf %mul3A_790, %mul3A_787 : vector<16xf32>
      %mul3A_792 = arith.mulf %mul3A_791, %mul3A_787 : vector<16xf32>
      %sub3A_793 = arith.constant 1.500000e+00 : f32
      %sub3A_794 = vector.broadcast %sub3A_793 : f32 to vector<16xf32>
      %sub3A_795 = arith.subf %sub3A_794, %mul3A_792 : vector<16xf32>
      %mul3A_796 = arith.mulf %mul3A_787, %sub3A_795 : vector<16xf32>
      %swap3A_797 = arith.constant 272 : index
      %swap3A_798 = tpu.vector_load %arg11[%swap3A_797] {strides = array<i32>} : memref<640xf32, #tpu.memory_space<vmem>>, vector<16xf32>,
      tpu.vector_store %arg11[%swap3A_797], %mul3A_796 {strides = array<i32>} : memref<640xf32, #tpu.memory_space<vmem>>, vector<16xf32>,
      %get3A_799 = arith.constant 288 : index
      %get3A_800 = tpu.vector_load %arg11[%get3A_799] {strides = array<i32>} : memref<640xf32, #tpu.memory_space<vmem>>, vector<16xf32>,
      %bitcast_convert_type3A_801 = tpu.bitcast %get3A_800 : vector<16xf32> -> vector<16xi32>
      %shift_right_logical3A_802 = arith.constant 1 : i32
      %shift_right_logical3A_803 = vector.broadcast %shift_right_logical3A_802 : i32 to vector<16xi32>
      %shift_right_logical3A_804 = arith.shrui %bitcast_convert_type3A_801, %shift_right_logical3A_803 : vector<16xi32>
      %sub3A_805 = arith.constant 1597463007 : i32
      %sub3A_806 = vector.broadcast %sub3A_805 : i32 to vector<16xi32>
      %sub3A_807 = arith.subi %sub3A_806, %shift_right_logical3A_804 : vector<16xi32>
      %bitcast_convert_type3A_808 = tpu.bitcast %sub3A_807 : vector<16xi32> -> vector<16xf32>
      %mul3A_809 = arith.constant 5.000000e-01 : f32
      %mul3A_810 = vector.broadcast %mul3A_809 : f32 to vector<16xf32>
      %mul3A_811 = arith.mulf %mul3A_810, %get3A_800 : vector<16xf32>
      %mul3A_812 = arith.mulf %mul3A_811, %bitcast_convert_type3A_808 : vector<16xf32>
      %mul3A_813 = arith.mulf %mul3A_812, %bitcast_convert_type3A_808 : vector<16xf32>
      %sub3A_814 = arith.constant 1.500000e+00 : f32
      %sub3A_815 = vector.broadcast %sub3A_814 : f32 to vector<16xf32>
      %sub3A_816 = arith.subf %sub3A_815, %mul3A_813 : vector<16xf32>
      %mul3A_817 = arith.mulf %bitcast_convert_type3A_808, %sub3A_816 : vector<16xf32>
      %mul3A_818 = arith.constant 5.000000e-01 : f32
      %mul3A_819 = vector.broadcast %mul3A_818 : f32 to vector<16xf32>
      %mul3A_820 = arith.mulf %mul3A_819, %get3A_800 : vector<16xf32>
      %mul3A_821 = arith.mulf %mul3A_820, %mul3A_817 : vector<16xf32>
      %mul3A_822 = arith.mulf %mul3A_821, %mul3A_817 : vector<16xf32>
      %sub3A_823 = arith.constant 1.500000e+00 : f32
      %sub3A_824 = vector.broadcast %sub3A_823 : f32 to vector<16xf32>
      %sub3A_825 = arith.subf %sub3A_824, %mul3A_822 : vector<16xf32>
      %mul3A_826 = arith.mulf %mul3A_817, %sub3A_825 : vector<16xf32>
      %mul3A_827 = arith.constant 5.000000e-01 : f32
      %mul3A_828 = vector.broadcast %mul3A_827 : f32 to vector<16xf32>
      %mul3A_829 = arith.mulf %mul3A_828, %get3A_800 : vector<16xf32>
      %mul3A_830 = arith.mulf %mul3A_829, %mul3A_826 : vector<16xf32>
      %mul3A_831 = arith.mulf %mul3A_830, %mul3A_826 : vector<16xf32>
      %sub3A_832 = arith.constant 1.500000e+00 : f32
      %sub3A_833 = vector.broadcast %sub3A_832 : f32 to vector<16xf32>
      %sub3A_834 = arith.subf %sub3A_833, %mul3A_831 : vector<16xf32>
      %mul3A_835 = arith.mulf %mul3A_826, %sub3A_834 : vector<16xf32>
      %swap3A_836 = arith.constant 288 : index
      %swap3A_837 = tpu.vector_load %arg11[%swap3A_836] {strides = array<i32>} : memref<640xf32, #tpu.memory_space<vmem>>, vector<16xf32>,
      tpu.vector_store %arg11[%swap3A_836], %mul3A_835 {strides = array<i32>} : memref<640xf32, #tpu.memory_space<vmem>>, vector<16xf32>,
      %get3A_838 = arith.constant 304 : index
      %get3A_839 = tpu.vector_load %arg11[%get3A_838] {strides = array<i32>} : memref<640xf32, #tpu.memory_space<vmem>>, vector<16xf32>,
      %bitcast_convert_type3A_840 = tpu.bitcast %get3A_839 : vector<16xf32> -> vector<16xi32>
      %shift_right_logical3A_841 = arith.constant 1 : i32
      %shift_right_logical3A_842 = vector.broadcast %shift_right_logical3A_841 : i32 to vector<16xi32>
      %shift_right_logical3A_843 = arith.shrui %bitcast_convert_type3A_840, %shift_right_logical3A_842 : vector<16xi32>
      %sub3A_844 = arith.constant 1597463007 : i32
      %sub3A_845 = vector.broadcast %sub3A_844 : i32 to vector<16xi32>
      %sub3A_846 = arith.subi %sub3A_845, %shift_right_logical3A_843 : vector<16xi32>
      %bitcast_convert_type3A_847 = tpu.bitcast %sub3A_846 : vector<16xi32> -> vector<16xf32>
      %mul3A_848 = arith.constant 5.000000e-01 : f32
      %mul3A_849 = vector.broadcast %mul3A_848 : f32 to vector<16xf32>
      %mul3A_850 = arith.mulf %mul3A_849, %get3A_839 : vector<16xf32>
      %mul3A_851 = arith.mulf %mul3A_850, %bitcast_convert_type3A_847 : vector<16xf32>
      %mul3A_852 = arith.mulf %mul3A_851, %bitcast_convert_type3A_847 : vector<16xf32>
      %sub3A_853 = arith.constant 1.500000e+00 : f32
      %sub3A_854 = vector.broadcast %sub3A_853 : f32 to vector<16xf32>
      %sub3A_855 = arith.subf %sub3A_854, %mul3A_852 : vector<16xf32>
      %mul3A_856 = arith.mulf %bitcast_convert_type3A_847, %sub3A_855 : vector<16xf32>
      %mul3A_857 = arith.constant 5.000000e-01 : f32
      %mul3A_858 = vector.broadcast %mul3A_857 : f32 to vector<16xf32>
      %mul3A_859 = arith.mulf %mul3A_858, %get3A_839 : vector<16xf32>
      %mul3A_860 = arith.mulf %mul3A_859, %mul3A_856 : vector<16xf32>
      %mul3A_861 = arith.mulf %mul3A_860, %mul3A_856 : vector<16xf32>
      %sub3A_862 = arith.constant 1.500000e+00 : f32
      %sub3A_863 = vector.broadcast %sub3A_862 : f32 to vector<16xf32>
      %sub3A_864 = arith.subf %sub3A_863, %mul3A_861 : vector<16xf32>
      %mul3A_865 = arith.mulf %mul3A_856, %sub3A_864 : vector<16xf32>
      %mul3A_866 = arith.constant 5.000000e-01 : f32
      %mul3A_867 = vector.broadcast %mul3A_866 : f32 to vector<16xf32>
      %mul3A_868 = arith.mulf %mul3A_867, %get3A_839 : vector<16xf32>
      %mul3A_869 = arith.mulf %mul3A_868, %mul3A_865 : vector<16xf32>
      %mul3A_870 = arith.mulf %mul3A_869, %mul3A_865 : vector<16xf32>
      %sub3A_871 = arith.constant 1.500000e+00 : f32
      %sub3A_872 = vector.broadcast %sub3A_871 : f32 to vector<16xf32>
      %sub3A_873 = arith.subf %sub3A_872, %mul3A_870 : vector<16xf32>
      %mul3A_874 = arith.mulf %mul3A_865, %sub3A_873 : vector<16xf32>
      %swap3A_875 = arith.constant 304 : index
      %swap3A_876 = tpu.vector_load %arg11[%swap3A_875] {strides = array<i32>} : memref<640xf32, #tpu.memory_space<vmem>>, vector<16xf32>,
      tpu.vector_store %arg11[%swap3A_875], %mul3A_874 {strides = array<i32>} : memref<640xf32, #tpu.memory_space<vmem>>, vector<16xf32>,
      %get3A_877 = arith.constant 320 : index
      %get3A_878 = tpu.vector_load %arg11[%get3A_877] {strides = array<i32>} : memref<640xf32, #tpu.memory_space<vmem>>, vector<16xf32>,
      %bitcast_convert_type3A_879 = tpu.bitcast %get3A_878 : vector<16xf32> -> vector<16xi32>
      %shift_right_logical3A_880 = arith.constant 1 : i32
      %shift_right_logical3A_881 = vector.broadcast %shift_right_logical3A_880 : i32 to vector<16xi32>
      %shift_right_logical3A_882 = arith.shrui %bitcast_convert_type3A_879, %shift_right_logical3A_881 : vector<16xi32>
      %sub3A_883 = arith.constant 1597463007 : i32
      %sub3A_884 = vector.broadcast %sub3A_883 : i32 to vector<16xi32>
      %sub3A_885 = arith.subi %sub3A_884, %shift_right_logical3A_882 : vector<16xi32>
      %bitcast_convert_type3A_886 = tpu.bitcast %sub3A_885 : vector<16xi32> -> vector<16xf32>
      %mul3A_887 = arith.constant 5.000000e-01 : f32
      %mul3A_888 = vector.broadcast %mul3A_887 : f32 to vector<16xf32>
      %mul3A_889 = arith.mulf %mul3A_888, %get3A_878 : vector<16xf32>
      %mul3A_890 = arith.mulf %mul3A_889, %bitcast_convert_type3A_886 : vector<16xf32>
      %mul3A_891 = arith.mulf %mul3A_890, %bitcast_convert_type3A_886 : vector<16xf32>
      %sub3A_892 = arith.constant 1.500000e+00 : f32
      %sub3A_893 = vector.broadcast %sub3A_892 : f32 to vector<16xf32>
      %sub3A_894 = arith.subf %sub3A_893, %mul3A_891 : vector<16xf32>
      %mul3A_895 = arith.mulf %bitcast_convert_type3A_886, %sub3A_894 : vector<16xf32>
      %mul3A_896 = arith.constant 5.000000e-01 : f32
      %mul3A_897 = vector.broadcast %mul3A_896 : f32 to vector<16xf32>
      %mul3A_898 = arith.mulf %mul3A_897, %get3A_878 : vector<16xf32>
      %mul3A_899 = arith.mulf %mul3A_898, %mul3A_895 : vector<16xf32>
      %mul3A_900 = arith.mulf %mul3A_899, %mul3A_895 : vector<16xf32>
      %sub3A_901 = arith.constant 1.500000e+00 : f32
      %sub3A_902 = vector.broadcast %sub3A_901 : f32 to vector<16xf32>
      %sub3A_903 = arith.subf %sub3A_902, %mul3A_900 : vector<16xf32>
      %mul3A_904 = arith.mulf %mul3A_895, %sub3A_903 : vector<16xf32>
      %mul3A_905 = arith.constant 5.000000e-01 : f32
      %mul3A_906 = vector.broadcast %mul3A_905 : f32 to vector<16xf32>
      %mul3A_907 = arith.mulf %mul3A_906, %get3A_878 : vector<16xf32>
      %mul3A_908 = arith.mulf %mul3A_907, %mul3A_904 : vector<16xf32>
      %mul3A_909 = arith.mulf %mul3A_908, %mul3A_904 : vector<16xf32>
      %sub3A_910 = arith.constant 1.500000e+00 : f32
      %sub3A_911 = vector.broadcast %sub3A_910 : f32 to vector<16xf32>
      %sub3A_912 = arith.subf %sub3A_911, %mul3A_909 : vector<16xf32>
      %mul3A_913 = arith.mulf %mul3A_904, %sub3A_912 : vector<16xf32>
      %swap3A_914 = arith.constant 320 : index
      %swap3A_915 = tpu.vector_load %arg11[%swap3A_914] {strides = array<i32>} : memref<640xf32, #tpu.memory_space<vmem>>, vector<16xf32>,
      tpu.vector_store %arg11[%swap3A_914], %mul3A_913 {strides = array<i32>} : memref<640xf32, #tpu.memory_space<vmem>>, vector<16xf32>,
      %get3A_916 = arith.constant 336 : index
      %get3A_917 = tpu.vector_load %arg11[%get3A_916] {strides = array<i32>} : memref<640xf32, #tpu.memory_space<vmem>>, vector<16xf32>,
      %bitcast_convert_type3A_918 = tpu.bitcast %get3A_917 : vector<16xf32> -> vector<16xi32>
      %shift_right_logical3A_919 = arith.constant 1 : i32
      %shift_right_logical3A_920 = vector.broadcast %shift_right_logical3A_919 : i32 to vector<16xi32>
      %shift_right_logical3A_921 = arith.shrui %bitcast_convert_type3A_918, %shift_right_logical3A_920 : vector<16xi32>
      %sub3A_922 = arith.constant 1597463007 : i32
      %sub3A_923 = vector.broadcast %sub3A_922 : i32 to vector<16xi32>
      %sub3A_924 = arith.subi %sub3A_923, %shift_right_logical3A_921 : vector<16xi32>
      %bitcast_convert_type3A_925 = tpu.bitcast %sub3A_924 : vector<16xi32> -> vector<16xf32>
      %mul3A_926 = arith.constant 5.000000e-01 : f32
      %mul3A_927 = vector.broadcast %mul3A_926 : f32 to vector<16xf32>
      %mul3A_928 = arith.mulf %mul3A_927, %get3A_917 : vector<16xf32>
      %mul3A_929 = arith.mulf %mul3A_928, %bitcast_convert_type3A_925 : vector<16xf32>
      %mul3A_930 = arith.mulf %mul3A_929, %bitcast_convert_type3A_925 : vector<16xf32>
      %sub3A_931 = arith.constant 1.500000e+00 : f32
      %sub3A_932 = vector.broadcast %sub3A_931 : f32 to vector<16xf32>
      %sub3A_933 = arith.subf %sub3A_932, %mul3A_930 : vector<16xf32>
      %mul3A_934 = arith.mulf %bitcast_convert_type3A_925, %sub3A_933 : vector<16xf32>
      %mul3A_935 = arith.constant 5.000000e-01 : f32
      %mul3A_936 = vector.broadcast %mul3A_935 : f32 to vector<16xf32>
      %mul3A_937 = arith.mulf %mul3A_936, %get3A_917 : vector<16xf32>
      %mul3A_938 = arith.mulf %mul3A_937, %mul3A_934 : vector<16xf32>
      %mul3A_939 = arith.mulf %mul3A_938, %mul3A_934 : vector<16xf32>
      %sub3A_940 = arith.constant 1.500000e+00 : f32
      %sub3A_941 = vector.broadcast %sub3A_940 : f32 to vector<16xf32>
      %sub3A_942 = arith.subf %sub3A_941, %mul3A_939 : vector<16xf32>
      %mul3A_943 = arith.mulf %mul3A_934, %sub3A_942 : vector<16xf32>
      %mul3A_944 = arith.constant 5.000000e-01 : f32
      %mul3A_945 = vector.broadcast %mul3A_944 : f32 to vector<16xf32>
      %mul3A_946 = arith.mulf %mul3A_945, %get3A_917 : vector<16xf32>
      %mul3A_947 = arith.mulf %mul3A_946, %mul3A_943 : vector<16xf32>
      %mul3A_948 = arith.mulf %mul3A_947, %mul3A_943 : vector<16xf32>
      %sub3A_949 = arith.constant 1.500000e+00 : f32
      %sub3A_950 = vector.broadcast %sub3A_949 : f32 to vector<16xf32>
      %sub3A_951 = arith.subf %sub3A_950, %mul3A_948 : vector<16xf32>
      %mul3A_952 = arith.mulf %mul3A_943, %sub3A_951 : vector<16xf32>
      %swap3A_953 = arith.constant 336 : index
      %swap3A_954 = tpu.vector_load %arg11[%swap3A_953] {strides = array<i32>} : memref<640xf32, #tpu.memory_space<vmem>>, vector<16xf32>,
      tpu.vector_store %arg11[%swap3A_953], %mul3A_952 {strides = array<i32>} : memref<640xf32, #tpu.memory_space<vmem>>, vector<16xf32>,
      %get3A_955 = arith.constant 352 : index
      %get3A_956 = tpu.vector_load %arg11[%get3A_955] {strides = array<i32>} : memref<640xf32, #tpu.memory_space<vmem>>, vector<16xf32>,
      %bitcast_convert_type3A_957 = tpu.bitcast %get3A_956 : vector<16xf32> -> vector<16xi32>
      %shift_right_logical3A_958 = arith.constant 1 : i32
      %shift_right_logical3A_959 = vector.broadcast %shift_right_logical3A_958 : i32 to vector<16xi32>
      %shift_right_logical3A_960 = arith.shrui %bitcast_convert_type3A_957, %shift_right_logical3A_959 : vector<16xi32>
      %sub3A_961 = arith.constant 1597463007 : i32
      %sub3A_962 = vector.broadcast %sub3A_961 : i32 to vector<16xi32>
      %sub3A_963 = arith.subi %sub3A_962, %shift_right_logical3A_960 : vector<16xi32>
      %bitcast_convert_type3A_964 = tpu.bitcast %sub3A_963 : vector<16xi32> -> vector<16xf32>
      %mul3A_965 = arith.constant 5.000000e-01 : f32
      %mul3A_966 = vector.broadcast %mul3A_965 : f32 to vector<16xf32>
      %mul3A_967 = arith.mulf %mul3A_966, %get3A_956 : vector<16xf32>
      %mul3A_968 = arith.mulf %mul3A_967, %bitcast_convert_type3A_964 : vector<16xf32>
      %mul3A_969 = arith.mulf %mul3A_968, %bitcast_convert_type3A_964 : vector<16xf32>
      %sub3A_970 = arith.constant 1.500000e+00 : f32
      %sub3A_971 = vector.broadcast %sub3A_970 : f32 to vector<16xf32>
      %sub3A_972 = arith.subf %sub3A_971, %mul3A_969 : vector<16xf32>
      %mul3A_973 = arith.mulf %bitcast_convert_type3A_964, %sub3A_972 : vector<16xf32>
      %mul3A_974 = arith.constant 5.000000e-01 : f32
      %mul3A_975 = vector.broadcast %mul3A_974 : f32 to vector<16xf32>
      %mul3A_976 = arith.mulf %mul3A_975, %get3A_956 : vector<16xf32>
      %mul3A_977 = arith.mulf %mul3A_976, %mul3A_973 : vector<16xf32>
      %mul3A_978 = arith.mulf %mul3A_977, %mul3A_973 : vector<16xf32>
      %sub3A_979 = arith.constant 1.500000e+00 : f32
      %sub3A_980 = vector.broadcast %sub3A_979 : f32 to vector<16xf32>
      %sub3A_981 = arith.subf %sub3A_980, %mul3A_978 : vector<16xf32>
      %mul3A_982 = arith.mulf %mul3A_973, %sub3A_981 : vector<16xf32>
      %mul3A_983 = arith.constant 5.000000e-01 : f32
      %mul3A_984 = vector.broadcast %mul3A_983 : f32 to vector<16xf32>
      %mul3A_985 = arith.mulf %mul3A_984, %get3A_956 : vector<16xf32>
      %mul3A_986 = arith.mulf %mul3A_985, %mul3A_982 : vector<16xf32>
      %mul3A_987 = arith.mulf %mul3A_986, %mul3A_982 : vector<16xf32>
      %sub3A_988 = arith.constant 1.500000e+00 : f32
      %sub3A_989 = vector.broadcast %sub3A_988 : f32 to vector<16xf32>
      %sub3A_990 = arith.subf %sub3A_989, %mul3A_987 : vector<16xf32>
      %mul3A_991 = arith.mulf %mul3A_982, %sub3A_990 : vector<16xf32>
      %swap3A_992 = arith.constant 352 : index
      %swap3A_993 = tpu.vector_load %arg11[%swap3A_992] {strides = array<i32>} : memref<640xf32, #tpu.memory_space<vmem>>, vector<16xf32>,
      tpu.vector_store %arg11[%swap3A_992], %mul3A_991 {strides = array<i32>} : memref<640xf32, #tpu.memory_space<vmem>>, vector<16xf32>,
      %get3A_994 = arith.constant 368 : index
      %get3A_995 = tpu.vector_load %arg11[%get3A_994] {strides = array<i32>} : memref<640xf32, #tpu.memory_space<vmem>>, vector<16xf32>,
      %bitcast_convert_type3A_996 = tpu.bitcast %get3A_995 : vector<16xf32> -> vector<16xi32>
      %shift_right_logical3A_997 = arith.constant 1 : i32
      %shift_right_logical3A_998 = vector.broadcast %shift_right_logical3A_997 : i32 to vector<16xi32>
      %shift_right_logical3A_999 = arith.shrui %bitcast_convert_type3A_996, %shift_right_logical3A_998 : vector<16xi32>
      %sub3A_1000 = arith.constant 1597463007 : i32
      %sub3A_1001 = vector.broadcast %sub3A_1000 : i32 to vector<16xi32>
      %sub3A_1002 = arith.subi %sub3A_1001, %shift_right_logical3A_999 : vector<16xi32>
      %bitcast_convert_type3A_1003 = tpu.bitcast %sub3A_1002 : vector<16xi32> -> vector<16xf32>
      %mul3A_1004 = arith.constant 5.000000e-01 : f32
      %mul3A_1005 = vector.broadcast %mul3A_1004 : f32 to vector<16xf32>
      %mul3A_1006 = arith.mulf %mul3A_1005, %get3A_995 : vector<16xf32>
      %mul3A_1007 = arith.mulf %mul3A_1006, %bitcast_convert_type3A_1003 : vector<16xf32>
      %mul3A_1008 = arith.mulf %mul3A_1007, %bitcast_convert_type3A_1003 : vector<16xf32>
      %sub3A_1009 = arith.constant 1.500000e+00 : f32
      %sub3A_1010 = vector.broadcast %sub3A_1009 : f32 to vector<16xf32>
      %sub3A_1011 = arith.subf %sub3A_1010, %mul3A_1008 : vector<16xf32>
      %mul3A_1012 = arith.mulf %bitcast_convert_type3A_1003, %sub3A_1011 : vector<16xf32>
      %mul3A_1013 = arith.constant 5.000000e-01 : f32
      %mul3A_1014 = vector.broadcast %mul3A_1013 : f32 to vector<16xf32>
      %mul3A_1015 = arith.mulf %mul3A_1014, %get3A_995 : vector<16xf32>
      %mul3A_1016 = arith.mulf %mul3A_1015, %mul3A_1012 : vector<16xf32>
      %mul3A_1017 = arith.mulf %mul3A_1016, %mul3A_1012 : vector<16xf32>
      %sub3A_1018 = arith.constant 1.500000e+00 : f32
      %sub3A_1019 = vector.broadcast %sub3A_1018 : f32 to vector<16xf32>
      %sub3A_1020 = arith.subf %sub3A_1019, %mul3A_1017 : vector<16xf32>
      %mul3A_1021 = arith.mulf %mul3A_1012, %sub3A_1020 : vector<16xf32>
      %mul3A_1022 = arith.constant 5.000000e-01 : f32
      %mul3A_1023 = vector.broadcast %mul3A_1022 : f32 to vector<16xf32>
      %mul3A_1024 = arith.mulf %mul3A_1023, %get3A_995 : vector<16xf32>
      %mul3A_1025 = arith.mulf %mul3A_1024, %mul3A_1021 : vector<16xf32>
      %mul3A_1026 = arith.mulf %mul3A_1025, %mul3A_1021 : vector<16xf32>
      %sub3A_1027 = arith.constant 1.500000e+00 : f32
      %sub3A_1028 = vector.broadcast %sub3A_1027 : f32 to vector<16xf32>
      %sub3A_1029 = arith.subf %sub3A_1028, %mul3A_1026 : vector<16xf32>
      %mul3A_1030 = arith.mulf %mul3A_1021, %sub3A_1029 : vector<16xf32>
      %swap3A_1031 = arith.constant 368 : index
      %swap3A_1032 = tpu.vector_load %arg11[%swap3A_1031] {strides = array<i32>} : memref<640xf32, #tpu.memory_space<vmem>>, vector<16xf32>,
      tpu.vector_store %arg11[%swap3A_1031], %mul3A_1030 {strides = array<i32>} : memref<640xf32, #tpu.memory_space<vmem>>, vector<16xf32>,
      %get3A_1033 = arith.constant 384 : index
      %get3A_1034 = tpu.vector_load %arg11[%get3A_1033] {strides = array<i32>} : memref<640xf32, #tpu.memory_space<vmem>>, vector<16xf32>,
      %bitcast_convert_type3A_1035 = tpu.bitcast %get3A_1034 : vector<16xf32> -> vector<16xi32>
      %shift_right_logical3A_1036 = arith.constant 1 : i32
      %shift_right_logical3A_1037 = vector.broadcast %shift_right_logical3A_1036 : i32 to vector<16xi32>
      %shift_right_logical3A_1038 = arith.shrui %bitcast_convert_type3A_1035, %shift_right_logical3A_1037 : vector<16xi32>
      %sub3A_1039 = arith.constant 1597463007 : i32
      %sub3A_1040 = vector.broadcast %sub3A_1039 : i32 to vector<16xi32>
      %sub3A_1041 = arith.subi %sub3A_1040, %shift_right_logical3A_1038 : vector<16xi32>
      %bitcast_convert_type3A_1042 = tpu.bitcast %sub3A_1041 : vector<16xi32> -> vector<16xf32>
      %mul3A_1043 = arith.constant 5.000000e-01 : f32
      %mul3A_1044 = vector.broadcast %mul3A_1043 : f32 to vector<16xf32>
      %mul3A_1045 = arith.mulf %mul3A_1044, %get3A_1034 : vector<16xf32>
      %mul3A_1046 = arith.mulf %mul3A_1045, %bitcast_convert_type3A_1042 : vector<16xf32>
      %mul3A_1047 = arith.mulf %mul3A_1046, %bitcast_convert_type3A_1042 : vector<16xf32>
      %sub3A_1048 = arith.constant 1.500000e+00 : f32
      %sub3A_1049 = vector.broadcast %sub3A_1048 : f32 to vector<16xf32>
      %sub3A_1050 = arith.subf %sub3A_1049, %mul3A_1047 : vector<16xf32>
      %mul3A_1051 = arith.mulf %bitcast_convert_type3A_1042, %sub3A_1050 : vector<16xf32>
      %mul3A_1052 = arith.constant 5.000000e-01 : f32
      %mul3A_1053 = vector.broadcast %mul3A_1052 : f32 to vector<16xf32>
      %mul3A_1054 = arith.mulf %mul3A_1053, %get3A_1034 : vector<16xf32>
      %mul3A_1055 = arith.mulf %mul3A_1054, %mul3A_1051 : vector<16xf32>
      %mul3A_1056 = arith.mulf %mul3A_1055, %mul3A_1051 : vector<16xf32>
      %sub3A_1057 = arith.constant 1.500000e+00 : f32
      %sub3A_1058 = vector.broadcast %sub3A_1057 : f32 to vector<16xf32>
      %sub3A_1059 = arith.subf %sub3A_1058, %mul3A_1056 : vector<16xf32>
      %mul3A_1060 = arith.mulf %mul3A_1051, %sub3A_1059 : vector<16xf32>
      %mul3A_1061 = arith.constant 5.000000e-01 : f32
      %mul3A_1062 = vector.broadcast %mul3A_1061 : f32 to vector<16xf32>
      %mul3A_1063 = arith.mulf %mul3A_1062, %get3A_1034 : vector<16xf32>
      %mul3A_1064 = arith.mulf %mul3A_1063, %mul3A_1060 : vector<16xf32>
      %mul3A_1065 = arith.mulf %mul3A_1064, %mul3A_1060 : vector<16xf32>
      %sub3A_1066 = arith.constant 1.500000e+00 : f32
      %sub3A_1067 = vector.broadcast %sub3A_1066 : f32 to vector<16xf32>
      %sub3A_1068 = arith.subf %sub3A_1067, %mul3A_1065 : vector<16xf32>
      %mul3A_1069 = arith.mulf %mul3A_1060, %sub3A_1068 : vector<16xf32>
      %swap3A_1070 = arith.constant 384 : index
      %swap3A_1071 = tpu.vector_load %arg11[%swap3A_1070] {strides = array<i32>} : memref<640xf32, #tpu.memory_space<vmem>>, vector<16xf32>,
      tpu.vector_store %arg11[%swap3A_1070], %mul3A_1069 {strides = array<i32>} : memref<640xf32, #tpu.memory_space<vmem>>, vector<16xf32>,
      %get3A_1072 = arith.constant 400 : index
      %get3A_1073 = tpu.vector_load %arg11[%get3A_1072] {strides = array<i32>} : memref<640xf32, #tpu.memory_space<vmem>>, vector<16xf32>,
      %bitcast_convert_type3A_1074 = tpu.bitcast %get3A_1073 : vector<16xf32> -> vector<16xi32>
      %shift_right_logical3A_1075 = arith.constant 1 : i32
      %shift_right_logical3A_1076 = vector.broadcast %shift_right_logical3A_1075 : i32 to vector<16xi32>
      %shift_right_logical3A_1077 = arith.shrui %bitcast_convert_type3A_1074, %shift_right_logical3A_1076 : vector<16xi32>
      %sub3A_1078 = arith.constant 1597463007 : i32
      %sub3A_1079 = vector.broadcast %sub3A_1078 : i32 to vector<16xi32>
      %sub3A_1080 = arith.subi %sub3A_1079, %shift_right_logical3A_1077 : vector<16xi32>
      %bitcast_convert_type3A_1081 = tpu.bitcast %sub3A_1080 : vector<16xi32> -> vector<16xf32>
      %mul3A_1082 = arith.constant 5.000000e-01 : f32
      %mul3A_1083 = vector.broadcast %mul3A_1082 : f32 to vector<16xf32>
      %mul3A_1084 = arith.mulf %mul3A_1083, %get3A_1073 : vector<16xf32>
      %mul3A_1085 = arith.mulf %mul3A_1084, %bitcast_convert_type3A_1081 : vector<16xf32>
      %mul3A_1086 = arith.mulf %mul3A_1085, %bitcast_convert_type3A_1081 : vector<16xf32>
      %sub3A_1087 = arith.constant 1.500000e+00 : f32
      %sub3A_1088 = vector.broadcast %sub3A_1087 : f32 to vector<16xf32>
      %sub3A_1089 = arith.subf %sub3A_1088, %mul3A_1086 : vector<16xf32>
      %mul3A_1090 = arith.mulf %bitcast_convert_type3A_1081, %sub3A_1089 : vector<16xf32>
      %mul3A_1091 = arith.constant 5.000000e-01 : f32
      %mul3A_1092 = vector.broadcast %mul3A_1091 : f32 to vector<16xf32>
      %mul3A_1093 = arith.mulf %mul3A_1092, %get3A_1073 : vector<16xf32>
      %mul3A_1094 = arith.mulf %mul3A_1093, %mul3A_1090 : vector<16xf32>
      %mul3A_1095 = arith.mulf %mul3A_1094, %mul3A_1090 : vector<16xf32>
      %sub3A_1096 = arith.constant 1.500000e+00 : f32
      %sub3A_1097 = vector.broadcast %sub3A_1096 : f32 to vector<16xf32>
      %sub3A_1098 = arith.subf %sub3A_1097, %mul3A_1095 : vector<16xf32>
      %mul3A_1099 = arith.mulf %mul3A_1090, %sub3A_1098 : vector<16xf32>
      %mul3A_1100 = arith.constant 5.000000e-01 : f32
      %mul3A_1101 = vector.broadcast %mul3A_1100 : f32 to vector<16xf32>
      %mul3A_1102 = arith.mulf %mul3A_1101, %get3A_1073 : vector<16xf32>
      %mul3A_1103 = arith.mulf %mul3A_1102, %mul3A_1099 : vector<16xf32>
      %mul3A_1104 = arith.mulf %mul3A_1103, %mul3A_1099 : vector<16xf32>
      %sub3A_1105 = arith.constant 1.500000e+00 : f32
      %sub3A_1106 = vector.broadcast %sub3A_1105 : f32 to vector<16xf32>
      %sub3A_1107 = arith.subf %sub3A_1106, %mul3A_1104 : vector<16xf32>
      %mul3A_1108 = arith.mulf %mul3A_1099, %sub3A_1107 : vector<16xf32>
      %swap3A_1109 = arith.constant 400 : index
      %swap3A_1110 = tpu.vector_load %arg11[%swap3A_1109] {strides = array<i32>} : memref<640xf32, #tpu.memory_space<vmem>>, vector<16xf32>,
      tpu.vector_store %arg11[%swap3A_1109], %mul3A_1108 {strides = array<i32>} : memref<640xf32, #tpu.memory_space<vmem>>, vector<16xf32>,
      %get3A_1111 = arith.constant 416 : index
      %get3A_1112 = tpu.vector_load %arg11[%get3A_1111] {strides = array<i32>} : memref<640xf32, #tpu.memory_space<vmem>>, vector<16xf32>,
      %bitcast_convert_type3A_1113 = tpu.bitcast %get3A_1112 : vector<16xf32> -> vector<16xi32>
      %shift_right_logical3A_1114 = arith.constant 1 : i32
      %shift_right_logical3A_1115 = vector.broadcast %shift_right_logical3A_1114 : i32 to vector<16xi32>
      %shift_right_logical3A_1116 = arith.shrui %bitcast_convert_type3A_1113, %shift_right_logical3A_1115 : vector<16xi32>
      %sub3A_1117 = arith.constant 1597463007 : i32
      %sub3A_1118 = vector.broadcast %sub3A_1117 : i32 to vector<16xi32>
      %sub3A_1119 = arith.subi %sub3A_1118, %shift_right_logical3A_1116 : vector<16xi32>
      %bitcast_convert_type3A_1120 = tpu.bitcast %sub3A_1119 : vector<16xi32> -> vector<16xf32>
      %mul3A_1121 = arith.constant 5.000000e-01 : f32
      %mul3A_1122 = vector.broadcast %mul3A_1121 : f32 to vector<16xf32>
      %mul3A_1123 = arith.mulf %mul3A_1122, %get3A_1112 : vector<16xf32>
      %mul3A_1124 = arith.mulf %mul3A_1123, %bitcast_convert_type3A_1120 : vector<16xf32>
      %mul3A_1125 = arith.mulf %mul3A_1124, %bitcast_convert_type3A_1120 : vector<16xf32>
      %sub3A_1126 = arith.constant 1.500000e+00 : f32
      %sub3A_1127 = vector.broadcast %sub3A_1126 : f32 to vector<16xf32>
      %sub3A_1128 = arith.subf %sub3A_1127, %mul3A_1125 : vector<16xf32>
      %mul3A_1129 = arith.mulf %bitcast_convert_type3A_1120, %sub3A_1128 : vector<16xf32>
      %mul3A_1130 = arith.constant 5.000000e-01 : f32
      %mul3A_1131 = vector.broadcast %mul3A_1130 : f32 to vector<16xf32>
      %mul3A_1132 = arith.mulf %mul3A_1131, %get3A_1112 : vector<16xf32>
      %mul3A_1133 = arith.mulf %mul3A_1132, %mul3A_1129 : vector<16xf32>
      %mul3A_1134 = arith.mulf %mul3A_1133, %mul3A_1129 : vector<16xf32>
      %sub3A_1135 = arith.constant 1.500000e+00 : f32
      %sub3A_1136 = vector.broadcast %sub3A_1135 : f32 to vector<16xf32>
      %sub3A_1137 = arith.subf %sub3A_1136, %mul3A_1134 : vector<16xf32>
      %mul3A_1138 = arith.mulf %mul3A_1129, %sub3A_1137 : vector<16xf32>
      %mul3A_1139 = arith.constant 5.000000e-01 : f32
      %mul3A_1140 = vector.broadcast %mul3A_1139 : f32 to vector<16xf32>
      %mul3A_1141 = arith.mulf %mul3A_1140, %get3A_1112 : vector<16xf32>
      %mul3A_1142 = arith.mulf %mul3A_1141, %mul3A_1138 : vector<16xf32>
      %mul3A_1143 = arith.mulf %mul3A_1142, %mul3A_1138 : vector<16xf32>
      %sub3A_1144 = arith.constant 1.500000e+00 : f32
      %sub3A_1145 = vector.broadcast %sub3A_1144 : f32 to vector<16xf32>
      %sub3A_1146 = arith.subf %sub3A_1145, %mul3A_1143 : vector<16xf32>
      %mul3A_1147 = arith.mulf %mul3A_1138, %sub3A_1146 : vector<16xf32>
      %swap3A_1148 = arith.constant 416 : index
      %swap3A_1149 = tpu.vector_load %arg11[%swap3A_1148] {strides = array<i32>} : memref<640xf32, #tpu.memory_space<vmem>>, vector<16xf32>,
      tpu.vector_store %arg11[%swap3A_1148], %mul3A_1147 {strides = array<i32>} : memref<640xf32, #tpu.memory_space<vmem>>, vector<16xf32>,
      %get3A_1150 = arith.constant 432 : index
      %get3A_1151 = tpu.vector_load %arg11[%get3A_1150] {strides = array<i32>} : memref<640xf32, #tpu.memory_space<vmem>>, vector<16xf32>,
      %bitcast_convert_type3A_1152 = tpu.bitcast %get3A_1151 : vector<16xf32> -> vector<16xi32>
      %shift_right_logical3A_1153 = arith.constant 1 : i32
      %shift_right_logical3A_1154 = vector.broadcast %shift_right_logical3A_1153 : i32 to vector<16xi32>
      %shift_right_logical3A_1155 = arith.shrui %bitcast_convert_type3A_1152, %shift_right_logical3A_1154 : vector<16xi32>
      %sub3A_1156 = arith.constant 1597463007 : i32
      %sub3A_1157 = vector.broadcast %sub3A_1156 : i32 to vector<16xi32>
      %sub3A_1158 = arith.subi %sub3A_1157, %shift_right_logical3A_1155 : vector<16xi32>
      %bitcast_convert_type3A_1159 = tpu.bitcast %sub3A_1158 : vector<16xi32> -> vector<16xf32>
      %mul3A_1160 = arith.constant 5.000000e-01 : f32
      %mul3A_1161 = vector.broadcast %mul3A_1160 : f32 to vector<16xf32>
      %mul3A_1162 = arith.mulf %mul3A_1161, %get3A_1151 : vector<16xf32>
      %mul3A_1163 = arith.mulf %mul3A_1162, %bitcast_convert_type3A_1159 : vector<16xf32>
      %mul3A_1164 = arith.mulf %mul3A_1163, %bitcast_convert_type3A_1159 : vector<16xf32>
      %sub3A_1165 = arith.constant 1.500000e+00 : f32
      %sub3A_1166 = vector.broadcast %sub3A_1165 : f32 to vector<16xf32>
      %sub3A_1167 = arith.subf %sub3A_1166, %mul3A_1164 : vector<16xf32>
      %mul3A_1168 = arith.mulf %bitcast_convert_type3A_1159, %sub3A_1167 : vector<16xf32>
      %mul3A_1169 = arith.constant 5.000000e-01 : f32
      %mul3A_1170 = vector.broadcast %mul3A_1169 : f32 to vector<16xf32>
      %mul3A_1171 = arith.mulf %mul3A_1170, %get3A_1151 : vector<16xf32>
      %mul3A_1172 = arith.mulf %mul3A_1171, %mul3A_1168 : vector<16xf32>
      %mul3A_1173 = arith.mulf %mul3A_1172, %mul3A_1168 : vector<16xf32>
      %sub3A_1174 = arith.constant 1.500000e+00 : f32
      %sub3A_1175 = vector.broadcast %sub3A_1174 : f32 to vector<16xf32>
      %sub3A_1176 = arith.subf %sub3A_1175, %mul3A_1173 : vector<16xf32>
      %mul3A_1177 = arith.mulf %mul3A_1168, %sub3A_1176 : vector<16xf32>
      %mul3A_1178 = arith.constant 5.000000e-01 : f32
      %mul3A_1179 = vector.broadcast %mul3A_1178 : f32 to vector<16xf32>
      %mul3A_1180 = arith.mulf %mul3A_1179, %get3A_1151 : vector<16xf32>
      %mul3A_1181 = arith.mulf %mul3A_1180, %mul3A_1177 : vector<16xf32>
      %mul3A_1182 = arith.mulf %mul3A_1181, %mul3A_1177 : vector<16xf32>
      %sub3A_1183 = arith.constant 1.500000e+00 : f32
      %sub3A_1184 = vector.broadcast %sub3A_1183 : f32 to vector<16xf32>
      %sub3A_1185 = arith.subf %sub3A_1184, %mul3A_1182 : vector<16xf32>
      %mul3A_1186 = arith.mulf %mul3A_1177, %sub3A_1185 : vector<16xf32>
      %swap3A_1187 = arith.constant 432 : index
      %swap3A_1188 = tpu.vector_load %arg11[%swap3A_1187] {strides = array<i32>} : memref<640xf32, #tpu.memory_space<vmem>>, vector<16xf32>,
      tpu.vector_store %arg11[%swap3A_1187], %mul3A_1186 {strides = array<i32>} : memref<640xf32, #tpu.memory_space<vmem>>, vector<16xf32>,
      %get3A_1189 = arith.constant 448 : index
      %get3A_1190 = tpu.vector_load %arg11[%get3A_1189] {strides = array<i32>} : memref<640xf32, #tpu.memory_space<vmem>>, vector<16xf32>,
      %bitcast_convert_type3A_1191 = tpu.bitcast %get3A_1190 : vector<16xf32> -> vector<16xi32>
      %shift_right_logical3A_1192 = arith.constant 1 : i32
      %shift_right_logical3A_1193 = vector.broadcast %shift_right_logical3A_1192 : i32 to vector<16xi32>
      %shift_right_logical3A_1194 = arith.shrui %bitcast_convert_type3A_1191, %shift_right_logical3A_1193 : vector<16xi32>
      %sub3A_1195 = arith.constant 1597463007 : i32
      %sub3A_1196 = vector.broadcast %sub3A_1195 : i32 to vector<16xi32>
      %sub3A_1197 = arith.subi %sub3A_1196, %shift_right_logical3A_1194 : vector<16xi32>
      %bitcast_convert_type3A_1198 = tpu.bitcast %sub3A_1197 : vector<16xi32> -> vector<16xf32>
      %mul3A_1199 = arith.constant 5.000000e-01 : f32
      %mul3A_1200 = vector.broadcast %mul3A_1199 : f32 to vector<16xf32>
      %mul3A_1201 = arith.mulf %mul3A_1200, %get3A_1190 : vector<16xf32>
      %mul3A_1202 = arith.mulf %mul3A_1201, %bitcast_convert_type3A_1198 : vector<16xf32>
      %mul3A_1203 = arith.mulf %mul3A_1202, %bitcast_convert_type3A_1198 : vector<16xf32>
      %sub3A_1204 = arith.constant 1.500000e+00 : f32
      %sub3A_1205 = vector.broadcast %sub3A_1204 : f32 to vector<16xf32>
      %sub3A_1206 = arith.subf %sub3A_1205, %mul3A_1203 : vector<16xf32>
      %mul3A_1207 = arith.mulf %bitcast_convert_type3A_1198, %sub3A_1206 : vector<16xf32>
      %mul3A_1208 = arith.constant 5.000000e-01 : f32
      %mul3A_1209 = vector.broadcast %mul3A_1208 : f32 to vector<16xf32>
      %mul3A_1210 = arith.mulf %mul3A_1209, %get3A_1190 : vector<16xf32>
      %mul3A_1211 = arith.mulf %mul3A_1210, %mul3A_1207 : vector<16xf32>
      %mul3A_1212 = arith.mulf %mul3A_1211, %mul3A_1207 : vector<16xf32>
      %sub3A_1213 = arith.constant 1.500000e+00 : f32
      %sub3A_1214 = vector.broadcast %sub3A_1213 : f32 to vector<16xf32>
      %sub3A_1215 = arith.subf %sub3A_1214, %mul3A_1212 : vector<16xf32>
      %mul3A_1216 = arith.mulf %mul3A_1207, %sub3A_1215 : vector<16xf32>
      %mul3A_1217 = arith.constant 5.000000e-01 : f32
      %mul3A_1218 = vector.broadcast %mul3A_1217 : f32 to vector<16xf32>
      %mul3A_1219 = arith.mulf %mul3A_1218, %get3A_1190 : vector<16xf32>
      %mul3A_1220 = arith.mulf %mul3A_1219, %mul3A_1216 : vector<16xf32>
      %mul3A_1221 = arith.mulf %mul3A_1220, %mul3A_1216 : vector<16xf32>
      %sub3A_1222 = arith.constant 1.500000e+00 : f32
      %sub3A_1223 = vector.broadcast %sub3A_1222 : f32 to vector<16xf32>
      %sub3A_1224 = arith.subf %sub3A_1223, %mul3A_1221 : vector<16xf32>
      %mul3A_1225 = arith.mulf %mul3A_1216, %sub3A_1224 : vector<16xf32>
      %swap3A_1226 = arith.constant 448 : index
      %swap3A_1227 = tpu.vector_load %arg11[%swap3A_1226] {strides = array<i32>} : memref<640xf32, #tpu.memory_space<vmem>>, vector<16xf32>,
      tpu.vector_store %arg11[%swap3A_1226], %mul3A_1225 {strides = array<i32>} : memref<640xf32, #tpu.memory_space<vmem>>, vector<16xf32>,
      %get3A_1228 = arith.constant 464 : index
      %get3A_1229 = tpu.vector_load %arg11[%get3A_1228] {strides = array<i32>} : memref<640xf32, #tpu.memory_space<vmem>>, vector<16xf32>,
      %bitcast_convert_type3A_1230 = tpu.bitcast %get3A_1229 : vector<16xf32> -> vector<16xi32>
      %shift_right_logical3A_1231 = arith.constant 1 : i32
      %shift_right_logical3A_1232 = vector.broadcast %shift_right_logical3A_1231 : i32 to vector<16xi32>
      %shift_right_logical3A_1233 = arith.shrui %bitcast_convert_type3A_1230, %shift_right_logical3A_1232 : vector<16xi32>
      %sub3A_1234 = arith.constant 1597463007 : i32
      %sub3A_1235 = vector.broadcast %sub3A_1234 : i32 to vector<16xi32>
      %sub3A_1236 = arith.subi %sub3A_1235, %shift_right_logical3A_1233 : vector<16xi32>
      %bitcast_convert_type3A_1237 = tpu.bitcast %sub3A_1236 : vector<16xi32> -> vector<16xf32>
      %mul3A_1238 = arith.constant 5.000000e-01 : f32
      %mul3A_1239 = vector.broadcast %mul3A_1238 : f32 to vector<16xf32>
      %mul3A_1240 = arith.mulf %mul3A_1239, %get3A_1229 : vector<16xf32>
      %mul3A_1241 = arith.mulf %mul3A_1240, %bitcast_convert_type3A_1237 : vector<16xf32>
      %mul3A_1242 = arith.mulf %mul3A_1241, %bitcast_convert_type3A_1237 : vector<16xf32>
      %sub3A_1243 = arith.constant 1.500000e+00 : f32
      %sub3A_1244 = vector.broadcast %sub3A_1243 : f32 to vector<16xf32>
      %sub3A_1245 = arith.subf %sub3A_1244, %mul3A_1242 : vector<16xf32>
      %mul3A_1246 = arith.mulf %bitcast_convert_type3A_1237, %sub3A_1245 : vector<16xf32>
      %mul3A_1247 = arith.constant 5.000000e-01 : f32
      %mul3A_1248 = vector.broadcast %mul3A_1247 : f32 to vector<16xf32>
      %mul3A_1249 = arith.mulf %mul3A_1248, %get3A_1229 : vector<16xf32>
      %mul3A_1250 = arith.mulf %mul3A_1249, %mul3A_1246 : vector<16xf32>
      %mul3A_1251 = arith.mulf %mul3A_1250, %mul3A_1246 : vector<16xf32>
      %sub3A_1252 = arith.constant 1.500000e+00 : f32
      %sub3A_1253 = vector.broadcast %sub3A_1252 : f32 to vector<16xf32>
      %sub3A_1254 = arith.subf %sub3A_1253, %mul3A_1251 : vector<16xf32>
      %mul3A_1255 = arith.mulf %mul3A_1246, %sub3A_1254 : vector<16xf32>
      %mul3A_1256 = arith.constant 5.000000e-01 : f32
      %mul3A_1257 = vector.broadcast %mul3A_1256 : f32 to vector<16xf32>
      %mul3A_1258 = arith.mulf %mul3A_1257, %get3A_1229 : vector<16xf32>
      %mul3A_1259 = arith.mulf %mul3A_1258, %mul3A_1255 : vector<16xf32>
      %mul3A_1260 = arith.mulf %mul3A_1259, %mul3A_1255 : vector<16xf32>
      %sub3A_1261 = arith.constant 1.500000e+00 : f32
      %sub3A_1262 = vector.broadcast %sub3A_1261 : f32 to vector<16xf32>
      %sub3A_1263 = arith.subf %sub3A_1262, %mul3A_1260 : vector<16xf32>
      %mul3A_1264 = arith.mulf %mul3A_1255, %sub3A_1263 : vector<16xf32>
      %swap3A_1265 = arith.constant 464 : index
      %swap3A_1266 = tpu.vector_load %arg11[%swap3A_1265] {strides = array<i32>} : memref<640xf32, #tpu.memory_space<vmem>>, vector<16xf32>,
      tpu.vector_store %arg11[%swap3A_1265], %mul3A_1264 {strides = array<i32>} : memref<640xf32, #tpu.memory_space<vmem>>, vector<16xf32>,
      %get3A_1267 = arith.constant 480 : index
      %get3A_1268 = tpu.vector_load %arg11[%get3A_1267] {strides = array<i32>} : memref<640xf32, #tpu.memory_space<vmem>>, vector<16xf32>,
      %bitcast_convert_type3A_1269 = tpu.bitcast %get3A_1268 : vector<16xf32> -> vector<16xi32>
      %shift_right_logical3A_1270 = arith.constant 1 : i32
      %shift_right_logical3A_1271 = vector.broadcast %shift_right_logical3A_1270 : i32 to vector<16xi32>
      %shift_right_logical3A_1272 = arith.shrui %bitcast_convert_type3A_1269, %shift_right_logical3A_1271 : vector<16xi32>
      %sub3A_1273 = arith.constant 1597463007 : i32
      %sub3A_1274 = vector.broadcast %sub3A_1273 : i32 to vector<16xi32>
      %sub3A_1275 = arith.subi %sub3A_1274, %shift_right_logical3A_1272 : vector<16xi32>
      %bitcast_convert_type3A_1276 = tpu.bitcast %sub3A_1275 : vector<16xi32> -> vector<16xf32>
      %mul3A_1277 = arith.constant 5.000000e-01 : f32
      %mul3A_1278 = vector.broadcast %mul3A_1277 : f32 to vector<16xf32>
      %mul3A_1279 = arith.mulf %mul3A_1278, %get3A_1268 : vector<16xf32>
      %mul3A_1280 = arith.mulf %mul3A_1279, %bitcast_convert_type3A_1276 : vector<16xf32>
      %mul3A_1281 = arith.mulf %mul3A_1280, %bitcast_convert_type3A_1276 : vector<16xf32>
      %sub3A_1282 = arith.constant 1.500000e+00 : f32
      %sub3A_1283 = vector.broadcast %sub3A_1282 : f32 to vector<16xf32>
      %sub3A_1284 = arith.subf %sub3A_1283, %mul3A_1281 : vector<16xf32>
      %mul3A_1285 = arith.mulf %bitcast_convert_type3A_1276, %sub3A_1284 : vector<16xf32>
      %mul3A_1286 = arith.constant 5.000000e-01 : f32
      %mul3A_1287 = vector.broadcast %mul3A_1286 : f32 to vector<16xf32>
      %mul3A_1288 = arith.mulf %mul3A_1287, %get3A_1268 : vector<16xf32>
      %mul3A_1289 = arith.mulf %mul3A_1288, %mul3A_1285 : vector<16xf32>
      %mul3A_1290 = arith.mulf %mul3A_1289, %mul3A_1285 : vector<16xf32>
      %sub3A_1291 = arith.constant 1.500000e+00 : f32
      %sub3A_1292 = vector.broadcast %sub3A_1291 : f32 to vector<16xf32>
      %sub3A_1293 = arith.subf %sub3A_1292, %mul3A_1290 : vector<16xf32>
      %mul3A_1294 = arith.mulf %mul3A_1285, %sub3A_1293 : vector<16xf32>
      %mul3A_1295 = arith.constant 5.000000e-01 : f32
      %mul3A_1296 = vector.broadcast %mul3A_1295 : f32 to vector<16xf32>
      %mul3A_1297 = arith.mulf %mul3A_1296, %get3A_1268 : vector<16xf32>
      %mul3A_1298 = arith.mulf %mul3A_1297, %mul3A_1294 : vector<16xf32>
      %mul3A_1299 = arith.mulf %mul3A_1298, %mul3A_1294 : vector<16xf32>
      %sub3A_1300 = arith.constant 1.500000e+00 : f32
      %sub3A_1301 = vector.broadcast %sub3A_1300 : f32 to vector<16xf32>
      %sub3A_1302 = arith.subf %sub3A_1301, %mul3A_1299 : vector<16xf32>
      %mul3A_1303 = arith.mulf %mul3A_1294, %sub3A_1302 : vector<16xf32>
      %swap3A_1304 = arith.constant 480 : index
      %swap3A_1305 = tpu.vector_load %arg11[%swap3A_1304] {strides = array<i32>} : memref<640xf32, #tpu.memory_space<vmem>>, vector<16xf32>,
      tpu.vector_store %arg11[%swap3A_1304], %mul3A_1303 {strides = array<i32>} : memref<640xf32, #tpu.memory_space<vmem>>, vector<16xf32>,
      %get3A_1306 = arith.constant 496 : index
      %get3A_1307 = tpu.vector_load %arg11[%get3A_1306] {strides = array<i32>} : memref<640xf32, #tpu.memory_space<vmem>>, vector<16xf32>,
      %bitcast_convert_type3A_1308 = tpu.bitcast %get3A_1307 : vector<16xf32> -> vector<16xi32>
      %shift_right_logical3A_1309 = arith.constant 1 : i32
      %shift_right_logical3A_1310 = vector.broadcast %shift_right_logical3A_1309 : i32 to vector<16xi32>
      %shift_right_logical3A_1311 = arith.shrui %bitcast_convert_type3A_1308, %shift_right_logical3A_1310 : vector<16xi32>
      %sub3A_1312 = arith.constant 1597463007 : i32
      %sub3A_1313 = vector.broadcast %sub3A_1312 : i32 to vector<16xi32>
      %sub3A_1314 = arith.subi %sub3A_1313, %shift_right_logical3A_1311 : vector<16xi32>
      %bitcast_convert_type3A_1315 = tpu.bitcast %sub3A_1314 : vector<16xi32> -> vector<16xf32>
      %mul3A_1316 = arith.constant 5.000000e-01 : f32
      %mul3A_1317 = vector.broadcast %mul3A_1316 : f32 to vector<16xf32>
      %mul3A_1318 = arith.mulf %mul3A_1317, %get3A_1307 : vector<16xf32>
      %mul3A_1319 = arith.mulf %mul3A_1318, %bitcast_convert_type3A_1315 : vector<16xf32>
      %mul3A_1320 = arith.mulf %mul3A_1319, %bitcast_convert_type3A_1315 : vector<16xf32>
      %sub3A_1321 = arith.constant 1.500000e+00 : f32
      %sub3A_1322 = vector.broadcast %sub3A_1321 : f32 to vector<16xf32>
      %sub3A_1323 = arith.subf %sub3A_1322, %mul3A_1320 : vector<16xf32>
      %mul3A_1324 = arith.mulf %bitcast_convert_type3A_1315, %sub3A_1323 : vector<16xf32>
      %mul3A_1325 = arith.constant 5.000000e-01 : f32
      %mul3A_1326 = vector.broadcast %mul3A_1325 : f32 to vector<16xf32>
      %mul3A_1327 = arith.mulf %mul3A_1326, %get3A_1307 : vector<16xf32>
      %mul3A_1328 = arith.mulf %mul3A_1327, %mul3A_1324 : vector<16xf32>
      %mul3A_1329 = arith.mulf %mul3A_1328, %mul3A_1324 : vector<16xf32>
      %sub3A_1330 = arith.constant 1.500000e+00 : f32
      %sub3A_1331 = vector.broadcast %sub3A_1330 : f32 to vector<16xf32>
      %sub3A_1332 = arith.subf %sub3A_1331, %mul3A_1329 : vector<16xf32>
      %mul3A_1333 = arith.mulf %mul3A_1324, %sub3A_1332 : vector<16xf32>
      %mul3A_1334 = arith.constant 5.000000e-01 : f32
      %mul3A_1335 = vector.broadcast %mul3A_1334 : f32 to vector<16xf32>
      %mul3A_1336 = arith.mulf %mul3A_1335, %get3A_1307 : vector<16xf32>
      %mul3A_1337 = arith.mulf %mul3A_1336, %mul3A_1333 : vector<16xf32>
      %mul3A_1338 = arith.mulf %mul3A_1337, %mul3A_1333 : vector<16xf32>
      %sub3A_1339 = arith.constant 1.500000e+00 : f32
      %sub3A_1340 = vector.broadcast %sub3A_1339 : f32 to vector<16xf32>
      %sub3A_1341 = arith.subf %sub3A_1340, %mul3A_1338 : vector<16xf32>
      %mul3A_1342 = arith.mulf %mul3A_1333, %sub3A_1341 : vector<16xf32>
      %swap3A_1343 = arith.constant 496 : index
      %swap3A_1344 = tpu.vector_load %arg11[%swap3A_1343] {strides = array<i32>} : memref<640xf32, #tpu.memory_space<vmem>>, vector<16xf32>,
      tpu.vector_store %arg11[%swap3A_1343], %mul3A_1342 {strides = array<i32>} : memref<640xf32, #tpu.memory_space<vmem>>, vector<16xf32>,
      %get3A_1345 = arith.constant 512 : index
      %get3A_1346 = tpu.vector_load %arg11[%get3A_1345] {strides = array<i32>} : memref<640xf32, #tpu.memory_space<vmem>>, vector<16xf32>,
      %bitcast_convert_type3A_1347 = tpu.bitcast %get3A_1346 : vector<16xf32> -> vector<16xi32>
      %shift_right_logical3A_1348 = arith.constant 1 : i32
      %shift_right_logical3A_1349 = vector.broadcast %shift_right_logical3A_1348 : i32 to vector<16xi32>
      %shift_right_logical3A_1350 = arith.shrui %bitcast_convert_type3A_1347, %shift_right_logical3A_1349 : vector<16xi32>
      %sub3A_1351 = arith.constant 1597463007 : i32
      %sub3A_1352 = vector.broadcast %sub3A_1351 : i32 to vector<16xi32>
      %sub3A_1353 = arith.subi %sub3A_1352, %shift_right_logical3A_1350 : vector<16xi32>
      %bitcast_convert_type3A_1354 = tpu.bitcast %sub3A_1353 : vector<16xi32> -> vector<16xf32>
      %mul3A_1355 = arith.constant 5.000000e-01 : f32
      %mul3A_1356 = vector.broadcast %mul3A_1355 : f32 to vector<16xf32>
      %mul3A_1357 = arith.mulf %mul3A_1356, %get3A_1346 : vector<16xf32>
      %mul3A_1358 = arith.mulf %mul3A_1357, %bitcast_convert_type3A_1354 : vector<16xf32>
      %mul3A_1359 = arith.mulf %mul3A_1358, %bitcast_convert_type3A_1354 : vector<16xf32>
      %sub3A_1360 = arith.constant 1.500000e+00 : f32
      %sub3A_1361 = vector.broadcast %sub3A_1360 : f32 to vector<16xf32>
      %sub3A_1362 = arith.subf %sub3A_1361, %mul3A_1359 : vector<16xf32>
      %mul3A_1363 = arith.mulf %bitcast_convert_type3A_1354, %sub3A_1362 : vector<16xf32>
      %mul3A_1364 = arith.constant 5.000000e-01 : f32
      %mul3A_1365 = vector.broadcast %mul3A_1364 : f32 to vector<16xf32>
      %mul3A_1366 = arith.mulf %mul3A_1365, %get3A_1346 : vector<16xf32>
      %mul3A_1367 = arith.mulf %mul3A_1366, %mul3A_1363 : vector<16xf32>
      %mul3A_1368 = arith.mulf %mul3A_1367, %mul3A_1363 : vector<16xf32>
      %sub3A_1369 = arith.constant 1.500000e+00 : f32
      %sub3A_1370 = vector.broadcast %sub3A_1369 : f32 to vector<16xf32>
      %sub3A_1371 = arith.subf %sub3A_1370, %mul3A_1368 : vector<16xf32>
      %mul3A_1372 = arith.mulf %mul3A_1363, %sub3A_1371 : vector<16xf32>
      %mul3A_1373 = arith.constant 5.000000e-01 : f32
      %mul3A_1374 = vector.broadcast %mul3A_1373 : f32 to vector<16xf32>
      %mul3A_1375 = arith.mulf %mul3A_1374, %get3A_1346 : vector<16xf32>
      %mul3A_1376 = arith.mulf %mul3A_1375, %mul3A_1372 : vector<16xf32>
      %mul3A_1377 = arith.mulf %mul3A_1376, %mul3A_1372 : vector<16xf32>
      %sub3A_1378 = arith.constant 1.500000e+00 : f32
      %sub3A_1379 = vector.broadcast %sub3A_1378 : f32 to vector<16xf32>
      %sub3A_1380 = arith.subf %sub3A_1379, %mul3A_1377 : vector<16xf32>
      %mul3A_1381 = arith.mulf %mul3A_1372, %sub3A_1380 : vector<16xf32>
      %swap3A_1382 = arith.constant 512 : index
      %swap3A_1383 = tpu.vector_load %arg11[%swap3A_1382] {strides = array<i32>} : memref<640xf32, #tpu.memory_space<vmem>>, vector<16xf32>,
      tpu.vector_store %arg11[%swap3A_1382], %mul3A_1381 {strides = array<i32>} : memref<640xf32, #tpu.memory_space<vmem>>, vector<16xf32>,
      %get3A_1384 = arith.constant 528 : index
      %get3A_1385 = tpu.vector_load %arg11[%get3A_1384] {strides = array<i32>} : memref<640xf32, #tpu.memory_space<vmem>>, vector<16xf32>,
      %bitcast_convert_type3A_1386 = tpu.bitcast %get3A_1385 : vector<16xf32> -> vector<16xi32>
      %shift_right_logical3A_1387 = arith.constant 1 : i32
      %shift_right_logical3A_1388 = vector.broadcast %shift_right_logical3A_1387 : i32 to vector<16xi32>
      %shift_right_logical3A_1389 = arith.shrui %bitcast_convert_type3A_1386, %shift_right_logical3A_1388 : vector<16xi32>
      %sub3A_1390 = arith.constant 1597463007 : i32
      %sub3A_1391 = vector.broadcast %sub3A_1390 : i32 to vector<16xi32>
      %sub3A_1392 = arith.subi %sub3A_1391, %shift_right_logical3A_1389 : vector<16xi32>
      %bitcast_convert_type3A_1393 = tpu.bitcast %sub3A_1392 : vector<16xi32> -> vector<16xf32>
      %mul3A_1394 = arith.constant 5.000000e-01 : f32
      %mul3A_1395 = vector.broadcast %mul3A_1394 : f32 to vector<16xf32>
      %mul3A_1396 = arith.mulf %mul3A_1395, %get3A_1385 : vector<16xf32>
      %mul3A_1397 = arith.mulf %mul3A_1396, %bitcast_convert_type3A_1393 : vector<16xf32>
      %mul3A_1398 = arith.mulf %mul3A_1397, %bitcast_convert_type3A_1393 : vector<16xf32>
      %sub3A_1399 = arith.constant 1.500000e+00 : f32
      %sub3A_1400 = vector.broadcast %sub3A_1399 : f32 to vector<16xf32>
      %sub3A_1401 = arith.subf %sub3A_1400, %mul3A_1398 : vector<16xf32>
      %mul3A_1402 = arith.mulf %bitcast_convert_type3A_1393, %sub3A_1401 : vector<16xf32>
      %mul3A_1403 = arith.constant 5.000000e-01 : f32
      %mul3A_1404 = vector.broadcast %mul3A_1403 : f32 to vector<16xf32>
      %mul3A_1405 = arith.mulf %mul3A_1404, %get3A_1385 : vector<16xf32>
      %mul3A_1406 = arith.mulf %mul3A_1405, %mul3A_1402 : vector<16xf32>
      %mul3A_1407 = arith.mulf %mul3A_1406, %mul3A_1402 : vector<16xf32>
      %sub3A_1408 = arith.constant 1.500000e+00 : f32
      %sub3A_1409 = vector.broadcast %sub3A_1408 : f32 to vector<16xf32>
      %sub3A_1410 = arith.subf %sub3A_1409, %mul3A_1407 : vector<16xf32>
      %mul3A_1411 = arith.mulf %mul3A_1402, %sub3A_1410 : vector<16xf32>
      %mul3A_1412 = arith.constant 5.000000e-01 : f32
      %mul3A_1413 = vector.broadcast %mul3A_1412 : f32 to vector<16xf32>
      %mul3A_1414 = arith.mulf %mul3A_1413, %get3A_1385 : vector<16xf32>
      %mul3A_1415 = arith.mulf %mul3A_1414, %mul3A_1411 : vector<16xf32>
      %mul3A_1416 = arith.mulf %mul3A_1415, %mul3A_1411 : vector<16xf32>
      %sub3A_1417 = arith.constant 1.500000e+00 : f32
      %sub3A_1418 = vector.broadcast %sub3A_1417 : f32 to vector<16xf32>
      %sub3A_1419 = arith.subf %sub3A_1418, %mul3A_1416 : vector<16xf32>
      %mul3A_1420 = arith.mulf %mul3A_1411, %sub3A_1419 : vector<16xf32>
      %swap3A_1421 = arith.constant 528 : index
      %swap3A_1422 = tpu.vector_load %arg11[%swap3A_1421] {strides = array<i32>} : memref<640xf32, #tpu.memory_space<vmem>>, vector<16xf32>,
      tpu.vector_store %arg11[%swap3A_1421], %mul3A_1420 {strides = array<i32>} : memref<640xf32, #tpu.memory_space<vmem>>, vector<16xf32>,
      %get3A_1423 = arith.constant 544 : index
      %get3A_1424 = tpu.vector_load %arg11[%get3A_1423] {strides = array<i32>} : memref<640xf32, #tpu.memory_space<vmem>>, vector<16xf32>,
      %bitcast_convert_type3A_1425 = tpu.bitcast %get3A_1424 : vector<16xf32> -> vector<16xi32>
      %shift_right_logical3A_1426 = arith.constant 1 : i32
      %shift_right_logical3A_1427 = vector.broadcast %shift_right_logical3A_1426 : i32 to vector<16xi32>
      %shift_right_logical3A_1428 = arith.shrui %bitcast_convert_type3A_1425, %shift_right_logical3A_1427 : vector<16xi32>
      %sub3A_1429 = arith.constant 1597463007 : i32
      %sub3A_1430 = vector.broadcast %sub3A_1429 : i32 to vector<16xi32>
      %sub3A_1431 = arith.subi %sub3A_1430, %shift_right_logical3A_1428 : vector<16xi32>
      %bitcast_convert_type3A_1432 = tpu.bitcast %sub3A_1431 : vector<16xi32> -> vector<16xf32>
      %mul3A_1433 = arith.constant 5.000000e-01 : f32
      %mul3A_1434 = vector.broadcast %mul3A_1433 : f32 to vector<16xf32>
      %mul3A_1435 = arith.mulf %mul3A_1434, %get3A_1424 : vector<16xf32>
      %mul3A_1436 = arith.mulf %mul3A_1435, %bitcast_convert_type3A_1432 : vector<16xf32>
      %mul3A_1437 = arith.mulf %mul3A_1436, %bitcast_convert_type3A_1432 : vector<16xf32>
      %sub3A_1438 = arith.constant 1.500000e+00 : f32
      %sub3A_1439 = vector.broadcast %sub3A_1438 : f32 to vector<16xf32>
      %sub3A_1440 = arith.subf %sub3A_1439, %mul3A_1437 : vector<16xf32>
      %mul3A_1441 = arith.mulf %bitcast_convert_type3A_1432, %sub3A_1440 : vector<16xf32>
      %mul3A_1442 = arith.constant 5.000000e-01 : f32
      %mul3A_1443 = vector.broadcast %mul3A_1442 : f32 to vector<16xf32>
      %mul3A_1444 = arith.mulf %mul3A_1443, %get3A_1424 : vector<16xf32>
      %mul3A_1445 = arith.mulf %mul3A_1444, %mul3A_1441 : vector<16xf32>
      %mul3A_1446 = arith.mulf %mul3A_1445, %mul3A_1441 : vector<16xf32>
      %sub3A_1447 = arith.constant 1.500000e+00 : f32
      %sub3A_1448 = vector.broadcast %sub3A_1447 : f32 to vector<16xf32>
      %sub3A_1449 = arith.subf %sub3A_1448, %mul3A_1446 : vector<16xf32>
      %mul3A_1450 = arith.mulf %mul3A_1441, %sub3A_1449 : vector<16xf32>
      %mul3A_1451 = arith.constant 5.000000e-01 : f32
      %mul3A_1452 = vector.broadcast %mul3A_1451 : f32 to vector<16xf32>
      %mul3A_1453 = arith.mulf %mul3A_1452, %get3A_1424 : vector<16xf32>
      %mul3A_1454 = arith.mulf %mul3A_1453, %mul3A_1450 : vector<16xf32>
      %mul3A_1455 = arith.mulf %mul3A_1454, %mul3A_1450 : vector<16xf32>
      %sub3A_1456 = arith.constant 1.500000e+00 : f32
      %sub3A_1457 = vector.broadcast %sub3A_1456 : f32 to vector<16xf32>
      %sub3A_1458 = arith.subf %sub3A_1457, %mul3A_1455 : vector<16xf32>
      %mul3A_1459 = arith.mulf %mul3A_1450, %sub3A_1458 : vector<16xf32>
      %swap3A_1460 = arith.constant 544 : index
      %swap3A_1461 = tpu.vector_load %arg11[%swap3A_1460] {strides = array<i32>} : memref<640xf32, #tpu.memory_space<vmem>>, vector<16xf32>,
      tpu.vector_store %arg11[%swap3A_1460], %mul3A_1459 {strides = array<i32>} : memref<640xf32, #tpu.memory_space<vmem>>, vector<16xf32>,
      %get3A_1462 = arith.constant 560 : index
      %get3A_1463 = tpu.vector_load %arg11[%get3A_1462] {strides = array<i32>} : memref<640xf32, #tpu.memory_space<vmem>>, vector<16xf32>,
      %bitcast_convert_type3A_1464 = tpu.bitcast %get3A_1463 : vector<16xf32> -> vector<16xi32>
      %shift_right_logical3A_1465 = arith.constant 1 : i32
      %shift_right_logical3A_1466 = vector.broadcast %shift_right_logical3A_1465 : i32 to vector<16xi32>
      %shift_right_logical3A_1467 = arith.shrui %bitcast_convert_type3A_1464, %shift_right_logical3A_1466 : vector<16xi32>
      %sub3A_1468 = arith.constant 1597463007 : i32
      %sub3A_1469 = vector.broadcast %sub3A_1468 : i32 to vector<16xi32>
      %sub3A_1470 = arith.subi %sub3A_1469, %shift_right_logical3A_1467 : vector<16xi32>
      %bitcast_convert_type3A_1471 = tpu.bitcast %sub3A_1470 : vector<16xi32> -> vector<16xf32>
      %mul3A_1472 = arith.constant 5.000000e-01 : f32
      %mul3A_1473 = vector.broadcast %mul3A_1472 : f32 to vector<16xf32>
      %mul3A_1474 = arith.mulf %mul3A_1473, %get3A_1463 : vector<16xf32>
      %mul3A_1475 = arith.mulf %mul3A_1474, %bitcast_convert_type3A_1471 : vector<16xf32>
      %mul3A_1476 = arith.mulf %mul3A_1475, %bitcast_convert_type3A_1471 : vector<16xf32>
      %sub3A_1477 = arith.constant 1.500000e+00 : f32
      %sub3A_1478 = vector.broadcast %sub3A_1477 : f32 to vector<16xf32>
      %sub3A_1479 = arith.subf %sub3A_1478, %mul3A_1476 : vector<16xf32>
      %mul3A_1480 = arith.mulf %bitcast_convert_type3A_1471, %sub3A_1479 : vector<16xf32>
      %mul3A_1481 = arith.constant 5.000000e-01 : f32
      %mul3A_1482 = vector.broadcast %mul3A_1481 : f32 to vector<16xf32>
      %mul3A_1483 = arith.mulf %mul3A_1482, %get3A_1463 : vector<16xf32>
      %mul3A_1484 = arith.mulf %mul3A_1483, %mul3A_1480 : vector<16xf32>
      %mul3A_1485 = arith.mulf %mul3A_1484, %mul3A_1480 : vector<16xf32>
      %sub3A_1486 = arith.constant 1.500000e+00 : f32
      %sub3A_1487 = vector.broadcast %sub3A_1486 : f32 to vector<16xf32>
      %sub3A_1488 = arith.subf %sub3A_1487, %mul3A_1485 : vector<16xf32>
      %mul3A_1489 = arith.mulf %mul3A_1480, %sub3A_1488 : vector<16xf32>
      %mul3A_1490 = arith.constant 5.000000e-01 : f32
      %mul3A_1491 = vector.broadcast %mul3A_1490 : f32 to vector<16xf32>
      %mul3A_1492 = arith.mulf %mul3A_1491, %get3A_1463 : vector<16xf32>
      %mul3A_1493 = arith.mulf %mul3A_1492, %mul3A_1489 : vector<16xf32>
      %mul3A_1494 = arith.mulf %mul3A_1493, %mul3A_1489 : vector<16xf32>
      %sub3A_1495 = arith.constant 1.500000e+00 : f32
      %sub3A_1496 = vector.broadcast %sub3A_1495 : f32 to vector<16xf32>
      %sub3A_1497 = arith.subf %sub3A_1496, %mul3A_1494 : vector<16xf32>
      %mul3A_1498 = arith.mulf %mul3A_1489, %sub3A_1497 : vector<16xf32>
      %swap3A_1499 = arith.constant 560 : index
      %swap3A_1500 = tpu.vector_load %arg11[%swap3A_1499] {strides = array<i32>} : memref<640xf32, #tpu.memory_space<vmem>>, vector<16xf32>,
      tpu.vector_store %arg11[%swap3A_1499], %mul3A_1498 {strides = array<i32>} : memref<640xf32, #tpu.memory_space<vmem>>, vector<16xf32>,
      %get3A_1501 = arith.constant 576 : index
      %get3A_1502 = tpu.vector_load %arg11[%get3A_1501] {strides = array<i32>} : memref<640xf32, #tpu.memory_space<vmem>>, vector<16xf32>,
      %bitcast_convert_type3A_1503 = tpu.bitcast %get3A_1502 : vector<16xf32> -> vector<16xi32>
      %shift_right_logical3A_1504 = arith.constant 1 : i32
      %shift_right_logical3A_1505 = vector.broadcast %shift_right_logical3A_1504 : i32 to vector<16xi32>
      %shift_right_logical3A_1506 = arith.shrui %bitcast_convert_type3A_1503, %shift_right_logical3A_1505 : vector<16xi32>
      %sub3A_1507 = arith.constant 1597463007 : i32
      %sub3A_1508 = vector.broadcast %sub3A_1507 : i32 to vector<16xi32>
      %sub3A_1509 = arith.subi %sub3A_1508, %shift_right_logical3A_1506 : vector<16xi32>
      %bitcast_convert_type3A_1510 = tpu.bitcast %sub3A_1509 : vector<16xi32> -> vector<16xf32>
      %mul3A_1511 = arith.constant 5.000000e-01 : f32
      %mul3A_1512 = vector.broadcast %mul3A_1511 : f32 to vector<16xf32>
      %mul3A_1513 = arith.mulf %mul3A_1512, %get3A_1502 : vector<16xf32>
      %mul3A_1514 = arith.mulf %mul3A_1513, %bitcast_convert_type3A_1510 : vector<16xf32>
      %mul3A_1515 = arith.mulf %mul3A_1514, %bitcast_convert_type3A_1510 : vector<16xf32>
      %sub3A_1516 = arith.constant 1.500000e+00 : f32
      %sub3A_1517 = vector.broadcast %sub3A_1516 : f32 to vector<16xf32>
      %sub3A_1518 = arith.subf %sub3A_1517, %mul3A_1515 : vector<16xf32>
      %mul3A_1519 = arith.mulf %bitcast_convert_type3A_1510, %sub3A_1518 : vector<16xf32>
      %mul3A_1520 = arith.constant 5.000000e-01 : f32
      %mul3A_1521 = vector.broadcast %mul3A_1520 : f32 to vector<16xf32>
      %mul3A_1522 = arith.mulf %mul3A_1521, %get3A_1502 : vector<16xf32>
      %mul3A_1523 = arith.mulf %mul3A_1522, %mul3A_1519 : vector<16xf32>
      %mul3A_1524 = arith.mulf %mul3A_1523, %mul3A_1519 : vector<16xf32>
      %sub3A_1525 = arith.constant 1.500000e+00 : f32
      %sub3A_1526 = vector.broadcast %sub3A_1525 : f32 to vector<16xf32>
      %sub3A_1527 = arith.subf %sub3A_1526, %mul3A_1524 : vector<16xf32>
      %mul3A_1528 = arith.mulf %mul3A_1519, %sub3A_1527 : vector<16xf32>
      %mul3A_1529 = arith.constant 5.000000e-01 : f32
      %mul3A_1530 = vector.broadcast %mul3A_1529 : f32 to vector<16xf32>
      %mul3A_1531 = arith.mulf %mul3A_1530, %get3A_1502 : vector<16xf32>
      %mul3A_1532 = arith.mulf %mul3A_1531, %mul3A_1528 : vector<16xf32>
      %mul3A_1533 = arith.mulf %mul3A_1532, %mul3A_1528 : vector<16xf32>
      %sub3A_1534 = arith.constant 1.500000e+00 : f32
      %sub3A_1535 = vector.broadcast %sub3A_1534 : f32 to vector<16xf32>
      %sub3A_1536 = arith.subf %sub3A_1535, %mul3A_1533 : vector<16xf32>
      %mul3A_1537 = arith.mulf %mul3A_1528, %sub3A_1536 : vector<16xf32>
      %swap3A_1538 = arith.constant 576 : index
      %swap3A_1539 = tpu.vector_load %arg11[%swap3A_1538] {strides = array<i32>} : memref<640xf32, #tpu.memory_space<vmem>>, vector<16xf32>,
      tpu.vector_store %arg11[%swap3A_1538], %mul3A_1537 {strides = array<i32>} : memref<640xf32, #tpu.memory_space<vmem>>, vector<16xf32>,
      %get3A_1540 = arith.constant 592 : index
      %get3A_1541 = tpu.vector_load %arg11[%get3A_1540] {strides = array<i32>} : memref<640xf32, #tpu.memory_space<vmem>>, vector<16xf32>,
      %bitcast_convert_type3A_1542 = tpu.bitcast %get3A_1541 : vector<16xf32> -> vector<16xi32>
      %shift_right_logical3A_1543 = arith.constant 1 : i32
      %shift_right_logical3A_1544 = vector.broadcast %shift_right_logical3A_1543 : i32 to vector<16xi32>
      %shift_right_logical3A_1545 = arith.shrui %bitcast_convert_type3A_1542, %shift_right_logical3A_1544 : vector<16xi32>
      %sub3A_1546 = arith.constant 1597463007 : i32
      %sub3A_1547 = vector.broadcast %sub3A_1546 : i32 to vector<16xi32>
      %sub3A_1548 = arith.subi %sub3A_1547, %shift_right_logical3A_1545 : vector<16xi32>
      %bitcast_convert_type3A_1549 = tpu.bitcast %sub3A_1548 : vector<16xi32> -> vector<16xf32>
      %mul3A_1550 = arith.constant 5.000000e-01 : f32
      %mul3A_1551 = vector.broadcast %mul3A_1550 : f32 to vector<16xf32>
      %mul3A_1552 = arith.mulf %mul3A_1551, %get3A_1541 : vector<16xf32>
      %mul3A_1553 = arith.mulf %mul3A_1552, %bitcast_convert_type3A_1549 : vector<16xf32>
      %mul3A_1554 = arith.mulf %mul3A_1553, %bitcast_convert_type3A_1549 : vector<16xf32>
      %sub3A_1555 = arith.constant 1.500000e+00 : f32
      %sub3A_1556 = vector.broadcast %sub3A_1555 : f32 to vector<16xf32>
      %sub3A_1557 = arith.subf %sub3A_1556, %mul3A_1554 : vector<16xf32>
      %mul3A_1558 = arith.mulf %bitcast_convert_type3A_1549, %sub3A_1557 : vector<16xf32>
      %mul3A_1559 = arith.constant 5.000000e-01 : f32
      %mul3A_1560 = vector.broadcast %mul3A_1559 : f32 to vector<16xf32>
      %mul3A_1561 = arith.mulf %mul3A_1560, %get3A_1541 : vector<16xf32>
      %mul3A_1562 = arith.mulf %mul3A_1561, %mul3A_1558 : vector<16xf32>
      %mul3A_1563 = arith.mulf %mul3A_1562, %mul3A_1558 : vector<16xf32>
      %sub3A_1564 = arith.constant 1.500000e+00 : f32
      %sub3A_1565 = vector.broadcast %sub3A_1564 : f32 to vector<16xf32>
      %sub3A_1566 = arith.subf %sub3A_1565, %mul3A_1563 : vector<16xf32>
      %mul3A_1567 = arith.mulf %mul3A_1558, %sub3A_1566 : vector<16xf32>
      %mul3A_1568 = arith.constant 5.000000e-01 : f32
      %mul3A_1569 = vector.broadcast %mul3A_1568 : f32 to vector<16xf32>
      %mul3A_1570 = arith.mulf %mul3A_1569, %get3A_1541 : vector<16xf32>
      %mul3A_1571 = arith.mulf %mul3A_1570, %mul3A_1567 : vector<16xf32>
      %mul3A_1572 = arith.mulf %mul3A_1571, %mul3A_1567 : vector<16xf32>
      %sub3A_1573 = arith.constant 1.500000e+00 : f32
      %sub3A_1574 = vector.broadcast %sub3A_1573 : f32 to vector<16xf32>
      %sub3A_1575 = arith.subf %sub3A_1574, %mul3A_1572 : vector<16xf32>
      %mul3A_1576 = arith.mulf %mul3A_1567, %sub3A_1575 : vector<16xf32>
      %swap3A_1577 = arith.constant 592 : index
      %swap3A_1578 = tpu.vector_load %arg11[%swap3A_1577] {strides = array<i32>} : memref<640xf32, #tpu.memory_space<vmem>>, vector<16xf32>,
      tpu.vector_store %arg11[%swap3A_1577], %mul3A_1576 {strides = array<i32>} : memref<640xf32, #tpu.memory_space<vmem>>, vector<16xf32>,
      %get3A_1579 = arith.constant 608 : index
      %get3A_1580 = tpu.vector_load %arg11[%get3A_1579] {strides = array<i32>} : memref<640xf32, #tpu.memory_space<vmem>>, vector<16xf32>,
      %bitcast_convert_type3A_1581 = tpu.bitcast %get3A_1580 : vector<16xf32> -> vector<16xi32>
      %shift_right_logical3A_1582 = arith.constant 1 : i32
      %shift_right_logical3A_1583 = vector.broadcast %shift_right_logical3A_1582 : i32 to vector<16xi32>
      %shift_right_logical3A_1584 = arith.shrui %bitcast_convert_type3A_1581, %shift_right_logical3A_1583 : vector<16xi32>
      %sub3A_1585 = arith.constant 1597463007 : i32
      %sub3A_1586 = vector.broadcast %sub3A_1585 : i32 to vector<16xi32>
      %sub3A_1587 = arith.subi %sub3A_1586, %shift_right_logical3A_1584 : vector<16xi32>
      %bitcast_convert_type3A_1588 = tpu.bitcast %sub3A_1587 : vector<16xi32> -> vector<16xf32>
      %mul3A_1589 = arith.constant 5.000000e-01 : f32
      %mul3A_1590 = vector.broadcast %mul3A_1589 : f32 to vector<16xf32>
      %mul3A_1591 = arith.mulf %mul3A_1590, %get3A_1580 : vector<16xf32>
      %mul3A_1592 = arith.mulf %mul3A_1591, %bitcast_convert_type3A_1588 : vector<16xf32>
      %mul3A_1593 = arith.mulf %mul3A_1592, %bitcast_convert_type3A_1588 : vector<16xf32>
      %sub3A_1594 = arith.constant 1.500000e+00 : f32
      %sub3A_1595 = vector.broadcast %sub3A_1594 : f32 to vector<16xf32>
      %sub3A_1596 = arith.subf %sub3A_1595, %mul3A_1593 : vector<16xf32>
      %mul3A_1597 = arith.mulf %bitcast_convert_type3A_1588, %sub3A_1596 : vector<16xf32>
      %mul3A_1598 = arith.constant 5.000000e-01 : f32
      %mul3A_1599 = vector.broadcast %mul3A_1598 : f32 to vector<16xf32>
      %mul3A_1600 = arith.mulf %mul3A_1599, %get3A_1580 : vector<16xf32>
      %mul3A_1601 = arith.mulf %mul3A_1600, %mul3A_1597 : vector<16xf32>
      %mul3A_1602 = arith.mulf %mul3A_1601, %mul3A_1597 : vector<16xf32>
      %sub3A_1603 = arith.constant 1.500000e+00 : f32
      %sub3A_1604 = vector.broadcast %sub3A_1603 : f32 to vector<16xf32>
      %sub3A_1605 = arith.subf %sub3A_1604, %mul3A_1602 : vector<16xf32>
      %mul3A_1606 = arith.mulf %mul3A_1597, %sub3A_1605 : vector<16xf32>
      %mul3A_1607 = arith.constant 5.000000e-01 : f32
      %mul3A_1608 = vector.broadcast %mul3A_1607 : f32 to vector<16xf32>
      %mul3A_1609 = arith.mulf %mul3A_1608, %get3A_1580 : vector<16xf32>
      %mul3A_1610 = arith.mulf %mul3A_1609, %mul3A_1606 : vector<16xf32>
      %mul3A_1611 = arith.mulf %mul3A_1610, %mul3A_1606 : vector<16xf32>
      %sub3A_1612 = arith.constant 1.500000e+00 : f32
      %sub3A_1613 = vector.broadcast %sub3A_1612 : f32 to vector<16xf32>
      %sub3A_1614 = arith.subf %sub3A_1613, %mul3A_1611 : vector<16xf32>
      %mul3A_1615 = arith.mulf %mul3A_1606, %sub3A_1614 : vector<16xf32>
      %swap3A_1616 = arith.constant 608 : index
      %swap3A_1617 = tpu.vector_load %arg11[%swap3A_1616] {strides = array<i32>} : memref<640xf32, #tpu.memory_space<vmem>>, vector<16xf32>,
      tpu.vector_store %arg11[%swap3A_1616], %mul3A_1615 {strides = array<i32>} : memref<640xf32, #tpu.memory_space<vmem>>, vector<16xf32>,
      %get3A_1618 = arith.constant 624 : index
      %get3A_1619 = tpu.vector_load %arg11[%get3A_1618] {strides = array<i32>} : memref<640xf32, #tpu.memory_space<vmem>>, vector<16xf32>,
      %bitcast_convert_type3A_1620 = tpu.bitcast %get3A_1619 : vector<16xf32> -> vector<16xi32>
      %shift_right_logical3A_1621 = arith.constant 1 : i32
      %shift_right_logical3A_1622 = vector.broadcast %shift_right_logical3A_1621 : i32 to vector<16xi32>
      %shift_right_logical3A_1623 = arith.shrui %bitcast_convert_type3A_1620, %shift_right_logical3A_1622 : vector<16xi32>
      %sub3A_1624 = arith.constant 1597463007 : i32
      %sub3A_1625 = vector.broadcast %sub3A_1624 : i32 to vector<16xi32>
      %sub3A_1626 = arith.subi %sub3A_1625, %shift_right_logical3A_1623 : vector<16xi32>
      %bitcast_convert_type3A_1627 = tpu.bitcast %sub3A_1626 : vector<16xi32> -> vector<16xf32>
      %mul3A_1628 = arith.constant 5.000000e-01 : f32
      %mul3A_1629 = vector.broadcast %mul3A_1628 : f32 to vector<16xf32>
      %mul3A_1630 = arith.mulf %mul3A_1629, %get3A_1619 : vector<16xf32>
      %mul3A_1631 = arith.mulf %mul3A_1630, %bitcast_convert_type3A_1627 : vector<16xf32>
      %mul3A_1632 = arith.mulf %mul3A_1631, %bitcast_convert_type3A_1627 : vector<16xf32>
      %sub3A_1633 = arith.constant 1.500000e+00 : f32
      %sub3A_1634 = vector.broadcast %sub3A_1633 : f32 to vector<16xf32>
      %sub3A_1635 = arith.subf %sub3A_1634, %mul3A_1632 : vector<16xf32>
      %mul3A_1636 = arith.mulf %bitcast_convert_type3A_1627, %sub3A_1635 : vector<16xf32>
      %mul3A_1637 = arith.constant 5.000000e-01 : f32
      %mul3A_1638 = vector.broadcast %mul3A_1637 : f32 to vector<16xf32>
      %mul3A_1639 = arith.mulf %mul3A_1638, %get3A_1619 : vector<16xf32>
      %mul3A_1640 = arith.mulf %mul3A_1639, %mul3A_1636 : vector<16xf32>
      %mul3A_1641 = arith.mulf %mul3A_1640, %mul3A_1636 : vector<16xf32>
      %sub3A_1642 = arith.constant 1.500000e+00 : f32
      %sub3A_1643 = vector.broadcast %sub3A_1642 : f32 to vector<16xf32>
      %sub3A_1644 = arith.subf %sub3A_1643, %mul3A_1641 : vector<16xf32>
      %mul3A_1645 = arith.mulf %mul3A_1636, %sub3A_1644 : vector<16xf32>
      %mul3A_1646 = arith.constant 5.000000e-01 : f32
      %mul3A_1647 = vector.broadcast %mul3A_1646 : f32 to vector<16xf32>
      %mul3A_1648 = arith.mulf %mul3A_1647, %get3A_1619 : vector<16xf32>
      %mul3A_1649 = arith.mulf %mul3A_1648, %mul3A_1645 : vector<16xf32>
      %mul3A_1650 = arith.mulf %mul3A_1649, %mul3A_1645 : vector<16xf32>
      %sub3A_1651 = arith.constant 1.500000e+00 : f32
      %sub3A_1652 = vector.broadcast %sub3A_1651 : f32 to vector<16xf32>
      %sub3A_1653 = arith.subf %sub3A_1652, %mul3A_1650 : vector<16xf32>
      %mul3A_1654 = arith.mulf %mul3A_1645, %sub3A_1653 : vector<16xf32>
      %swap3A_1655 = arith.constant 624 : index
      %swap3A_1656 = tpu.vector_load %arg11[%swap3A_1655] {strides = array<i32>} : memref<640xf32, #tpu.memory_space<vmem>>, vector<16xf32>,
      tpu.vector_store %arg11[%swap3A_1655], %mul3A_1654 {strides = array<i32>} : memref<640xf32, #tpu.memory_space<vmem>>, vector<16xf32>,
      %mul3A_1657 = arith.constant 640 : i32
      %mul3A_1658 = arith.muli %mul3A_1657, %arg1 : i32
      "tpu.region"() ({
        %run_scoped3A = tpu.sem_alloc : memref<!tpu.dma_semaphore, #tpu.memory_space<semaphore_mem>>
        %dma_start3A = tpu.memref_slice %arg12[%mul3A_1658] : memref<10240xf32, #tpu.memory_space<vmem_shared>> -> memref<640xf32, #tpu.memory_space<vmem_shared>>
        %dma_start3A_1666 = tpu.memref_slice %arg12[%mul3A_1658] : memref<10240xf32, #tpu.memory_space<vmem_shared>> -> memref<640xf32, #tpu.memory_space<vmem_shared>>
        tpu.enqueue_dma source(%arg11 : memref<640xf32, #tpu.memory_space<vmem>>) target(%dma_start3A_1666 : memref<640xf32, #tpu.memory_space<vmem_shared>>) target_semaphore(%run_scoped3A : memref<!tpu.dma_semaphore, #tpu.memory_space<semaphore_mem>>)
        %dma_wait3A = tpu.memref_slice %arg12[%mul3A_1658] : memref<10240xf32, #tpu.memory_space<vmem_shared>> -> memref<640xf32, #tpu.memory_space<vmem_shared>>
        %dma_wait3A_1667 = tpu.memref_slice %arg12[%mul3A_1658] : memref<10240xf32, #tpu.memory_space<vmem_shared>> -> memref<640xf32, #tpu.memory_space<vmem_shared>>
        tpu.wait_dma2 semaphore(%run_scoped3A : memref<!tpu.dma_semaphore, #tpu.memory_space<semaphore_mem>>) src(%arg11 : memref<640xf32, #tpu.memory_space<vmem>>) dst(%dma_wait3A_1667 : memref<640xf32, #tpu.memory_space<vmem_shared>>)
        tpu.yield
      }) : () -> ()
      %barrier3A_1659 = arith.constant 0 : index
      tpu.barrier barrier_id(%barrier3A_1659)
      "tpu.region"() ({
        %run_scoped3A = tpu.sem_alloc : memref<!tpu.dma_semaphore, #tpu.memory_space<semaphore_mem>>
        tpu.enqueue_dma source(%arg12 : memref<10240xf32, #tpu.memory_space<vmem_shared>>) target(%arg9 : memref<10240xf32, #tpu.memory_space<vmem>>) target_semaphore(%run_scoped3A : memref<!tpu.dma_semaphore, #tpu.memory_space<semaphore_mem>>)
        tpu.wait_dma2 semaphore(%run_scoped3A : memref<!tpu.dma_semaphore, #tpu.memory_space<semaphore_mem>>) src(%arg12 : memref<10240xf32, #tpu.memory_space<vmem_shared>>) dst(%arg9 : memref<10240xf32, #tpu.memory_space<vmem>>)
        tpu.yield
      }) : () -> ()
      %mul3A_1660 = arith.constant 176 : i32
      %mul3A_1661 = arith.muli %mul3A_1660, %arg1 : i32
      "tpu.region"() ({
        %run_scoped3A = tpu.sem_alloc : memref<!tpu.dma_semaphore, #tpu.memory_space<semaphore_mem>>
        %dma_start3A = arith.constant 0 : i32
        %dma_start3A_1666 = tpu.memref_slice %arg2[%mul3A_1661, %dma_start3A] : memref<2816x128xi32, #tpu.memory_space<hbm>> -> memref<176x128xi32, #tpu.memory_space<hbm>>
        %dma_start3A_1667 = arith.constant 0 : i32
        %dma_start3A_1668 = tpu.memref_slice %arg2[%mul3A_1661, %dma_start3A_1667] : memref<2816x128xi32, #tpu.memory_space<hbm>> -> memref<176x128xi32, #tpu.memory_space<hbm>>
        tpu.enqueue_dma source(%dma_start3A_1668 : memref<176x128xi32, #tpu.memory_space<hbm>>) target(%arg6 : memref<176x128xi32, #tpu.memory_space<vmem>>) target_semaphore(%run_scoped3A : memref<!tpu.dma_semaphore, #tpu.memory_space<semaphore_mem>>)
        %dma_wait3A = arith.constant 0 : i32
        %dma_wait3A_1669 = tpu.memref_slice %arg2[%mul3A_1661, %dma_wait3A] : memref<2816x128xi32, #tpu.memory_space<hbm>> -> memref<176x128xi32, #tpu.memory_space<hbm>>
        %dma_wait3A_1670 = arith.constant 0 : i32
        %dma_wait3A_1671 = tpu.memref_slice %arg2[%mul3A_1661, %dma_wait3A_1670] : memref<2816x128xi32, #tpu.memory_space<hbm>> -> memref<176x128xi32, #tpu.memory_space<hbm>>
        tpu.wait_dma2 semaphore(%run_scoped3A : memref<!tpu.dma_semaphore, #tpu.memory_space<semaphore_mem>>) src(%dma_wait3A_1671 : memref<176x128xi32, #tpu.memory_space<hbm>>) dst(%arg6 : memref<176x128xi32, #tpu.memory_space<vmem>>)
        tpu.yield
      }) : () -> ()
      %iota3A = tpu.iota {dimensions = array<i32: 0>} : vector<16xi32>
      %parallel_loop3A = arith.constant 0 : i32
      %parallel_loop3A_1662 = arith.constant 1408 : i32
      %parallel_loop3A_1663 = arith.constant 1 : i32
      scf.for %parallel_loop3A_1666 = %parallel_loop3A to %parallel_loop3A_1662 step %parallel_loop3A_1663  : i32 {
        %parallel_loop3A_1667 = arith.constant 8 : i32
        %parallel_loop3A_1668 = arith.divsi %parallel_loop3A_1666, %parallel_loop3A_1667 : i32
        %parallel_loop3A_1669 = arith.constant 0 : i32
        %parallel_loop3A_1670 = arith.cmpi sgt, %parallel_loop3A_1666, %parallel_loop3A_1669 : i32
        %parallel_loop3A_1671 = arith.extui %parallel_loop3A_1670 : i1 to i32
        %parallel_loop3A_1672 = arith.constant 0 : i32
        %parallel_loop3A_1673 = arith.cmpi slt, %parallel_loop3A_1666, %parallel_loop3A_1672 : i32
        %parallel_loop3A_1674 = arith.extui %parallel_loop3A_1673 : i1 to i32
        %parallel_loop3A_1675 = arith.subi %parallel_loop3A_1671, %parallel_loop3A_1674 : i32
        %parallel_loop3A_1676 = arith.constant 0 : i32
        %parallel_loop3A_1677 = arith.cmpi sgt, %parallel_loop3A_1667, %parallel_loop3A_1676 : i32
        %parallel_loop3A_1678 = arith.extui %parallel_loop3A_1677 : i1 to i32
        %parallel_loop3A_1679 = arith.constant 0 : i32
        %parallel_loop3A_1680 = arith.cmpi slt, %parallel_loop3A_1667, %parallel_loop3A_1679 : i32
        %parallel_loop3A_1681 = arith.extui %parallel_loop3A_1680 : i1 to i32
        %parallel_loop3A_1682 = arith.subi %parallel_loop3A_1678, %parallel_loop3A_1681 : i32
        %parallel_loop3A_1683 = arith.cmpi ne, %parallel_loop3A_1675, %parallel_loop3A_1682 : i32
        %parallel_loop3A_1684 = arith.remsi %parallel_loop3A_1666, %parallel_loop3A_1667 : i32
        %parallel_loop3A_1685 = arith.constant 0 : i32
        %parallel_loop3A_1686 = arith.cmpi ne, %parallel_loop3A_1684, %parallel_loop3A_1685 : i32
        %parallel_loop3A_1687 = arith.andi %parallel_loop3A_1683, %parallel_loop3A_1686 : i1
        %parallel_loop3A_1688 = arith.constant 1 : i32
        %parallel_loop3A_1689 = arith.subi %parallel_loop3A_1668, %parallel_loop3A_1688 : i32
        %parallel_loop3A_1690 = arith.select %parallel_loop3A_1687, %parallel_loop3A_1689, %parallel_loop3A_1668 : i32
        %parallel_loop3A_1691 = vector.broadcast %parallel_loop3A_1690 : i32 to vector<16xi32>
        %parallel_loop3A_1692 = arith.constant 8 : i32
        %parallel_loop3A_1693 = arith.constant 0 : i32
        %parallel_loop3A_1694 = arith.cmpi eq, %parallel_loop3A_1692, %parallel_loop3A_1693 : i32
        %parallel_loop3A_1695 = arith.constant 1 : i32
        %parallel_loop3A_1696 = arith.select %parallel_loop3A_1694, %parallel_loop3A_1695, %parallel_loop3A_1692 : i32
        %parallel_loop3A_1697 = arith.remsi %parallel_loop3A_1666, %parallel_loop3A_1696 : i32
        %parallel_loop3A_1698 = arith.constant 0 : i32
        %parallel_loop3A_1699 = arith.cmpi ne, %parallel_loop3A_1697, %parallel_loop3A_1698 : i32
        %parallel_loop3A_1700 = arith.constant 0 : i32
        %parallel_loop3A_1701 = arith.cmpi slt, %parallel_loop3A_1697, %parallel_loop3A_1700 : i32
        %parallel_loop3A_1702 = arith.constant 0 : i32
        %parallel_loop3A_1703 = arith.cmpi slt, %parallel_loop3A_1696, %parallel_loop3A_1702 : i32
        %parallel_loop3A_1704 = arith.xori %parallel_loop3A_1701, %parallel_loop3A_1703 : i1
        %parallel_loop3A_1705 = arith.andi %parallel_loop3A_1704, %parallel_loop3A_1699 : i1
        %parallel_loop3A_1706 = arith.addi %parallel_loop3A_1697, %parallel_loop3A_1696 : i32
        %parallel_loop3A_1707 = arith.select %parallel_loop3A_1705, %parallel_loop3A_1706, %parallel_loop3A_1697 : i32
        %parallel_loop3A_1708 = arith.constant 16 : i32
        %parallel_loop3A_1709 = arith.muli %parallel_loop3A_1708, %parallel_loop3A_1707 : i32
        %parallel_loop3A_1710 = vector.broadcast %parallel_loop3A_1709 : i32 to vector<16xi32>
        %parallel_loop3A_1711 = arith.addi %iota3A, %parallel_loop3A_1710 : vector<16xi32>
        %parallel_loop3A_1712 = tpu.vector_load_idx %arg6[%parallel_loop3A_1691, %parallel_loop3A_1711] : memref<176x128xi32, #tpu.memory_space<vmem>>[vector<16xi32>, vector<16xi32>], vector<16xi32>,
        %parallel_loop3A_1713 = tpu.vector_load_idx %arg7[%parallel_loop3A_1691, %parallel_loop3A_1711] : memref<176x128xi32, #tpu.memory_space<vmem>>[vector<16xi32>, vector<16xi32>], vector<16xi32>,
        %parallel_loop3A_1714 = tpu.vector_load_idx %arg8[%parallel_loop3A_1691, %parallel_loop3A_1711] : memref<176x128xf32, #tpu.memory_space<vmem>>[vector<16xi32>, vector<16xi32>], vector<16xf32>,
        %parallel_loop3A_1715 = tpu.vector_load_idx %arg9[%parallel_loop3A_1712] : memref<10240xf32, #tpu.memory_space<vmem>>[vector<16xi32>], vector<16xf32>,
        %parallel_loop3A_1716 = tpu.vector_load_idx %arg9[%parallel_loop3A_1713] : memref<10240xf32, #tpu.memory_space<vmem>>[vector<16xi32>], vector<16xf32>,
        %parallel_loop3A_1717 = arith.mulf %parallel_loop3A_1715, %parallel_loop3A_1714 : vector<16xf32>
        %parallel_loop3A_1718 = arith.mulf %parallel_loop3A_1717, %parallel_loop3A_1716 : vector<16xf32>
        tpu.vector_store_idx %arg10[%parallel_loop3A_1691, %parallel_loop3A_1711], %parallel_loop3A_1718 : memref<176x128xf32, #tpu.memory_space<vmem>>[vector<16xi32>, vector<16xi32>], vector<16xf32>,
      } {sc.loop_unroll_factor = 4 : i64, sc.parallel_access}
      %mul3A_1664 = arith.constant 176 : i32
      %mul3A_1665 = arith.muli %mul3A_1664, %arg1 : i32
      "tpu.region"() ({
        %run_scoped3A = tpu.sem_alloc : memref<!tpu.dma_semaphore, #tpu.memory_space<semaphore_mem>>
        %dma_start3A = arith.constant 0 : i32
        %dma_start3A_1666 = tpu.memref_slice %arg5[%mul3A_1665, %dma_start3A] : memref<2816x128xf32, #tpu.memory_space<hbm>> -> memref<176x128xf32, #tpu.memory_space<hbm>>
        %dma_start3A_1667 = arith.constant 0 : i32
        %dma_start3A_1668 = tpu.memref_slice %arg5[%mul3A_1665, %dma_start3A_1667] : memref<2816x128xf32, #tpu.memory_space<hbm>> -> memref<176x128xf32, #tpu.memory_space<hbm>>
        tpu.enqueue_dma source(%arg10 : memref<176x128xf32, #tpu.memory_space<vmem>>) target(%dma_start3A_1668 : memref<176x128xf32, #tpu.memory_space<hbm>>) target_semaphore(%run_scoped3A : memref<!tpu.dma_semaphore, #tpu.memory_space<semaphore_mem>>)
        %dma_wait3A = arith.constant 0 : i32
        %dma_wait3A_1669 = tpu.memref_slice %arg5[%mul3A_1665, %dma_wait3A] : memref<2816x128xf32, #tpu.memory_space<hbm>> -> memref<176x128xf32, #tpu.memory_space<hbm>>
        %dma_wait3A_1670 = arith.constant 0 : i32
        %dma_wait3A_1671 = tpu.memref_slice %arg5[%mul3A_1665, %dma_wait3A_1670] : memref<2816x128xf32, #tpu.memory_space<hbm>> -> memref<176x128xf32, #tpu.memory_space<hbm>>
        tpu.wait_dma2 semaphore(%run_scoped3A : memref<!tpu.dma_semaphore, #tpu.memory_space<semaphore_mem>>) src(%arg10 : memref<176x128xf32, #tpu.memory_space<vmem>>) dst(%dma_wait3A_1671 : memref<176x128xf32, #tpu.memory_space<hbm>>)
        tpu.yield
      }) : () -> ()
    } else {
    }
    return
  }
}

#map = affine_map<(d0, d1) -> (0, 0)>
module attributes {stable_mosaic.version = 14 : i64} {
  func.func @_msg_body(%arg0: i32, %arg1: i32, %arg2: memref<10000x128xf32, #tpu.memory_space<hbm>>, %arg3: memref<2816x128xi32, #tpu.memory_space<hbm>>, %arg4: memref<2816x128xi32, #tpu.memory_space<hbm>>, %arg5: memref<2816x128xf32, #tpu.memory_space<hbm>>, %arg6: memref<10240x128xf32, #tpu.memory_space<hbm>>, %arg7: memref<10240x128xf32, #tpu.memory_space<hbm>>, %arg8: memref<2x8x128xi32, #tpu.memory_space<vmem>>, %arg9: memref<2x8x128xi32, #tpu.memory_space<vmem>>, %arg10: memref<2x8x128xf32, #tpu.memory_space<vmem>>, %arg11: memref<128x128xf32, #tpu.memory_space<vmem>>, %arg12: memref<128x128xf32, #tpu.memory_space<vmem>>, %arg13: memref<10240x128xf32, #tpu.memory_space<vmem_shared>>, %arg14: memref<!tpu.dma_semaphore, #tpu.memory_space<semaphore_mem>>, %arg15: memref<!tpu.dma_semaphore, #tpu.memory_space<semaphore_mem>>, %arg16: memref<!tpu.dma_semaphore, #tpu.memory_space<semaphore_mem>>) attributes {dimension_semantics = [#tpu.dimension_semantics<core_parallel>, #tpu.dimension_semantics<subcore_parallel>], iteration_bounds = array<i64: 2, 16>, scalar_prefetch = 0 : i64, scratch_operands = 9 : i64, tpu.core_type = #tpu.core_type<sc_vector_subcore>, window_params = [{transform_indices = #map}, {transform_indices = #map}, {transform_indices = #map}, {transform_indices = #map}, {transform_indices = #map}, {transform_indices = #map}]} {
    %mul3A = arith.constant 2 : i32
    %mul3A_0 = arith.muli %mul3A, %arg1 : i32
    %add3A = arith.addi %mul3A_0, %arg0 : i32
    %mul3A_1 = arith.constant 88 : i32
    %mul3A_2 = arith.muli %mul3A_1, %add3A : i32
    %broadcast_in_dim3A = arith.constant 0.000000e+00 : f32
    %broadcast_in_dim3A_3 = vector.broadcast %broadcast_in_dim3A : f32 to vector<16xf32>
    %scan3A = arith.constant 0 : i32
    %scan3A_4 = arith.constant 0 : i32
    %scan3A_5 = arith.constant 128 : i32
    %scan3A_6 = arith.addi %scan3A_4, %scan3A_5 : i32
    %scan3A_7 = arith.constant 1 : i32
    scf.for %scan3A_68 = %scan3A_4 to %scan3A_6 step %scan3A_7  : i32 {
      %swap3A = arith.index_cast %scan3A_68 : i32 to index
      %swap3A_69 = arith.constant 0 : index
      %swap3A_70 = tpu.vector_load %arg11[%swap3A, %swap3A_69] {strides = array<i32>} : memref<128x128xf32, #tpu.memory_space<vmem>>, vector<16xf32>,
      tpu.vector_store %arg11[%swap3A, %swap3A_69], %broadcast_in_dim3A_3 {strides = array<i32>} : memref<128x128xf32, #tpu.memory_space<vmem>>, vector<16xf32>,
      %swap3A_71 = arith.index_cast %scan3A_68 : i32 to index
      %swap3A_72 = arith.constant 16 : index
      %swap3A_73 = tpu.vector_load %arg11[%swap3A_71, %swap3A_72] {strides = array<i32>} : memref<128x128xf32, #tpu.memory_space<vmem>>, vector<16xf32>,
      tpu.vector_store %arg11[%swap3A_71, %swap3A_72], %broadcast_in_dim3A_3 {strides = array<i32>} : memref<128x128xf32, #tpu.memory_space<vmem>>, vector<16xf32>,
      %swap3A_74 = arith.index_cast %scan3A_68 : i32 to index
      %swap3A_75 = arith.constant 32 : index
      %swap3A_76 = tpu.vector_load %arg11[%swap3A_74, %swap3A_75] {strides = array<i32>} : memref<128x128xf32, #tpu.memory_space<vmem>>, vector<16xf32>,
      tpu.vector_store %arg11[%swap3A_74, %swap3A_75], %broadcast_in_dim3A_3 {strides = array<i32>} : memref<128x128xf32, #tpu.memory_space<vmem>>, vector<16xf32>,
      %swap3A_77 = arith.index_cast %scan3A_68 : i32 to index
      %swap3A_78 = arith.constant 48 : index
      %swap3A_79 = tpu.vector_load %arg11[%swap3A_77, %swap3A_78] {strides = array<i32>} : memref<128x128xf32, #tpu.memory_space<vmem>>, vector<16xf32>,
      tpu.vector_store %arg11[%swap3A_77, %swap3A_78], %broadcast_in_dim3A_3 {strides = array<i32>} : memref<128x128xf32, #tpu.memory_space<vmem>>, vector<16xf32>,
      %swap3A_80 = arith.index_cast %scan3A_68 : i32 to index
      %swap3A_81 = arith.constant 64 : index
      %swap3A_82 = tpu.vector_load %arg11[%swap3A_80, %swap3A_81] {strides = array<i32>} : memref<128x128xf32, #tpu.memory_space<vmem>>, vector<16xf32>,
      tpu.vector_store %arg11[%swap3A_80, %swap3A_81], %broadcast_in_dim3A_3 {strides = array<i32>} : memref<128x128xf32, #tpu.memory_space<vmem>>, vector<16xf32>,
      %swap3A_83 = arith.index_cast %scan3A_68 : i32 to index
      %swap3A_84 = arith.constant 80 : index
      %swap3A_85 = tpu.vector_load %arg11[%swap3A_83, %swap3A_84] {strides = array<i32>} : memref<128x128xf32, #tpu.memory_space<vmem>>, vector<16xf32>,
      tpu.vector_store %arg11[%swap3A_83, %swap3A_84], %broadcast_in_dim3A_3 {strides = array<i32>} : memref<128x128xf32, #tpu.memory_space<vmem>>, vector<16xf32>,
      %swap3A_86 = arith.index_cast %scan3A_68 : i32 to index
      %swap3A_87 = arith.constant 96 : index
      %swap3A_88 = tpu.vector_load %arg11[%swap3A_86, %swap3A_87] {strides = array<i32>} : memref<128x128xf32, #tpu.memory_space<vmem>>, vector<16xf32>,
      tpu.vector_store %arg11[%swap3A_86, %swap3A_87], %broadcast_in_dim3A_3 {strides = array<i32>} : memref<128x128xf32, #tpu.memory_space<vmem>>, vector<16xf32>,
      %swap3A_89 = arith.index_cast %scan3A_68 : i32 to index
      %swap3A_90 = arith.constant 112 : index
      %swap3A_91 = tpu.vector_load %arg11[%swap3A_89, %swap3A_90] {strides = array<i32>} : memref<128x128xf32, #tpu.memory_space<vmem>>, vector<16xf32>,
      tpu.vector_store %arg11[%swap3A_89, %swap3A_90], %broadcast_in_dim3A_3 {strides = array<i32>} : memref<128x128xf32, #tpu.memory_space<vmem>>, vector<16xf32>,
    }
    %scan3A_8 = arith.constant 128 : i32
    %mul3A_9 = arith.constant 640 : i32
    %mul3A_10 = arith.muli %mul3A_9, %arg1 : i32
    %add3A_11 = arith.constant 0 : i32
    %add3A_12 = arith.addi %mul3A_10, %add3A_11 : i32
    "tpu.region"() ({
      %run_scoped3A_68 = tpu.sem_alloc : memref<!tpu.dma_semaphore, #tpu.memory_space<semaphore_mem>>
      %dma_start3A_69 = arith.constant 0 : i32
      %dma_start3A_70 = tpu.memref_slice %arg13[%add3A_12, %dma_start3A_69] : memref<10240x128xf32, #tpu.memory_space<vmem_shared>> -> memref<128x128xf32, #tpu.memory_space<vmem_shared>>
      %dma_start3A_71 = arith.constant 0 : i32
      %dma_start3A_72 = tpu.memref_slice %arg13[%add3A_12, %dma_start3A_71] : memref<10240x128xf32, #tpu.memory_space<vmem_shared>> -> memref<128x128xf32, #tpu.memory_space<vmem_shared>>
      tpu.enqueue_dma source(%arg11 : memref<128x128xf32, #tpu.memory_space<vmem>>) target(%dma_start3A_72 : memref<128x128xf32, #tpu.memory_space<vmem_shared>>) target_semaphore(%run_scoped3A_68 : memref<!tpu.dma_semaphore, #tpu.memory_space<semaphore_mem>>)
      %dma_wait3A = arith.constant 0 : i32
      %dma_wait3A_73 = tpu.memref_slice %arg13[%add3A_12, %dma_wait3A] : memref<10240x128xf32, #tpu.memory_space<vmem_shared>> -> memref<128x128xf32, #tpu.memory_space<vmem_shared>>
      %dma_wait3A_74 = arith.constant 0 : i32
      %dma_wait3A_75 = tpu.memref_slice %arg13[%add3A_12, %dma_wait3A_74] : memref<10240x128xf32, #tpu.memory_space<vmem_shared>> -> memref<128x128xf32, #tpu.memory_space<vmem_shared>>
      tpu.wait_dma2 semaphore(%run_scoped3A_68 : memref<!tpu.dma_semaphore, #tpu.memory_space<semaphore_mem>>) src(%arg11 : memref<128x128xf32, #tpu.memory_space<vmem>>) dst(%dma_wait3A_75 : memref<128x128xf32, #tpu.memory_space<vmem_shared>>)
      tpu.yield
    }) : () -> ()
    %mul3A_13 = arith.constant 640 : i32
    %mul3A_14 = arith.muli %mul3A_13, %arg1 : i32
    %add3A_15 = arith.constant 128 : i32
    %add3A_16 = arith.addi %mul3A_14, %add3A_15 : i32
    "tpu.region"() ({
      %run_scoped3A_68 = tpu.sem_alloc : memref<!tpu.dma_semaphore, #tpu.memory_space<semaphore_mem>>
      %dma_start3A_69 = arith.constant 0 : i32
      %dma_start3A_70 = tpu.memref_slice %arg13[%add3A_16, %dma_start3A_69] : memref<10240x128xf32, #tpu.memory_space<vmem_shared>> -> memref<128x128xf32, #tpu.memory_space<vmem_shared>>
      %dma_start3A_71 = arith.constant 0 : i32
      %dma_start3A_72 = tpu.memref_slice %arg13[%add3A_16, %dma_start3A_71] : memref<10240x128xf32, #tpu.memory_space<vmem_shared>> -> memref<128x128xf32, #tpu.memory_space<vmem_shared>>
      tpu.enqueue_dma source(%arg11 : memref<128x128xf32, #tpu.memory_space<vmem>>) target(%dma_start3A_72 : memref<128x128xf32, #tpu.memory_space<vmem_shared>>) target_semaphore(%run_scoped3A_68 : memref<!tpu.dma_semaphore, #tpu.memory_space<semaphore_mem>>)
      %dma_wait3A = arith.constant 0 : i32
      %dma_wait3A_73 = tpu.memref_slice %arg13[%add3A_16, %dma_wait3A] : memref<10240x128xf32, #tpu.memory_space<vmem_shared>> -> memref<128x128xf32, #tpu.memory_space<vmem_shared>>
      %dma_wait3A_74 = arith.constant 0 : i32
      %dma_wait3A_75 = tpu.memref_slice %arg13[%add3A_16, %dma_wait3A_74] : memref<10240x128xf32, #tpu.memory_space<vmem_shared>> -> memref<128x128xf32, #tpu.memory_space<vmem_shared>>
      tpu.wait_dma2 semaphore(%run_scoped3A_68 : memref<!tpu.dma_semaphore, #tpu.memory_space<semaphore_mem>>) src(%arg11 : memref<128x128xf32, #tpu.memory_space<vmem>>) dst(%dma_wait3A_75 : memref<128x128xf32, #tpu.memory_space<vmem_shared>>)
      tpu.yield
    }) : () -> ()
    %mul3A_17 = arith.constant 640 : i32
    %mul3A_18 = arith.muli %mul3A_17, %arg1 : i32
    %add3A_19 = arith.constant 256 : i32
    %add3A_20 = arith.addi %mul3A_18, %add3A_19 : i32
    "tpu.region"() ({
      %run_scoped3A_68 = tpu.sem_alloc : memref<!tpu.dma_semaphore, #tpu.memory_space<semaphore_mem>>
      %dma_start3A_69 = arith.constant 0 : i32
      %dma_start3A_70 = tpu.memref_slice %arg13[%add3A_20, %dma_start3A_69] : memref<10240x128xf32, #tpu.memory_space<vmem_shared>> -> memref<128x128xf32, #tpu.memory_space<vmem_shared>>
      %dma_start3A_71 = arith.constant 0 : i32
      %dma_start3A_72 = tpu.memref_slice %arg13[%add3A_20, %dma_start3A_71] : memref<10240x128xf32, #tpu.memory_space<vmem_shared>> -> memref<128x128xf32, #tpu.memory_space<vmem_shared>>
      tpu.enqueue_dma source(%arg11 : memref<128x128xf32, #tpu.memory_space<vmem>>) target(%dma_start3A_72 : memref<128x128xf32, #tpu.memory_space<vmem_shared>>) target_semaphore(%run_scoped3A_68 : memref<!tpu.dma_semaphore, #tpu.memory_space<semaphore_mem>>)
      %dma_wait3A = arith.constant 0 : i32
      %dma_wait3A_73 = tpu.memref_slice %arg13[%add3A_20, %dma_wait3A] : memref<10240x128xf32, #tpu.memory_space<vmem_shared>> -> memref<128x128xf32, #tpu.memory_space<vmem_shared>>
      %dma_wait3A_74 = arith.constant 0 : i32
      %dma_wait3A_75 = tpu.memref_slice %arg13[%add3A_20, %dma_wait3A_74] : memref<10240x128xf32, #tpu.memory_space<vmem_shared>> -> memref<128x128xf32, #tpu.memory_space<vmem_shared>>
      tpu.wait_dma2 semaphore(%run_scoped3A_68 : memref<!tpu.dma_semaphore, #tpu.memory_space<semaphore_mem>>) src(%arg11 : memref<128x128xf32, #tpu.memory_space<vmem>>) dst(%dma_wait3A_75 : memref<128x128xf32, #tpu.memory_space<vmem_shared>>)
      tpu.yield
    }) : () -> ()
    %mul3A_21 = arith.constant 640 : i32
    %mul3A_22 = arith.muli %mul3A_21, %arg1 : i32
    %add3A_23 = arith.constant 384 : i32
    %add3A_24 = arith.addi %mul3A_22, %add3A_23 : i32
    "tpu.region"() ({
      %run_scoped3A_68 = tpu.sem_alloc : memref<!tpu.dma_semaphore, #tpu.memory_space<semaphore_mem>>
      %dma_start3A_69 = arith.constant 0 : i32
      %dma_start3A_70 = tpu.memref_slice %arg13[%add3A_24, %dma_start3A_69] : memref<10240x128xf32, #tpu.memory_space<vmem_shared>> -> memref<128x128xf32, #tpu.memory_space<vmem_shared>>
      %dma_start3A_71 = arith.constant 0 : i32
      %dma_start3A_72 = tpu.memref_slice %arg13[%add3A_24, %dma_start3A_71] : memref<10240x128xf32, #tpu.memory_space<vmem_shared>> -> memref<128x128xf32, #tpu.memory_space<vmem_shared>>
      tpu.enqueue_dma source(%arg11 : memref<128x128xf32, #tpu.memory_space<vmem>>) target(%dma_start3A_72 : memref<128x128xf32, #tpu.memory_space<vmem_shared>>) target_semaphore(%run_scoped3A_68 : memref<!tpu.dma_semaphore, #tpu.memory_space<semaphore_mem>>)
      %dma_wait3A = arith.constant 0 : i32
      %dma_wait3A_73 = tpu.memref_slice %arg13[%add3A_24, %dma_wait3A] : memref<10240x128xf32, #tpu.memory_space<vmem_shared>> -> memref<128x128xf32, #tpu.memory_space<vmem_shared>>
      %dma_wait3A_74 = arith.constant 0 : i32
      %dma_wait3A_75 = tpu.memref_slice %arg13[%add3A_24, %dma_wait3A_74] : memref<10240x128xf32, #tpu.memory_space<vmem_shared>> -> memref<128x128xf32, #tpu.memory_space<vmem_shared>>
      tpu.wait_dma2 semaphore(%run_scoped3A_68 : memref<!tpu.dma_semaphore, #tpu.memory_space<semaphore_mem>>) src(%arg11 : memref<128x128xf32, #tpu.memory_space<vmem>>) dst(%dma_wait3A_75 : memref<128x128xf32, #tpu.memory_space<vmem_shared>>)
      tpu.yield
    }) : () -> ()
    %mul3A_25 = arith.constant 640 : i32
    %mul3A_26 = arith.muli %mul3A_25, %arg1 : i32
    %add3A_27 = arith.constant 512 : i32
    %add3A_28 = arith.addi %mul3A_26, %add3A_27 : i32
    "tpu.region"() ({
      %run_scoped3A_68 = tpu.sem_alloc : memref<!tpu.dma_semaphore, #tpu.memory_space<semaphore_mem>>
      %dma_start3A_69 = arith.constant 0 : i32
      %dma_start3A_70 = tpu.memref_slice %arg13[%add3A_28, %dma_start3A_69] : memref<10240x128xf32, #tpu.memory_space<vmem_shared>> -> memref<128x128xf32, #tpu.memory_space<vmem_shared>>
      %dma_start3A_71 = arith.constant 0 : i32
      %dma_start3A_72 = tpu.memref_slice %arg13[%add3A_28, %dma_start3A_71] : memref<10240x128xf32, #tpu.memory_space<vmem_shared>> -> memref<128x128xf32, #tpu.memory_space<vmem_shared>>
      tpu.enqueue_dma source(%arg11 : memref<128x128xf32, #tpu.memory_space<vmem>>) target(%dma_start3A_72 : memref<128x128xf32, #tpu.memory_space<vmem_shared>>) target_semaphore(%run_scoped3A_68 : memref<!tpu.dma_semaphore, #tpu.memory_space<semaphore_mem>>)
      %dma_wait3A = arith.constant 0 : i32
      %dma_wait3A_73 = tpu.memref_slice %arg13[%add3A_28, %dma_wait3A] : memref<10240x128xf32, #tpu.memory_space<vmem_shared>> -> memref<128x128xf32, #tpu.memory_space<vmem_shared>>
      %dma_wait3A_74 = arith.constant 0 : i32
      %dma_wait3A_75 = tpu.memref_slice %arg13[%add3A_28, %dma_wait3A_74] : memref<10240x128xf32, #tpu.memory_space<vmem_shared>> -> memref<128x128xf32, #tpu.memory_space<vmem_shared>>
      tpu.wait_dma2 semaphore(%run_scoped3A_68 : memref<!tpu.dma_semaphore, #tpu.memory_space<semaphore_mem>>) src(%arg11 : memref<128x128xf32, #tpu.memory_space<vmem>>) dst(%dma_wait3A_75 : memref<128x128xf32, #tpu.memory_space<vmem_shared>>)
      tpu.yield
    }) : () -> ()
    %run_scoped3A = arith.constant 0 : i32
    "tpu.region"() ({
      %run_scoped3A_68 = tpu.sem_alloc : memref<!tpu.dma_semaphore, #tpu.memory_space<semaphore_mem>>
      %dma_start3A_69 = arith.constant 0 : i32
      %dma_start3A_70 = arith.constant 0 : i32
      %dma_start3A_71 = tpu.memref_slice %arg8[%run_scoped3A, %dma_start3A_69, %dma_start3A_70] : memref<2x8x128xi32, #tpu.memory_space<vmem>> -> memref<1x8x128xi32, #tpu.memory_space<vmem>>
      %dma_start3A_72 = tpu.memref_squeeze %dma_start3A_71 : memref<1x8x128xi32, #tpu.memory_space<vmem>> -> memref<8x128xi32, #tpu.memory_space<vmem>>
      %dma_start3A_73 = arith.constant 0 : i32
      %dma_start3A_74 = tpu.memref_slice %arg3[%mul3A_2, %dma_start3A_73] : memref<2816x128xi32, #tpu.memory_space<hbm>> -> memref<8x128xi32, #tpu.memory_space<hbm>>
      %dma_start3A_75 = arith.constant 0 : i32
      %dma_start3A_76 = arith.constant 0 : i32
      %dma_start3A_77 = tpu.memref_slice %arg8[%run_scoped3A, %dma_start3A_75, %dma_start3A_76] : memref<2x8x128xi32, #tpu.memory_space<vmem>> -> memref<1x8x128xi32, #tpu.memory_space<vmem>>
      %dma_start3A_78 = tpu.memref_squeeze %dma_start3A_77 : memref<1x8x128xi32, #tpu.memory_space<vmem>> -> memref<8x128xi32, #tpu.memory_space<vmem>>
      %dma_start3A_79 = arith.constant 0 : i32
      %dma_start3A_80 = tpu.memref_slice %arg3[%mul3A_2, %dma_start3A_79] : memref<2816x128xi32, #tpu.memory_space<hbm>> -> memref<8x128xi32, #tpu.memory_space<hbm>>
      tpu.enqueue_dma source(%dma_start3A_80 : memref<8x128xi32, #tpu.memory_space<hbm>>) target(%dma_start3A_78 : memref<8x128xi32, #tpu.memory_space<vmem>>) target_semaphore(%run_scoped3A_68 : memref<!tpu.dma_semaphore, #tpu.memory_space<semaphore_mem>>)
      %dma_wait3A = arith.constant 0 : i32
      %dma_wait3A_81 = arith.constant 0 : i32
      %dma_wait3A_82 = tpu.memref_slice %arg8[%run_scoped3A, %dma_wait3A, %dma_wait3A_81] : memref<2x8x128xi32, #tpu.memory_space<vmem>> -> memref<1x8x128xi32, #tpu.memory_space<vmem>>
      %dma_wait3A_83 = tpu.memref_squeeze %dma_wait3A_82 : memref<1x8x128xi32, #tpu.memory_space<vmem>> -> memref<8x128xi32, #tpu.memory_space<vmem>>
      %dma_wait3A_84 = arith.constant 0 : i32
      %dma_wait3A_85 = tpu.memref_slice %arg3[%mul3A_2, %dma_wait3A_84] : memref<2816x128xi32, #tpu.memory_space<hbm>> -> memref<8x128xi32, #tpu.memory_space<hbm>>
      %dma_wait3A_86 = arith.constant 0 : i32
      %dma_wait3A_87 = arith.constant 0 : i32
      %dma_wait3A_88 = tpu.memref_slice %arg8[%run_scoped3A, %dma_wait3A_86, %dma_wait3A_87] : memref<2x8x128xi32, #tpu.memory_space<vmem>> -> memref<1x8x128xi32, #tpu.memory_space<vmem>>
      %dma_wait3A_89 = tpu.memref_squeeze %dma_wait3A_88 : memref<1x8x128xi32, #tpu.memory_space<vmem>> -> memref<8x128xi32, #tpu.memory_space<vmem>>
      %dma_wait3A_90 = arith.constant 0 : i32
      %dma_wait3A_91 = tpu.memref_slice %arg3[%mul3A_2, %dma_wait3A_90] : memref<2816x128xi32, #tpu.memory_space<hbm>> -> memref<8x128xi32, #tpu.memory_space<hbm>>
      tpu.wait_dma2 semaphore(%run_scoped3A_68 : memref<!tpu.dma_semaphore, #tpu.memory_space<semaphore_mem>>) src(%dma_wait3A_91 : memref<8x128xi32, #tpu.memory_space<hbm>>) dst(%dma_wait3A_89 : memref<8x128xi32, #tpu.memory_space<vmem>>)
      tpu.yield
    }) : () -> ()
    %run_scoped3A_29 = arith.constant 0 : i32
    "tpu.region"() ({
      %run_scoped3A_68 = tpu.sem_alloc : memref<!tpu.dma_semaphore, #tpu.memory_space<semaphore_mem>>
      %dma_start3A_69 = arith.constant 0 : i32
      %dma_start3A_70 = arith.constant 0 : i32
      %dma_start3A_71 = tpu.memref_slice %arg9[%run_scoped3A_29, %dma_start3A_69, %dma_start3A_70] : memref<2x8x128xi32, #tpu.memory_space<vmem>> -> memref<1x8x128xi32, #tpu.memory_space<vmem>>
      %dma_start3A_72 = tpu.memref_squeeze %dma_start3A_71 : memref<1x8x128xi32, #tpu.memory_space<vmem>> -> memref<8x128xi32, #tpu.memory_space<vmem>>
      %dma_start3A_73 = arith.constant 0 : i32
      %dma_start3A_74 = tpu.memref_slice %arg4[%mul3A_2, %dma_start3A_73] : memref<2816x128xi32, #tpu.memory_space<hbm>> -> memref<8x128xi32, #tpu.memory_space<hbm>>
      %dma_start3A_75 = arith.constant 0 : i32
      %dma_start3A_76 = arith.constant 0 : i32
      %dma_start3A_77 = tpu.memref_slice %arg9[%run_scoped3A_29, %dma_start3A_75, %dma_start3A_76] : memref<2x8x128xi32, #tpu.memory_space<vmem>> -> memref<1x8x128xi32, #tpu.memory_space<vmem>>
      %dma_start3A_78 = tpu.memref_squeeze %dma_start3A_77 : memref<1x8x128xi32, #tpu.memory_space<vmem>> -> memref<8x128xi32, #tpu.memory_space<vmem>>
      %dma_start3A_79 = arith.constant 0 : i32
      %dma_start3A_80 = tpu.memref_slice %arg4[%mul3A_2, %dma_start3A_79] : memref<2816x128xi32, #tpu.memory_space<hbm>> -> memref<8x128xi32, #tpu.memory_space<hbm>>
      tpu.enqueue_dma source(%dma_start3A_80 : memref<8x128xi32, #tpu.memory_space<hbm>>) target(%dma_start3A_78 : memref<8x128xi32, #tpu.memory_space<vmem>>) target_semaphore(%run_scoped3A_68 : memref<!tpu.dma_semaphore, #tpu.memory_space<semaphore_mem>>)
      %dma_wait3A = arith.constant 0 : i32
      %dma_wait3A_81 = arith.constant 0 : i32
      %dma_wait3A_82 = tpu.memref_slice %arg9[%run_scoped3A_29, %dma_wait3A, %dma_wait3A_81] : memref<2x8x128xi32, #tpu.memory_space<vmem>> -> memref<1x8x128xi32, #tpu.memory_space<vmem>>
      %dma_wait3A_83 = tpu.memref_squeeze %dma_wait3A_82 : memref<1x8x128xi32, #tpu.memory_space<vmem>> -> memref<8x128xi32, #tpu.memory_space<vmem>>
      %dma_wait3A_84 = arith.constant 0 : i32
      %dma_wait3A_85 = tpu.memref_slice %arg4[%mul3A_2, %dma_wait3A_84] : memref<2816x128xi32, #tpu.memory_space<hbm>> -> memref<8x128xi32, #tpu.memory_space<hbm>>
      %dma_wait3A_86 = arith.constant 0 : i32
      %dma_wait3A_87 = arith.constant 0 : i32
      %dma_wait3A_88 = tpu.memref_slice %arg9[%run_scoped3A_29, %dma_wait3A_86, %dma_wait3A_87] : memref<2x8x128xi32, #tpu.memory_space<vmem>> -> memref<1x8x128xi32, #tpu.memory_space<vmem>>
      %dma_wait3A_89 = tpu.memref_squeeze %dma_wait3A_88 : memref<1x8x128xi32, #tpu.memory_space<vmem>> -> memref<8x128xi32, #tpu.memory_space<vmem>>
      %dma_wait3A_90 = arith.constant 0 : i32
      %dma_wait3A_91 = tpu.memref_slice %arg4[%mul3A_2, %dma_wait3A_90] : memref<2816x128xi32, #tpu.memory_space<hbm>> -> memref<8x128xi32, #tpu.memory_space<hbm>>
      tpu.wait_dma2 semaphore(%run_scoped3A_68 : memref<!tpu.dma_semaphore, #tpu.memory_space<semaphore_mem>>) src(%dma_wait3A_91 : memref<8x128xi32, #tpu.memory_space<hbm>>) dst(%dma_wait3A_89 : memref<8x128xi32, #tpu.memory_space<vmem>>)
      tpu.yield
    }) : () -> ()
    %run_scoped3A_30 = arith.constant 0 : i32
    "tpu.region"() ({
      %run_scoped3A_68 = tpu.sem_alloc : memref<!tpu.dma_semaphore, #tpu.memory_space<semaphore_mem>>
      %dma_start3A_69 = arith.constant 0 : i32
      %dma_start3A_70 = arith.constant 0 : i32
      %dma_start3A_71 = tpu.memref_slice %arg10[%run_scoped3A_30, %dma_start3A_69, %dma_start3A_70] : memref<2x8x128xf32, #tpu.memory_space<vmem>> -> memref<1x8x128xf32, #tpu.memory_space<vmem>>
      %dma_start3A_72 = tpu.memref_squeeze %dma_start3A_71 : memref<1x8x128xf32, #tpu.memory_space<vmem>> -> memref<8x128xf32, #tpu.memory_space<vmem>>
      %dma_start3A_73 = arith.constant 0 : i32
      %dma_start3A_74 = tpu.memref_slice %arg5[%mul3A_2, %dma_start3A_73] : memref<2816x128xf32, #tpu.memory_space<hbm>> -> memref<8x128xf32, #tpu.memory_space<hbm>>
      %dma_start3A_75 = arith.constant 0 : i32
      %dma_start3A_76 = arith.constant 0 : i32
      %dma_start3A_77 = tpu.memref_slice %arg10[%run_scoped3A_30, %dma_start3A_75, %dma_start3A_76] : memref<2x8x128xf32, #tpu.memory_space<vmem>> -> memref<1x8x128xf32, #tpu.memory_space<vmem>>
      %dma_start3A_78 = tpu.memref_squeeze %dma_start3A_77 : memref<1x8x128xf32, #tpu.memory_space<vmem>> -> memref<8x128xf32, #tpu.memory_space<vmem>>
      %dma_start3A_79 = arith.constant 0 : i32
      %dma_start3A_80 = tpu.memref_slice %arg5[%mul3A_2, %dma_start3A_79] : memref<2816x128xf32, #tpu.memory_space<hbm>> -> memref<8x128xf32, #tpu.memory_space<hbm>>
      tpu.enqueue_dma source(%dma_start3A_80 : memref<8x128xf32, #tpu.memory_space<hbm>>) target(%dma_start3A_78 : memref<8x128xf32, #tpu.memory_space<vmem>>) target_semaphore(%run_scoped3A_68 : memref<!tpu.dma_semaphore, #tpu.memory_space<semaphore_mem>>)
      %dma_wait3A = arith.constant 0 : i32
      %dma_wait3A_81 = arith.constant 0 : i32
      %dma_wait3A_82 = tpu.memref_slice %arg10[%run_scoped3A_30, %dma_wait3A, %dma_wait3A_81] : memref<2x8x128xf32, #tpu.memory_space<vmem>> -> memref<1x8x128xf32, #tpu.memory_space<vmem>>
      %dma_wait3A_83 = tpu.memref_squeeze %dma_wait3A_82 : memref<1x8x128xf32, #tpu.memory_space<vmem>> -> memref<8x128xf32, #tpu.memory_space<vmem>>
      %dma_wait3A_84 = arith.constant 0 : i32
      %dma_wait3A_85 = tpu.memref_slice %arg5[%mul3A_2, %dma_wait3A_84] : memref<2816x128xf32, #tpu.memory_space<hbm>> -> memref<8x128xf32, #tpu.memory_space<hbm>>
      %dma_wait3A_86 = arith.constant 0 : i32
      %dma_wait3A_87 = arith.constant 0 : i32
      %dma_wait3A_88 = tpu.memref_slice %arg10[%run_scoped3A_30, %dma_wait3A_86, %dma_wait3A_87] : memref<2x8x128xf32, #tpu.memory_space<vmem>> -> memref<1x8x128xf32, #tpu.memory_space<vmem>>
      %dma_wait3A_89 = tpu.memref_squeeze %dma_wait3A_88 : memref<1x8x128xf32, #tpu.memory_space<vmem>> -> memref<8x128xf32, #tpu.memory_space<vmem>>
      %dma_wait3A_90 = arith.constant 0 : i32
      %dma_wait3A_91 = tpu.memref_slice %arg5[%mul3A_2, %dma_wait3A_90] : memref<2816x128xf32, #tpu.memory_space<hbm>> -> memref<8x128xf32, #tpu.memory_space<hbm>>
      tpu.wait_dma2 semaphore(%run_scoped3A_68 : memref<!tpu.dma_semaphore, #tpu.memory_space<semaphore_mem>>) src(%dma_wait3A_91 : memref<8x128xf32, #tpu.memory_space<hbm>>) dst(%dma_wait3A_89 : memref<8x128xf32, #tpu.memory_space<vmem>>)
      tpu.yield
    }) : () -> ()
    %barrier3A = arith.constant 0 : index
    tpu.barrier barrier_id(%barrier3A)
    %dma_start3A = arith.constant 0 : i32
    %dma_start3A_31 = arith.constant 0 : i32
    %dma_start3A_32 = arith.constant 0 : i32
    %dma_start3A_33 = arith.constant 0 : i32
    %dma_start3A_34 = tpu.memref_slice %arg8[%dma_start3A, %dma_start3A_32, %dma_start3A_33] : memref<2x8x128xi32, #tpu.memory_space<vmem>> -> memref<1x8x128xi32, #tpu.memory_space<vmem>>
    %dma_start3A_35 = tpu.memref_squeeze %dma_start3A_34 : memref<1x8x128xi32, #tpu.memory_space<vmem>> -> memref<8x128xi32, #tpu.memory_space<vmem>>
    %dma_start3A_36 = arith.constant 0 : i32
    %dma_start3A_37 = tpu.memref_slice %dma_start3A_35[%dma_start3A_31, %dma_start3A_36] : memref<8x128xi32, #tpu.memory_space<vmem>> -> memref<1x128xi32, #tpu.memory_space<vmem>>
    %dma_start3A_38 = tpu.memref_squeeze %dma_start3A_37 : memref<1x128xi32, #tpu.memory_space<vmem>> -> memref<128xi32, #tpu.memory_space<vmem>>
    %dma_start3A_39 = arith.constant 0 : i32
    %dma_start3A_40 = arith.constant 0 : i32
    %dma_start3A_41 = tpu.memref_slice %arg2[%dma_start3A_39, %dma_start3A_40] : memref<10000x128xf32, #tpu.memory_space<hbm>> -> memref<10000x128xf32, #tpu.memory_space<hbm>>
    tpu.enqueue_indirect_dma source(%dma_start3A_41 : memref<10000x128xf32, #tpu.memory_space<hbm>>) target(%arg11 : memref<128x128xf32, #tpu.memory_space<vmem>>) offsets(%dma_start3A_38 : memref<128xi32, #tpu.memory_space<vmem>>) semaphore(%arg14 : memref<!tpu.dma_semaphore, #tpu.memory_space<semaphore_mem>>)
    %dma_start3A_42 = arith.constant 0 : i32
    %dma_start3A_43 = arith.constant 1 : i32
    %dma_start3A_44 = arith.constant 0 : i32
    %dma_start3A_45 = arith.constant 0 : i32
    %dma_start3A_46 = tpu.memref_slice %arg8[%dma_start3A_42, %dma_start3A_44, %dma_start3A_45] : memref<2x8x128xi32, #tpu.memory_space<vmem>> -> memref<1x8x128xi32, #tpu.memory_space<vmem>>
    %dma_start3A_47 = tpu.memref_squeeze %dma_start3A_46 : memref<1x8x128xi32, #tpu.memory_space<vmem>> -> memref<8x128xi32, #tpu.memory_space<vmem>>
    %dma_start3A_48 = arith.constant 0 : i32
    %dma_start3A_49 = tpu.memref_slice %dma_start3A_47[%dma_start3A_43, %dma_start3A_48] : memref<8x128xi32, #tpu.memory_space<vmem>> -> memref<1x128xi32, #tpu.memory_space<vmem>>
    %dma_start3A_50 = tpu.memref_squeeze %dma_start3A_49 : memref<1x128xi32, #tpu.memory_space<vmem>> -> memref<128xi32, #tpu.memory_space<vmem>>
    %dma_start3A_51 = arith.constant 0 : i32
    %dma_start3A_52 = arith.constant 0 : i32
    %dma_start3A_53 = tpu.memref_slice %arg2[%dma_start3A_51, %dma_start3A_52] : memref<10000x128xf32, #tpu.memory_space<hbm>> -> memref<10000x128xf32, #tpu.memory_space<hbm>>
    tpu.enqueue_indirect_dma source(%dma_start3A_53 : memref<10000x128xf32, #tpu.memory_space<hbm>>) target(%arg12 : memref<128x128xf32, #tpu.memory_space<vmem>>) offsets(%dma_start3A_50 : memref<128xi32, #tpu.memory_space<vmem>>) semaphore(%arg15 : memref<!tpu.dma_semaphore, #tpu.memory_space<semaphore_mem>>)
    %iota3A = tpu.iota {dimensions = array<i32: 0>} : vector<16xi32>
    %scan3A_54 = arith.constant 0 : i32
    %scan3A_55 = arith.constant 0 : i32
    %scan3A_56 = arith.constant 44 : i32
    %scan3A_57 = arith.addi %scan3A_55, %scan3A_56 : i32
    %scan3A_58 = arith.constant 1 : i32
    scf.for %scan3A_68 = %scan3A_55 to %scan3A_57 step %scan3A_58  : i32 {
      %mul3A_69 = arith.constant 2 : i32
      %mul3A_70 = arith.muli %mul3A_69, %scan3A_68 : i32
      %jit3A = arith.constant 4 : i32
      %div3A = arith.divsi %scan3A_68, %jit3A : i32
      %sign3A = arith.constant 0 : i32
      %sign3A_71 = arith.cmpi sgt, %scan3A_68, %sign3A : i32
      %sign3A_72 = arith.extui %sign3A_71 : i1 to i32
      %sign3A_73 = arith.constant 0 : i32
      %sign3A_74 = arith.cmpi slt, %scan3A_68, %sign3A_73 : i32
      %sign3A_75 = arith.extui %sign3A_74 : i1 to i32
      %sign3A_76 = arith.subi %sign3A_72, %sign3A_75 : i32
      %sign3A_77 = arith.constant 0 : i32
      %sign3A_78 = arith.cmpi sgt, %jit3A, %sign3A_77 : i32
      %sign3A_79 = arith.extui %sign3A_78 : i1 to i32
      %sign3A_80 = arith.constant 0 : i32
      %sign3A_81 = arith.cmpi slt, %jit3A, %sign3A_80 : i32
      %sign3A_82 = arith.extui %sign3A_81 : i1 to i32
      %sign3A_83 = arith.subi %sign3A_79, %sign3A_82 : i32
      %ne3A = arith.cmpi ne, %sign3A_76, %sign3A_83 : i32
      %rem3A = arith.remsi %scan3A_68, %jit3A : i32
      %ne3A_84 = arith.constant 0 : i32
      %ne3A_85 = arith.cmpi ne, %rem3A, %ne3A_84 : i32
      %and3A = arith.andi %ne3A, %ne3A_85 : i1
      %sub3A = arith.constant 1 : i32
      %sub3A_86 = arith.subi %div3A, %sub3A : i32
      %select_n3A = arith.select %and3A, %sub3A_86, %div3A : i32
      %jit3A_87 = arith.constant 2 : i32
      %eq3A_88 = arith.constant 0 : i32
      %eq3A_89 = arith.cmpi eq, %jit3A_87, %eq3A_88 : i32
      %jit3A_90 = arith.constant 1 : i32
      %select_n3A_91 = arith.select %eq3A_89, %jit3A_90, %jit3A_87 : i32
      %rem3A_92 = arith.remsi %select_n3A, %select_n3A_91 : i32
      %ne3A_93 = arith.constant 0 : i32
      %ne3A_94 = arith.cmpi ne, %rem3A_92, %ne3A_93 : i32
      %lt3A = arith.constant 0 : i32
      %lt3A_95 = arith.cmpi slt, %rem3A_92, %lt3A : i32
      %lt3A_96 = arith.constant 0 : i32
      %lt3A_97 = arith.cmpi slt, %select_n3A_91, %lt3A_96 : i32
      %ne3A_98 = arith.xori %lt3A_95, %lt3A_97 : i1
      %and3A_99 = arith.andi %ne3A_98, %ne3A_94 : i1
      %add3A_100 = arith.addi %rem3A_92, %select_n3A_91 : i32
      %select_n3A_101 = arith.select %and3A_99, %add3A_100, %rem3A_92 : i32
      %mul3A_102 = arith.constant 8 : i32
      %mul3A_103 = arith.muli %mul3A_102, %select_n3A : i32
      %sub3A_104 = arith.subi %mul3A_70, %mul3A_103 : i32
      %eq3A_105 = arith.constant 0 : i32
      %eq3A_106 = arith.cmpi eq, %sub3A_104, %eq3A_105 : i32
      %add3A_107 = arith.constant 1 : i32
      %add3A_108 = arith.addi %select_n3A, %add3A_107 : i32
      %lt3A_109 = arith.constant 11 : i32
      %lt3A_110 = arith.cmpi slt, %add3A_108, %lt3A_109 : i32
      %and3A_111 = arith.andi %eq3A_106, %lt3A_110 : i1
      %convert_element_type3A_112 = arith.extui %and3A_111 : i1 to i32
      %cond3A_113 = arith.constant 0 : i32
      %cond3A_114 = arith.cmpi ne, %convert_element_type3A_112, %cond3A_113 : i32
      scf.if %cond3A_114 {
        %add3A_163 = arith.constant 1 : i32
        %add3A_164 = arith.addi %select_n3A, %add3A_163 : i32
        %mul3A_165 = arith.constant 8 : i32
        %mul3A_166 = arith.muli %mul3A_165, %add3A_164 : i32
        %add3A_167 = arith.addi %mul3A_2, %mul3A_166 : i32
        %sub3A_168 = arith.constant 1 : i32
        %sub3A_169 = arith.subi %sub3A_168, %select_n3A_101 : i32
        %dma_start3A_170 = arith.constant 0 : i32
        %dma_start3A_171 = arith.constant 0 : i32
        %dma_start3A_172 = tpu.memref_slice %arg8[%sub3A_169, %dma_start3A_170, %dma_start3A_171] : memref<2x8x128xi32, #tpu.memory_space<vmem>> -> memref<1x8x128xi32, #tpu.memory_space<vmem>>
        %dma_start3A_173 = tpu.memref_squeeze %dma_start3A_172 : memref<1x8x128xi32, #tpu.memory_space<vmem>> -> memref<8x128xi32, #tpu.memory_space<vmem>>
        %dma_start3A_174 = arith.constant 0 : i32
        %dma_start3A_175 = tpu.memref_slice %arg3[%add3A_167, %dma_start3A_174] : memref<2816x128xi32, #tpu.memory_space<hbm>> -> memref<8x128xi32, #tpu.memory_space<hbm>>
        %dma_start3A_176 = arith.constant 0 : i32
        %dma_start3A_177 = arith.constant 0 : i32
        %dma_start3A_178 = tpu.memref_slice %arg8[%sub3A_169, %dma_start3A_176, %dma_start3A_177] : memref<2x8x128xi32, #tpu.memory_space<vmem>> -> memref<1x8x128xi32, #tpu.memory_space<vmem>>
        %dma_start3A_179 = tpu.memref_squeeze %dma_start3A_178 : memref<1x8x128xi32, #tpu.memory_space<vmem>> -> memref<8x128xi32, #tpu.memory_space<vmem>>
        %dma_start3A_180 = arith.constant 0 : i32
        %dma_start3A_181 = tpu.memref_slice %arg3[%add3A_167, %dma_start3A_180] : memref<2816x128xi32, #tpu.memory_space<hbm>> -> memref<8x128xi32, #tpu.memory_space<hbm>>
        tpu.enqueue_dma source(%dma_start3A_181 : memref<8x128xi32, #tpu.memory_space<hbm>>) target(%dma_start3A_179 : memref<8x128xi32, #tpu.memory_space<vmem>>) target_semaphore(%arg16 : memref<!tpu.dma_semaphore, #tpu.memory_space<semaphore_mem>>)
        %dma_start3A_182 = arith.constant 0 : i32
        %dma_start3A_183 = arith.constant 0 : i32
        %dma_start3A_184 = tpu.memref_slice %arg9[%sub3A_169, %dma_start3A_182, %dma_start3A_183] : memref<2x8x128xi32, #tpu.memory_space<vmem>> -> memref<1x8x128xi32, #tpu.memory_space<vmem>>
        %dma_start3A_185 = tpu.memref_squeeze %dma_start3A_184 : memref<1x8x128xi32, #tpu.memory_space<vmem>> -> memref<8x128xi32, #tpu.memory_space<vmem>>
        %dma_start3A_186 = arith.constant 0 : i32
        %dma_start3A_187 = tpu.memref_slice %arg4[%add3A_167, %dma_start3A_186] : memref<2816x128xi32, #tpu.memory_space<hbm>> -> memref<8x128xi32, #tpu.memory_space<hbm>>
        %dma_start3A_188 = arith.constant 0 : i32
        %dma_start3A_189 = arith.constant 0 : i32
        %dma_start3A_190 = tpu.memref_slice %arg9[%sub3A_169, %dma_start3A_188, %dma_start3A_189] : memref<2x8x128xi32, #tpu.memory_space<vmem>> -> memref<1x8x128xi32, #tpu.memory_space<vmem>>
        %dma_start3A_191 = tpu.memref_squeeze %dma_start3A_190 : memref<1x8x128xi32, #tpu.memory_space<vmem>> -> memref<8x128xi32, #tpu.memory_space<vmem>>
        %dma_start3A_192 = arith.constant 0 : i32
        %dma_start3A_193 = tpu.memref_slice %arg4[%add3A_167, %dma_start3A_192] : memref<2816x128xi32, #tpu.memory_space<hbm>> -> memref<8x128xi32, #tpu.memory_space<hbm>>
        tpu.enqueue_dma source(%dma_start3A_193 : memref<8x128xi32, #tpu.memory_space<hbm>>) target(%dma_start3A_191 : memref<8x128xi32, #tpu.memory_space<vmem>>) target_semaphore(%arg16 : memref<!tpu.dma_semaphore, #tpu.memory_space<semaphore_mem>>)
        %dma_start3A_194 = arith.constant 0 : i32
        %dma_start3A_195 = arith.constant 0 : i32
        %dma_start3A_196 = tpu.memref_slice %arg10[%sub3A_169, %dma_start3A_194, %dma_start3A_195] : memref<2x8x128xf32, #tpu.memory_space<vmem>> -> memref<1x8x128xf32, #tpu.memory_space<vmem>>
        %dma_start3A_197 = tpu.memref_squeeze %dma_start3A_196 : memref<1x8x128xf32, #tpu.memory_space<vmem>> -> memref<8x128xf32, #tpu.memory_space<vmem>>
        %dma_start3A_198 = arith.constant 0 : i32
        %dma_start3A_199 = tpu.memref_slice %arg5[%add3A_167, %dma_start3A_198] : memref<2816x128xf32, #tpu.memory_space<hbm>> -> memref<8x128xf32, #tpu.memory_space<hbm>>
        %dma_start3A_200 = arith.constant 0 : i32
        %dma_start3A_201 = arith.constant 0 : i32
        %dma_start3A_202 = tpu.memref_slice %arg10[%sub3A_169, %dma_start3A_200, %dma_start3A_201] : memref<2x8x128xf32, #tpu.memory_space<vmem>> -> memref<1x8x128xf32, #tpu.memory_space<vmem>>
        %dma_start3A_203 = tpu.memref_squeeze %dma_start3A_202 : memref<1x8x128xf32, #tpu.memory_space<vmem>> -> memref<8x128xf32, #tpu.memory_space<vmem>>
        %dma_start3A_204 = arith.constant 0 : i32
        %dma_start3A_205 = tpu.memref_slice %arg5[%add3A_167, %dma_start3A_204] : memref<2816x128xf32, #tpu.memory_space<hbm>> -> memref<8x128xf32, #tpu.memory_space<hbm>>
        tpu.enqueue_dma source(%dma_start3A_205 : memref<8x128xf32, #tpu.memory_space<hbm>>) target(%dma_start3A_203 : memref<8x128xf32, #tpu.memory_space<vmem>>) target_semaphore(%arg16 : memref<!tpu.dma_semaphore, #tpu.memory_space<semaphore_mem>>)
      } else {
      }
      %eq3A_115 = arith.constant 6 : i32
      %eq3A_116 = arith.cmpi eq, %sub3A_104, %eq3A_115 : i32
      %add3A_117 = arith.constant 1 : i32
      %add3A_118 = arith.addi %select_n3A, %add3A_117 : i32
      %lt3A_119 = arith.constant 11 : i32
      %lt3A_120 = arith.cmpi slt, %add3A_118, %lt3A_119 : i32
      %and3A_121 = arith.andi %eq3A_116, %lt3A_120 : i1
      %convert_element_type3A_122 = arith.extui %and3A_121 : i1 to i32
      %cond3A_123 = arith.constant 0 : i32
      %cond3A_124 = arith.cmpi ne, %convert_element_type3A_122, %cond3A_123 : i32
      scf.if %cond3A_124 {
        %sub3A_163 = arith.constant 1 : i32
        %sub3A_164 = arith.subi %sub3A_163, %select_n3A_101 : i32
        %dma_wait3A_165 = arith.constant 0 : i32
        %dma_wait3A_166 = arith.constant 0 : i32
        %dma_wait3A_167 = tpu.memref_slice %arg8[%sub3A_164, %dma_wait3A_165, %dma_wait3A_166] : memref<2x8x128xi32, #tpu.memory_space<vmem>> -> memref<1x8x128xi32, #tpu.memory_space<vmem>>
        %dma_wait3A_168 = tpu.memref_squeeze %dma_wait3A_167 : memref<1x8x128xi32, #tpu.memory_space<vmem>> -> memref<8x128xi32, #tpu.memory_space<vmem>>
        %dma_wait3A_169 = arith.constant 0 : i32
        %dma_wait3A_170 = arith.constant 0 : i32
        %dma_wait3A_171 = tpu.memref_slice %arg3[%dma_wait3A_169, %dma_wait3A_170] : memref<2816x128xi32, #tpu.memory_space<hbm>> -> memref<8x128xi32, #tpu.memory_space<hbm>>
        %dma_wait3A_172 = arith.constant 0 : i32
        %dma_wait3A_173 = arith.constant 0 : i32
        %dma_wait3A_174 = tpu.memref_slice %arg8[%sub3A_164, %dma_wait3A_172, %dma_wait3A_173] : memref<2x8x128xi32, #tpu.memory_space<vmem>> -> memref<1x8x128xi32, #tpu.memory_space<vmem>>
        %dma_wait3A_175 = tpu.memref_squeeze %dma_wait3A_174 : memref<1x8x128xi32, #tpu.memory_space<vmem>> -> memref<8x128xi32, #tpu.memory_space<vmem>>
        %dma_wait3A_176 = arith.constant 0 : i32
        %dma_wait3A_177 = arith.constant 0 : i32
        %dma_wait3A_178 = tpu.memref_slice %arg3[%dma_wait3A_176, %dma_wait3A_177] : memref<2816x128xi32, #tpu.memory_space<hbm>> -> memref<8x128xi32, #tpu.memory_space<hbm>>
        tpu.wait_dma2 semaphore(%arg16 : memref<!tpu.dma_semaphore, #tpu.memory_space<semaphore_mem>>) src(%dma_wait3A_178 : memref<8x128xi32, #tpu.memory_space<hbm>>) dst(%dma_wait3A_175 : memref<8x128xi32, #tpu.memory_space<vmem>>)
        %dma_wait3A_179 = arith.constant 0 : i32
        %dma_wait3A_180 = arith.constant 0 : i32
        %dma_wait3A_181 = tpu.memref_slice %arg9[%sub3A_164, %dma_wait3A_179, %dma_wait3A_180] : memref<2x8x128xi32, #tpu.memory_space<vmem>> -> memref<1x8x128xi32, #tpu.memory_space<vmem>>
        %dma_wait3A_182 = tpu.memref_squeeze %dma_wait3A_181 : memref<1x8x128xi32, #tpu.memory_space<vmem>> -> memref<8x128xi32, #tpu.memory_space<vmem>>
        %dma_wait3A_183 = arith.constant 0 : i32
        %dma_wait3A_184 = arith.constant 0 : i32
        %dma_wait3A_185 = tpu.memref_slice %arg4[%dma_wait3A_183, %dma_wait3A_184] : memref<2816x128xi32, #tpu.memory_space<hbm>> -> memref<8x128xi32, #tpu.memory_space<hbm>>
        %dma_wait3A_186 = arith.constant 0 : i32
        %dma_wait3A_187 = arith.constant 0 : i32
        %dma_wait3A_188 = tpu.memref_slice %arg9[%sub3A_164, %dma_wait3A_186, %dma_wait3A_187] : memref<2x8x128xi32, #tpu.memory_space<vmem>> -> memref<1x8x128xi32, #tpu.memory_space<vmem>>
        %dma_wait3A_189 = tpu.memref_squeeze %dma_wait3A_188 : memref<1x8x128xi32, #tpu.memory_space<vmem>> -> memref<8x128xi32, #tpu.memory_space<vmem>>
        %dma_wait3A_190 = arith.constant 0 : i32
        %dma_wait3A_191 = arith.constant 0 : i32
        %dma_wait3A_192 = tpu.memref_slice %arg4[%dma_wait3A_190, %dma_wait3A_191] : memref<2816x128xi32, #tpu.memory_space<hbm>> -> memref<8x128xi32, #tpu.memory_space<hbm>>
        tpu.wait_dma2 semaphore(%arg16 : memref<!tpu.dma_semaphore, #tpu.memory_space<semaphore_mem>>) src(%dma_wait3A_192 : memref<8x128xi32, #tpu.memory_space<hbm>>) dst(%dma_wait3A_189 : memref<8x128xi32, #tpu.memory_space<vmem>>)
        %dma_wait3A_193 = arith.constant 0 : i32
        %dma_wait3A_194 = arith.constant 0 : i32
        %dma_wait3A_195 = tpu.memref_slice %arg10[%sub3A_164, %dma_wait3A_193, %dma_wait3A_194] : memref<2x8x128xf32, #tpu.memory_space<vmem>> -> memref<1x8x128xf32, #tpu.memory_space<vmem>>
        %dma_wait3A_196 = tpu.memref_squeeze %dma_wait3A_195 : memref<1x8x128xf32, #tpu.memory_space<vmem>> -> memref<8x128xf32, #tpu.memory_space<vmem>>
        %dma_wait3A_197 = arith.constant 0 : i32
        %dma_wait3A_198 = arith.constant 0 : i32
        %dma_wait3A_199 = tpu.memref_slice %arg5[%dma_wait3A_197, %dma_wait3A_198] : memref<2816x128xf32, #tpu.memory_space<hbm>> -> memref<8x128xf32, #tpu.memory_space<hbm>>
        %dma_wait3A_200 = arith.constant 0 : i32
        %dma_wait3A_201 = arith.constant 0 : i32
        %dma_wait3A_202 = tpu.memref_slice %arg10[%sub3A_164, %dma_wait3A_200, %dma_wait3A_201] : memref<2x8x128xf32, #tpu.memory_space<vmem>> -> memref<1x8x128xf32, #tpu.memory_space<vmem>>
        %dma_wait3A_203 = tpu.memref_squeeze %dma_wait3A_202 : memref<1x8x128xf32, #tpu.memory_space<vmem>> -> memref<8x128xf32, #tpu.memory_space<vmem>>
        %dma_wait3A_204 = arith.constant 0 : i32
        %dma_wait3A_205 = arith.constant 0 : i32
        %dma_wait3A_206 = tpu.memref_slice %arg5[%dma_wait3A_204, %dma_wait3A_205] : memref<2816x128xf32, #tpu.memory_space<hbm>> -> memref<8x128xf32, #tpu.memory_space<hbm>>
        tpu.wait_dma2 semaphore(%arg16 : memref<!tpu.dma_semaphore, #tpu.memory_space<semaphore_mem>>) src(%dma_wait3A_206 : memref<8x128xf32, #tpu.memory_space<hbm>>) dst(%dma_wait3A_203 : memref<8x128xf32, #tpu.memory_space<vmem>>)
      } else {
      }
      %dma_wait3A = arith.constant 0 : i32
      %dma_wait3A_125 = arith.constant 0 : i32
      %dma_wait3A_126 = tpu.memref_slice %arg2[%dma_wait3A, %dma_wait3A_125] : memref<10000x128xf32, #tpu.memory_space<hbm>> -> memref<128x128xf32, #tpu.memory_space<hbm>>
      %dma_wait3A_127 = arith.constant 0 : i32
      %dma_wait3A_128 = arith.constant 0 : i32
      %dma_wait3A_129 = tpu.memref_slice %arg2[%dma_wait3A_127, %dma_wait3A_128] : memref<10000x128xf32, #tpu.memory_space<hbm>> -> memref<128x128xf32, #tpu.memory_space<hbm>>
      tpu.wait_dma2 semaphore(%arg14 : memref<!tpu.dma_semaphore, #tpu.memory_space<semaphore_mem>>) src(%dma_wait3A_129 : memref<128x128xf32, #tpu.memory_space<hbm>>) dst(%arg11 : memref<128x128xf32, #tpu.memory_space<vmem>>)
      %broadcast_in_dim3A_130 = vector.broadcast %sub3A_104 : i32 to vector<16xi32>
      %broadcast_in_dim3A_131 = vector.broadcast %select_n3A_101 : i32 to vector<16xi32>
      %parallel_loop3A = arith.constant 0 : i32
      %parallel_loop3A_132 = arith.constant 128 : i32
      %parallel_loop3A_133 = arith.constant 1 : i32
      scf.for %parallel_loop3A_163 = %parallel_loop3A to %parallel_loop3A_132 step %parallel_loop3A_133  : i32 {
        %parallel_loop3A_164 = vector.broadcast %parallel_loop3A_163 : i32 to vector<16xi32>
        %parallel_loop3A_165 = tpu.vector_load_idx %arg10[%broadcast_in_dim3A_131, %broadcast_in_dim3A_130, %parallel_loop3A_164] : memref<2x8x128xf32, #tpu.memory_space<vmem>>[vector<16xi32>, vector<16xi32>, vector<16xi32>], vector<16xf32>,
        %parallel_loop3A_166 = arith.constant 0 : i32
        %parallel_loop3A_167 = vector.broadcast %parallel_loop3A_166 : i32 to vector<16xi32>
        %parallel_loop3A_168 = arith.addi %iota3A, %parallel_loop3A_167 : vector<16xi32>
        %parallel_loop3A_169 = tpu.vector_load_idx %arg11[%parallel_loop3A_164, %parallel_loop3A_168] : memref<128x128xf32, #tpu.memory_space<vmem>>[vector<16xi32>, vector<16xi32>], vector<16xf32>,
        %parallel_loop3A_170 = arith.mulf %parallel_loop3A_169, %parallel_loop3A_165 : vector<16xf32>
        tpu.vector_store_idx %arg11[%parallel_loop3A_164, %parallel_loop3A_168], %parallel_loop3A_170 : memref<128x128xf32, #tpu.memory_space<vmem>>[vector<16xi32>, vector<16xi32>], vector<16xf32>,
        %parallel_loop3A_171 = arith.constant 16 : i32
        %parallel_loop3A_172 = vector.broadcast %parallel_loop3A_171 : i32 to vector<16xi32>
        %parallel_loop3A_173 = arith.addi %iota3A, %parallel_loop3A_172 : vector<16xi32>
        %parallel_loop3A_174 = tpu.vector_load_idx %arg11[%parallel_loop3A_164, %parallel_loop3A_173] : memref<128x128xf32, #tpu.memory_space<vmem>>[vector<16xi32>, vector<16xi32>], vector<16xf32>,
        %parallel_loop3A_175 = arith.mulf %parallel_loop3A_174, %parallel_loop3A_165 : vector<16xf32>
        tpu.vector_store_idx %arg11[%parallel_loop3A_164, %parallel_loop3A_173], %parallel_loop3A_175 : memref<128x128xf32, #tpu.memory_space<vmem>>[vector<16xi32>, vector<16xi32>], vector<16xf32>,
        %parallel_loop3A_176 = arith.constant 32 : i32
        %parallel_loop3A_177 = vector.broadcast %parallel_loop3A_176 : i32 to vector<16xi32>
        %parallel_loop3A_178 = arith.addi %iota3A, %parallel_loop3A_177 : vector<16xi32>
        %parallel_loop3A_179 = tpu.vector_load_idx %arg11[%parallel_loop3A_164, %parallel_loop3A_178] : memref<128x128xf32, #tpu.memory_space<vmem>>[vector<16xi32>, vector<16xi32>], vector<16xf32>,
        %parallel_loop3A_180 = arith.mulf %parallel_loop3A_179, %parallel_loop3A_165 : vector<16xf32>
        tpu.vector_store_idx %arg11[%parallel_loop3A_164, %parallel_loop3A_178], %parallel_loop3A_180 : memref<128x128xf32, #tpu.memory_space<vmem>>[vector<16xi32>, vector<16xi32>], vector<16xf32>,
        %parallel_loop3A_181 = arith.constant 48 : i32
        %parallel_loop3A_182 = vector.broadcast %parallel_loop3A_181 : i32 to vector<16xi32>
        %parallel_loop3A_183 = arith.addi %iota3A, %parallel_loop3A_182 : vector<16xi32>
        %parallel_loop3A_184 = tpu.vector_load_idx %arg11[%parallel_loop3A_164, %parallel_loop3A_183] : memref<128x128xf32, #tpu.memory_space<vmem>>[vector<16xi32>, vector<16xi32>], vector<16xf32>,
        %parallel_loop3A_185 = arith.mulf %parallel_loop3A_184, %parallel_loop3A_165 : vector<16xf32>
        tpu.vector_store_idx %arg11[%parallel_loop3A_164, %parallel_loop3A_183], %parallel_loop3A_185 : memref<128x128xf32, #tpu.memory_space<vmem>>[vector<16xi32>, vector<16xi32>], vector<16xf32>,
        %parallel_loop3A_186 = arith.constant 64 : i32
        %parallel_loop3A_187 = vector.broadcast %parallel_loop3A_186 : i32 to vector<16xi32>
        %parallel_loop3A_188 = arith.addi %iota3A, %parallel_loop3A_187 : vector<16xi32>
        %parallel_loop3A_189 = tpu.vector_load_idx %arg11[%parallel_loop3A_164, %parallel_loop3A_188] : memref<128x128xf32, #tpu.memory_space<vmem>>[vector<16xi32>, vector<16xi32>], vector<16xf32>,
        %parallel_loop3A_190 = arith.mulf %parallel_loop3A_189, %parallel_loop3A_165 : vector<16xf32>
        tpu.vector_store_idx %arg11[%parallel_loop3A_164, %parallel_loop3A_188], %parallel_loop3A_190 : memref<128x128xf32, #tpu.memory_space<vmem>>[vector<16xi32>, vector<16xi32>], vector<16xf32>,
        %parallel_loop3A_191 = arith.constant 80 : i32
        %parallel_loop3A_192 = vector.broadcast %parallel_loop3A_191 : i32 to vector<16xi32>
        %parallel_loop3A_193 = arith.addi %iota3A, %parallel_loop3A_192 : vector<16xi32>
        %parallel_loop3A_194 = tpu.vector_load_idx %arg11[%parallel_loop3A_164, %parallel_loop3A_193] : memref<128x128xf32, #tpu.memory_space<vmem>>[vector<16xi32>, vector<16xi32>], vector<16xf32>,
        %parallel_loop3A_195 = arith.mulf %parallel_loop3A_194, %parallel_loop3A_165 : vector<16xf32>
        tpu.vector_store_idx %arg11[%parallel_loop3A_164, %parallel_loop3A_193], %parallel_loop3A_195 : memref<128x128xf32, #tpu.memory_space<vmem>>[vector<16xi32>, vector<16xi32>], vector<16xf32>,
        %parallel_loop3A_196 = arith.constant 96 : i32
        %parallel_loop3A_197 = vector.broadcast %parallel_loop3A_196 : i32 to vector<16xi32>
        %parallel_loop3A_198 = arith.addi %iota3A, %parallel_loop3A_197 : vector<16xi32>
        %parallel_loop3A_199 = tpu.vector_load_idx %arg11[%parallel_loop3A_164, %parallel_loop3A_198] : memref<128x128xf32, #tpu.memory_space<vmem>>[vector<16xi32>, vector<16xi32>], vector<16xf32>,
        %parallel_loop3A_200 = arith.mulf %parallel_loop3A_199, %parallel_loop3A_165 : vector<16xf32>
        tpu.vector_store_idx %arg11[%parallel_loop3A_164, %parallel_loop3A_198], %parallel_loop3A_200 : memref<128x128xf32, #tpu.memory_space<vmem>>[vector<16xi32>, vector<16xi32>], vector<16xf32>,
        %parallel_loop3A_201 = arith.constant 112 : i32
        %parallel_loop3A_202 = vector.broadcast %parallel_loop3A_201 : i32 to vector<16xi32>
        %parallel_loop3A_203 = arith.addi %iota3A, %parallel_loop3A_202 : vector<16xi32>
        %parallel_loop3A_204 = tpu.vector_load_idx %arg11[%parallel_loop3A_164, %parallel_loop3A_203] : memref<128x128xf32, #tpu.memory_space<vmem>>[vector<16xi32>, vector<16xi32>], vector<16xf32>,
        %parallel_loop3A_205 = arith.mulf %parallel_loop3A_204, %parallel_loop3A_165 : vector<16xf32>
        tpu.vector_store_idx %arg11[%parallel_loop3A_164, %parallel_loop3A_203], %parallel_loop3A_205 : memref<128x128xf32, #tpu.memory_space<vmem>>[vector<16xi32>, vector<16xi32>], vector<16xf32>,
      } {sc.loop_unroll_factor = 4 : i64, sc.parallel_access}
      "tpu.region"() ({
        %run_scoped3A_163 = tpu.sem_alloc : memref<!tpu.dma_semaphore, #tpu.memory_space<semaphore_mem>>
        %dma_start3A_164 = arith.constant 0 : i32
        %dma_start3A_165 = arith.constant 0 : i32
        %dma_start3A_166 = tpu.memref_slice %arg9[%select_n3A_101, %dma_start3A_164, %dma_start3A_165] : memref<2x8x128xi32, #tpu.memory_space<vmem>> -> memref<1x8x128xi32, #tpu.memory_space<vmem>>
        %dma_start3A_167 = tpu.memref_squeeze %dma_start3A_166 : memref<1x8x128xi32, #tpu.memory_space<vmem>> -> memref<8x128xi32, #tpu.memory_space<vmem>>
        %dma_start3A_168 = arith.constant 0 : i32
        %dma_start3A_169 = tpu.memref_slice %dma_start3A_167[%sub3A_104, %dma_start3A_168] : memref<8x128xi32, #tpu.memory_space<vmem>> -> memref<1x128xi32, #tpu.memory_space<vmem>>
        %dma_start3A_170 = tpu.memref_squeeze %dma_start3A_169 : memref<1x128xi32, #tpu.memory_space<vmem>> -> memref<128xi32, #tpu.memory_space<vmem>>
        %dma_start3A_171 = arith.constant 0 : i32
        %dma_start3A_172 = arith.constant 0 : i32
        %dma_start3A_173 = tpu.memref_slice %arg13[%dma_start3A_171, %dma_start3A_172] : memref<10240x128xf32, #tpu.memory_space<vmem_shared>> -> memref<10240x128xf32, #tpu.memory_space<vmem_shared>>
        tpu.enqueue_indirect_dma source(%arg11 : memref<128x128xf32, #tpu.memory_space<vmem>>) target(%dma_start3A_173 : memref<10240x128xf32, #tpu.memory_space<vmem_shared>>) offsets(%dma_start3A_170 : memref<128xi32, #tpu.memory_space<vmem>>) semaphore(%run_scoped3A_163 : memref<!tpu.dma_semaphore, #tpu.memory_space<semaphore_mem>>) {add = true}
        %dma_wait3A_174 = arith.constant 0 : i32
        %dma_wait3A_175 = arith.constant 0 : i32
        %dma_wait3A_176 = tpu.memref_slice %arg9[%select_n3A_101, %dma_wait3A_174, %dma_wait3A_175] : memref<2x8x128xi32, #tpu.memory_space<vmem>> -> memref<1x8x128xi32, #tpu.memory_space<vmem>>
        %dma_wait3A_177 = tpu.memref_squeeze %dma_wait3A_176 : memref<1x8x128xi32, #tpu.memory_space<vmem>> -> memref<8x128xi32, #tpu.memory_space<vmem>>
        %dma_wait3A_178 = arith.constant 0 : i32
        %dma_wait3A_179 = tpu.memref_slice %dma_wait3A_177[%sub3A_104, %dma_wait3A_178] : memref<8x128xi32, #tpu.memory_space<vmem>> -> memref<1x128xi32, #tpu.memory_space<vmem>>
        %dma_wait3A_180 = tpu.memref_squeeze %dma_wait3A_179 : memref<1x128xi32, #tpu.memory_space<vmem>> -> memref<128xi32, #tpu.memory_space<vmem>>
        %dma_wait3A_181 = arith.constant 0 : i32
        %dma_wait3A_182 = arith.constant 0 : i32
        %dma_wait3A_183 = tpu.memref_slice %arg13[%dma_wait3A_181, %dma_wait3A_182] : memref<10240x128xf32, #tpu.memory_space<vmem_shared>> -> memref<10240x128xf32, #tpu.memory_space<vmem_shared>>
        tpu.wait_indirect_dma semaphore(%run_scoped3A_163 : memref<!tpu.dma_semaphore, #tpu.memory_space<semaphore_mem>>) src(%arg11 : memref<128x128xf32, #tpu.memory_space<vmem>>) dst(%dma_wait3A_183 : memref<10240x128xf32, #tpu.memory_space<vmem_shared>>)
        tpu.yield
      }) : () -> ()
      %add3A_134 = arith.constant 2 : i32
      %add3A_135 = arith.addi %mul3A_70, %add3A_134 : i32
      %lt3A_136 = arith.constant 88 : i32
      %lt3A_137 = arith.cmpi slt, %add3A_135, %lt3A_136 : i32
      %convert_element_type3A_138 = arith.extui %lt3A_137 : i1 to i32
      %cond3A_139 = arith.constant 0 : i32
      %cond3A_140 = arith.cmpi ne, %convert_element_type3A_138, %cond3A_139 : i32
      scf.if %cond3A_140 {
        %jit3A_163 = arith.constant 8 : i32
        %div3A_164 = arith.divsi %add3A_135, %jit3A_163 : i32
        %sign3A_165 = arith.constant 0 : i32
        %sign3A_166 = arith.cmpi sgt, %add3A_135, %sign3A_165 : i32
        %sign3A_167 = arith.extui %sign3A_166 : i1 to i32
        %sign3A_168 = arith.constant 0 : i32
        %sign3A_169 = arith.cmpi slt, %add3A_135, %sign3A_168 : i32
        %sign3A_170 = arith.extui %sign3A_169 : i1 to i32
        %sign3A_171 = arith.subi %sign3A_167, %sign3A_170 : i32
        %sign3A_172 = arith.constant 0 : i32
        %sign3A_173 = arith.cmpi sgt, %jit3A_163, %sign3A_172 : i32
        %sign3A_174 = arith.extui %sign3A_173 : i1 to i32
        %sign3A_175 = arith.constant 0 : i32
        %sign3A_176 = arith.cmpi slt, %jit3A_163, %sign3A_175 : i32
        %sign3A_177 = arith.extui %sign3A_176 : i1 to i32
        %sign3A_178 = arith.subi %sign3A_174, %sign3A_177 : i32
        %ne3A_179 = arith.cmpi ne, %sign3A_171, %sign3A_178 : i32
        %rem3A_180 = arith.remsi %add3A_135, %jit3A_163 : i32
        %ne3A_181 = arith.constant 0 : i32
        %ne3A_182 = arith.cmpi ne, %rem3A_180, %ne3A_181 : i32
        %and3A_183 = arith.andi %ne3A_179, %ne3A_182 : i1
        %sub3A_184 = arith.constant 1 : i32
        %sub3A_185 = arith.subi %div3A_164, %sub3A_184 : i32
        %select_n3A_186 = arith.select %and3A_183, %sub3A_185, %div3A_164 : i32
        %jit3A_187 = arith.constant 2 : i32
        %eq3A_188 = arith.constant 0 : i32
        %eq3A_189 = arith.cmpi eq, %jit3A_187, %eq3A_188 : i32
        %jit3A_190 = arith.constant 1 : i32
        %select_n3A_191 = arith.select %eq3A_189, %jit3A_190, %jit3A_187 : i32
        %rem3A_192 = arith.remsi %select_n3A_186, %select_n3A_191 : i32
        %ne3A_193 = arith.constant 0 : i32
        %ne3A_194 = arith.cmpi ne, %rem3A_192, %ne3A_193 : i32
        %lt3A_195 = arith.constant 0 : i32
        %lt3A_196 = arith.cmpi slt, %rem3A_192, %lt3A_195 : i32
        %lt3A_197 = arith.constant 0 : i32
        %lt3A_198 = arith.cmpi slt, %select_n3A_191, %lt3A_197 : i32
        %ne3A_199 = arith.xori %lt3A_196, %lt3A_198 : i1
        %and3A_200 = arith.andi %ne3A_199, %ne3A_194 : i1
        %add3A_201 = arith.addi %rem3A_192, %select_n3A_191 : i32
        %select_n3A_202 = arith.select %and3A_200, %add3A_201, %rem3A_192 : i32
        %mul3A_203 = arith.constant 8 : i32
        %mul3A_204 = arith.muli %mul3A_203, %select_n3A_186 : i32
        %sub3A_205 = arith.subi %add3A_135, %mul3A_204 : i32
        %dma_start3A_206 = arith.constant 0 : i32
        %dma_start3A_207 = arith.constant 0 : i32
        %dma_start3A_208 = tpu.memref_slice %arg8[%select_n3A_202, %dma_start3A_206, %dma_start3A_207] : memref<2x8x128xi32, #tpu.memory_space<vmem>> -> memref<1x8x128xi32, #tpu.memory_space<vmem>>
        %dma_start3A_209 = tpu.memref_squeeze %dma_start3A_208 : memref<1x8x128xi32, #tpu.memory_space<vmem>> -> memref<8x128xi32, #tpu.memory_space<vmem>>
        %dma_start3A_210 = arith.constant 0 : i32
        %dma_start3A_211 = tpu.memref_slice %dma_start3A_209[%sub3A_205, %dma_start3A_210] : memref<8x128xi32, #tpu.memory_space<vmem>> -> memref<1x128xi32, #tpu.memory_space<vmem>>
        %dma_start3A_212 = tpu.memref_squeeze %dma_start3A_211 : memref<1x128xi32, #tpu.memory_space<vmem>> -> memref<128xi32, #tpu.memory_space<vmem>>
        %dma_start3A_213 = arith.constant 0 : i32
        %dma_start3A_214 = arith.constant 0 : i32
        %dma_start3A_215 = tpu.memref_slice %arg2[%dma_start3A_213, %dma_start3A_214] : memref<10000x128xf32, #tpu.memory_space<hbm>> -> memref<10000x128xf32, #tpu.memory_space<hbm>>
        tpu.enqueue_indirect_dma source(%dma_start3A_215 : memref<10000x128xf32, #tpu.memory_space<hbm>>) target(%arg11 : memref<128x128xf32, #tpu.memory_space<vmem>>) offsets(%dma_start3A_212 : memref<128xi32, #tpu.memory_space<vmem>>) semaphore(%arg14 : memref<!tpu.dma_semaphore, #tpu.memory_space<semaphore_mem>>)
      } else {
      }
      %add3A_141 = arith.constant 1 : i32
      %add3A_142 = arith.addi %mul3A_70, %add3A_141 : i32
      %add3A_143 = arith.constant 1 : i32
      %add3A_144 = arith.addi %sub3A_104, %add3A_143 : i32
      %dma_wait3A_145 = arith.constant 0 : i32
      %dma_wait3A_146 = arith.constant 0 : i32
      %dma_wait3A_147 = tpu.memref_slice %arg2[%dma_wait3A_145, %dma_wait3A_146] : memref<10000x128xf32, #tpu.memory_space<hbm>> -> memref<128x128xf32, #tpu.memory_space<hbm>>
      %dma_wait3A_148 = arith.constant 0 : i32
      %dma_wait3A_149 = arith.constant 0 : i32
      %dma_wait3A_150 = tpu.memref_slice %arg2[%dma_wait3A_148, %dma_wait3A_149] : memref<10000x128xf32, #tpu.memory_space<hbm>> -> memref<128x128xf32, #tpu.memory_space<hbm>>
      tpu.wait_dma2 semaphore(%arg15 : memref<!tpu.dma_semaphore, #tpu.memory_space<semaphore_mem>>) src(%dma_wait3A_150 : memref<128x128xf32, #tpu.memory_space<hbm>>) dst(%arg12 : memref<128x128xf32, #tpu.memory_space<vmem>>)
      %broadcast_in_dim3A_151 = vector.broadcast %add3A_144 : i32 to vector<16xi32>
      %broadcast_in_dim3A_152 = vector.broadcast %select_n3A_101 : i32 to vector<16xi32>
      %parallel_loop3A_153 = arith.constant 0 : i32
      %parallel_loop3A_154 = arith.constant 128 : i32
      %parallel_loop3A_155 = arith.constant 1 : i32
      scf.for %parallel_loop3A_163 = %parallel_loop3A_153 to %parallel_loop3A_154 step %parallel_loop3A_155  : i32 {
        %parallel_loop3A_164 = vector.broadcast %parallel_loop3A_163 : i32 to vector<16xi32>
        %parallel_loop3A_165 = tpu.vector_load_idx %arg10[%broadcast_in_dim3A_152, %broadcast_in_dim3A_151, %parallel_loop3A_164] : memref<2x8x128xf32, #tpu.memory_space<vmem>>[vector<16xi32>, vector<16xi32>, vector<16xi32>], vector<16xf32>,
        %parallel_loop3A_166 = arith.constant 0 : i32
        %parallel_loop3A_167 = vector.broadcast %parallel_loop3A_166 : i32 to vector<16xi32>
        %parallel_loop3A_168 = arith.addi %iota3A, %parallel_loop3A_167 : vector<16xi32>
        %parallel_loop3A_169 = tpu.vector_load_idx %arg12[%parallel_loop3A_164, %parallel_loop3A_168] : memref<128x128xf32, #tpu.memory_space<vmem>>[vector<16xi32>, vector<16xi32>], vector<16xf32>,
        %parallel_loop3A_170 = arith.mulf %parallel_loop3A_169, %parallel_loop3A_165 : vector<16xf32>
        tpu.vector_store_idx %arg12[%parallel_loop3A_164, %parallel_loop3A_168], %parallel_loop3A_170 : memref<128x128xf32, #tpu.memory_space<vmem>>[vector<16xi32>, vector<16xi32>], vector<16xf32>,
        %parallel_loop3A_171 = arith.constant 16 : i32
        %parallel_loop3A_172 = vector.broadcast %parallel_loop3A_171 : i32 to vector<16xi32>
        %parallel_loop3A_173 = arith.addi %iota3A, %parallel_loop3A_172 : vector<16xi32>
        %parallel_loop3A_174 = tpu.vector_load_idx %arg12[%parallel_loop3A_164, %parallel_loop3A_173] : memref<128x128xf32, #tpu.memory_space<vmem>>[vector<16xi32>, vector<16xi32>], vector<16xf32>,
        %parallel_loop3A_175 = arith.mulf %parallel_loop3A_174, %parallel_loop3A_165 : vector<16xf32>
        tpu.vector_store_idx %arg12[%parallel_loop3A_164, %parallel_loop3A_173], %parallel_loop3A_175 : memref<128x128xf32, #tpu.memory_space<vmem>>[vector<16xi32>, vector<16xi32>], vector<16xf32>,
        %parallel_loop3A_176 = arith.constant 32 : i32
        %parallel_loop3A_177 = vector.broadcast %parallel_loop3A_176 : i32 to vector<16xi32>
        %parallel_loop3A_178 = arith.addi %iota3A, %parallel_loop3A_177 : vector<16xi32>
        %parallel_loop3A_179 = tpu.vector_load_idx %arg12[%parallel_loop3A_164, %parallel_loop3A_178] : memref<128x128xf32, #tpu.memory_space<vmem>>[vector<16xi32>, vector<16xi32>], vector<16xf32>,
        %parallel_loop3A_180 = arith.mulf %parallel_loop3A_179, %parallel_loop3A_165 : vector<16xf32>
        tpu.vector_store_idx %arg12[%parallel_loop3A_164, %parallel_loop3A_178], %parallel_loop3A_180 : memref<128x128xf32, #tpu.memory_space<vmem>>[vector<16xi32>, vector<16xi32>], vector<16xf32>,
        %parallel_loop3A_181 = arith.constant 48 : i32
        %parallel_loop3A_182 = vector.broadcast %parallel_loop3A_181 : i32 to vector<16xi32>
        %parallel_loop3A_183 = arith.addi %iota3A, %parallel_loop3A_182 : vector<16xi32>
        %parallel_loop3A_184 = tpu.vector_load_idx %arg12[%parallel_loop3A_164, %parallel_loop3A_183] : memref<128x128xf32, #tpu.memory_space<vmem>>[vector<16xi32>, vector<16xi32>], vector<16xf32>,
        %parallel_loop3A_185 = arith.mulf %parallel_loop3A_184, %parallel_loop3A_165 : vector<16xf32>
        tpu.vector_store_idx %arg12[%parallel_loop3A_164, %parallel_loop3A_183], %parallel_loop3A_185 : memref<128x128xf32, #tpu.memory_space<vmem>>[vector<16xi32>, vector<16xi32>], vector<16xf32>,
        %parallel_loop3A_186 = arith.constant 64 : i32
        %parallel_loop3A_187 = vector.broadcast %parallel_loop3A_186 : i32 to vector<16xi32>
        %parallel_loop3A_188 = arith.addi %iota3A, %parallel_loop3A_187 : vector<16xi32>
        %parallel_loop3A_189 = tpu.vector_load_idx %arg12[%parallel_loop3A_164, %parallel_loop3A_188] : memref<128x128xf32, #tpu.memory_space<vmem>>[vector<16xi32>, vector<16xi32>], vector<16xf32>,
        %parallel_loop3A_190 = arith.mulf %parallel_loop3A_189, %parallel_loop3A_165 : vector<16xf32>
        tpu.vector_store_idx %arg12[%parallel_loop3A_164, %parallel_loop3A_188], %parallel_loop3A_190 : memref<128x128xf32, #tpu.memory_space<vmem>>[vector<16xi32>, vector<16xi32>], vector<16xf32>,
        %parallel_loop3A_191 = arith.constant 80 : i32
        %parallel_loop3A_192 = vector.broadcast %parallel_loop3A_191 : i32 to vector<16xi32>
        %parallel_loop3A_193 = arith.addi %iota3A, %parallel_loop3A_192 : vector<16xi32>
        %parallel_loop3A_194 = tpu.vector_load_idx %arg12[%parallel_loop3A_164, %parallel_loop3A_193] : memref<128x128xf32, #tpu.memory_space<vmem>>[vector<16xi32>, vector<16xi32>], vector<16xf32>,
        %parallel_loop3A_195 = arith.mulf %parallel_loop3A_194, %parallel_loop3A_165 : vector<16xf32>
        tpu.vector_store_idx %arg12[%parallel_loop3A_164, %parallel_loop3A_193], %parallel_loop3A_195 : memref<128x128xf32, #tpu.memory_space<vmem>>[vector<16xi32>, vector<16xi32>], vector<16xf32>,
        %parallel_loop3A_196 = arith.constant 96 : i32
        %parallel_loop3A_197 = vector.broadcast %parallel_loop3A_196 : i32 to vector<16xi32>
        %parallel_loop3A_198 = arith.addi %iota3A, %parallel_loop3A_197 : vector<16xi32>
        %parallel_loop3A_199 = tpu.vector_load_idx %arg12[%parallel_loop3A_164, %parallel_loop3A_198] : memref<128x128xf32, #tpu.memory_space<vmem>>[vector<16xi32>, vector<16xi32>], vector<16xf32>,
        %parallel_loop3A_200 = arith.mulf %parallel_loop3A_199, %parallel_loop3A_165 : vector<16xf32>
        tpu.vector_store_idx %arg12[%parallel_loop3A_164, %parallel_loop3A_198], %parallel_loop3A_200 : memref<128x128xf32, #tpu.memory_space<vmem>>[vector<16xi32>, vector<16xi32>], vector<16xf32>,
        %parallel_loop3A_201 = arith.constant 112 : i32
        %parallel_loop3A_202 = vector.broadcast %parallel_loop3A_201 : i32 to vector<16xi32>
        %parallel_loop3A_203 = arith.addi %iota3A, %parallel_loop3A_202 : vector<16xi32>
        %parallel_loop3A_204 = tpu.vector_load_idx %arg12[%parallel_loop3A_164, %parallel_loop3A_203] : memref<128x128xf32, #tpu.memory_space<vmem>>[vector<16xi32>, vector<16xi32>], vector<16xf32>,
        %parallel_loop3A_205 = arith.mulf %parallel_loop3A_204, %parallel_loop3A_165 : vector<16xf32>
        tpu.vector_store_idx %arg12[%parallel_loop3A_164, %parallel_loop3A_203], %parallel_loop3A_205 : memref<128x128xf32, #tpu.memory_space<vmem>>[vector<16xi32>, vector<16xi32>], vector<16xf32>,
      } {sc.loop_unroll_factor = 4 : i64, sc.parallel_access}
      "tpu.region"() ({
        %run_scoped3A_163 = tpu.sem_alloc : memref<!tpu.dma_semaphore, #tpu.memory_space<semaphore_mem>>
        %dma_start3A_164 = arith.constant 0 : i32
        %dma_start3A_165 = arith.constant 0 : i32
        %dma_start3A_166 = tpu.memref_slice %arg9[%select_n3A_101, %dma_start3A_164, %dma_start3A_165] : memref<2x8x128xi32, #tpu.memory_space<vmem>> -> memref<1x8x128xi32, #tpu.memory_space<vmem>>
        %dma_start3A_167 = tpu.memref_squeeze %dma_start3A_166 : memref<1x8x128xi32, #tpu.memory_space<vmem>> -> memref<8x128xi32, #tpu.memory_space<vmem>>
        %dma_start3A_168 = arith.constant 0 : i32
        %dma_start3A_169 = tpu.memref_slice %dma_start3A_167[%add3A_144, %dma_start3A_168] : memref<8x128xi32, #tpu.memory_space<vmem>> -> memref<1x128xi32, #tpu.memory_space<vmem>>
        %dma_start3A_170 = tpu.memref_squeeze %dma_start3A_169 : memref<1x128xi32, #tpu.memory_space<vmem>> -> memref<128xi32, #tpu.memory_space<vmem>>
        %dma_start3A_171 = arith.constant 0 : i32
        %dma_start3A_172 = arith.constant 0 : i32
        %dma_start3A_173 = tpu.memref_slice %arg13[%dma_start3A_171, %dma_start3A_172] : memref<10240x128xf32, #tpu.memory_space<vmem_shared>> -> memref<10240x128xf32, #tpu.memory_space<vmem_shared>>
        tpu.enqueue_indirect_dma source(%arg12 : memref<128x128xf32, #tpu.memory_space<vmem>>) target(%dma_start3A_173 : memref<10240x128xf32, #tpu.memory_space<vmem_shared>>) offsets(%dma_start3A_170 : memref<128xi32, #tpu.memory_space<vmem>>) semaphore(%run_scoped3A_163 : memref<!tpu.dma_semaphore, #tpu.memory_space<semaphore_mem>>) {add = true}
        %dma_wait3A_174 = arith.constant 0 : i32
        %dma_wait3A_175 = arith.constant 0 : i32
        %dma_wait3A_176 = tpu.memref_slice %arg9[%select_n3A_101, %dma_wait3A_174, %dma_wait3A_175] : memref<2x8x128xi32, #tpu.memory_space<vmem>> -> memref<1x8x128xi32, #tpu.memory_space<vmem>>
        %dma_wait3A_177 = tpu.memref_squeeze %dma_wait3A_176 : memref<1x8x128xi32, #tpu.memory_space<vmem>> -> memref<8x128xi32, #tpu.memory_space<vmem>>
        %dma_wait3A_178 = arith.constant 0 : i32
        %dma_wait3A_179 = tpu.memref_slice %dma_wait3A_177[%add3A_144, %dma_wait3A_178] : memref<8x128xi32, #tpu.memory_space<vmem>> -> memref<1x128xi32, #tpu.memory_space<vmem>>
        %dma_wait3A_180 = tpu.memref_squeeze %dma_wait3A_179 : memref<1x128xi32, #tpu.memory_space<vmem>> -> memref<128xi32, #tpu.memory_space<vmem>>
        %dma_wait3A_181 = arith.constant 0 : i32
        %dma_wait3A_182 = arith.constant 0 : i32
        %dma_wait3A_183 = tpu.memref_slice %arg13[%dma_wait3A_181, %dma_wait3A_182] : memref<10240x128xf32, #tpu.memory_space<vmem_shared>> -> memref<10240x128xf32, #tpu.memory_space<vmem_shared>>
        tpu.wait_indirect_dma semaphore(%run_scoped3A_163 : memref<!tpu.dma_semaphore, #tpu.memory_space<semaphore_mem>>) src(%arg12 : memref<128x128xf32, #tpu.memory_space<vmem>>) dst(%dma_wait3A_183 : memref<10240x128xf32, #tpu.memory_space<vmem_shared>>)
        tpu.yield
      }) : () -> ()
      %add3A_156 = arith.constant 2 : i32
      %add3A_157 = arith.addi %add3A_142, %add3A_156 : i32
      %lt3A_158 = arith.constant 88 : i32
      %lt3A_159 = arith.cmpi slt, %add3A_157, %lt3A_158 : i32
      %convert_element_type3A_160 = arith.extui %lt3A_159 : i1 to i32
      %cond3A_161 = arith.constant 0 : i32
      %cond3A_162 = arith.cmpi ne, %convert_element_type3A_160, %cond3A_161 : i32
      scf.if %cond3A_162 {
        %jit3A_163 = arith.constant 8 : i32
        %div3A_164 = arith.divsi %add3A_157, %jit3A_163 : i32
        %sign3A_165 = arith.constant 0 : i32
        %sign3A_166 = arith.cmpi sgt, %add3A_157, %sign3A_165 : i32
        %sign3A_167 = arith.extui %sign3A_166 : i1 to i32
        %sign3A_168 = arith.constant 0 : i32
        %sign3A_169 = arith.cmpi slt, %add3A_157, %sign3A_168 : i32
        %sign3A_170 = arith.extui %sign3A_169 : i1 to i32
        %sign3A_171 = arith.subi %sign3A_167, %sign3A_170 : i32
        %sign3A_172 = arith.constant 0 : i32
        %sign3A_173 = arith.cmpi sgt, %jit3A_163, %sign3A_172 : i32
        %sign3A_174 = arith.extui %sign3A_173 : i1 to i32
        %sign3A_175 = arith.constant 0 : i32
        %sign3A_176 = arith.cmpi slt, %jit3A_163, %sign3A_175 : i32
        %sign3A_177 = arith.extui %sign3A_176 : i1 to i32
        %sign3A_178 = arith.subi %sign3A_174, %sign3A_177 : i32
        %ne3A_179 = arith.cmpi ne, %sign3A_171, %sign3A_178 : i32
        %rem3A_180 = arith.remsi %add3A_157, %jit3A_163 : i32
        %ne3A_181 = arith.constant 0 : i32
        %ne3A_182 = arith.cmpi ne, %rem3A_180, %ne3A_181 : i32
        %and3A_183 = arith.andi %ne3A_179, %ne3A_182 : i1
        %sub3A_184 = arith.constant 1 : i32
        %sub3A_185 = arith.subi %div3A_164, %sub3A_184 : i32
        %select_n3A_186 = arith.select %and3A_183, %sub3A_185, %div3A_164 : i32
        %jit3A_187 = arith.constant 2 : i32
        %eq3A_188 = arith.constant 0 : i32
        %eq3A_189 = arith.cmpi eq, %jit3A_187, %eq3A_188 : i32
        %jit3A_190 = arith.constant 1 : i32
        %select_n3A_191 = arith.select %eq3A_189, %jit3A_190, %jit3A_187 : i32
        %rem3A_192 = arith.remsi %select_n3A_186, %select_n3A_191 : i32
        %ne3A_193 = arith.constant 0 : i32
        %ne3A_194 = arith.cmpi ne, %rem3A_192, %ne3A_193 : i32
        %lt3A_195 = arith.constant 0 : i32
        %lt3A_196 = arith.cmpi slt, %rem3A_192, %lt3A_195 : i32
        %lt3A_197 = arith.constant 0 : i32
        %lt3A_198 = arith.cmpi slt, %select_n3A_191, %lt3A_197 : i32
        %ne3A_199 = arith.xori %lt3A_196, %lt3A_198 : i1
        %and3A_200 = arith.andi %ne3A_199, %ne3A_194 : i1
        %add3A_201 = arith.addi %rem3A_192, %select_n3A_191 : i32
        %select_n3A_202 = arith.select %and3A_200, %add3A_201, %rem3A_192 : i32
        %mul3A_203 = arith.constant 8 : i32
        %mul3A_204 = arith.muli %mul3A_203, %select_n3A_186 : i32
        %sub3A_205 = arith.subi %add3A_157, %mul3A_204 : i32
        %dma_start3A_206 = arith.constant 0 : i32
        %dma_start3A_207 = arith.constant 0 : i32
        %dma_start3A_208 = tpu.memref_slice %arg8[%select_n3A_202, %dma_start3A_206, %dma_start3A_207] : memref<2x8x128xi32, #tpu.memory_space<vmem>> -> memref<1x8x128xi32, #tpu.memory_space<vmem>>
        %dma_start3A_209 = tpu.memref_squeeze %dma_start3A_208 : memref<1x8x128xi32, #tpu.memory_space<vmem>> -> memref<8x128xi32, #tpu.memory_space<vmem>>
        %dma_start3A_210 = arith.constant 0 : i32
        %dma_start3A_211 = tpu.memref_slice %dma_start3A_209[%sub3A_205, %dma_start3A_210] : memref<8x128xi32, #tpu.memory_space<vmem>> -> memref<1x128xi32, #tpu.memory_space<vmem>>
        %dma_start3A_212 = tpu.memref_squeeze %dma_start3A_211 : memref<1x128xi32, #tpu.memory_space<vmem>> -> memref<128xi32, #tpu.memory_space<vmem>>
        %dma_start3A_213 = arith.constant 0 : i32
        %dma_start3A_214 = arith.constant 0 : i32
        %dma_start3A_215 = tpu.memref_slice %arg2[%dma_start3A_213, %dma_start3A_214] : memref<10000x128xf32, #tpu.memory_space<hbm>> -> memref<10000x128xf32, #tpu.memory_space<hbm>>
        tpu.enqueue_indirect_dma source(%dma_start3A_215 : memref<10000x128xf32, #tpu.memory_space<hbm>>) target(%arg12 : memref<128x128xf32, #tpu.memory_space<vmem>>) offsets(%dma_start3A_212 : memref<128xi32, #tpu.memory_space<vmem>>) semaphore(%arg15 : memref<!tpu.dma_semaphore, #tpu.memory_space<semaphore_mem>>)
      } else {
      }
    }
    %scan3A_59 = arith.constant 44 : i32
    %barrier3A_60 = arith.constant 0 : index
    tpu.barrier barrier_id(%barrier3A_60)
    %eq3A = arith.constant 0 : i32
    %eq3A_61 = arith.cmpi eq, %arg0, %eq3A : i32
    %convert_element_type3A = arith.extui %eq3A_61 : i1 to i32
    %cond3A = arith.constant 0 : i32
    %cond3A_62 = arith.cmpi ne, %convert_element_type3A, %cond3A : i32
    scf.if %cond3A_62 {
      %mul3A_68 = arith.constant 640 : i32
      %mul3A_69 = arith.muli %mul3A_68, %arg1 : i32
      %mul3A_70 = arith.constant 640 : i32
      %mul3A_71 = arith.muli %mul3A_70, %arg1 : i32
      "tpu.region"() ({
        %run_scoped3A_72 = tpu.sem_alloc : memref<!tpu.dma_semaphore, #tpu.memory_space<semaphore_mem>>
        %dma_start3A_73 = arith.constant 0 : i32
        %dma_start3A_74 = tpu.memref_slice %arg6[%mul3A_71, %dma_start3A_73] : memref<10240x128xf32, #tpu.memory_space<hbm>> -> memref<640x128xf32, #tpu.memory_space<hbm>>
        %dma_start3A_75 = arith.constant 0 : i32
        %dma_start3A_76 = tpu.memref_slice %arg13[%mul3A_69, %dma_start3A_75] : memref<10240x128xf32, #tpu.memory_space<vmem_shared>> -> memref<640x128xf32, #tpu.memory_space<vmem_shared>>
        tpu.enqueue_dma source(%dma_start3A_76 : memref<640x128xf32, #tpu.memory_space<vmem_shared>>) target(%dma_start3A_74 : memref<640x128xf32, #tpu.memory_space<hbm>>) target_semaphore(%run_scoped3A_72 : memref<!tpu.dma_semaphore, #tpu.memory_space<semaphore_mem>>)
        %dma_wait3A = arith.constant 0 : i32
        %dma_wait3A_77 = tpu.memref_slice %arg6[%mul3A_71, %dma_wait3A] : memref<10240x128xf32, #tpu.memory_space<hbm>> -> memref<640x128xf32, #tpu.memory_space<hbm>>
        %dma_wait3A_78 = arith.constant 0 : i32
        %dma_wait3A_79 = tpu.memref_slice %arg13[%mul3A_69, %dma_wait3A_78] : memref<10240x128xf32, #tpu.memory_space<vmem_shared>> -> memref<640x128xf32, #tpu.memory_space<vmem_shared>>
        tpu.wait_dma2 semaphore(%run_scoped3A_72 : memref<!tpu.dma_semaphore, #tpu.memory_space<semaphore_mem>>) src(%dma_wait3A_79 : memref<640x128xf32, #tpu.memory_space<vmem_shared>>) dst(%dma_wait3A_77 : memref<640x128xf32, #tpu.memory_space<hbm>>)
        tpu.yield
      }) : () -> ()
    } else {
    }
    %eq3A_63 = arith.constant 1 : i32
    %eq3A_64 = arith.cmpi eq, %arg0, %eq3A_63 : i32
    %convert_element_type3A_65 = arith.extui %eq3A_64 : i1 to i32
    %cond3A_66 = arith.constant 0 : i32
    %cond3A_67 = arith.cmpi ne, %convert_element_type3A_65, %cond3A_66 : i32
    scf.if %cond3A_67 {
      %mul3A_68 = arith.constant 640 : i32
      %mul3A_69 = arith.muli %mul3A_68, %arg1 : i32
      %mul3A_70 = arith.constant 640 : i32
      %mul3A_71 = arith.muli %mul3A_70, %arg1 : i32
      "tpu.region"() ({
        %run_scoped3A_72 = tpu.sem_alloc : memref<!tpu.dma_semaphore, #tpu.memory_space<semaphore_mem>>
        %dma_start3A_73 = arith.constant 0 : i32
        %dma_start3A_74 = tpu.memref_slice %arg7[%mul3A_71, %dma_start3A_73] : memref<10240x128xf32, #tpu.memory_space<hbm>> -> memref<640x128xf32, #tpu.memory_space<hbm>>
        %dma_start3A_75 = arith.constant 0 : i32
        %dma_start3A_76 = tpu.memref_slice %arg13[%mul3A_69, %dma_start3A_75] : memref<10240x128xf32, #tpu.memory_space<vmem_shared>> -> memref<640x128xf32, #tpu.memory_space<vmem_shared>>
        tpu.enqueue_dma source(%dma_start3A_76 : memref<640x128xf32, #tpu.memory_space<vmem_shared>>) target(%dma_start3A_74 : memref<640x128xf32, #tpu.memory_space<hbm>>) target_semaphore(%run_scoped3A_72 : memref<!tpu.dma_semaphore, #tpu.memory_space<semaphore_mem>>)
        %dma_wait3A = arith.constant 0 : i32
        %dma_wait3A_77 = tpu.memref_slice %arg7[%mul3A_71, %dma_wait3A] : memref<10240x128xf32, #tpu.memory_space<hbm>> -> memref<640x128xf32, #tpu.memory_space<hbm>>
        %dma_wait3A_78 = arith.constant 0 : i32
        %dma_wait3A_79 = tpu.memref_slice %arg13[%mul3A_69, %dma_wait3A_78] : memref<10240x128xf32, #tpu.memory_space<vmem_shared>> -> memref<640x128xf32, #tpu.memory_space<vmem_shared>>
        tpu.wait_dma2 semaphore(%run_scoped3A_72 : memref<!tpu.dma_semaphore, #tpu.memory_space<semaphore_mem>>) src(%dma_wait3A_79 : memref<640x128xf32, #tpu.memory_space<vmem_shared>>) dst(%dma_wait3A_77 : memref<640x128xf32, #tpu.memory_space<hbm>>)
        tpu.yield
      }) : () -> ()
    } else {
    }
    return
  }
}

#map = affine_map<(d0, d1) -> (0, 0)>
module attributes {stable_mosaic.version = 14 : i64} {
  func.func @_msg_body(%arg0: i32, %arg1: i32, %arg2: memref<10000x128xf32, #tpu.memory_space<hbm>>, %arg3: memref<2816x128xi32, #tpu.memory_space<hbm>>, %arg4: memref<2816x128xi32, #tpu.memory_space<hbm>>, %arg5: memref<2816x128xf32, #tpu.memory_space<hbm>>, %arg6: memref<10240x128xf32, #tpu.memory_space<hbm>>, %arg7: memref<10240x128xf32, #tpu.memory_space<hbm>>, %arg8: memref<2x8x128xi32, #tpu.memory_space<vmem>>, %arg9: memref<2x8x128xi32, #tpu.memory_space<vmem>>, %arg10: memref<2x8x128xf32, #tpu.memory_space<vmem>>, %arg11: memref<128x128xf32, #tpu.memory_space<vmem>>, %arg12: memref<128x128xf32, #tpu.memory_space<vmem>>, %arg13: memref<10240x128xf32, #tpu.memory_space<vmem_shared>>, %arg14: memref<!tpu.dma_semaphore, #tpu.memory_space<semaphore_mem>>, %arg15: memref<!tpu.dma_semaphore, #tpu.memory_space<semaphore_mem>>, %arg16: memref<!tpu.dma_semaphore, #tpu.memory_space<semaphore_mem>>) attributes {dimension_semantics = [#tpu.dimension_semantics<core_parallel>, #tpu.dimension_semantics<subcore_parallel>], iteration_bounds = array<i64: 2, 16>, scalar_prefetch = 0 : i64, scratch_operands = 9 : i64, tpu.core_type = #tpu.core_type<sc_vector_subcore>, window_params = [{transform_indices = #map}, {transform_indices = #map}, {transform_indices = #map}, {transform_indices = #map}, {transform_indices = #map}, {transform_indices = #map}]} {
    %mul3A = arith.constant 2 : i32
    %mul3A_0 = arith.muli %mul3A, %arg1 : i32
    %add3A = arith.addi %mul3A_0, %arg0 : i32
    %mul3A_1 = arith.constant 88 : i32
    %mul3A_2 = arith.muli %mul3A_1, %add3A : i32
    %broadcast_in_dim3A = arith.constant 0.000000e+00 : f32
    %broadcast_in_dim3A_3 = vector.broadcast %broadcast_in_dim3A : f32 to vector<16xf32>
    %scan3A = arith.constant 0 : i32
    %scan3A_4 = arith.constant 0 : i32
    %scan3A_5 = arith.constant 128 : i32
    %scan3A_6 = arith.addi %scan3A_4, %scan3A_5 : i32
    %scan3A_7 = arith.constant 1 : i32
    scf.for %scan3A_68 = %scan3A_4 to %scan3A_6 step %scan3A_7  : i32 {
      %swap3A = arith.index_cast %scan3A_68 : i32 to index
      %swap3A_69 = arith.constant 0 : index
      %swap3A_70 = tpu.vector_load %arg11[%swap3A, %swap3A_69] {strides = array<i32>} : memref<128x128xf32, #tpu.memory_space<vmem>>, vector<16xf32>,
      tpu.vector_store %arg11[%swap3A, %swap3A_69], %broadcast_in_dim3A_3 {strides = array<i32>} : memref<128x128xf32, #tpu.memory_space<vmem>>, vector<16xf32>,
      %swap3A_71 = arith.index_cast %scan3A_68 : i32 to index
      %swap3A_72 = arith.constant 16 : index
      %swap3A_73 = tpu.vector_load %arg11[%swap3A_71, %swap3A_72] {strides = array<i32>} : memref<128x128xf32, #tpu.memory_space<vmem>>, vector<16xf32>,
      tpu.vector_store %arg11[%swap3A_71, %swap3A_72], %broadcast_in_dim3A_3 {strides = array<i32>} : memref<128x128xf32, #tpu.memory_space<vmem>>, vector<16xf32>,
      %swap3A_74 = arith.index_cast %scan3A_68 : i32 to index
      %swap3A_75 = arith.constant 32 : index
      %swap3A_76 = tpu.vector_load %arg11[%swap3A_74, %swap3A_75] {strides = array<i32>} : memref<128x128xf32, #tpu.memory_space<vmem>>, vector<16xf32>,
      tpu.vector_store %arg11[%swap3A_74, %swap3A_75], %broadcast_in_dim3A_3 {strides = array<i32>} : memref<128x128xf32, #tpu.memory_space<vmem>>, vector<16xf32>,
      %swap3A_77 = arith.index_cast %scan3A_68 : i32 to index
      %swap3A_78 = arith.constant 48 : index
      %swap3A_79 = tpu.vector_load %arg11[%swap3A_77, %swap3A_78] {strides = array<i32>} : memref<128x128xf32, #tpu.memory_space<vmem>>, vector<16xf32>,
      tpu.vector_store %arg11[%swap3A_77, %swap3A_78], %broadcast_in_dim3A_3 {strides = array<i32>} : memref<128x128xf32, #tpu.memory_space<vmem>>, vector<16xf32>,
      %swap3A_80 = arith.index_cast %scan3A_68 : i32 to index
      %swap3A_81 = arith.constant 64 : index
      %swap3A_82 = tpu.vector_load %arg11[%swap3A_80, %swap3A_81] {strides = array<i32>} : memref<128x128xf32, #tpu.memory_space<vmem>>, vector<16xf32>,
      tpu.vector_store %arg11[%swap3A_80, %swap3A_81], %broadcast_in_dim3A_3 {strides = array<i32>} : memref<128x128xf32, #tpu.memory_space<vmem>>, vector<16xf32>,
      %swap3A_83 = arith.index_cast %scan3A_68 : i32 to index
      %swap3A_84 = arith.constant 80 : index
      %swap3A_85 = tpu.vector_load %arg11[%swap3A_83, %swap3A_84] {strides = array<i32>} : memref<128x128xf32, #tpu.memory_space<vmem>>, vector<16xf32>,
      tpu.vector_store %arg11[%swap3A_83, %swap3A_84], %broadcast_in_dim3A_3 {strides = array<i32>} : memref<128x128xf32, #tpu.memory_space<vmem>>, vector<16xf32>,
      %swap3A_86 = arith.index_cast %scan3A_68 : i32 to index
      %swap3A_87 = arith.constant 96 : index
      %swap3A_88 = tpu.vector_load %arg11[%swap3A_86, %swap3A_87] {strides = array<i32>} : memref<128x128xf32, #tpu.memory_space<vmem>>, vector<16xf32>,
      tpu.vector_store %arg11[%swap3A_86, %swap3A_87], %broadcast_in_dim3A_3 {strides = array<i32>} : memref<128x128xf32, #tpu.memory_space<vmem>>, vector<16xf32>,
      %swap3A_89 = arith.index_cast %scan3A_68 : i32 to index
      %swap3A_90 = arith.constant 112 : index
      %swap3A_91 = tpu.vector_load %arg11[%swap3A_89, %swap3A_90] {strides = array<i32>} : memref<128x128xf32, #tpu.memory_space<vmem>>, vector<16xf32>,
      tpu.vector_store %arg11[%swap3A_89, %swap3A_90], %broadcast_in_dim3A_3 {strides = array<i32>} : memref<128x128xf32, #tpu.memory_space<vmem>>, vector<16xf32>,
    }
    %scan3A_8 = arith.constant 128 : i32
    %mul3A_9 = arith.constant 640 : i32
    %mul3A_10 = arith.muli %mul3A_9, %arg1 : i32
    %add3A_11 = arith.constant 0 : i32
    %add3A_12 = arith.addi %mul3A_10, %add3A_11 : i32
    "tpu.region"() ({
      %run_scoped3A_68 = tpu.sem_alloc : memref<!tpu.dma_semaphore, #tpu.memory_space<semaphore_mem>>
      %dma_start3A_69 = arith.constant 0 : i32
      %dma_start3A_70 = tpu.memref_slice %arg13[%add3A_12, %dma_start3A_69] : memref<10240x128xf32, #tpu.memory_space<vmem_shared>> -> memref<128x128xf32, #tpu.memory_space<vmem_shared>>
      %dma_start3A_71 = arith.constant 0 : i32
      %dma_start3A_72 = tpu.memref_slice %arg13[%add3A_12, %dma_start3A_71] : memref<10240x128xf32, #tpu.memory_space<vmem_shared>> -> memref<128x128xf32, #tpu.memory_space<vmem_shared>>
      tpu.enqueue_dma source(%arg11 : memref<128x128xf32, #tpu.memory_space<vmem>>) target(%dma_start3A_72 : memref<128x128xf32, #tpu.memory_space<vmem_shared>>) target_semaphore(%run_scoped3A_68 : memref<!tpu.dma_semaphore, #tpu.memory_space<semaphore_mem>>)
      %dma_wait3A = arith.constant 0 : i32
      %dma_wait3A_73 = tpu.memref_slice %arg13[%add3A_12, %dma_wait3A] : memref<10240x128xf32, #tpu.memory_space<vmem_shared>> -> memref<128x128xf32, #tpu.memory_space<vmem_shared>>
      %dma_wait3A_74 = arith.constant 0 : i32
      %dma_wait3A_75 = tpu.memref_slice %arg13[%add3A_12, %dma_wait3A_74] : memref<10240x128xf32, #tpu.memory_space<vmem_shared>> -> memref<128x128xf32, #tpu.memory_space<vmem_shared>>
      tpu.wait_dma2 semaphore(%run_scoped3A_68 : memref<!tpu.dma_semaphore, #tpu.memory_space<semaphore_mem>>) src(%arg11 : memref<128x128xf32, #tpu.memory_space<vmem>>) dst(%dma_wait3A_75 : memref<128x128xf32, #tpu.memory_space<vmem_shared>>)
      tpu.yield
    }) : () -> ()
    %mul3A_13 = arith.constant 640 : i32
    %mul3A_14 = arith.muli %mul3A_13, %arg1 : i32
    %add3A_15 = arith.constant 128 : i32
    %add3A_16 = arith.addi %mul3A_14, %add3A_15 : i32
    "tpu.region"() ({
      %run_scoped3A_68 = tpu.sem_alloc : memref<!tpu.dma_semaphore, #tpu.memory_space<semaphore_mem>>
      %dma_start3A_69 = arith.constant 0 : i32
      %dma_start3A_70 = tpu.memref_slice %arg13[%add3A_16, %dma_start3A_69] : memref<10240x128xf32, #tpu.memory_space<vmem_shared>> -> memref<128x128xf32, #tpu.memory_space<vmem_shared>>
      %dma_start3A_71 = arith.constant 0 : i32
      %dma_start3A_72 = tpu.memref_slice %arg13[%add3A_16, %dma_start3A_71] : memref<10240x128xf32, #tpu.memory_space<vmem_shared>> -> memref<128x128xf32, #tpu.memory_space<vmem_shared>>
      tpu.enqueue_dma source(%arg11 : memref<128x128xf32, #tpu.memory_space<vmem>>) target(%dma_start3A_72 : memref<128x128xf32, #tpu.memory_space<vmem_shared>>) target_semaphore(%run_scoped3A_68 : memref<!tpu.dma_semaphore, #tpu.memory_space<semaphore_mem>>)
      %dma_wait3A = arith.constant 0 : i32
      %dma_wait3A_73 = tpu.memref_slice %arg13[%add3A_16, %dma_wait3A] : memref<10240x128xf32, #tpu.memory_space<vmem_shared>> -> memref<128x128xf32, #tpu.memory_space<vmem_shared>>
      %dma_wait3A_74 = arith.constant 0 : i32
      %dma_wait3A_75 = tpu.memref_slice %arg13[%add3A_16, %dma_wait3A_74] : memref<10240x128xf32, #tpu.memory_space<vmem_shared>> -> memref<128x128xf32, #tpu.memory_space<vmem_shared>>
      tpu.wait_dma2 semaphore(%run_scoped3A_68 : memref<!tpu.dma_semaphore, #tpu.memory_space<semaphore_mem>>) src(%arg11 : memref<128x128xf32, #tpu.memory_space<vmem>>) dst(%dma_wait3A_75 : memref<128x128xf32, #tpu.memory_space<vmem_shared>>)
      tpu.yield
    }) : () -> ()
    %mul3A_17 = arith.constant 640 : i32
    %mul3A_18 = arith.muli %mul3A_17, %arg1 : i32
    %add3A_19 = arith.constant 256 : i32
    %add3A_20 = arith.addi %mul3A_18, %add3A_19 : i32
    "tpu.region"() ({
      %run_scoped3A_68 = tpu.sem_alloc : memref<!tpu.dma_semaphore, #tpu.memory_space<semaphore_mem>>
      %dma_start3A_69 = arith.constant 0 : i32
      %dma_start3A_70 = tpu.memref_slice %arg13[%add3A_20, %dma_start3A_69] : memref<10240x128xf32, #tpu.memory_space<vmem_shared>> -> memref<128x128xf32, #tpu.memory_space<vmem_shared>>
      %dma_start3A_71 = arith.constant 0 : i32
      %dma_start3A_72 = tpu.memref_slice %arg13[%add3A_20, %dma_start3A_71] : memref<10240x128xf32, #tpu.memory_space<vmem_shared>> -> memref<128x128xf32, #tpu.memory_space<vmem_shared>>
      tpu.enqueue_dma source(%arg11 : memref<128x128xf32, #tpu.memory_space<vmem>>) target(%dma_start3A_72 : memref<128x128xf32, #tpu.memory_space<vmem_shared>>) target_semaphore(%run_scoped3A_68 : memref<!tpu.dma_semaphore, #tpu.memory_space<semaphore_mem>>)
      %dma_wait3A = arith.constant 0 : i32
      %dma_wait3A_73 = tpu.memref_slice %arg13[%add3A_20, %dma_wait3A] : memref<10240x128xf32, #tpu.memory_space<vmem_shared>> -> memref<128x128xf32, #tpu.memory_space<vmem_shared>>
      %dma_wait3A_74 = arith.constant 0 : i32
      %dma_wait3A_75 = tpu.memref_slice %arg13[%add3A_20, %dma_wait3A_74] : memref<10240x128xf32, #tpu.memory_space<vmem_shared>> -> memref<128x128xf32, #tpu.memory_space<vmem_shared>>
      tpu.wait_dma2 semaphore(%run_scoped3A_68 : memref<!tpu.dma_semaphore, #tpu.memory_space<semaphore_mem>>) src(%arg11 : memref<128x128xf32, #tpu.memory_space<vmem>>) dst(%dma_wait3A_75 : memref<128x128xf32, #tpu.memory_space<vmem_shared>>)
      tpu.yield
    }) : () -> ()
    %mul3A_21 = arith.constant 640 : i32
    %mul3A_22 = arith.muli %mul3A_21, %arg1 : i32
    %add3A_23 = arith.constant 384 : i32
    %add3A_24 = arith.addi %mul3A_22, %add3A_23 : i32
    "tpu.region"() ({
      %run_scoped3A_68 = tpu.sem_alloc : memref<!tpu.dma_semaphore, #tpu.memory_space<semaphore_mem>>
      %dma_start3A_69 = arith.constant 0 : i32
      %dma_start3A_70 = tpu.memref_slice %arg13[%add3A_24, %dma_start3A_69] : memref<10240x128xf32, #tpu.memory_space<vmem_shared>> -> memref<128x128xf32, #tpu.memory_space<vmem_shared>>
      %dma_start3A_71 = arith.constant 0 : i32
      %dma_start3A_72 = tpu.memref_slice %arg13[%add3A_24, %dma_start3A_71] : memref<10240x128xf32, #tpu.memory_space<vmem_shared>> -> memref<128x128xf32, #tpu.memory_space<vmem_shared>>
      tpu.enqueue_dma source(%arg11 : memref<128x128xf32, #tpu.memory_space<vmem>>) target(%dma_start3A_72 : memref<128x128xf32, #tpu.memory_space<vmem_shared>>) target_semaphore(%run_scoped3A_68 : memref<!tpu.dma_semaphore, #tpu.memory_space<semaphore_mem>>)
      %dma_wait3A = arith.constant 0 : i32
      %dma_wait3A_73 = tpu.memref_slice %arg13[%add3A_24, %dma_wait3A] : memref<10240x128xf32, #tpu.memory_space<vmem_shared>> -> memref<128x128xf32, #tpu.memory_space<vmem_shared>>
      %dma_wait3A_74 = arith.constant 0 : i32
      %dma_wait3A_75 = tpu.memref_slice %arg13[%add3A_24, %dma_wait3A_74] : memref<10240x128xf32, #tpu.memory_space<vmem_shared>> -> memref<128x128xf32, #tpu.memory_space<vmem_shared>>
      tpu.wait_dma2 semaphore(%run_scoped3A_68 : memref<!tpu.dma_semaphore, #tpu.memory_space<semaphore_mem>>) src(%arg11 : memref<128x128xf32, #tpu.memory_space<vmem>>) dst(%dma_wait3A_75 : memref<128x128xf32, #tpu.memory_space<vmem_shared>>)
      tpu.yield
    }) : () -> ()
    %mul3A_25 = arith.constant 640 : i32
    %mul3A_26 = arith.muli %mul3A_25, %arg1 : i32
    %add3A_27 = arith.constant 512 : i32
    %add3A_28 = arith.addi %mul3A_26, %add3A_27 : i32
    "tpu.region"() ({
      %run_scoped3A_68 = tpu.sem_alloc : memref<!tpu.dma_semaphore, #tpu.memory_space<semaphore_mem>>
      %dma_start3A_69 = arith.constant 0 : i32
      %dma_start3A_70 = tpu.memref_slice %arg13[%add3A_28, %dma_start3A_69] : memref<10240x128xf32, #tpu.memory_space<vmem_shared>> -> memref<128x128xf32, #tpu.memory_space<vmem_shared>>
      %dma_start3A_71 = arith.constant 0 : i32
      %dma_start3A_72 = tpu.memref_slice %arg13[%add3A_28, %dma_start3A_71] : memref<10240x128xf32, #tpu.memory_space<vmem_shared>> -> memref<128x128xf32, #tpu.memory_space<vmem_shared>>
      tpu.enqueue_dma source(%arg11 : memref<128x128xf32, #tpu.memory_space<vmem>>) target(%dma_start3A_72 : memref<128x128xf32, #tpu.memory_space<vmem_shared>>) target_semaphore(%run_scoped3A_68 : memref<!tpu.dma_semaphore, #tpu.memory_space<semaphore_mem>>)
      %dma_wait3A = arith.constant 0 : i32
      %dma_wait3A_73 = tpu.memref_slice %arg13[%add3A_28, %dma_wait3A] : memref<10240x128xf32, #tpu.memory_space<vmem_shared>> -> memref<128x128xf32, #tpu.memory_space<vmem_shared>>
      %dma_wait3A_74 = arith.constant 0 : i32
      %dma_wait3A_75 = tpu.memref_slice %arg13[%add3A_28, %dma_wait3A_74] : memref<10240x128xf32, #tpu.memory_space<vmem_shared>> -> memref<128x128xf32, #tpu.memory_space<vmem_shared>>
      tpu.wait_dma2 semaphore(%run_scoped3A_68 : memref<!tpu.dma_semaphore, #tpu.memory_space<semaphore_mem>>) src(%arg11 : memref<128x128xf32, #tpu.memory_space<vmem>>) dst(%dma_wait3A_75 : memref<128x128xf32, #tpu.memory_space<vmem_shared>>)
      tpu.yield
    }) : () -> ()
    %run_scoped3A = arith.constant 0 : i32
    "tpu.region"() ({
      %run_scoped3A_68 = tpu.sem_alloc : memref<!tpu.dma_semaphore, #tpu.memory_space<semaphore_mem>>
      %dma_start3A_69 = arith.constant 0 : i32
      %dma_start3A_70 = arith.constant 0 : i32
      %dma_start3A_71 = tpu.memref_slice %arg8[%run_scoped3A, %dma_start3A_69, %dma_start3A_70] : memref<2x8x128xi32, #tpu.memory_space<vmem>> -> memref<1x8x128xi32, #tpu.memory_space<vmem>>
      %dma_start3A_72 = tpu.memref_squeeze %dma_start3A_71 : memref<1x8x128xi32, #tpu.memory_space<vmem>> -> memref<8x128xi32, #tpu.memory_space<vmem>>
      %dma_start3A_73 = arith.constant 0 : i32
      %dma_start3A_74 = tpu.memref_slice %arg3[%mul3A_2, %dma_start3A_73] : memref<2816x128xi32, #tpu.memory_space<hbm>> -> memref<8x128xi32, #tpu.memory_space<hbm>>
      %dma_start3A_75 = arith.constant 0 : i32
      %dma_start3A_76 = arith.constant 0 : i32
      %dma_start3A_77 = tpu.memref_slice %arg8[%run_scoped3A, %dma_start3A_75, %dma_start3A_76] : memref<2x8x128xi32, #tpu.memory_space<vmem>> -> memref<1x8x128xi32, #tpu.memory_space<vmem>>
      %dma_start3A_78 = tpu.memref_squeeze %dma_start3A_77 : memref<1x8x128xi32, #tpu.memory_space<vmem>> -> memref<8x128xi32, #tpu.memory_space<vmem>>
      %dma_start3A_79 = arith.constant 0 : i32
      %dma_start3A_80 = tpu.memref_slice %arg3[%mul3A_2, %dma_start3A_79] : memref<2816x128xi32, #tpu.memory_space<hbm>> -> memref<8x128xi32, #tpu.memory_space<hbm>>
      tpu.enqueue_dma source(%dma_start3A_80 : memref<8x128xi32, #tpu.memory_space<hbm>>) target(%dma_start3A_78 : memref<8x128xi32, #tpu.memory_space<vmem>>) target_semaphore(%run_scoped3A_68 : memref<!tpu.dma_semaphore, #tpu.memory_space<semaphore_mem>>)
      %dma_wait3A = arith.constant 0 : i32
      %dma_wait3A_81 = arith.constant 0 : i32
      %dma_wait3A_82 = tpu.memref_slice %arg8[%run_scoped3A, %dma_wait3A, %dma_wait3A_81] : memref<2x8x128xi32, #tpu.memory_space<vmem>> -> memref<1x8x128xi32, #tpu.memory_space<vmem>>
      %dma_wait3A_83 = tpu.memref_squeeze %dma_wait3A_82 : memref<1x8x128xi32, #tpu.memory_space<vmem>> -> memref<8x128xi32, #tpu.memory_space<vmem>>
      %dma_wait3A_84 = arith.constant 0 : i32
      %dma_wait3A_85 = tpu.memref_slice %arg3[%mul3A_2, %dma_wait3A_84] : memref<2816x128xi32, #tpu.memory_space<hbm>> -> memref<8x128xi32, #tpu.memory_space<hbm>>
      %dma_wait3A_86 = arith.constant 0 : i32
      %dma_wait3A_87 = arith.constant 0 : i32
      %dma_wait3A_88 = tpu.memref_slice %arg8[%run_scoped3A, %dma_wait3A_86, %dma_wait3A_87] : memref<2x8x128xi32, #tpu.memory_space<vmem>> -> memref<1x8x128xi32, #tpu.memory_space<vmem>>
      %dma_wait3A_89 = tpu.memref_squeeze %dma_wait3A_88 : memref<1x8x128xi32, #tpu.memory_space<vmem>> -> memref<8x128xi32, #tpu.memory_space<vmem>>
      %dma_wait3A_90 = arith.constant 0 : i32
      %dma_wait3A_91 = tpu.memref_slice %arg3[%mul3A_2, %dma_wait3A_90] : memref<2816x128xi32, #tpu.memory_space<hbm>> -> memref<8x128xi32, #tpu.memory_space<hbm>>
      tpu.wait_dma2 semaphore(%run_scoped3A_68 : memref<!tpu.dma_semaphore, #tpu.memory_space<semaphore_mem>>) src(%dma_wait3A_91 : memref<8x128xi32, #tpu.memory_space<hbm>>) dst(%dma_wait3A_89 : memref<8x128xi32, #tpu.memory_space<vmem>>)
      tpu.yield
    }) : () -> ()
    %run_scoped3A_29 = arith.constant 0 : i32
    "tpu.region"() ({
      %run_scoped3A_68 = tpu.sem_alloc : memref<!tpu.dma_semaphore, #tpu.memory_space<semaphore_mem>>
      %dma_start3A_69 = arith.constant 0 : i32
      %dma_start3A_70 = arith.constant 0 : i32
      %dma_start3A_71 = tpu.memref_slice %arg9[%run_scoped3A_29, %dma_start3A_69, %dma_start3A_70] : memref<2x8x128xi32, #tpu.memory_space<vmem>> -> memref<1x8x128xi32, #tpu.memory_space<vmem>>
      %dma_start3A_72 = tpu.memref_squeeze %dma_start3A_71 : memref<1x8x128xi32, #tpu.memory_space<vmem>> -> memref<8x128xi32, #tpu.memory_space<vmem>>
      %dma_start3A_73 = arith.constant 0 : i32
      %dma_start3A_74 = tpu.memref_slice %arg4[%mul3A_2, %dma_start3A_73] : memref<2816x128xi32, #tpu.memory_space<hbm>> -> memref<8x128xi32, #tpu.memory_space<hbm>>
      %dma_start3A_75 = arith.constant 0 : i32
      %dma_start3A_76 = arith.constant 0 : i32
      %dma_start3A_77 = tpu.memref_slice %arg9[%run_scoped3A_29, %dma_start3A_75, %dma_start3A_76] : memref<2x8x128xi32, #tpu.memory_space<vmem>> -> memref<1x8x128xi32, #tpu.memory_space<vmem>>
      %dma_start3A_78 = tpu.memref_squeeze %dma_start3A_77 : memref<1x8x128xi32, #tpu.memory_space<vmem>> -> memref<8x128xi32, #tpu.memory_space<vmem>>
      %dma_start3A_79 = arith.constant 0 : i32
      %dma_start3A_80 = tpu.memref_slice %arg4[%mul3A_2, %dma_start3A_79] : memref<2816x128xi32, #tpu.memory_space<hbm>> -> memref<8x128xi32, #tpu.memory_space<hbm>>
      tpu.enqueue_dma source(%dma_start3A_80 : memref<8x128xi32, #tpu.memory_space<hbm>>) target(%dma_start3A_78 : memref<8x128xi32, #tpu.memory_space<vmem>>) target_semaphore(%run_scoped3A_68 : memref<!tpu.dma_semaphore, #tpu.memory_space<semaphore_mem>>)
      %dma_wait3A = arith.constant 0 : i32
      %dma_wait3A_81 = arith.constant 0 : i32
      %dma_wait3A_82 = tpu.memref_slice %arg9[%run_scoped3A_29, %dma_wait3A, %dma_wait3A_81] : memref<2x8x128xi32, #tpu.memory_space<vmem>> -> memref<1x8x128xi32, #tpu.memory_space<vmem>>
      %dma_wait3A_83 = tpu.memref_squeeze %dma_wait3A_82 : memref<1x8x128xi32, #tpu.memory_space<vmem>> -> memref<8x128xi32, #tpu.memory_space<vmem>>
      %dma_wait3A_84 = arith.constant 0 : i32
      %dma_wait3A_85 = tpu.memref_slice %arg4[%mul3A_2, %dma_wait3A_84] : memref<2816x128xi32, #tpu.memory_space<hbm>> -> memref<8x128xi32, #tpu.memory_space<hbm>>
      %dma_wait3A_86 = arith.constant 0 : i32
      %dma_wait3A_87 = arith.constant 0 : i32
      %dma_wait3A_88 = tpu.memref_slice %arg9[%run_scoped3A_29, %dma_wait3A_86, %dma_wait3A_87] : memref<2x8x128xi32, #tpu.memory_space<vmem>> -> memref<1x8x128xi32, #tpu.memory_space<vmem>>
      %dma_wait3A_89 = tpu.memref_squeeze %dma_wait3A_88 : memref<1x8x128xi32, #tpu.memory_space<vmem>> -> memref<8x128xi32, #tpu.memory_space<vmem>>
      %dma_wait3A_90 = arith.constant 0 : i32
      %dma_wait3A_91 = tpu.memref_slice %arg4[%mul3A_2, %dma_wait3A_90] : memref<2816x128xi32, #tpu.memory_space<hbm>> -> memref<8x128xi32, #tpu.memory_space<hbm>>
      tpu.wait_dma2 semaphore(%run_scoped3A_68 : memref<!tpu.dma_semaphore, #tpu.memory_space<semaphore_mem>>) src(%dma_wait3A_91 : memref<8x128xi32, #tpu.memory_space<hbm>>) dst(%dma_wait3A_89 : memref<8x128xi32, #tpu.memory_space<vmem>>)
      tpu.yield
    }) : () -> ()
    %run_scoped3A_30 = arith.constant 0 : i32
    "tpu.region"() ({
      %run_scoped3A_68 = tpu.sem_alloc : memref<!tpu.dma_semaphore, #tpu.memory_space<semaphore_mem>>
      %dma_start3A_69 = arith.constant 0 : i32
      %dma_start3A_70 = arith.constant 0 : i32
      %dma_start3A_71 = tpu.memref_slice %arg10[%run_scoped3A_30, %dma_start3A_69, %dma_start3A_70] : memref<2x8x128xf32, #tpu.memory_space<vmem>> -> memref<1x8x128xf32, #tpu.memory_space<vmem>>
      %dma_start3A_72 = tpu.memref_squeeze %dma_start3A_71 : memref<1x8x128xf32, #tpu.memory_space<vmem>> -> memref<8x128xf32, #tpu.memory_space<vmem>>
      %dma_start3A_73 = arith.constant 0 : i32
      %dma_start3A_74 = tpu.memref_slice %arg5[%mul3A_2, %dma_start3A_73] : memref<2816x128xf32, #tpu.memory_space<hbm>> -> memref<8x128xf32, #tpu.memory_space<hbm>>
      %dma_start3A_75 = arith.constant 0 : i32
      %dma_start3A_76 = arith.constant 0 : i32
      %dma_start3A_77 = tpu.memref_slice %arg10[%run_scoped3A_30, %dma_start3A_75, %dma_start3A_76] : memref<2x8x128xf32, #tpu.memory_space<vmem>> -> memref<1x8x128xf32, #tpu.memory_space<vmem>>
      %dma_start3A_78 = tpu.memref_squeeze %dma_start3A_77 : memref<1x8x128xf32, #tpu.memory_space<vmem>> -> memref<8x128xf32, #tpu.memory_space<vmem>>
      %dma_start3A_79 = arith.constant 0 : i32
      %dma_start3A_80 = tpu.memref_slice %arg5[%mul3A_2, %dma_start3A_79] : memref<2816x128xf32, #tpu.memory_space<hbm>> -> memref<8x128xf32, #tpu.memory_space<hbm>>
      tpu.enqueue_dma source(%dma_start3A_80 : memref<8x128xf32, #tpu.memory_space<hbm>>) target(%dma_start3A_78 : memref<8x128xf32, #tpu.memory_space<vmem>>) target_semaphore(%run_scoped3A_68 : memref<!tpu.dma_semaphore, #tpu.memory_space<semaphore_mem>>)
      %dma_wait3A = arith.constant 0 : i32
      %dma_wait3A_81 = arith.constant 0 : i32
      %dma_wait3A_82 = tpu.memref_slice %arg10[%run_scoped3A_30, %dma_wait3A, %dma_wait3A_81] : memref<2x8x128xf32, #tpu.memory_space<vmem>> -> memref<1x8x128xf32, #tpu.memory_space<vmem>>
      %dma_wait3A_83 = tpu.memref_squeeze %dma_wait3A_82 : memref<1x8x128xf32, #tpu.memory_space<vmem>> -> memref<8x128xf32, #tpu.memory_space<vmem>>
      %dma_wait3A_84 = arith.constant 0 : i32
      %dma_wait3A_85 = tpu.memref_slice %arg5[%mul3A_2, %dma_wait3A_84] : memref<2816x128xf32, #tpu.memory_space<hbm>> -> memref<8x128xf32, #tpu.memory_space<hbm>>
      %dma_wait3A_86 = arith.constant 0 : i32
      %dma_wait3A_87 = arith.constant 0 : i32
      %dma_wait3A_88 = tpu.memref_slice %arg10[%run_scoped3A_30, %dma_wait3A_86, %dma_wait3A_87] : memref<2x8x128xf32, #tpu.memory_space<vmem>> -> memref<1x8x128xf32, #tpu.memory_space<vmem>>
      %dma_wait3A_89 = tpu.memref_squeeze %dma_wait3A_88 : memref<1x8x128xf32, #tpu.memory_space<vmem>> -> memref<8x128xf32, #tpu.memory_space<vmem>>
      %dma_wait3A_90 = arith.constant 0 : i32
      %dma_wait3A_91 = tpu.memref_slice %arg5[%mul3A_2, %dma_wait3A_90] : memref<2816x128xf32, #tpu.memory_space<hbm>> -> memref<8x128xf32, #tpu.memory_space<hbm>>
      tpu.wait_dma2 semaphore(%run_scoped3A_68 : memref<!tpu.dma_semaphore, #tpu.memory_space<semaphore_mem>>) src(%dma_wait3A_91 : memref<8x128xf32, #tpu.memory_space<hbm>>) dst(%dma_wait3A_89 : memref<8x128xf32, #tpu.memory_space<vmem>>)
      tpu.yield
    }) : () -> ()
    %barrier3A = arith.constant 0 : index
    tpu.barrier barrier_id(%barrier3A)
    %dma_start3A = arith.constant 0 : i32
    %dma_start3A_31 = arith.constant 0 : i32
    %dma_start3A_32 = arith.constant 0 : i32
    %dma_start3A_33 = arith.constant 0 : i32
    %dma_start3A_34 = tpu.memref_slice %arg8[%dma_start3A, %dma_start3A_32, %dma_start3A_33] : memref<2x8x128xi32, #tpu.memory_space<vmem>> -> memref<1x8x128xi32, #tpu.memory_space<vmem>>
    %dma_start3A_35 = tpu.memref_squeeze %dma_start3A_34 : memref<1x8x128xi32, #tpu.memory_space<vmem>> -> memref<8x128xi32, #tpu.memory_space<vmem>>
    %dma_start3A_36 = arith.constant 0 : i32
    %dma_start3A_37 = tpu.memref_slice %dma_start3A_35[%dma_start3A_31, %dma_start3A_36] : memref<8x128xi32, #tpu.memory_space<vmem>> -> memref<1x128xi32, #tpu.memory_space<vmem>>
    %dma_start3A_38 = tpu.memref_squeeze %dma_start3A_37 : memref<1x128xi32, #tpu.memory_space<vmem>> -> memref<128xi32, #tpu.memory_space<vmem>>
    %dma_start3A_39 = arith.constant 0 : i32
    %dma_start3A_40 = arith.constant 0 : i32
    %dma_start3A_41 = tpu.memref_slice %arg2[%dma_start3A_39, %dma_start3A_40] : memref<10000x128xf32, #tpu.memory_space<hbm>> -> memref<10000x128xf32, #tpu.memory_space<hbm>>
    tpu.enqueue_indirect_dma source(%dma_start3A_41 : memref<10000x128xf32, #tpu.memory_space<hbm>>) target(%arg11 : memref<128x128xf32, #tpu.memory_space<vmem>>) offsets(%dma_start3A_38 : memref<128xi32, #tpu.memory_space<vmem>>) semaphore(%arg14 : memref<!tpu.dma_semaphore, #tpu.memory_space<semaphore_mem>>)
    %dma_start3A_42 = arith.constant 0 : i32
    %dma_start3A_43 = arith.constant 1 : i32
    %dma_start3A_44 = arith.constant 0 : i32
    %dma_start3A_45 = arith.constant 0 : i32
    %dma_start3A_46 = tpu.memref_slice %arg8[%dma_start3A_42, %dma_start3A_44, %dma_start3A_45] : memref<2x8x128xi32, #tpu.memory_space<vmem>> -> memref<1x8x128xi32, #tpu.memory_space<vmem>>
    %dma_start3A_47 = tpu.memref_squeeze %dma_start3A_46 : memref<1x8x128xi32, #tpu.memory_space<vmem>> -> memref<8x128xi32, #tpu.memory_space<vmem>>
    %dma_start3A_48 = arith.constant 0 : i32
    %dma_start3A_49 = tpu.memref_slice %dma_start3A_47[%dma_start3A_43, %dma_start3A_48] : memref<8x128xi32, #tpu.memory_space<vmem>> -> memref<1x128xi32, #tpu.memory_space<vmem>>
    %dma_start3A_50 = tpu.memref_squeeze %dma_start3A_49 : memref<1x128xi32, #tpu.memory_space<vmem>> -> memref<128xi32, #tpu.memory_space<vmem>>
    %dma_start3A_51 = arith.constant 0 : i32
    %dma_start3A_52 = arith.constant 0 : i32
    %dma_start3A_53 = tpu.memref_slice %arg2[%dma_start3A_51, %dma_start3A_52] : memref<10000x128xf32, #tpu.memory_space<hbm>> -> memref<10000x128xf32, #tpu.memory_space<hbm>>
    tpu.enqueue_indirect_dma source(%dma_start3A_53 : memref<10000x128xf32, #tpu.memory_space<hbm>>) target(%arg12 : memref<128x128xf32, #tpu.memory_space<vmem>>) offsets(%dma_start3A_50 : memref<128xi32, #tpu.memory_space<vmem>>) semaphore(%arg15 : memref<!tpu.dma_semaphore, #tpu.memory_space<semaphore_mem>>)
    %iota3A = tpu.iota {dimensions = array<i32: 0>} : vector<16xi32>
    %scan3A_54 = arith.constant 0 : i32
    %scan3A_55 = arith.constant 0 : i32
    %scan3A_56 = arith.constant 44 : i32
    %scan3A_57 = arith.addi %scan3A_55, %scan3A_56 : i32
    %scan3A_58 = arith.constant 1 : i32
    scf.for %scan3A_68 = %scan3A_55 to %scan3A_57 step %scan3A_58  : i32 {
      %mul3A_69 = arith.constant 2 : i32
      %mul3A_70 = arith.muli %mul3A_69, %scan3A_68 : i32
      %jit3A = arith.constant 4 : i32
      %div3A = arith.divsi %scan3A_68, %jit3A : i32
      %sign3A = arith.constant 0 : i32
      %sign3A_71 = arith.cmpi sgt, %scan3A_68, %sign3A : i32
      %sign3A_72 = arith.extui %sign3A_71 : i1 to i32
      %sign3A_73 = arith.constant 0 : i32
      %sign3A_74 = arith.cmpi slt, %scan3A_68, %sign3A_73 : i32
      %sign3A_75 = arith.extui %sign3A_74 : i1 to i32
      %sign3A_76 = arith.subi %sign3A_72, %sign3A_75 : i32
      %sign3A_77 = arith.constant 0 : i32
      %sign3A_78 = arith.cmpi sgt, %jit3A, %sign3A_77 : i32
      %sign3A_79 = arith.extui %sign3A_78 : i1 to i32
      %sign3A_80 = arith.constant 0 : i32
      %sign3A_81 = arith.cmpi slt, %jit3A, %sign3A_80 : i32
      %sign3A_82 = arith.extui %sign3A_81 : i1 to i32
      %sign3A_83 = arith.subi %sign3A_79, %sign3A_82 : i32
      %ne3A = arith.cmpi ne, %sign3A_76, %sign3A_83 : i32
      %rem3A = arith.remsi %scan3A_68, %jit3A : i32
      %ne3A_84 = arith.constant 0 : i32
      %ne3A_85 = arith.cmpi ne, %rem3A, %ne3A_84 : i32
      %and3A = arith.andi %ne3A, %ne3A_85 : i1
      %sub3A = arith.constant 1 : i32
      %sub3A_86 = arith.subi %div3A, %sub3A : i32
      %select_n3A = arith.select %and3A, %sub3A_86, %div3A : i32
      %jit3A_87 = arith.constant 2 : i32
      %eq3A_88 = arith.constant 0 : i32
      %eq3A_89 = arith.cmpi eq, %jit3A_87, %eq3A_88 : i32
      %jit3A_90 = arith.constant 1 : i32
      %select_n3A_91 = arith.select %eq3A_89, %jit3A_90, %jit3A_87 : i32
      %rem3A_92 = arith.remsi %select_n3A, %select_n3A_91 : i32
      %ne3A_93 = arith.constant 0 : i32
      %ne3A_94 = arith.cmpi ne, %rem3A_92, %ne3A_93 : i32
      %lt3A = arith.constant 0 : i32
      %lt3A_95 = arith.cmpi slt, %rem3A_92, %lt3A : i32
      %lt3A_96 = arith.constant 0 : i32
      %lt3A_97 = arith.cmpi slt, %select_n3A_91, %lt3A_96 : i32
      %ne3A_98 = arith.xori %lt3A_95, %lt3A_97 : i1
      %and3A_99 = arith.andi %ne3A_98, %ne3A_94 : i1
      %add3A_100 = arith.addi %rem3A_92, %select_n3A_91 : i32
      %select_n3A_101 = arith.select %and3A_99, %add3A_100, %rem3A_92 : i32
      %mul3A_102 = arith.constant 8 : i32
      %mul3A_103 = arith.muli %mul3A_102, %select_n3A : i32
      %sub3A_104 = arith.subi %mul3A_70, %mul3A_103 : i32
      %eq3A_105 = arith.constant 0 : i32
      %eq3A_106 = arith.cmpi eq, %sub3A_104, %eq3A_105 : i32
      %add3A_107 = arith.constant 1 : i32
      %add3A_108 = arith.addi %select_n3A, %add3A_107 : i32
      %lt3A_109 = arith.constant 11 : i32
      %lt3A_110 = arith.cmpi slt, %add3A_108, %lt3A_109 : i32
      %and3A_111 = arith.andi %eq3A_106, %lt3A_110 : i1
      %convert_element_type3A_112 = arith.extui %and3A_111 : i1 to i32
      %cond3A_113 = arith.constant 0 : i32
      %cond3A_114 = arith.cmpi ne, %convert_element_type3A_112, %cond3A_113 : i32
      scf.if %cond3A_114 {
        %add3A_163 = arith.constant 1 : i32
        %add3A_164 = arith.addi %select_n3A, %add3A_163 : i32
        %mul3A_165 = arith.constant 8 : i32
        %mul3A_166 = arith.muli %mul3A_165, %add3A_164 : i32
        %add3A_167 = arith.addi %mul3A_2, %mul3A_166 : i32
        %sub3A_168 = arith.constant 1 : i32
        %sub3A_169 = arith.subi %sub3A_168, %select_n3A_101 : i32
        %dma_start3A_170 = arith.constant 0 : i32
        %dma_start3A_171 = arith.constant 0 : i32
        %dma_start3A_172 = tpu.memref_slice %arg8[%sub3A_169, %dma_start3A_170, %dma_start3A_171] : memref<2x8x128xi32, #tpu.memory_space<vmem>> -> memref<1x8x128xi32, #tpu.memory_space<vmem>>
        %dma_start3A_173 = tpu.memref_squeeze %dma_start3A_172 : memref<1x8x128xi32, #tpu.memory_space<vmem>> -> memref<8x128xi32, #tpu.memory_space<vmem>>
        %dma_start3A_174 = arith.constant 0 : i32
        %dma_start3A_175 = tpu.memref_slice %arg3[%add3A_167, %dma_start3A_174] : memref<2816x128xi32, #tpu.memory_space<hbm>> -> memref<8x128xi32, #tpu.memory_space<hbm>>
        %dma_start3A_176 = arith.constant 0 : i32
        %dma_start3A_177 = arith.constant 0 : i32
        %dma_start3A_178 = tpu.memref_slice %arg8[%sub3A_169, %dma_start3A_176, %dma_start3A_177] : memref<2x8x128xi32, #tpu.memory_space<vmem>> -> memref<1x8x128xi32, #tpu.memory_space<vmem>>
        %dma_start3A_179 = tpu.memref_squeeze %dma_start3A_178 : memref<1x8x128xi32, #tpu.memory_space<vmem>> -> memref<8x128xi32, #tpu.memory_space<vmem>>
        %dma_start3A_180 = arith.constant 0 : i32
        %dma_start3A_181 = tpu.memref_slice %arg3[%add3A_167, %dma_start3A_180] : memref<2816x128xi32, #tpu.memory_space<hbm>> -> memref<8x128xi32, #tpu.memory_space<hbm>>
        tpu.enqueue_dma source(%dma_start3A_181 : memref<8x128xi32, #tpu.memory_space<hbm>>) target(%dma_start3A_179 : memref<8x128xi32, #tpu.memory_space<vmem>>) target_semaphore(%arg16 : memref<!tpu.dma_semaphore, #tpu.memory_space<semaphore_mem>>)
        %dma_start3A_182 = arith.constant 0 : i32
        %dma_start3A_183 = arith.constant 0 : i32
        %dma_start3A_184 = tpu.memref_slice %arg9[%sub3A_169, %dma_start3A_182, %dma_start3A_183] : memref<2x8x128xi32, #tpu.memory_space<vmem>> -> memref<1x8x128xi32, #tpu.memory_space<vmem>>
        %dma_start3A_185 = tpu.memref_squeeze %dma_start3A_184 : memref<1x8x128xi32, #tpu.memory_space<vmem>> -> memref<8x128xi32, #tpu.memory_space<vmem>>
        %dma_start3A_186 = arith.constant 0 : i32
        %dma_start3A_187 = tpu.memref_slice %arg4[%add3A_167, %dma_start3A_186] : memref<2816x128xi32, #tpu.memory_space<hbm>> -> memref<8x128xi32, #tpu.memory_space<hbm>>
        %dma_start3A_188 = arith.constant 0 : i32
        %dma_start3A_189 = arith.constant 0 : i32
        %dma_start3A_190 = tpu.memref_slice %arg9[%sub3A_169, %dma_start3A_188, %dma_start3A_189] : memref<2x8x128xi32, #tpu.memory_space<vmem>> -> memref<1x8x128xi32, #tpu.memory_space<vmem>>
        %dma_start3A_191 = tpu.memref_squeeze %dma_start3A_190 : memref<1x8x128xi32, #tpu.memory_space<vmem>> -> memref<8x128xi32, #tpu.memory_space<vmem>>
        %dma_start3A_192 = arith.constant 0 : i32
        %dma_start3A_193 = tpu.memref_slice %arg4[%add3A_167, %dma_start3A_192] : memref<2816x128xi32, #tpu.memory_space<hbm>> -> memref<8x128xi32, #tpu.memory_space<hbm>>
        tpu.enqueue_dma source(%dma_start3A_193 : memref<8x128xi32, #tpu.memory_space<hbm>>) target(%dma_start3A_191 : memref<8x128xi32, #tpu.memory_space<vmem>>) target_semaphore(%arg16 : memref<!tpu.dma_semaphore, #tpu.memory_space<semaphore_mem>>)
        %dma_start3A_194 = arith.constant 0 : i32
        %dma_start3A_195 = arith.constant 0 : i32
        %dma_start3A_196 = tpu.memref_slice %arg10[%sub3A_169, %dma_start3A_194, %dma_start3A_195] : memref<2x8x128xf32, #tpu.memory_space<vmem>> -> memref<1x8x128xf32, #tpu.memory_space<vmem>>
        %dma_start3A_197 = tpu.memref_squeeze %dma_start3A_196 : memref<1x8x128xf32, #tpu.memory_space<vmem>> -> memref<8x128xf32, #tpu.memory_space<vmem>>
        %dma_start3A_198 = arith.constant 0 : i32
        %dma_start3A_199 = tpu.memref_slice %arg5[%add3A_167, %dma_start3A_198] : memref<2816x128xf32, #tpu.memory_space<hbm>> -> memref<8x128xf32, #tpu.memory_space<hbm>>
        %dma_start3A_200 = arith.constant 0 : i32
        %dma_start3A_201 = arith.constant 0 : i32
        %dma_start3A_202 = tpu.memref_slice %arg10[%sub3A_169, %dma_start3A_200, %dma_start3A_201] : memref<2x8x128xf32, #tpu.memory_space<vmem>> -> memref<1x8x128xf32, #tpu.memory_space<vmem>>
        %dma_start3A_203 = tpu.memref_squeeze %dma_start3A_202 : memref<1x8x128xf32, #tpu.memory_space<vmem>> -> memref<8x128xf32, #tpu.memory_space<vmem>>
        %dma_start3A_204 = arith.constant 0 : i32
        %dma_start3A_205 = tpu.memref_slice %arg5[%add3A_167, %dma_start3A_204] : memref<2816x128xf32, #tpu.memory_space<hbm>> -> memref<8x128xf32, #tpu.memory_space<hbm>>
        tpu.enqueue_dma source(%dma_start3A_205 : memref<8x128xf32, #tpu.memory_space<hbm>>) target(%dma_start3A_203 : memref<8x128xf32, #tpu.memory_space<vmem>>) target_semaphore(%arg16 : memref<!tpu.dma_semaphore, #tpu.memory_space<semaphore_mem>>)
      } else {
      }
      %eq3A_115 = arith.constant 6 : i32
      %eq3A_116 = arith.cmpi eq, %sub3A_104, %eq3A_115 : i32
      %add3A_117 = arith.constant 1 : i32
      %add3A_118 = arith.addi %select_n3A, %add3A_117 : i32
      %lt3A_119 = arith.constant 11 : i32
      %lt3A_120 = arith.cmpi slt, %add3A_118, %lt3A_119 : i32
      %and3A_121 = arith.andi %eq3A_116, %lt3A_120 : i1
      %convert_element_type3A_122 = arith.extui %and3A_121 : i1 to i32
      %cond3A_123 = arith.constant 0 : i32
      %cond3A_124 = arith.cmpi ne, %convert_element_type3A_122, %cond3A_123 : i32
      scf.if %cond3A_124 {
        %sub3A_163 = arith.constant 1 : i32
        %sub3A_164 = arith.subi %sub3A_163, %select_n3A_101 : i32
        %dma_wait3A_165 = arith.constant 0 : i32
        %dma_wait3A_166 = arith.constant 0 : i32
        %dma_wait3A_167 = tpu.memref_slice %arg8[%sub3A_164, %dma_wait3A_165, %dma_wait3A_166] : memref<2x8x128xi32, #tpu.memory_space<vmem>> -> memref<1x8x128xi32, #tpu.memory_space<vmem>>
        %dma_wait3A_168 = tpu.memref_squeeze %dma_wait3A_167 : memref<1x8x128xi32, #tpu.memory_space<vmem>> -> memref<8x128xi32, #tpu.memory_space<vmem>>
        %dma_wait3A_169 = arith.constant 0 : i32
        %dma_wait3A_170 = arith.constant 0 : i32
        %dma_wait3A_171 = tpu.memref_slice %arg3[%dma_wait3A_169, %dma_wait3A_170] : memref<2816x128xi32, #tpu.memory_space<hbm>> -> memref<8x128xi32, #tpu.memory_space<hbm>>
        %dma_wait3A_172 = arith.constant 0 : i32
        %dma_wait3A_173 = arith.constant 0 : i32
        %dma_wait3A_174 = tpu.memref_slice %arg8[%sub3A_164, %dma_wait3A_172, %dma_wait3A_173] : memref<2x8x128xi32, #tpu.memory_space<vmem>> -> memref<1x8x128xi32, #tpu.memory_space<vmem>>
        %dma_wait3A_175 = tpu.memref_squeeze %dma_wait3A_174 : memref<1x8x128xi32, #tpu.memory_space<vmem>> -> memref<8x128xi32, #tpu.memory_space<vmem>>
        %dma_wait3A_176 = arith.constant 0 : i32
        %dma_wait3A_177 = arith.constant 0 : i32
        %dma_wait3A_178 = tpu.memref_slice %arg3[%dma_wait3A_176, %dma_wait3A_177] : memref<2816x128xi32, #tpu.memory_space<hbm>> -> memref<8x128xi32, #tpu.memory_space<hbm>>
        tpu.wait_dma2 semaphore(%arg16 : memref<!tpu.dma_semaphore, #tpu.memory_space<semaphore_mem>>) src(%dma_wait3A_178 : memref<8x128xi32, #tpu.memory_space<hbm>>) dst(%dma_wait3A_175 : memref<8x128xi32, #tpu.memory_space<vmem>>)
        %dma_wait3A_179 = arith.constant 0 : i32
        %dma_wait3A_180 = arith.constant 0 : i32
        %dma_wait3A_181 = tpu.memref_slice %arg9[%sub3A_164, %dma_wait3A_179, %dma_wait3A_180] : memref<2x8x128xi32, #tpu.memory_space<vmem>> -> memref<1x8x128xi32, #tpu.memory_space<vmem>>
        %dma_wait3A_182 = tpu.memref_squeeze %dma_wait3A_181 : memref<1x8x128xi32, #tpu.memory_space<vmem>> -> memref<8x128xi32, #tpu.memory_space<vmem>>
        %dma_wait3A_183 = arith.constant 0 : i32
        %dma_wait3A_184 = arith.constant 0 : i32
        %dma_wait3A_185 = tpu.memref_slice %arg4[%dma_wait3A_183, %dma_wait3A_184] : memref<2816x128xi32, #tpu.memory_space<hbm>> -> memref<8x128xi32, #tpu.memory_space<hbm>>
        %dma_wait3A_186 = arith.constant 0 : i32
        %dma_wait3A_187 = arith.constant 0 : i32
        %dma_wait3A_188 = tpu.memref_slice %arg9[%sub3A_164, %dma_wait3A_186, %dma_wait3A_187] : memref<2x8x128xi32, #tpu.memory_space<vmem>> -> memref<1x8x128xi32, #tpu.memory_space<vmem>>
        %dma_wait3A_189 = tpu.memref_squeeze %dma_wait3A_188 : memref<1x8x128xi32, #tpu.memory_space<vmem>> -> memref<8x128xi32, #tpu.memory_space<vmem>>
        %dma_wait3A_190 = arith.constant 0 : i32
        %dma_wait3A_191 = arith.constant 0 : i32
        %dma_wait3A_192 = tpu.memref_slice %arg4[%dma_wait3A_190, %dma_wait3A_191] : memref<2816x128xi32, #tpu.memory_space<hbm>> -> memref<8x128xi32, #tpu.memory_space<hbm>>
        tpu.wait_dma2 semaphore(%arg16 : memref<!tpu.dma_semaphore, #tpu.memory_space<semaphore_mem>>) src(%dma_wait3A_192 : memref<8x128xi32, #tpu.memory_space<hbm>>) dst(%dma_wait3A_189 : memref<8x128xi32, #tpu.memory_space<vmem>>)
        %dma_wait3A_193 = arith.constant 0 : i32
        %dma_wait3A_194 = arith.constant 0 : i32
        %dma_wait3A_195 = tpu.memref_slice %arg10[%sub3A_164, %dma_wait3A_193, %dma_wait3A_194] : memref<2x8x128xf32, #tpu.memory_space<vmem>> -> memref<1x8x128xf32, #tpu.memory_space<vmem>>
        %dma_wait3A_196 = tpu.memref_squeeze %dma_wait3A_195 : memref<1x8x128xf32, #tpu.memory_space<vmem>> -> memref<8x128xf32, #tpu.memory_space<vmem>>
        %dma_wait3A_197 = arith.constant 0 : i32
        %dma_wait3A_198 = arith.constant 0 : i32
        %dma_wait3A_199 = tpu.memref_slice %arg5[%dma_wait3A_197, %dma_wait3A_198] : memref<2816x128xf32, #tpu.memory_space<hbm>> -> memref<8x128xf32, #tpu.memory_space<hbm>>
        %dma_wait3A_200 = arith.constant 0 : i32
        %dma_wait3A_201 = arith.constant 0 : i32
        %dma_wait3A_202 = tpu.memref_slice %arg10[%sub3A_164, %dma_wait3A_200, %dma_wait3A_201] : memref<2x8x128xf32, #tpu.memory_space<vmem>> -> memref<1x8x128xf32, #tpu.memory_space<vmem>>
        %dma_wait3A_203 = tpu.memref_squeeze %dma_wait3A_202 : memref<1x8x128xf32, #tpu.memory_space<vmem>> -> memref<8x128xf32, #tpu.memory_space<vmem>>
        %dma_wait3A_204 = arith.constant 0 : i32
        %dma_wait3A_205 = arith.constant 0 : i32
        %dma_wait3A_206 = tpu.memref_slice %arg5[%dma_wait3A_204, %dma_wait3A_205] : memref<2816x128xf32, #tpu.memory_space<hbm>> -> memref<8x128xf32, #tpu.memory_space<hbm>>
        tpu.wait_dma2 semaphore(%arg16 : memref<!tpu.dma_semaphore, #tpu.memory_space<semaphore_mem>>) src(%dma_wait3A_206 : memref<8x128xf32, #tpu.memory_space<hbm>>) dst(%dma_wait3A_203 : memref<8x128xf32, #tpu.memory_space<vmem>>)
      } else {
      }
      %dma_wait3A = arith.constant 0 : i32
      %dma_wait3A_125 = arith.constant 0 : i32
      %dma_wait3A_126 = tpu.memref_slice %arg2[%dma_wait3A, %dma_wait3A_125] : memref<10000x128xf32, #tpu.memory_space<hbm>> -> memref<128x128xf32, #tpu.memory_space<hbm>>
      %dma_wait3A_127 = arith.constant 0 : i32
      %dma_wait3A_128 = arith.constant 0 : i32
      %dma_wait3A_129 = tpu.memref_slice %arg2[%dma_wait3A_127, %dma_wait3A_128] : memref<10000x128xf32, #tpu.memory_space<hbm>> -> memref<128x128xf32, #tpu.memory_space<hbm>>
      tpu.wait_dma2 semaphore(%arg14 : memref<!tpu.dma_semaphore, #tpu.memory_space<semaphore_mem>>) src(%dma_wait3A_129 : memref<128x128xf32, #tpu.memory_space<hbm>>) dst(%arg11 : memref<128x128xf32, #tpu.memory_space<vmem>>)
      %broadcast_in_dim3A_130 = vector.broadcast %sub3A_104 : i32 to vector<16xi32>
      %broadcast_in_dim3A_131 = vector.broadcast %select_n3A_101 : i32 to vector<16xi32>
      %parallel_loop3A = arith.constant 0 : i32
      %parallel_loop3A_132 = arith.constant 128 : i32
      %parallel_loop3A_133 = arith.constant 1 : i32
      scf.for %parallel_loop3A_163 = %parallel_loop3A to %parallel_loop3A_132 step %parallel_loop3A_133  : i32 {
        %parallel_loop3A_164 = vector.broadcast %parallel_loop3A_163 : i32 to vector<16xi32>
        %parallel_loop3A_165 = tpu.vector_load_idx %arg10[%broadcast_in_dim3A_131, %broadcast_in_dim3A_130, %parallel_loop3A_164] : memref<2x8x128xf32, #tpu.memory_space<vmem>>[vector<16xi32>, vector<16xi32>, vector<16xi32>], vector<16xf32>,
        %parallel_loop3A_166 = arith.constant 0 : i32
        %parallel_loop3A_167 = vector.broadcast %parallel_loop3A_166 : i32 to vector<16xi32>
        %parallel_loop3A_168 = arith.addi %iota3A, %parallel_loop3A_167 : vector<16xi32>
        %parallel_loop3A_169 = tpu.vector_load_idx %arg11[%parallel_loop3A_164, %parallel_loop3A_168] : memref<128x128xf32, #tpu.memory_space<vmem>>[vector<16xi32>, vector<16xi32>], vector<16xf32>,
        %parallel_loop3A_170 = arith.mulf %parallel_loop3A_169, %parallel_loop3A_165 : vector<16xf32>
        tpu.vector_store_idx %arg11[%parallel_loop3A_164, %parallel_loop3A_168], %parallel_loop3A_170 : memref<128x128xf32, #tpu.memory_space<vmem>>[vector<16xi32>, vector<16xi32>], vector<16xf32>,
        %parallel_loop3A_171 = arith.constant 16 : i32
        %parallel_loop3A_172 = vector.broadcast %parallel_loop3A_171 : i32 to vector<16xi32>
        %parallel_loop3A_173 = arith.addi %iota3A, %parallel_loop3A_172 : vector<16xi32>
        %parallel_loop3A_174 = tpu.vector_load_idx %arg11[%parallel_loop3A_164, %parallel_loop3A_173] : memref<128x128xf32, #tpu.memory_space<vmem>>[vector<16xi32>, vector<16xi32>], vector<16xf32>,
        %parallel_loop3A_175 = arith.mulf %parallel_loop3A_174, %parallel_loop3A_165 : vector<16xf32>
        tpu.vector_store_idx %arg11[%parallel_loop3A_164, %parallel_loop3A_173], %parallel_loop3A_175 : memref<128x128xf32, #tpu.memory_space<vmem>>[vector<16xi32>, vector<16xi32>], vector<16xf32>,
        %parallel_loop3A_176 = arith.constant 32 : i32
        %parallel_loop3A_177 = vector.broadcast %parallel_loop3A_176 : i32 to vector<16xi32>
        %parallel_loop3A_178 = arith.addi %iota3A, %parallel_loop3A_177 : vector<16xi32>
        %parallel_loop3A_179 = tpu.vector_load_idx %arg11[%parallel_loop3A_164, %parallel_loop3A_178] : memref<128x128xf32, #tpu.memory_space<vmem>>[vector<16xi32>, vector<16xi32>], vector<16xf32>,
        %parallel_loop3A_180 = arith.mulf %parallel_loop3A_179, %parallel_loop3A_165 : vector<16xf32>
        tpu.vector_store_idx %arg11[%parallel_loop3A_164, %parallel_loop3A_178], %parallel_loop3A_180 : memref<128x128xf32, #tpu.memory_space<vmem>>[vector<16xi32>, vector<16xi32>], vector<16xf32>,
        %parallel_loop3A_181 = arith.constant 48 : i32
        %parallel_loop3A_182 = vector.broadcast %parallel_loop3A_181 : i32 to vector<16xi32>
        %parallel_loop3A_183 = arith.addi %iota3A, %parallel_loop3A_182 : vector<16xi32>
        %parallel_loop3A_184 = tpu.vector_load_idx %arg11[%parallel_loop3A_164, %parallel_loop3A_183] : memref<128x128xf32, #tpu.memory_space<vmem>>[vector<16xi32>, vector<16xi32>], vector<16xf32>,
        %parallel_loop3A_185 = arith.mulf %parallel_loop3A_184, %parallel_loop3A_165 : vector<16xf32>
        tpu.vector_store_idx %arg11[%parallel_loop3A_164, %parallel_loop3A_183], %parallel_loop3A_185 : memref<128x128xf32, #tpu.memory_space<vmem>>[vector<16xi32>, vector<16xi32>], vector<16xf32>,
        %parallel_loop3A_186 = arith.constant 64 : i32
        %parallel_loop3A_187 = vector.broadcast %parallel_loop3A_186 : i32 to vector<16xi32>
        %parallel_loop3A_188 = arith.addi %iota3A, %parallel_loop3A_187 : vector<16xi32>
        %parallel_loop3A_189 = tpu.vector_load_idx %arg11[%parallel_loop3A_164, %parallel_loop3A_188] : memref<128x128xf32, #tpu.memory_space<vmem>>[vector<16xi32>, vector<16xi32>], vector<16xf32>,
        %parallel_loop3A_190 = arith.mulf %parallel_loop3A_189, %parallel_loop3A_165 : vector<16xf32>
        tpu.vector_store_idx %arg11[%parallel_loop3A_164, %parallel_loop3A_188], %parallel_loop3A_190 : memref<128x128xf32, #tpu.memory_space<vmem>>[vector<16xi32>, vector<16xi32>], vector<16xf32>,
        %parallel_loop3A_191 = arith.constant 80 : i32
        %parallel_loop3A_192 = vector.broadcast %parallel_loop3A_191 : i32 to vector<16xi32>
        %parallel_loop3A_193 = arith.addi %iota3A, %parallel_loop3A_192 : vector<16xi32>
        %parallel_loop3A_194 = tpu.vector_load_idx %arg11[%parallel_loop3A_164, %parallel_loop3A_193] : memref<128x128xf32, #tpu.memory_space<vmem>>[vector<16xi32>, vector<16xi32>], vector<16xf32>,
        %parallel_loop3A_195 = arith.mulf %parallel_loop3A_194, %parallel_loop3A_165 : vector<16xf32>
        tpu.vector_store_idx %arg11[%parallel_loop3A_164, %parallel_loop3A_193], %parallel_loop3A_195 : memref<128x128xf32, #tpu.memory_space<vmem>>[vector<16xi32>, vector<16xi32>], vector<16xf32>,
        %parallel_loop3A_196 = arith.constant 96 : i32
        %parallel_loop3A_197 = vector.broadcast %parallel_loop3A_196 : i32 to vector<16xi32>
        %parallel_loop3A_198 = arith.addi %iota3A, %parallel_loop3A_197 : vector<16xi32>
        %parallel_loop3A_199 = tpu.vector_load_idx %arg11[%parallel_loop3A_164, %parallel_loop3A_198] : memref<128x128xf32, #tpu.memory_space<vmem>>[vector<16xi32>, vector<16xi32>], vector<16xf32>,
        %parallel_loop3A_200 = arith.mulf %parallel_loop3A_199, %parallel_loop3A_165 : vector<16xf32>
        tpu.vector_store_idx %arg11[%parallel_loop3A_164, %parallel_loop3A_198], %parallel_loop3A_200 : memref<128x128xf32, #tpu.memory_space<vmem>>[vector<16xi32>, vector<16xi32>], vector<16xf32>,
        %parallel_loop3A_201 = arith.constant 112 : i32
        %parallel_loop3A_202 = vector.broadcast %parallel_loop3A_201 : i32 to vector<16xi32>
        %parallel_loop3A_203 = arith.addi %iota3A, %parallel_loop3A_202 : vector<16xi32>
        %parallel_loop3A_204 = tpu.vector_load_idx %arg11[%parallel_loop3A_164, %parallel_loop3A_203] : memref<128x128xf32, #tpu.memory_space<vmem>>[vector<16xi32>, vector<16xi32>], vector<16xf32>,
        %parallel_loop3A_205 = arith.mulf %parallel_loop3A_204, %parallel_loop3A_165 : vector<16xf32>
        tpu.vector_store_idx %arg11[%parallel_loop3A_164, %parallel_loop3A_203], %parallel_loop3A_205 : memref<128x128xf32, #tpu.memory_space<vmem>>[vector<16xi32>, vector<16xi32>], vector<16xf32>,
      } {sc.loop_unroll_factor = 4 : i64, sc.parallel_access}
      "tpu.region"() ({
        %run_scoped3A_163 = tpu.sem_alloc : memref<!tpu.dma_semaphore, #tpu.memory_space<semaphore_mem>>
        %dma_start3A_164 = arith.constant 0 : i32
        %dma_start3A_165 = arith.constant 0 : i32
        %dma_start3A_166 = tpu.memref_slice %arg9[%select_n3A_101, %dma_start3A_164, %dma_start3A_165] : memref<2x8x128xi32, #tpu.memory_space<vmem>> -> memref<1x8x128xi32, #tpu.memory_space<vmem>>
        %dma_start3A_167 = tpu.memref_squeeze %dma_start3A_166 : memref<1x8x128xi32, #tpu.memory_space<vmem>> -> memref<8x128xi32, #tpu.memory_space<vmem>>
        %dma_start3A_168 = arith.constant 0 : i32
        %dma_start3A_169 = tpu.memref_slice %dma_start3A_167[%sub3A_104, %dma_start3A_168] : memref<8x128xi32, #tpu.memory_space<vmem>> -> memref<1x128xi32, #tpu.memory_space<vmem>>
        %dma_start3A_170 = tpu.memref_squeeze %dma_start3A_169 : memref<1x128xi32, #tpu.memory_space<vmem>> -> memref<128xi32, #tpu.memory_space<vmem>>
        %dma_start3A_171 = arith.constant 0 : i32
        %dma_start3A_172 = arith.constant 0 : i32
        %dma_start3A_173 = tpu.memref_slice %arg13[%dma_start3A_171, %dma_start3A_172] : memref<10240x128xf32, #tpu.memory_space<vmem_shared>> -> memref<10240x128xf32, #tpu.memory_space<vmem_shared>>
        tpu.enqueue_indirect_dma source(%arg11 : memref<128x128xf32, #tpu.memory_space<vmem>>) target(%dma_start3A_173 : memref<10240x128xf32, #tpu.memory_space<vmem_shared>>) offsets(%dma_start3A_170 : memref<128xi32, #tpu.memory_space<vmem>>) semaphore(%run_scoped3A_163 : memref<!tpu.dma_semaphore, #tpu.memory_space<semaphore_mem>>) {add = true}
        %dma_wait3A_174 = arith.constant 0 : i32
        %dma_wait3A_175 = arith.constant 0 : i32
        %dma_wait3A_176 = tpu.memref_slice %arg9[%select_n3A_101, %dma_wait3A_174, %dma_wait3A_175] : memref<2x8x128xi32, #tpu.memory_space<vmem>> -> memref<1x8x128xi32, #tpu.memory_space<vmem>>
        %dma_wait3A_177 = tpu.memref_squeeze %dma_wait3A_176 : memref<1x8x128xi32, #tpu.memory_space<vmem>> -> memref<8x128xi32, #tpu.memory_space<vmem>>
        %dma_wait3A_178 = arith.constant 0 : i32
        %dma_wait3A_179 = tpu.memref_slice %dma_wait3A_177[%sub3A_104, %dma_wait3A_178] : memref<8x128xi32, #tpu.memory_space<vmem>> -> memref<1x128xi32, #tpu.memory_space<vmem>>
        %dma_wait3A_180 = tpu.memref_squeeze %dma_wait3A_179 : memref<1x128xi32, #tpu.memory_space<vmem>> -> memref<128xi32, #tpu.memory_space<vmem>>
        %dma_wait3A_181 = arith.constant 0 : i32
        %dma_wait3A_182 = arith.constant 0 : i32
        %dma_wait3A_183 = tpu.memref_slice %arg13[%dma_wait3A_181, %dma_wait3A_182] : memref<10240x128xf32, #tpu.memory_space<vmem_shared>> -> memref<10240x128xf32, #tpu.memory_space<vmem_shared>>
        tpu.wait_indirect_dma semaphore(%run_scoped3A_163 : memref<!tpu.dma_semaphore, #tpu.memory_space<semaphore_mem>>) src(%arg11 : memref<128x128xf32, #tpu.memory_space<vmem>>) dst(%dma_wait3A_183 : memref<10240x128xf32, #tpu.memory_space<vmem_shared>>)
        tpu.yield
      }) : () -> ()
      %add3A_134 = arith.constant 2 : i32
      %add3A_135 = arith.addi %mul3A_70, %add3A_134 : i32
      %lt3A_136 = arith.constant 88 : i32
      %lt3A_137 = arith.cmpi slt, %add3A_135, %lt3A_136 : i32
      %convert_element_type3A_138 = arith.extui %lt3A_137 : i1 to i32
      %cond3A_139 = arith.constant 0 : i32
      %cond3A_140 = arith.cmpi ne, %convert_element_type3A_138, %cond3A_139 : i32
      scf.if %cond3A_140 {
        %jit3A_163 = arith.constant 8 : i32
        %div3A_164 = arith.divsi %add3A_135, %jit3A_163 : i32
        %sign3A_165 = arith.constant 0 : i32
        %sign3A_166 = arith.cmpi sgt, %add3A_135, %sign3A_165 : i32
        %sign3A_167 = arith.extui %sign3A_166 : i1 to i32
        %sign3A_168 = arith.constant 0 : i32
        %sign3A_169 = arith.cmpi slt, %add3A_135, %sign3A_168 : i32
        %sign3A_170 = arith.extui %sign3A_169 : i1 to i32
        %sign3A_171 = arith.subi %sign3A_167, %sign3A_170 : i32
        %sign3A_172 = arith.constant 0 : i32
        %sign3A_173 = arith.cmpi sgt, %jit3A_163, %sign3A_172 : i32
        %sign3A_174 = arith.extui %sign3A_173 : i1 to i32
        %sign3A_175 = arith.constant 0 : i32
        %sign3A_176 = arith.cmpi slt, %jit3A_163, %sign3A_175 : i32
        %sign3A_177 = arith.extui %sign3A_176 : i1 to i32
        %sign3A_178 = arith.subi %sign3A_174, %sign3A_177 : i32
        %ne3A_179 = arith.cmpi ne, %sign3A_171, %sign3A_178 : i32
        %rem3A_180 = arith.remsi %add3A_135, %jit3A_163 : i32
        %ne3A_181 = arith.constant 0 : i32
        %ne3A_182 = arith.cmpi ne, %rem3A_180, %ne3A_181 : i32
        %and3A_183 = arith.andi %ne3A_179, %ne3A_182 : i1
        %sub3A_184 = arith.constant 1 : i32
        %sub3A_185 = arith.subi %div3A_164, %sub3A_184 : i32
        %select_n3A_186 = arith.select %and3A_183, %sub3A_185, %div3A_164 : i32
        %jit3A_187 = arith.constant 2 : i32
        %eq3A_188 = arith.constant 0 : i32
        %eq3A_189 = arith.cmpi eq, %jit3A_187, %eq3A_188 : i32
        %jit3A_190 = arith.constant 1 : i32
        %select_n3A_191 = arith.select %eq3A_189, %jit3A_190, %jit3A_187 : i32
        %rem3A_192 = arith.remsi %select_n3A_186, %select_n3A_191 : i32
        %ne3A_193 = arith.constant 0 : i32
        %ne3A_194 = arith.cmpi ne, %rem3A_192, %ne3A_193 : i32
        %lt3A_195 = arith.constant 0 : i32
        %lt3A_196 = arith.cmpi slt, %rem3A_192, %lt3A_195 : i32
        %lt3A_197 = arith.constant 0 : i32
        %lt3A_198 = arith.cmpi slt, %select_n3A_191, %lt3A_197 : i32
        %ne3A_199 = arith.xori %lt3A_196, %lt3A_198 : i1
        %and3A_200 = arith.andi %ne3A_199, %ne3A_194 : i1
        %add3A_201 = arith.addi %rem3A_192, %select_n3A_191 : i32
        %select_n3A_202 = arith.select %and3A_200, %add3A_201, %rem3A_192 : i32
        %mul3A_203 = arith.constant 8 : i32
        %mul3A_204 = arith.muli %mul3A_203, %select_n3A_186 : i32
        %sub3A_205 = arith.subi %add3A_135, %mul3A_204 : i32
        %dma_start3A_206 = arith.constant 0 : i32
        %dma_start3A_207 = arith.constant 0 : i32
        %dma_start3A_208 = tpu.memref_slice %arg8[%select_n3A_202, %dma_start3A_206, %dma_start3A_207] : memref<2x8x128xi32, #tpu.memory_space<vmem>> -> memref<1x8x128xi32, #tpu.memory_space<vmem>>
        %dma_start3A_209 = tpu.memref_squeeze %dma_start3A_208 : memref<1x8x128xi32, #tpu.memory_space<vmem>> -> memref<8x128xi32, #tpu.memory_space<vmem>>
        %dma_start3A_210 = arith.constant 0 : i32
        %dma_start3A_211 = tpu.memref_slice %dma_start3A_209[%sub3A_205, %dma_start3A_210] : memref<8x128xi32, #tpu.memory_space<vmem>> -> memref<1x128xi32, #tpu.memory_space<vmem>>
        %dma_start3A_212 = tpu.memref_squeeze %dma_start3A_211 : memref<1x128xi32, #tpu.memory_space<vmem>> -> memref<128xi32, #tpu.memory_space<vmem>>
        %dma_start3A_213 = arith.constant 0 : i32
        %dma_start3A_214 = arith.constant 0 : i32
        %dma_start3A_215 = tpu.memref_slice %arg2[%dma_start3A_213, %dma_start3A_214] : memref<10000x128xf32, #tpu.memory_space<hbm>> -> memref<10000x128xf32, #tpu.memory_space<hbm>>
        tpu.enqueue_indirect_dma source(%dma_start3A_215 : memref<10000x128xf32, #tpu.memory_space<hbm>>) target(%arg11 : memref<128x128xf32, #tpu.memory_space<vmem>>) offsets(%dma_start3A_212 : memref<128xi32, #tpu.memory_space<vmem>>) semaphore(%arg14 : memref<!tpu.dma_semaphore, #tpu.memory_space<semaphore_mem>>)
      } else {
      }
      %add3A_141 = arith.constant 1 : i32
      %add3A_142 = arith.addi %mul3A_70, %add3A_141 : i32
      %add3A_143 = arith.constant 1 : i32
      %add3A_144 = arith.addi %sub3A_104, %add3A_143 : i32
      %dma_wait3A_145 = arith.constant 0 : i32
      %dma_wait3A_146 = arith.constant 0 : i32
      %dma_wait3A_147 = tpu.memref_slice %arg2[%dma_wait3A_145, %dma_wait3A_146] : memref<10000x128xf32, #tpu.memory_space<hbm>> -> memref<128x128xf32, #tpu.memory_space<hbm>>
      %dma_wait3A_148 = arith.constant 0 : i32
      %dma_wait3A_149 = arith.constant 0 : i32
      %dma_wait3A_150 = tpu.memref_slice %arg2[%dma_wait3A_148, %dma_wait3A_149] : memref<10000x128xf32, #tpu.memory_space<hbm>> -> memref<128x128xf32, #tpu.memory_space<hbm>>
      tpu.wait_dma2 semaphore(%arg15 : memref<!tpu.dma_semaphore, #tpu.memory_space<semaphore_mem>>) src(%dma_wait3A_150 : memref<128x128xf32, #tpu.memory_space<hbm>>) dst(%arg12 : memref<128x128xf32, #tpu.memory_space<vmem>>)
      %broadcast_in_dim3A_151 = vector.broadcast %add3A_144 : i32 to vector<16xi32>
      %broadcast_in_dim3A_152 = vector.broadcast %select_n3A_101 : i32 to vector<16xi32>
      %parallel_loop3A_153 = arith.constant 0 : i32
      %parallel_loop3A_154 = arith.constant 128 : i32
      %parallel_loop3A_155 = arith.constant 1 : i32
      scf.for %parallel_loop3A_163 = %parallel_loop3A_153 to %parallel_loop3A_154 step %parallel_loop3A_155  : i32 {
        %parallel_loop3A_164 = vector.broadcast %parallel_loop3A_163 : i32 to vector<16xi32>
        %parallel_loop3A_165 = tpu.vector_load_idx %arg10[%broadcast_in_dim3A_152, %broadcast_in_dim3A_151, %parallel_loop3A_164] : memref<2x8x128xf32, #tpu.memory_space<vmem>>[vector<16xi32>, vector<16xi32>, vector<16xi32>], vector<16xf32>,
        %parallel_loop3A_166 = arith.constant 0 : i32
        %parallel_loop3A_167 = vector.broadcast %parallel_loop3A_166 : i32 to vector<16xi32>
        %parallel_loop3A_168 = arith.addi %iota3A, %parallel_loop3A_167 : vector<16xi32>
        %parallel_loop3A_169 = tpu.vector_load_idx %arg12[%parallel_loop3A_164, %parallel_loop3A_168] : memref<128x128xf32, #tpu.memory_space<vmem>>[vector<16xi32>, vector<16xi32>], vector<16xf32>,
        %parallel_loop3A_170 = arith.mulf %parallel_loop3A_169, %parallel_loop3A_165 : vector<16xf32>
        tpu.vector_store_idx %arg12[%parallel_loop3A_164, %parallel_loop3A_168], %parallel_loop3A_170 : memref<128x128xf32, #tpu.memory_space<vmem>>[vector<16xi32>, vector<16xi32>], vector<16xf32>,
        %parallel_loop3A_171 = arith.constant 16 : i32
        %parallel_loop3A_172 = vector.broadcast %parallel_loop3A_171 : i32 to vector<16xi32>
        %parallel_loop3A_173 = arith.addi %iota3A, %parallel_loop3A_172 : vector<16xi32>
        %parallel_loop3A_174 = tpu.vector_load_idx %arg12[%parallel_loop3A_164, %parallel_loop3A_173] : memref<128x128xf32, #tpu.memory_space<vmem>>[vector<16xi32>, vector<16xi32>], vector<16xf32>,
        %parallel_loop3A_175 = arith.mulf %parallel_loop3A_174, %parallel_loop3A_165 : vector<16xf32>
        tpu.vector_store_idx %arg12[%parallel_loop3A_164, %parallel_loop3A_173], %parallel_loop3A_175 : memref<128x128xf32, #tpu.memory_space<vmem>>[vector<16xi32>, vector<16xi32>], vector<16xf32>,
        %parallel_loop3A_176 = arith.constant 32 : i32
        %parallel_loop3A_177 = vector.broadcast %parallel_loop3A_176 : i32 to vector<16xi32>
        %parallel_loop3A_178 = arith.addi %iota3A, %parallel_loop3A_177 : vector<16xi32>
        %parallel_loop3A_179 = tpu.vector_load_idx %arg12[%parallel_loop3A_164, %parallel_loop3A_178] : memref<128x128xf32, #tpu.memory_space<vmem>>[vector<16xi32>, vector<16xi32>], vector<16xf32>,
        %parallel_loop3A_180 = arith.mulf %parallel_loop3A_179, %parallel_loop3A_165 : vector<16xf32>
        tpu.vector_store_idx %arg12[%parallel_loop3A_164, %parallel_loop3A_178], %parallel_loop3A_180 : memref<128x128xf32, #tpu.memory_space<vmem>>[vector<16xi32>, vector<16xi32>], vector<16xf32>,
        %parallel_loop3A_181 = arith.constant 48 : i32
        %parallel_loop3A_182 = vector.broadcast %parallel_loop3A_181 : i32 to vector<16xi32>
        %parallel_loop3A_183 = arith.addi %iota3A, %parallel_loop3A_182 : vector<16xi32>
        %parallel_loop3A_184 = tpu.vector_load_idx %arg12[%parallel_loop3A_164, %parallel_loop3A_183] : memref<128x128xf32, #tpu.memory_space<vmem>>[vector<16xi32>, vector<16xi32>], vector<16xf32>,
        %parallel_loop3A_185 = arith.mulf %parallel_loop3A_184, %parallel_loop3A_165 : vector<16xf32>
        tpu.vector_store_idx %arg12[%parallel_loop3A_164, %parallel_loop3A_183], %parallel_loop3A_185 : memref<128x128xf32, #tpu.memory_space<vmem>>[vector<16xi32>, vector<16xi32>], vector<16xf32>,
        %parallel_loop3A_186 = arith.constant 64 : i32
        %parallel_loop3A_187 = vector.broadcast %parallel_loop3A_186 : i32 to vector<16xi32>
        %parallel_loop3A_188 = arith.addi %iota3A, %parallel_loop3A_187 : vector<16xi32>
        %parallel_loop3A_189 = tpu.vector_load_idx %arg12[%parallel_loop3A_164, %parallel_loop3A_188] : memref<128x128xf32, #tpu.memory_space<vmem>>[vector<16xi32>, vector<16xi32>], vector<16xf32>,
        %parallel_loop3A_190 = arith.mulf %parallel_loop3A_189, %parallel_loop3A_165 : vector<16xf32>
        tpu.vector_store_idx %arg12[%parallel_loop3A_164, %parallel_loop3A_188], %parallel_loop3A_190 : memref<128x128xf32, #tpu.memory_space<vmem>>[vector<16xi32>, vector<16xi32>], vector<16xf32>,
        %parallel_loop3A_191 = arith.constant 80 : i32
        %parallel_loop3A_192 = vector.broadcast %parallel_loop3A_191 : i32 to vector<16xi32>
        %parallel_loop3A_193 = arith.addi %iota3A, %parallel_loop3A_192 : vector<16xi32>
        %parallel_loop3A_194 = tpu.vector_load_idx %arg12[%parallel_loop3A_164, %parallel_loop3A_193] : memref<128x128xf32, #tpu.memory_space<vmem>>[vector<16xi32>, vector<16xi32>], vector<16xf32>,
        %parallel_loop3A_195 = arith.mulf %parallel_loop3A_194, %parallel_loop3A_165 : vector<16xf32>
        tpu.vector_store_idx %arg12[%parallel_loop3A_164, %parallel_loop3A_193], %parallel_loop3A_195 : memref<128x128xf32, #tpu.memory_space<vmem>>[vector<16xi32>, vector<16xi32>], vector<16xf32>,
        %parallel_loop3A_196 = arith.constant 96 : i32
        %parallel_loop3A_197 = vector.broadcast %parallel_loop3A_196 : i32 to vector<16xi32>
        %parallel_loop3A_198 = arith.addi %iota3A, %parallel_loop3A_197 : vector<16xi32>
        %parallel_loop3A_199 = tpu.vector_load_idx %arg12[%parallel_loop3A_164, %parallel_loop3A_198] : memref<128x128xf32, #tpu.memory_space<vmem>>[vector<16xi32>, vector<16xi32>], vector<16xf32>,
        %parallel_loop3A_200 = arith.mulf %parallel_loop3A_199, %parallel_loop3A_165 : vector<16xf32>
        tpu.vector_store_idx %arg12[%parallel_loop3A_164, %parallel_loop3A_198], %parallel_loop3A_200 : memref<128x128xf32, #tpu.memory_space<vmem>>[vector<16xi32>, vector<16xi32>], vector<16xf32>,
        %parallel_loop3A_201 = arith.constant 112 : i32
        %parallel_loop3A_202 = vector.broadcast %parallel_loop3A_201 : i32 to vector<16xi32>
        %parallel_loop3A_203 = arith.addi %iota3A, %parallel_loop3A_202 : vector<16xi32>
        %parallel_loop3A_204 = tpu.vector_load_idx %arg12[%parallel_loop3A_164, %parallel_loop3A_203] : memref<128x128xf32, #tpu.memory_space<vmem>>[vector<16xi32>, vector<16xi32>], vector<16xf32>,
        %parallel_loop3A_205 = arith.mulf %parallel_loop3A_204, %parallel_loop3A_165 : vector<16xf32>
        tpu.vector_store_idx %arg12[%parallel_loop3A_164, %parallel_loop3A_203], %parallel_loop3A_205 : memref<128x128xf32, #tpu.memory_space<vmem>>[vector<16xi32>, vector<16xi32>], vector<16xf32>,
      } {sc.loop_unroll_factor = 4 : i64, sc.parallel_access}
      "tpu.region"() ({
        %run_scoped3A_163 = tpu.sem_alloc : memref<!tpu.dma_semaphore, #tpu.memory_space<semaphore_mem>>
        %dma_start3A_164 = arith.constant 0 : i32
        %dma_start3A_165 = arith.constant 0 : i32
        %dma_start3A_166 = tpu.memref_slice %arg9[%select_n3A_101, %dma_start3A_164, %dma_start3A_165] : memref<2x8x128xi32, #tpu.memory_space<vmem>> -> memref<1x8x128xi32, #tpu.memory_space<vmem>>
        %dma_start3A_167 = tpu.memref_squeeze %dma_start3A_166 : memref<1x8x128xi32, #tpu.memory_space<vmem>> -> memref<8x128xi32, #tpu.memory_space<vmem>>
        %dma_start3A_168 = arith.constant 0 : i32
        %dma_start3A_169 = tpu.memref_slice %dma_start3A_167[%add3A_144, %dma_start3A_168] : memref<8x128xi32, #tpu.memory_space<vmem>> -> memref<1x128xi32, #tpu.memory_space<vmem>>
        %dma_start3A_170 = tpu.memref_squeeze %dma_start3A_169 : memref<1x128xi32, #tpu.memory_space<vmem>> -> memref<128xi32, #tpu.memory_space<vmem>>
        %dma_start3A_171 = arith.constant 0 : i32
        %dma_start3A_172 = arith.constant 0 : i32
        %dma_start3A_173 = tpu.memref_slice %arg13[%dma_start3A_171, %dma_start3A_172] : memref<10240x128xf32, #tpu.memory_space<vmem_shared>> -> memref<10240x128xf32, #tpu.memory_space<vmem_shared>>
        tpu.enqueue_indirect_dma source(%arg12 : memref<128x128xf32, #tpu.memory_space<vmem>>) target(%dma_start3A_173 : memref<10240x128xf32, #tpu.memory_space<vmem_shared>>) offsets(%dma_start3A_170 : memref<128xi32, #tpu.memory_space<vmem>>) semaphore(%run_scoped3A_163 : memref<!tpu.dma_semaphore, #tpu.memory_space<semaphore_mem>>) {add = true}
        %dma_wait3A_174 = arith.constant 0 : i32
        %dma_wait3A_175 = arith.constant 0 : i32
        %dma_wait3A_176 = tpu.memref_slice %arg9[%select_n3A_101, %dma_wait3A_174, %dma_wait3A_175] : memref<2x8x128xi32, #tpu.memory_space<vmem>> -> memref<1x8x128xi32, #tpu.memory_space<vmem>>
        %dma_wait3A_177 = tpu.memref_squeeze %dma_wait3A_176 : memref<1x8x128xi32, #tpu.memory_space<vmem>> -> memref<8x128xi32, #tpu.memory_space<vmem>>
        %dma_wait3A_178 = arith.constant 0 : i32
        %dma_wait3A_179 = tpu.memref_slice %dma_wait3A_177[%add3A_144, %dma_wait3A_178] : memref<8x128xi32, #tpu.memory_space<vmem>> -> memref<1x128xi32, #tpu.memory_space<vmem>>
        %dma_wait3A_180 = tpu.memref_squeeze %dma_wait3A_179 : memref<1x128xi32, #tpu.memory_space<vmem>> -> memref<128xi32, #tpu.memory_space<vmem>>
        %dma_wait3A_181 = arith.constant 0 : i32
        %dma_wait3A_182 = arith.constant 0 : i32
        %dma_wait3A_183 = tpu.memref_slice %arg13[%dma_wait3A_181, %dma_wait3A_182] : memref<10240x128xf32, #tpu.memory_space<vmem_shared>> -> memref<10240x128xf32, #tpu.memory_space<vmem_shared>>
        tpu.wait_indirect_dma semaphore(%run_scoped3A_163 : memref<!tpu.dma_semaphore, #tpu.memory_space<semaphore_mem>>) src(%arg12 : memref<128x128xf32, #tpu.memory_space<vmem>>) dst(%dma_wait3A_183 : memref<10240x128xf32, #tpu.memory_space<vmem_shared>>)
        tpu.yield
      }) : () -> ()
      %add3A_156 = arith.constant 2 : i32
      %add3A_157 = arith.addi %add3A_142, %add3A_156 : i32
      %lt3A_158 = arith.constant 88 : i32
      %lt3A_159 = arith.cmpi slt, %add3A_157, %lt3A_158 : i32
      %convert_element_type3A_160 = arith.extui %lt3A_159 : i1 to i32
      %cond3A_161 = arith.constant 0 : i32
      %cond3A_162 = arith.cmpi ne, %convert_element_type3A_160, %cond3A_161 : i32
      scf.if %cond3A_162 {
        %jit3A_163 = arith.constant 8 : i32
        %div3A_164 = arith.divsi %add3A_157, %jit3A_163 : i32
        %sign3A_165 = arith.constant 0 : i32
        %sign3A_166 = arith.cmpi sgt, %add3A_157, %sign3A_165 : i32
        %sign3A_167 = arith.extui %sign3A_166 : i1 to i32
        %sign3A_168 = arith.constant 0 : i32
        %sign3A_169 = arith.cmpi slt, %add3A_157, %sign3A_168 : i32
        %sign3A_170 = arith.extui %sign3A_169 : i1 to i32
        %sign3A_171 = arith.subi %sign3A_167, %sign3A_170 : i32
        %sign3A_172 = arith.constant 0 : i32
        %sign3A_173 = arith.cmpi sgt, %jit3A_163, %sign3A_172 : i32
        %sign3A_174 = arith.extui %sign3A_173 : i1 to i32
        %sign3A_175 = arith.constant 0 : i32
        %sign3A_176 = arith.cmpi slt, %jit3A_163, %sign3A_175 : i32
        %sign3A_177 = arith.extui %sign3A_176 : i1 to i32
        %sign3A_178 = arith.subi %sign3A_174, %sign3A_177 : i32
        %ne3A_179 = arith.cmpi ne, %sign3A_171, %sign3A_178 : i32
        %rem3A_180 = arith.remsi %add3A_157, %jit3A_163 : i32
        %ne3A_181 = arith.constant 0 : i32
        %ne3A_182 = arith.cmpi ne, %rem3A_180, %ne3A_181 : i32
        %and3A_183 = arith.andi %ne3A_179, %ne3A_182 : i1
        %sub3A_184 = arith.constant 1 : i32
        %sub3A_185 = arith.subi %div3A_164, %sub3A_184 : i32
        %select_n3A_186 = arith.select %and3A_183, %sub3A_185, %div3A_164 : i32
        %jit3A_187 = arith.constant 2 : i32
        %eq3A_188 = arith.constant 0 : i32
        %eq3A_189 = arith.cmpi eq, %jit3A_187, %eq3A_188 : i32
        %jit3A_190 = arith.constant 1 : i32
        %select_n3A_191 = arith.select %eq3A_189, %jit3A_190, %jit3A_187 : i32
        %rem3A_192 = arith.remsi %select_n3A_186, %select_n3A_191 : i32
        %ne3A_193 = arith.constant 0 : i32
        %ne3A_194 = arith.cmpi ne, %rem3A_192, %ne3A_193 : i32
        %lt3A_195 = arith.constant 0 : i32
        %lt3A_196 = arith.cmpi slt, %rem3A_192, %lt3A_195 : i32
        %lt3A_197 = arith.constant 0 : i32
        %lt3A_198 = arith.cmpi slt, %select_n3A_191, %lt3A_197 : i32
        %ne3A_199 = arith.xori %lt3A_196, %lt3A_198 : i1
        %and3A_200 = arith.andi %ne3A_199, %ne3A_194 : i1
        %add3A_201 = arith.addi %rem3A_192, %select_n3A_191 : i32
        %select_n3A_202 = arith.select %and3A_200, %add3A_201, %rem3A_192 : i32
        %mul3A_203 = arith.constant 8 : i32
        %mul3A_204 = arith.muli %mul3A_203, %select_n3A_186 : i32
        %sub3A_205 = arith.subi %add3A_157, %mul3A_204 : i32
        %dma_start3A_206 = arith.constant 0 : i32
        %dma_start3A_207 = arith.constant 0 : i32
        %dma_start3A_208 = tpu.memref_slice %arg8[%select_n3A_202, %dma_start3A_206, %dma_start3A_207] : memref<2x8x128xi32, #tpu.memory_space<vmem>> -> memref<1x8x128xi32, #tpu.memory_space<vmem>>
        %dma_start3A_209 = tpu.memref_squeeze %dma_start3A_208 : memref<1x8x128xi32, #tpu.memory_space<vmem>> -> memref<8x128xi32, #tpu.memory_space<vmem>>
        %dma_start3A_210 = arith.constant 0 : i32
        %dma_start3A_211 = tpu.memref_slice %dma_start3A_209[%sub3A_205, %dma_start3A_210] : memref<8x128xi32, #tpu.memory_space<vmem>> -> memref<1x128xi32, #tpu.memory_space<vmem>>
        %dma_start3A_212 = tpu.memref_squeeze %dma_start3A_211 : memref<1x128xi32, #tpu.memory_space<vmem>> -> memref<128xi32, #tpu.memory_space<vmem>>
        %dma_start3A_213 = arith.constant 0 : i32
        %dma_start3A_214 = arith.constant 0 : i32
        %dma_start3A_215 = tpu.memref_slice %arg2[%dma_start3A_213, %dma_start3A_214] : memref<10000x128xf32, #tpu.memory_space<hbm>> -> memref<10000x128xf32, #tpu.memory_space<hbm>>
        tpu.enqueue_indirect_dma source(%dma_start3A_215 : memref<10000x128xf32, #tpu.memory_space<hbm>>) target(%arg12 : memref<128x128xf32, #tpu.memory_space<vmem>>) offsets(%dma_start3A_212 : memref<128xi32, #tpu.memory_space<vmem>>) semaphore(%arg15 : memref<!tpu.dma_semaphore, #tpu.memory_space<semaphore_mem>>)
      } else {
      }
    }
    %scan3A_59 = arith.constant 44 : i32
    %barrier3A_60 = arith.constant 0 : index
    tpu.barrier barrier_id(%barrier3A_60)
    %eq3A = arith.constant 0 : i32
    %eq3A_61 = arith.cmpi eq, %arg0, %eq3A : i32
    %convert_element_type3A = arith.extui %eq3A_61 : i1 to i32
    %cond3A = arith.constant 0 : i32
    %cond3A_62 = arith.cmpi ne, %convert_element_type3A, %cond3A : i32
    scf.if %cond3A_62 {
      %mul3A_68 = arith.constant 640 : i32
      %mul3A_69 = arith.muli %mul3A_68, %arg1 : i32
      %mul3A_70 = arith.constant 640 : i32
      %mul3A_71 = arith.muli %mul3A_70, %arg1 : i32
      "tpu.region"() ({
        %run_scoped3A_72 = tpu.sem_alloc : memref<!tpu.dma_semaphore, #tpu.memory_space<semaphore_mem>>
        %dma_start3A_73 = arith.constant 0 : i32
        %dma_start3A_74 = tpu.memref_slice %arg6[%mul3A_71, %dma_start3A_73] : memref<10240x128xf32, #tpu.memory_space<hbm>> -> memref<640x128xf32, #tpu.memory_space<hbm>>
        %dma_start3A_75 = arith.constant 0 : i32
        %dma_start3A_76 = tpu.memref_slice %arg13[%mul3A_69, %dma_start3A_75] : memref<10240x128xf32, #tpu.memory_space<vmem_shared>> -> memref<640x128xf32, #tpu.memory_space<vmem_shared>>
        tpu.enqueue_dma source(%dma_start3A_76 : memref<640x128xf32, #tpu.memory_space<vmem_shared>>) target(%dma_start3A_74 : memref<640x128xf32, #tpu.memory_space<hbm>>) target_semaphore(%run_scoped3A_72 : memref<!tpu.dma_semaphore, #tpu.memory_space<semaphore_mem>>)
        %dma_wait3A = arith.constant 0 : i32
        %dma_wait3A_77 = tpu.memref_slice %arg6[%mul3A_71, %dma_wait3A] : memref<10240x128xf32, #tpu.memory_space<hbm>> -> memref<640x128xf32, #tpu.memory_space<hbm>>
        %dma_wait3A_78 = arith.constant 0 : i32
        %dma_wait3A_79 = tpu.memref_slice %arg13[%mul3A_69, %dma_wait3A_78] : memref<10240x128xf32, #tpu.memory_space<vmem_shared>> -> memref<640x128xf32, #tpu.memory_space<vmem_shared>>
        tpu.wait_dma2 semaphore(%run_scoped3A_72 : memref<!tpu.dma_semaphore, #tpu.memory_space<semaphore_mem>>) src(%dma_wait3A_79 : memref<640x128xf32, #tpu.memory_space<vmem_shared>>) dst(%dma_wait3A_77 : memref<640x128xf32, #tpu.memory_space<hbm>>)
        tpu.yield
      }) : () -> ()
    } else {
    }
    %eq3A_63 = arith.constant 1 : i32
    %eq3A_64 = arith.cmpi eq, %arg0, %eq3A_63 : i32
    %convert_element_type3A_65 = arith.extui %eq3A_64 : i1 to i32
    %cond3A_66 = arith.constant 0 : i32
    %cond3A_67 = arith.cmpi ne, %convert_element_type3A_65, %cond3A_66 : i32
    scf.if %cond3A_67 {
      %mul3A_68 = arith.constant 640 : i32
      %mul3A_69 = arith.muli %mul3A_68, %arg1 : i32
      %mul3A_70 = arith.constant 640 : i32
      %mul3A_71 = arith.muli %mul3A_70, %arg1 : i32
      "tpu.region"() ({
        %run_scoped3A_72 = tpu.sem_alloc : memref<!tpu.dma_semaphore, #tpu.memory_space<semaphore_mem>>
        %dma_start3A_73 = arith.constant 0 : i32
        %dma_start3A_74 = tpu.memref_slice %arg7[%mul3A_71, %dma_start3A_73] : memref<10240x128xf32, #tpu.memory_space<hbm>> -> memref<640x128xf32, #tpu.memory_space<hbm>>
        %dma_start3A_75 = arith.constant 0 : i32
        %dma_start3A_76 = tpu.memref_slice %arg13[%mul3A_69, %dma_start3A_75] : memref<10240x128xf32, #tpu.memory_space<vmem_shared>> -> memref<640x128xf32, #tpu.memory_space<vmem_shared>>
        tpu.enqueue_dma source(%dma_start3A_76 : memref<640x128xf32, #tpu.memory_space<vmem_shared>>) target(%dma_start3A_74 : memref<640x128xf32, #tpu.memory_space<hbm>>) target_semaphore(%run_scoped3A_72 : memref<!tpu.dma_semaphore, #tpu.memory_space<semaphore_mem>>)
        %dma_wait3A = arith.constant 0 : i32
        %dma_wait3A_77 = tpu.memref_slice %arg7[%mul3A_71, %dma_wait3A] : memref<10240x128xf32, #tpu.memory_space<hbm>> -> memref<640x128xf32, #tpu.memory_space<hbm>>
        %dma_wait3A_78 = arith.constant 0 : i32
        %dma_wait3A_79 = tpu.memref_slice %arg13[%mul3A_69, %dma_wait3A_78] : memref<10240x128xf32, #tpu.memory_space<vmem_shared>> -> memref<640x128xf32, #tpu.memory_space<vmem_shared>>
        tpu.wait_dma2 semaphore(%run_scoped3A_72 : memref<!tpu.dma_semaphore, #tpu.memory_space<semaphore_mem>>) src(%dma_wait3A_79 : memref<640x128xf32, #tpu.memory_space<vmem_shared>>) dst(%dma_wait3A_77 : memref<640x128xf32, #tpu.memory_space<hbm>>)
        tpu.yield
      }) : () -> ()
    } else {
    }
    return
  }
}

module attributes {stable_mosaic.version = 14 : i64} {
  func.func @body(%arg0: i32, %arg1: memref<2000x128xf32, #tpu.memory_space<vmem>>, %arg2: memref<128x128xf32, #tpu.memory_space<vmem>>, %arg3: memref<2000x128xf32, #tpu.memory_space<vmem>>) attributes {dimension_semantics = [#tpu.dimension_semantics<arbitrary>], iteration_bounds = array<i64: 5>, scalar_prefetch = 0 : i64, scratch_operands = 0 : i64, tpu.core_type = #tpu.core_type<tc>, window_params = [{transform_indices = @transform_0, window_bounds = array<i64: 2000, 128>}, {pipeline_mode = #tpu.pipeline_mode<synchronous>, transform_indices = @transform_1, window_bounds = array<i64: 128, 128>}, {transform_indices = @transform_2, window_bounds = array<i64: 2000, 128>}]} {
    %get3A = arith.constant 0 : index
    %get3A_0 = arith.constant 0 : index
    %get3A_1 = vector.load %arg1[%get3A, %get3A_0] : memref<2000x128xf32, #tpu.memory_space<vmem>>, vector<2000x128xf32>
    %get3A_2 = arith.constant 0 : index
    %get3A_3 = arith.constant 0 : index
    %get3A_4 = vector.load %arg2[%get3A_2, %get3A_3] : memref<128x128xf32, #tpu.memory_space<vmem>>, vector<128x128xf32>
    %dot_general3A = arith.constant dense<0.000000e+00> : vector<2000x128xf32>
    %dot_general3A_5 = tpu.matmul %get3A_1, %get3A_4, %dot_general3A {dimension_numbers = #tpu.dot_dimension_numbers<[1], [0], [0], [1], [0, 0, 1, 1], [], []>, transpose_lhs_hint = false} : vector<2000x128xf32>, vector<128x128xf32>, vector<2000x128xf32> -> vector<2000x128xf32>
    %swap3A = arith.constant 0 : index
    %swap3A_6 = arith.constant 0 : index
    %swap3A_7 = vector.load %arg3[%swap3A, %swap3A_6] : memref<2000x128xf32, #tpu.memory_space<vmem>>, vector<2000x128xf32>
    tpu.vector_store %arg3[%swap3A, %swap3A_6], %dot_general3A_5 {strides = array<i32>} : memref<2000x128xf32, #tpu.memory_space<vmem>>, vector<2000x128xf32>,
    return
  }
  func.func @transform_0(%arg0: i32) -> (i32, i32) {
    %c0_i32 = arith.constant 0 : i32
    %c0_i32_0 = arith.constant 0 : i32
    return %arg0, %c0_i32 : i32, i32
  }
  func.func @transform_1(%arg0: i32) -> (i32, i32) {
    %c0_i32 = arith.constant 0 : i32
    %c0_i32_0 = arith.constant 0 : i32
    %c0_i32_1 = arith.constant 0 : i32
    return %c0_i32, %c0_i32_0 : i32, i32
  }
  func.func @transform_2(%arg0: i32) -> (i32, i32) {
    %c0_i32 = arith.constant 0 : i32
    %c0_i32_0 = arith.constant 0 : i32
    return %arg0, %c0_i32 : i32, i32
  }
}

module attributes {stable_mosaic.version = 14 : i64} {
  func.func @body(%arg0: i32, %arg1: memref<2000x128xf32, #tpu.memory_space<vmem>>, %arg2: memref<2000x128xf32, #tpu.memory_space<vmem>>, %arg3: memref<1x128xf32, #tpu.memory_space<vmem>>, %arg4: memref<128x128xf32, #tpu.memory_space<vmem>>, %arg5: memref<2000x128xf32, #tpu.memory_space<vmem>>) attributes {dimension_semantics = [#tpu.dimension_semantics<arbitrary>], iteration_bounds = array<i64: 5>, scalar_prefetch = 0 : i64, scratch_operands = 0 : i64, tpu.core_type = #tpu.core_type<tc>, window_params = [{transform_indices = @transform_0, window_bounds = array<i64: 2000, 128>}, {transform_indices = @transform_1, window_bounds = array<i64: 2000, 128>}, {pipeline_mode = #tpu.pipeline_mode<synchronous>, transform_indices = @transform_2, window_bounds = array<i64: 1, 128>}, {pipeline_mode = #tpu.pipeline_mode<synchronous>, transform_indices = @transform_3, window_bounds = array<i64: 128, 128>}, {transform_indices = @transform_4, window_bounds = array<i64: 2000, 128>}]} {
    %get3A = arith.constant 0 : index
    %get3A_0 = arith.constant 0 : index
    %get3A_1 = vector.load %arg1[%get3A, %get3A_0] : memref<2000x128xf32, #tpu.memory_space<vmem>>, vector<2000x128xf32>
    %get3A_2 = arith.constant 0 : index
    %get3A_3 = arith.constant 0 : index
    %get3A_4 = vector.load %arg2[%get3A_2, %get3A_3] : memref<2000x128xf32, #tpu.memory_space<vmem>>, vector<2000x128xf32>
    %add3A = arith.addf %get3A_1, %get3A_4 : vector<2000x128xf32>
    %get3A_5 = arith.constant 0 : index
    %get3A_6 = arith.constant 0 : index
    %get3A_7 = vector.load %arg3[%get3A_5, %get3A_6] : memref<1x128xf32, #tpu.memory_space<vmem>>, vector<1x128xf32>
    %add3A_8 = vector.broadcast %get3A_7 : vector<1x128xf32> to vector<2000x128xf32>
    %add3A_9 = arith.addf %add3A, %add3A_8 : vector<2000x128xf32>
    %max3A = arith.constant 0.000000e+00 : f32
    %max3A_10 = vector.broadcast %max3A : f32 to vector<2000x128xf32>
    %max3A_11 = arith.maximumf %add3A_9, %max3A_10 : vector<2000x128xf32>
    %get3A_12 = arith.constant 0 : index
    %get3A_13 = arith.constant 0 : index
    %get3A_14 = vector.load %arg4[%get3A_12, %get3A_13] : memref<128x128xf32, #tpu.memory_space<vmem>>, vector<128x128xf32>
    %dot_general3A = arith.constant dense<0.000000e+00> : vector<2000x128xf32>
    %dot_general3A_15 = tpu.matmul %max3A_11, %get3A_14, %dot_general3A {dimension_numbers = #tpu.dot_dimension_numbers<[1], [0], [0], [1], [0, 0, 1, 1], [], []>, transpose_lhs_hint = false} : vector<2000x128xf32>, vector<128x128xf32>, vector<2000x128xf32> -> vector<2000x128xf32>
    %swap3A = arith.constant 0 : index
    %swap3A_16 = arith.constant 0 : index
    %swap3A_17 = vector.load %arg5[%swap3A, %swap3A_16] : memref<2000x128xf32, #tpu.memory_space<vmem>>, vector<2000x128xf32>
    tpu.vector_store %arg5[%swap3A, %swap3A_16], %dot_general3A_15 {strides = array<i32>} : memref<2000x128xf32, #tpu.memory_space<vmem>>, vector<2000x128xf32>,
    return
  }
  func.func @transform_0(%arg0: i32) -> (i32, i32) {
    %c0_i32 = arith.constant 0 : i32
    %c0_i32_0 = arith.constant 0 : i32
    return %arg0, %c0_i32 : i32, i32
  }
  func.func @transform_1(%arg0: i32) -> (i32, i32) {
    %c0_i32 = arith.constant 0 : i32
    %c0_i32_0 = arith.constant 0 : i32
    return %arg0, %c0_i32 : i32, i32
  }
  func.func @transform_2(%arg0: i32) -> (i32, i32) {
    %c0_i32 = arith.constant 0 : i32
    %c0_i32_0 = arith.constant 0 : i32
    %c0_i32_1 = arith.constant 0 : i32
    return %c0_i32, %c0_i32_0 : i32, i32
  }
  func.func @transform_3(%arg0: i32) -> (i32, i32) {
    %c0_i32 = arith.constant 0 : i32
    %c0_i32_0 = arith.constant 0 : i32
    %c0_i32_1 = arith.constant 0 : i32
    return %c0_i32, %c0_i32_0 : i32, i32
  }
  func.func @transform_4(%arg0: i32) -> (i32, i32) {
    %c0_i32 = arith.constant 0 : i32
    %c0_i32_0 = arith.constant 0 : i32
    return %arg0, %c0_i32 : i32, i32
  }
}

module attributes {stable_mosaic.version = 14 : i64} {
  func.func @body(%arg0: i32, %arg1: memref<2000x128xf32, #tpu.memory_space<vmem>>, %arg2: memref<2000x128xf32, #tpu.memory_space<vmem>>, %arg3: memref<1x128xf32, #tpu.memory_space<vmem>>, %arg4: memref<128x128xf32, #tpu.memory_space<vmem>>, %arg5: memref<1x128xf32, #tpu.memory_space<vmem>>, %arg6: memref<2000x128xf32, #tpu.memory_space<vmem>>) attributes {dimension_semantics = [#tpu.dimension_semantics<arbitrary>], iteration_bounds = array<i64: 5>, scalar_prefetch = 0 : i64, scratch_operands = 0 : i64, tpu.core_type = #tpu.core_type<tc>, window_params = [{transform_indices = @transform_0, window_bounds = array<i64: 2000, 128>}, {transform_indices = @transform_1, window_bounds = array<i64: 2000, 128>}, {pipeline_mode = #tpu.pipeline_mode<synchronous>, transform_indices = @transform_2, window_bounds = array<i64: 1, 128>}, {pipeline_mode = #tpu.pipeline_mode<synchronous>, transform_indices = @transform_3, window_bounds = array<i64: 128, 128>}, {pipeline_mode = #tpu.pipeline_mode<synchronous>, transform_indices = @transform_4, window_bounds = array<i64: 1, 128>}, {transform_indices = @transform_5, window_bounds = array<i64: 2000, 128>}]} {
    %get3A = arith.constant 0 : index
    %get3A_0 = arith.constant 0 : index
    %get3A_1 = vector.load %arg1[%get3A, %get3A_0] : memref<2000x128xf32, #tpu.memory_space<vmem>>, vector<2000x128xf32>
    %get3A_2 = arith.constant 0 : index
    %get3A_3 = arith.constant 0 : index
    %get3A_4 = vector.load %arg2[%get3A_2, %get3A_3] : memref<2000x128xf32, #tpu.memory_space<vmem>>, vector<2000x128xf32>
    %add3A = arith.addf %get3A_1, %get3A_4 : vector<2000x128xf32>
    %get3A_5 = arith.constant 0 : index
    %get3A_6 = arith.constant 0 : index
    %get3A_7 = vector.load %arg3[%get3A_5, %get3A_6] : memref<1x128xf32, #tpu.memory_space<vmem>>, vector<1x128xf32>
    %add3A_8 = vector.broadcast %get3A_7 : vector<1x128xf32> to vector<2000x128xf32>
    %add3A_9 = arith.addf %add3A, %add3A_8 : vector<2000x128xf32>
    %max3A = arith.constant 0.000000e+00 : f32
    %max3A_10 = vector.broadcast %max3A : f32 to vector<2000x128xf32>
    %max3A_11 = arith.maximumf %add3A_9, %max3A_10 : vector<2000x128xf32>
    %get3A_12 = arith.constant 0 : index
    %get3A_13 = arith.constant 0 : index
    %get3A_14 = vector.load %arg4[%get3A_12, %get3A_13] : memref<128x128xf32, #tpu.memory_space<vmem>>, vector<128x128xf32>
    %dot_general3A = arith.constant dense<0.000000e+00> : vector<2000x128xf32>
    %dot_general3A_15 = tpu.matmul %max3A_11, %get3A_14, %dot_general3A {dimension_numbers = #tpu.dot_dimension_numbers<[1], [0], [0], [1], [0, 0, 1, 1], [], []>, transpose_lhs_hint = false} : vector<2000x128xf32>, vector<128x128xf32>, vector<2000x128xf32> -> vector<2000x128xf32>
    %get3A_16 = arith.constant 0 : index
    %get3A_17 = arith.constant 0 : index
    %get3A_18 = vector.load %arg5[%get3A_16, %get3A_17] : memref<1x128xf32, #tpu.memory_space<vmem>>, vector<1x128xf32>
    %add3A_19 = vector.broadcast %get3A_18 : vector<1x128xf32> to vector<2000x128xf32>
    %add3A_20 = arith.addf %dot_general3A_15, %add3A_19 : vector<2000x128xf32>
    %swap3A = arith.constant 0 : index
    %swap3A_21 = arith.constant 0 : index
    %swap3A_22 = vector.load %arg6[%swap3A, %swap3A_21] : memref<2000x128xf32, #tpu.memory_space<vmem>>, vector<2000x128xf32>
    tpu.vector_store %arg6[%swap3A, %swap3A_21], %add3A_20 {strides = array<i32>} : memref<2000x128xf32, #tpu.memory_space<vmem>>, vector<2000x128xf32>,
    return
  }
  func.func @transform_0(%arg0: i32) -> (i32, i32) {
    %c0_i32 = arith.constant 0 : i32
    %c0_i32_0 = arith.constant 0 : i32
    return %arg0, %c0_i32 : i32, i32
  }
  func.func @transform_1(%arg0: i32) -> (i32, i32) {
    %c0_i32 = arith.constant 0 : i32
    %c0_i32_0 = arith.constant 0 : i32
    return %arg0, %c0_i32 : i32, i32
  }
  func.func @transform_2(%arg0: i32) -> (i32, i32) {
    %c0_i32 = arith.constant 0 : i32
    %c0_i32_0 = arith.constant 0 : i32
    %c0_i32_1 = arith.constant 0 : i32
    return %c0_i32, %c0_i32_0 : i32, i32
  }
  func.func @transform_3(%arg0: i32) -> (i32, i32) {
    %c0_i32 = arith.constant 0 : i32
    %c0_i32_0 = arith.constant 0 : i32
    %c0_i32_1 = arith.constant 0 : i32
    return %c0_i32, %c0_i32_0 : i32, i32
  }
  func.func @transform_4(%arg0: i32) -> (i32, i32) {
    %c0_i32 = arith.constant 0 : i32
    %c0_i32_0 = arith.constant 0 : i32
    %c0_i32_1 = arith.constant 0 : i32
    return %c0_i32, %c0_i32_0 : i32, i32
  }
  func.func @transform_5(%arg0: i32) -> (i32, i32) {
    %c0_i32 = arith.constant 0 : i32
    %c0_i32_0 = arith.constant 0 : i32
    return %arg0, %c0_i32 : i32, i32
  }
}

</mosaic_0001>

<sc_bundles>
// kernel: kernel.11.cloned.1.call-start
scs
__scs_entry_jumppad:
0x0: {  	(pc) =	sbr.rel $0x88, $3  }
0x1: {  	(tag) =	ssettag $0x0;
	lr =	simm.s32 $0x1  }
0x2: {  	[smem:$0x3F98] =	sst lr;
	_ =	strace $0xD0000000  }
0x3: {  	_ = 	snop  }
0x4: {  	_ = 	snop  }
0x5: {  	_ = 	snop  }
0x6: {  	_ = 	snop  }
0x7: {  	_ = 	snop  }
__scs_overlays_trampoline_lowered:
0x8: {  	[smem:$0x3FA7] =	sst s0  }
0x9: {  	[smem:$0x3FA8] =	sst s1  }
0xa: {  	[smem:$0x3FA9] =	sst s2  }
0xb: {  	[smem:$0x3FAA] =	sst s3  }
0xc: {  	[smem:$0x3FAB] =	sst s4  }
0xd: {  	[smem:$0x3FAC] =	sst s5  }
0xe: {  	[smem:$0x3FAD] =	sst s6  }
0xf: {  	[smem:$0x3FAE] =	sst s7  }
0x10: {  	[smem:$0x3FAF] =	sst s8  }
0x11: {  	[smem:$0x3FB0] =	sst s9;
	s0 =	simm.s32 @!p0 $0x0  }
0x12: {  	s1 =	sld [smem:$0x3F96];
	s0 =	simm.s32 @p0 $0x1  }
0x13: {  	[smem:$0x3FB1] =	sst s0;
	s0 =	simm.s32 @!p1 $0x0  }
0x14: {  	s2 =	sld [smem:$0x3F95];
	s0 =	simm.s32 @p1 $0x1  }
0x15: {  	[smem:$0x3FB2] =	sst s0;
	s0 =	simm.s32 @!p2 $0x0  }
0x16: {  	s3 =	sld [smem:$0x3FDB];
	s0 =	simm.s32 @p2 $0x1  }
0x17: {  	s4 =	simm.s32 $0x1BF5;
	[smem:$0x3FB4] =	sst s0  }
0x18: {  	s0 =	sld [smem:$0x3F97];
	_ =	swait.ge [sflag:s4], $0x0  }
0x19: {  	s7 =	sld [smem:$0x3F98]  }
0x1a: {  	s8 =	sadd.s32 $0xFFFFE003, lr  }
0x1b: {  	s9 =	sadd.s32 $0xFFFFFEF7, lr;
	s5 =	simm.s32 $0xFFFFFFFF;
	p2 =	slt.u32 s8, $0xFFFFF086  }
0x1c: {  	p1 =	slt.u32 s9, $0xF7A;
	s5 =	simm.s32 @!p2 $0x0  }
0x1d: {  	s5 =	simm.s32 @p1 $0x1;
	p0 =	seq.s32 s7, s2  }
0x1e: {  	s7 =	smul.u32 @!p0 $0xF7A, s2;
	p2 =	seq.s32 @!p0 s5, $0x0  }
0x1f: {  	s9 =	smul.u32 $0xF7A, s1;
	s8 =	simm.s32 @!p0 $0x1BF5;
	p2 =	por !p2, p0  }
0x20: {  	[sflag:s8] =	ssyncset.s32 @!p0 $0xFFFFF086;
	s6 =	sadd.s32 @!p0 s3, s7;
	s7 =	simm.s32 @!p0 $0x108  }
0x21: {  	s3 =	sadd.s32 s3, s9;
	s6 =	sadd.s32 @!p0 $0x88, s6;
	s7 =	simm.s32 @p2 $0x1082  }
0x22: {  	[simem:s7], [sflag:s8] =	dma.local @!p0 [hbm:s6], $0xF7A  }
0x23: {  	s9 =	sor.u32 $0xD0000000, s2;
	s6 =	simm.s32 $0x108;
	_ =	swait.ge @!p0 [sflag:s8], $0x0  }
0x24: {  	s3 =	sadd.s32 $0x88, s3;
	s6 =	simm.s32 @!p1 $0x1082;
	[sflag:s4] =	ssyncset.s32 $0xFFFFF086  }
0x25: {  	[simem:s6], [sflag:s4] =	dma.local [hbm:s3], $0xF7A  }
0x26: {  	[smem:$0x3F98] =	sst s1;
	(tag) =	ssettag s2;
	_ =	strace s9  }
0x27: {  	s1 =	sld [smem:$0x3FA8]  }
0x28: {  	s2 =	sld [smem:$0x3FA9]  }
0x29: {  	s4 =	sld [smem:$0x3FAB]  }
0x2a: {  	p0 =	seq.s32 s5, $0x0;
	s5 =	sld [smem:$0x3FAC]  }
0x2b: {  	s6 =	sld [smem:$0x3FAD]  }
0x2c: {  	s7 =	sld [smem:$0x3FAE]  }
0x2d: {  	s3 =	simm.s32 $0x108;
	s8 =	sld [smem:$0x3FAF]  }
0x2e: {  	s3 =	simm.s32 @!p0 $0x1082;
	s9 =	sld [smem:$0x3FB0]  }
0x2f: {  	lr =	sadd.s32 s0, s3;
	s0 =	sld [smem:$0x3FA7]  }
0x30: {  	s3 =	sld [smem:$0x3FAA]  }
0x31: {  	[smem:$0x3FB3] =	sst s10  }
0x32: {  	s10 =	sld [smem:$0x3FB1];
	_ =	sdelay $0x3  }
0x33: {  	p0 =	seq.s32 s10, $0x1;
	s10 =	sld [smem:$0x3FB3];
	_ =	sdelay $0x3  }
0x34: {  	[smem:$0x3FB3] =	sst s10  }
0x35: {  	s10 =	sld [smem:$0x3FB2];
	_ =	sdelay $0x3  }
0x36: {  	p1 =	seq.s32 s10, $0x1;
	s10 =	sld [smem:$0x3FB3];
	_ =	sdelay $0x3  }
0x37: {  	[smem:$0x3FB3] =	sst s10  }
0x38: {  	s10 =	sld [smem:$0x3FB4]  }
0x39: {  	_ = 	snop;
	(pc) =	sbr.ind lr, $3  }
0x3a: {  	_ = 	snop  }
0x3b: {  	_ = 	snop  }
0x3c: {  	p2 =	seq.s32 s10, $0x1;
	s10 =	sld [smem:$0x3FB3]  }
0x3d: {  	_ =	shalt  }
0x3e: {  	_ =	shalt  }
0x3f: {  	_ =	shalt  }
0x40: {  	_ =	shalt  }
0x41: {  	_ =	shalt  }
0x42: {  	_ =	shalt  }
0x43: {  	_ =	shalt  }
0x44: {  	_ =	shalt  }
0x45: {  	_ =	shalt  }
0x46: {  	_ =	shalt  }
0x47: {  	_ =	shalt  }
0x48: {  	_ =	shalt  }
0x49: {  	_ =	shalt  }
0x4a: {  	_ =	shalt  }
0x4b: {  	_ =	shalt  }
0x4c: {  	_ =	shalt  }
0x4d: {  	_ =	shalt  }
0x4e: {  	_ =	shalt  }
0x4f: {  	_ =	shalt  }
0x50: {  	_ =	shalt  }
0x51: {  	_ =	shalt  }
0x52: {  	_ =	shalt  }
0x53: {  	_ =	shalt  }
0x54: {  	_ =	shalt  }
0x55: {  	_ =	shalt  }
0x56: {  	_ =	shalt  }
0x57: {  	_ =	shalt  }
0x58: {  	_ =	shalt  }
0x59: {  	_ =	shalt  }
0x5a: {  	_ =	shalt  }
0x5b: {  	_ =	shalt  }
0x5c: {  	_ =	shalt  }
0x5d: {  	_ =	shalt  }
0x5e: {  	_ =	shalt  }
0x5f: {  	_ =	shalt  }
0x60: {  	_ =	shalt  }
0x61: {  	_ =	shalt  }
0x62: {  	_ =	shalt  }
0x63: {  	_ =	shalt  }
0x64: {  	_ =	shalt  }
0x65: {  	_ =	shalt  }
0x66: {  	_ =	shalt  }
0x67: {  	_ =	shalt  }
0x68: {  	_ =	shalt  }
0x69: {  	_ =	shalt  }
0x6a: {  	_ =	shalt  }
0x6b: {  	_ =	shalt  }
0x6c: {  	_ =	shalt  }
0x6d: {  	_ =	shalt  }
0x6e: {  	_ =	shalt  }
0x6f: {  	_ =	shalt  }
0x70: {  	_ =	shalt  }
0x71: {  	_ =	shalt  }
0x72: {  	_ =	shalt  }
0x73: {  	_ =	shalt  }
0x74: {  	_ =	shalt  }
0x75: {  	_ =	shalt  }
0x76: {  	_ =	shalt  }
0x77: {  	_ =	shalt  }
0x78: {  	_ =	shalt  }
0x79: {  	_ =	shalt  }
0x7a: {  	_ =	shalt  }
0x7b: {  	_ =	shalt  }
0x7c: {  	_ =	shalt  }
0x7d: {  	_ =	shalt  }
0x7e: {  	_ =	shalt  }
0x7f: {  	_ =	shalt  }
0x80: {  	_ =	shalt  }
0x81: {  	_ =	shalt  }
0x82: {  	_ =	shalt  }
0x83: {  	_ =	shalt  }
0x84: {  	_ =	shalt  }
0x85: {  	_ =	shalt  }
0x86: {  	_ =	shalt  }
0x87: {  	_ =	shalt  }
.Lfunc_end0:
.L_simem_size_0:
called_computation.1_lowered:
.L_overlay_start_0:
0x88: {  	s2 =	sld [smem:$0x3FD9]  }
0x89: {  	s3 =	sld [smem:$0x3FFE];
	_ =	sdelay $0x1  }
0x8a: {  	s1 =	srdreg.scid  }
0x8b: {  	s0 =	sand.u32 $0x1, s1  }
0x8c: {  	s17 =	sshll.u32 s0, $0xA;
	s2 =	sadd.s32 s3, s2  }
0x8d: {  	s2 =	sadd.s32 s2, s17  }
0x8e: {  	[smem:$0x3FBF] =	sst s2  }
0x8f: {  	_ = 	snop  }
0x90: {  	s2 =	sld [smem:$0x3FD0];
	(tm) =	ssettm $0x1  }
0x91: {  	s18 =	sld [smem:$0x3FFB];
	_ =	sdelay $0x3  }
0x92: {  	_ =	strace s18  }
0x93: {  	s3 =	sld [smem:$0x3FFC];
	_ =	sdelay $0x3  }
0x94: {  	_ =	strace s3  }
0x95: {  	s3 =	sld [smem:$0x3FFD];
	_ =	sdelay $0x3  }
0x96: {  	_ =	strace s3  }
0x97: {  	_ =	strace $0x8FFFFFFF  }
0x98: {  	s19 =	sld [smem:$0x3FDB];
	_ =	sdelay $0x1  }
0x99: {  	s4 =	simm.s32 $_scs_section_size  }
0x9a: {  	s5 =	simm.s32 $_size__tile_overlayer_lowered;
	s6 =	simm.s32 $_tile_overlayer_lowered  }
0x9b: {  	s22 =	simm.s32 $0x1BFF;
	s21 =	sshll.u32 s6, $0x1;
	s3 =	sadd.s32 s4, s19  }
0x9c: {  	s7 =	simm.s32 $0x0;
	s20 =	sshll.u32 s5, $0x1;
	s5 =	sadd.s32 s21, s3  }
0x9d: {  	[timem:s7], [sflag:s22] =	dma.local [hbm:s5], s20  }
0x9e: {  	_ =	swait.ge [sflag:s22], s20  }
0x9f: {  	s4 =	ssub.s32 $0x0, s20;
	[sflag:s22] =	ssyncset.done $0x0  }
0xa0: {  	[sflag:s22] =	ssyncadd.s32 s4;
	_ =	sdelay $0x1  }
0xa1: {  	s23 =	simm.s32 $0x1B8B  }
0xa2: {  	_ =	swait.ge [sflag:s23], $0x1  }
0xa3: {  	[sflag:s23] =	ssyncset.done $0x0  }
0xa4: {  	s25 =	simm.s32 $0x1B8E;
	s24 =	sld [smem:$0x3FFE];
	[sflag:s23] =	ssyncadd.s32 $0xFFFFFFFF  }
0xa5: {  	s26 =	simm.s32 $execute0_lowered;
	[smem:$0x3FD2] =	sst s25  }
0xa6: {  	s5 =	sshll.u32 s26, $0x1;
	_ =	strace $0x80000049;
	[dreg:$0x1] =	wrdreg $0xFFFFFFFF  }
0xa7: {  	s28 =	simm.s32 $_size_execute0_lowered;
	s3 =	sadd.s32 s3, s5;
	[dreg:$0x0] =	wrdreg $0x0  }
0xa8: {  	s5 =	sshll.u32 s28, $0x1;
	[dreg:$0x2] =	wrdreg s3  }
0xa9: {  	[dreg:$0x3] =	wrdreg s5  }
0xaa: {  	[dreg:$0x4] =	wrdreg $0xC0  }
0xab: {  	_ =	task [dreg:s7], $0x5FFFF  }
0xac: {  	[dreg:$0x1] =	wrdreg $0xFFFFFFFF  }
0xad: {  	[dreg:$0x0] =	wrdreg $0x60  }
0xae: {  	[dreg:$0x2] =	wrdreg s2  }
0xaf: {  	[dreg:$0x3] =	wrdreg s24  }
0xb0: {  	[dreg:$0x4] =	wrdreg $0x98000  }
0xb1: {  	[dreg:$0x5] =	wrdreg $0x9  }
0xb2: {  	_ =	task.clear_ibuf [dreg:s7], $0x6FFFF;
	_ =	strace $0x90000049  }
0xb3: {  	s29 =	simm.s32 $0x9;
	_ =	strace $0x8000004B  }
0xb4: {  	_ =	swait.ge [sflag:s29], $0x1  }
0xb5: {  	[sflag:s29] =	ssyncadd.s32 $0xFFFFFFFF  }
0xb6: {  	_ =	strace $0x9000004B  }
0xb7: {  	_ =	sfence  }
0xb8: {  	s30 =	sld [smem:$0x0];
	_ =	sdelay $0x2  }
0xb9: {  	s31 =	sshll.u32 s1, $0xD;
	s1 =	sshrl.u32 s1, $0x2  }
0xba: {  	s3 =	sand.u32 $0x4000, s31;
	s1 =	sadd.s32 s1, s30  }
0xbb: {  	s0 =	sor.u32 s3, s0;
	s1 =	sshll.u32 s1, $0x11  }
0xbc: {  	s0 =	sor.u32 s1, s0  }
0xbd: {  	s0 =	sadd.s32 $0x8F2B, s0  }
0xbe: {  	[sflag:s0] =	ssyncadd.remote.s32 $0x1  }
0xbf: {  	_ =	sfence.sel $0xFFFF  }
0xc0: {  	[dreg:$0x0] =	wrdreg $0xFFFFFFFF;
	(pc) =	sbr.abs _section_cstart, $3  }
0xc1: {  	[dreg:$0x1] =	wrdreg $0xFFFFFFFF  }
0xc2: {  	_ =	task.clear_ibuf [dreg:s7], $0x2FFFF;
	_ =	strace $0x9FFFFFFF  }
0xc3: {  	(tm) =	ssettm $0x7FFFFFFF  }
tec
execute0_lowered:
.L_overlay_start_1:
0x0: {  	(tag) =	ssettag $0x1  }
0x1: {  	s1 =	rddreg [dreg:$0x0]  }
0x2: {  	s0 =	rddreg [dreg:$0x1]  }
0x3: {  	s2 =	rddreg [dreg:$0x2]  }
0x4: {  	s4 =	simm.s32 $0x0;
	s3 =	stileid.u32;
	s8 =	srdreg.scid  }
0x5: {  	s18 =	simm.s32 $0x56E00;
	s20 =	simm.s32 $0x4;
	s22 =	simm.s32 $0x1000  }
0x6: {  	s23 =	simm.s32 $0x80;
	s24 =	simm.s32 $0x5800;
	s25 =	simm.s32 $0x1  }
0x7: {  	s26 =	simm.s32 $0x2;
	s28 =	simm.s32 $0x0;
	[smem:$0x7FF] =	sst s4  }
0x8: {  	s5 =	sadd.s32 $0xDE00, s0;
	s9 =	smul.u32 $0x50000, s3;
	s6 =	sadd.s32 $0x2E00, s0  }
0x9: {  	s7 =	sadd.s32 $0x23E00, s0;
	s13 =	sand.u32 $0x1, s8;
	s30 =	sshll.u32 s3, $0x1  }
0xa: {  	s19 =	smul.u32 $0x2800, s3;
	_ =	strace $0x8000004A;
	s12 =	sor.u32 s13, s30  }
0xb: {  	s10 =	ssub.s32 $0x2, s13;
	p0 =	seq.s32 s13, $0x1;
	s16 =	smul.u32 $0x58, s12  }
0xc: {  	s9 =	sshrl.u32 s9, $0x2;
	s11 =	sshrl.u32 s10, $0x1;
	s15 =	smul.u32 $0x580, s12  }
0xd: {  	s18 =	simm.s32 @!p0 $0x2EE00;
	s8 =	sadd.s32 s9, s2;
	s17 =	ssub.s32 s10, s11  }
.Ltmp0:
0xe: {  	s0 =	sadd.s32 s18, s0;
	s9 =	sadd.s32 $0x4000, s8;
	(pc) =	sbr.rel .LBB2_1-.Ltmp0, $4  }
0xf: {  	v0 =	vlaneseq.u32;
	s31 =	sadd.s32 $0x8000, s8;
	s11 =	sadd.s32 $0xC000, s8;
	s12 =	sadd.s32 $0x10000, s8  }
0x10: {  	v1 =	vimm.f32 $0.0e+00;
	v2 =	vor.u32 $0x10, v0;
	s13 =	sadd.s32 s5, s15;
	s14 =	sadd.s32 s6, s15;
	s15 =	sadd.s32 s7, s15  }
0x11: {  	v3 =	vor.u32 $0x20, v0;
	v4 =	vor.u32 $0x30, v0;
	v5 =	vor.u32 $0x40, v0;
	s16 =	sadd.s32 $0x8, s16;
	s17 =	smax.u32 s17, $0x1;
	[dreg:$0x4] =	wrdreg s9  }
0x12: {  	v6 =	vor.u32 $0x50, v0;
	v7 =	vor.u32 $0x60, v0;
	v8 =	vor.u32 $0x70, v0;
	s18 =	sadd.s32 s0, s19;
	s19 =	simm.s32 $0x1800;
	[dreg:$0x5] =	wrdreg s31  }
.LBB2_13:
0x13: {  	s0 =	stileid.u32;
	s28 =	sadd.s32 $0x1, s28  }
0x14: {  	[bflag:$0x0] =	sbarrier.arrive $0xFFFF;
	s0 =	sshll.u32 s0, $0x6;
	p0 =	sne.s32 s28, s17  }
.Ltmp1:
0x15: {  	s3 =	sshrl.u32 s8, $0x3;
	s0 =	sor.u32 $0x1C04, s0;
	(pc) =	sbr.rel @!p0 .LBB2_14-.Ltmp1, $4  }
0x16: {  	[hbm:s18], [sflag:s0] =	dma.local [spmem:s3], $0x2800  }
0x17: {  	_ =	swait.ge [sflag:s20], $0x2800  }
0x18: {  	[sflag:s20] =	ssyncset.done $0x0  }
0x19: {  	[sflag:s20] =	ssyncadd.s32 $0xFFFFD800  }
.LBB2_1:
0x1a: {  	s0 =	simm.s32 $0x0;
	s29 =	simm.s32 $0x200  }
.LBB2_2:
0x1b: {  	p0 =	sne.s32 s29, $0xFE00;
	[tilespmem:s0+$0x1870] =	vst v1  }
0x1c: {  	[tilespmem:s0+$0x1800] =	vst v1  }
0x1d: {  	[tilespmem:s0+$0x1810] =	vst v1  }
.Ltmp2:
0x1e: {  	[tilespmem:s0+$0x1820] =	vst v1;
	(pc) =	sbr.rel @p0 .LBB2_2-.Ltmp2, $4  }
0x1f: {  	[tilespmem:s0+$0x1830] =	vst v1  }
0x20: {  	[tilespmem:s0+$0x1840] =	vst v1  }
0x21: {  	[tilespmem:s0+$0x1850] =	vst v1  }
0x22: {  	[tilespmem:s0+$0x1860] =	vst v1;
	s0 =	sshra.s32 s29, $0x2;
	s29 =	sadd.s32 $0x200, s29  }
0x23: {  	[tilespmem:s0+$0x1870] =	vst v1  }
0x24: {  	[tilespmem:s0+$0x1800] =	vst v1  }
0x25: {  	[tilespmem:s0+$0x1810] =	vst v1  }
0x26: {  	[tilespmem:s0+$0x1820] =	vst v1  }
0x27: {  	[tilespmem:s0+$0x1830] =	vst v1  }
0x28: {  	[tilespmem:s0+$0x1840] =	vst v1  }
0x29: {  	[tilespmem:s0+$0x1850] =	vst v1  }
0x2a: {  	[tilespmem:s0+$0x1860] =	vst v1  }
0x2b: {  	[spmem:s8] =	stream.linear.scatter [tilespmem:s19], [sflag:$0x4], $0x4000, $0x38;
	[tilespmem:$0x1D800] =	vst v63  }
0x2c: {  	_ =	swait.ge [sflag:s20], $0x4000  }
0x2d: {  	[sflag:s20] =	ssyncset.done $0x0  }
0x2e: {  	s21 =	rddreg [dreg:$0x4];
	[sflag:s20] =	ssyncadd.s32 $0xFFFFC000  }
0x2f: {  	[spmem:s21] =	stream.linear.scatter [tilespmem:s19], [sflag:$0x4], $0x4000, $0x38;
	[tilespmem:$0x1D800] =	vst v63  }
0x30: {  	_ =	swait.ge [sflag:s20], $0x4000  }
0x31: {  	[sflag:s20] =	ssyncset.done $0x0  }
0x32: {  	s30 =	rddreg [dreg:$0x5];
	[sflag:s20] =	ssyncadd.s32 $0xFFFFC000  }
0x33: {  	[spmem:s30] =	stream.linear.scatter [tilespmem:s19], [sflag:$0x4], $0x4000, $0x38;
	[tilespmem:$0x1D800] =	vst v63  }
0x34: {  	_ =	swait.ge [sflag:s20], $0x4000  }
0x35: {  	[sflag:s20] =	ssyncset.done $0x0  }
0x36: {  	[sflag:s20] =	ssyncadd.s32 $0xFFFFC000  }
0x37: {  	[spmem:s11] =	stream.linear.scatter [tilespmem:s19], [sflag:$0x4], $0x4000, $0x38;
	[tilespmem:$0x1D800] =	vst v63  }
0x38: {  	_ =	swait.ge [sflag:s20], $0x4000  }
0x39: {  	[sflag:s20] =	ssyncset.done $0x0  }
0x3a: {  	[sflag:s20] =	ssyncadd.s32 $0xFFFFC000  }
0x3b: {  	[spmem:s12] =	stream.linear.scatter [tilespmem:s19], [sflag:$0x4], $0x4000, $0x38;
	[tilespmem:$0x1D800] =	vst v63  }
0x3c: {  	_ =	swait.ge [sflag:s20], $0x4000  }
0x3d: {  	[sflag:s20] =	ssyncset.done $0x0  }
0x3e: {  	s29 =	simm.s32 $0x0;
	[sflag:s20] =	ssyncadd.s32 $0xFFFFC000  }
0x3f: {  	[tilespmem:s29], [sflag:$0x4] =	stream.linear.gather [hbm4b:s13+s29], $0x400, $0x38;
	[tilespmem:$0x1D800] =	vst v63  }
0x40: {  	_ =	swait.ge [sflag:s20], $0x400  }
0x41: {  	[sflag:s20] =	ssyncset.done $0x0  }
0x42: {  	s31 =	simm.s32 $0x800;
	[sflag:s20] =	ssyncadd.s32 $0xFFFFFC00  }
0x43: {  	[tilespmem:s31], [sflag:$0x4] =	stream.linear.gather [hbm4b:s14+s29], $0x400, $0x38;
	[tilespmem:$0x1D800] =	vst v63  }
0x44: {  	_ =	swait.ge [sflag:s20], $0x400  }
0x45: {  	[sflag:s20] =	ssyncset.done $0x0  }
0x46: {  	[sflag:s20] =	ssyncadd.s32 $0xFFFFFC00  }
0x47: {  	[tilespmem:s22], [sflag:$0x4] =	stream.linear.gather [hbm4b:s15+s29], $0x400, $0x38;
	[tilespmem:$0x1D800] =	vst v63  }
0x48: {  	_ =	swait.ge [sflag:s20], $0x400  }
0x49: {  	[sflag:s20] =	ssyncset.done $0x0  }
0x4a: {  	[sflag:s20] =	ssyncadd.s32 $0xFFFFFC00  }
0x4b: {  	[bflag:$0x0] =	sbarrier.arrive $0xFFFF  }
0x4c: {  	[tilespmem:s19], [sflag:$0x1] =	stream.indirect.gather [hbm4b:s1+s23], $0x80, s29, s23, $0xb8;
	[tilespmem:$0x1D800] =	vst v63  }
0x4d: {  	_ = 	snop  }
0x4e: {  	[tilespmem:s24], [sflag:$0x2] =	stream.indirect.gather [hbm4b:s1+s23], $0x80, s23, s23, $0xb8;
	[tilespmem:$0x1D800] =	vst v63  }
.LBB2_4:
0x4f: {  	s0 =	sshrl.u32 s29, $0x2  }
0x50: {  	s21 =	sshll.u32 s29, $0x1;
	p0 =	sgt.u32 s29, $0x27;
	s30 =	sshll.u32 s0, $0x3  }
0x51: {  	p1 =	sne.s32 @!p0 s21, s30  }
0x52: {  	p1 =	por p0, p1  }
.Ltmp3:
0x53: {  	_ = 	snop;
	(pc) =	sbr.rel @p1 .LBB2_6-.Ltmp3, $3  }
0x54: {  	_ =	sdelay $0x1  }
0x55: {  	s0 =	sand.u32 $0x1, s0  }
0x56: {  	s30 =	ssub.s32 s21, s30;
	s31 =	sshll.u32 s0, $0xA  }
0x57: {  	s21 =	sadd.s32 s21, s16  }
0x58: {  	s21 =	sshll.u32 s21, $0x4  }
0x59: {  	s3 =	sxor.u32 $0x400, s31;
	s9 =	sadd.s32 s5, s21  }
0x5a: {  	[tilespmem:s3], [sflag:$0x3] =	stream.linear.gather [hbm4b:s9+s4], $0x400, $0x38;
	[tilespmem:$0x1D800] =	vst v63  }
.Ltmp4:
0x5b: {  	_ = 	snop;
	(pc) =	sbr.rel .LBB2_7-.Ltmp4, $4  }
0x5c: {  	s10 =	sadd.s32 s6, s21;
	s9 =	sor.u32 $0x800, s3  }
0x5d: {  	[tilespmem:s9], [sflag:$0x3] =	stream.linear.gather [hbm4b:s10+s4], $0x400, $0x38;
	[tilespmem:$0x1D800] =	vst v63  }
0x5e: {  	s21 =	sadd.s32 s7, s21;
	s3 =	sor.u32 $0x1000, s3  }
0x5f: {  	[tilespmem:s3], [sflag:$0x3] =	stream.linear.gather [hbm4b:s21+s4], $0x400, $0x38;
	[tilespmem:$0x1D800] =	vst v63  }
.LBB2_6:
0x60: {  	p1 =	sne.s32 @!p0 s30, $0x6  }
0x61: {  	p0 =	por p1, p0  }
0x62: {  	s3 =	simm.s32 @!p0 $0x3  }
0x63: {  	_ =	swait.ge @!p0 [sflag:s3], $0x400  }
0x64: {  	[sflag:s3] =	ssyncset.done @!p0 $0x0  }
0x65: {  	[sflag:s3] =	ssyncadd.s32 @!p0 $0xFFFFFC00  }
0x66: {  	_ =	swait.ge @!p0 [sflag:s3], $0x400  }
0x67: {  	[sflag:s3] =	ssyncset.done @!p0 $0x0  }
0x68: {  	[sflag:s3] =	ssyncadd.s32 @!p0 $0xFFFFFC00  }
0x69: {  	_ =	swait.ge @!p0 [sflag:s3], $0x400  }
0x6a: {  	[sflag:s3] =	ssyncset.done @!p0 $0x0  }
0x6b: {  	[sflag:s3] =	ssyncadd.s32 @!p0 $0xFFFFFC00  }
.LBB2_7:
0x6c: {  	v9 =	vmov s0  }
0x6d: {  	s3 =	sshll.u32 s30, $0x7;
	v9 =	vshll.u32 v9, $0xA  }
0x6e: {  	v10 =	vadd.s32 s3, v9  }
0x6f: {  	s9 =	simm.s32 $0x0;
	v16 =	vbroadcast v10, $0x0  }
0x70: {  	v10 =	vmov s9  }
0x71: {  	v12 =	vshll.u32 v10, $0x7;
	v11 =	vor.u32 s9, v16  }
0x72: {  	s10 =	simm.s32 $0x1;
	s3 =	simm.s32 $0x3;
	v17 =	vor.u32 v0, v12  }
0x73: {  	_ =	swait.ge [sflag:s25], $0x4000;
	v10 =	vmov s3;
	v13 =	vor.u32 s10, v16  }
0x74: {  	[sflag:s25] =	ssyncset.done $0x0;
	v14 =	vmov s10;
	v18 =	vor.u32 s3, v16;
	v15 =	vshll.u32 v10, $0x7  }
0x75: {  	[sflag:s25] =	ssyncadd.s32 $0xFFFFC000;
	v26 =	vshll.u32 v14, $0x7;
	v19 =	vor.u32 v0, v15  }
0x76: {  	s21 =	simm.s32 $0x2;
	v20 =	vor.u32 v0, v26;
	v10 =	vld.idx.msk [tilespmem:v11+s22+$0x0], $0xffff  }
0x77: {  	v14 =	vmov s21;
	v22 =	vld.idx.msk [tilespmem:v17+s19+$0x0], $0xffff  }
0x78: {  	v25 =	vshll.u32 v14, $0x7;
	v21 =	vor.u32 s21, v16;
	v11 =	vld.idx.msk [tilespmem:v13+s22+$0x0], $0xffff  }
0x79: {  	v23 =	vor.u32 v0, v25;
	v13 =	vld.idx.msk [tilespmem:v18+s22+$0x0], $0xffff  }
0x7a: {  	v18 =	vld.idx.msk [tilespmem:v19+s19+$0x0], $0xffff  }
0x7b: {  	v24 =	vld.idx.msk [tilespmem:v20+s19+$0x0], $0xffff  }
0x7c: {  	v27 =	vor.u32 v2, v12  }
0x7d: {  	v28 =	vor.u32 v2, v15;
	v14 =	vld.idx.msk [tilespmem:v21+s22+$0x0], $0xffff  }
0x7e: {  	v29 =	vor.u32 v2, v26;
	v21 =	vld.idx.msk [tilespmem:v23+s19+$0x0], $0xffff;
	v22 =	vmul.f32 v22, v10  }
0x7f: {  	v18 =	vmul.f32 v18, v13  }
0x80: {  	[tilespmem:v17+s19+$0x0] =	vst.idx.msk $0xffff, v22;
	v22 =	vmul.f32 v24, v11  }
0x81: {  	v17 =	vor.u32 v2, v25;
	v24 =	vld.idx.msk [tilespmem:v27+s19+$0x0], $0xffff;
	[tilespmem:v19+s19+$0x0] =	vst.idx.msk $0xffff, v18  }
0x82: {  	v18 =	vld.idx.msk [tilespmem:v28+s19+$0x0], $0xffff;
	[tilespmem:v20+s19+$0x0] =	vst.idx.msk $0xffff, v22  }
0x83: {  	v19 =	vmul.f32 v21, v14;
	v20 =	vld.idx.msk [tilespmem:v29+s19+$0x0], $0xffff  }
0x84: {  	v21 =	vor.u32 v3, v12  }
0x85: {  	v22 =	vor.u32 v3, v15;
	[tilespmem:v23+s19+$0x0] =	vst.idx.msk $0xffff, v19  }
0x86: {  	v19 =	vld.idx.msk [tilespmem:v17+s19+$0x0], $0xffff;
	v23 =	vmul.f32 v24, v10;
	v24 =	vor.u32 v3, v26  }
0x87: {  	v18 =	vmul.f32 v18, v13  }
0x88: {  	[tilespmem:v27+s19+$0x0] =	vst.idx.msk $0xffff, v23;
	v20 =	vmul.f32 v20, v11  }
0x89: {  	v23 =	vor.u32 v3, v25;
	v27 =	vld.idx.msk [tilespmem:v21+s19+$0x0], $0xffff;
	[tilespmem:v28+s19+$0x0] =	vst.idx.msk $0xffff, v18  }
0x8a: {  	v18 =	vld.idx.msk [tilespmem:v22+s19+$0x0], $0xffff;
	[tilespmem:v29+s19+$0x0] =	vst.idx.msk $0xffff, v20  }
0x8b: {  	v19 =	vmul.f32 v19, v14;
	v20 =	vld.idx.msk [tilespmem:v24+s19+$0x0], $0xffff  }
0x8c: {  	v28 =	vor.u32 v4, v12  }
0x8d: {  	v29 =	vor.u32 v4, v15;
	[tilespmem:v17+s19+$0x0] =	vst.idx.msk $0xffff, v19  }
0x8e: {  	s3 =	simm.s32 $0x4;
	v19 =	vld.idx.msk [tilespmem:v23+s19+$0x0], $0xffff;
	v17 =	vmul.f32 v27, v10;
	v27 =	vor.u32 v4, v26  }
0x8f: {  	s10 =	simm.s32 $0x7;
	v30 =	vmov s3;
	v31 =	vor.u32 s3, v16;
	v18 =	vmul.f32 v18, v13  }
0x90: {  	v36 =	vor.u32 s10, v16;
	[tilespmem:v21+s19+$0x0] =	vst.idx.msk $0xffff, v17;
	v17 =	vshll.u32 v30, $0x7;
	v20 =	vmul.f32 v20, v11  }
0x91: {  	v30 =	vld.idx.msk [tilespmem:v28+s19+$0x0], $0xffff;
	[tilespmem:v22+s19+$0x0] =	vst.idx.msk $0xffff, v18;
	v33 =	vor.u32 v0, v17  }
0x92: {  	v32 =	vor.u32 v4, v25;
	s9 =	simm.s32 $0x5;
	v18 =	vmov s10;
	v34 =	vld.idx.msk [tilespmem:v29+s19+$0x0], $0xffff;
	[tilespmem:v24+s19+$0x0] =	vst.idx.msk $0xffff, v20  }
0x93: {  	v21 =	vor.u32 s9, v16;
	v19 =	vmul.f32 v19, v14;
	v18 =	vshll.u32 v18, $0x7;
	v35 =	vld.idx.msk [tilespmem:v27+s19+$0x0], $0xffff  }
0x94: {  	s21 =	simm.s32 $0x6;
	v20 =	vld.idx.msk [tilespmem:v31+s22+$0x0], $0xffff;
	v31 =	vor.u32 v0, v18  }
0x95: {  	v37 =	vor.u32 s21, v16;
	[tilespmem:v23+s19+$0x0] =	vst.idx.msk $0xffff, v19;
	v19 =	vmov s9;
	v23 =	vld.idx.msk [tilespmem:v36+s22+$0x0], $0xffff  }
0x96: {  	v40 =	vor.u32 v5, v26;
	v22 =	vshll.u32 v19, $0x7;
	v19 =	vmov s21;
	v39 =	vld.idx.msk [tilespmem:v33+s19+$0x0], $0xffff  }
0x97: {  	v38 =	vld.idx.msk [tilespmem:v32+s19+$0x0], $0xffff;
	v41 =	vor.u32 v0, v22;
	v24 =	vshll.u32 v19, $0x7  }
0x98: {  	v21 =	vld.idx.msk [tilespmem:v21+s22+$0x0], $0xffff;
	v42 =	vor.u32 v0, v24;
	v35 =	vmul.f32 v35, v11  }
0x99: {  	v58 =	vor.u32 v2, v17;
	v43 =	vld.idx.msk [tilespmem:v31+s19+$0x0], $0xffff  }
0x9a: {  	v44 =	vor.u32 v5, v25;
	v19 =	vld.idx.msk [tilespmem:v37+s22+$0x0], $0xffff;
	[tilespmem:v27+s19+$0x0] =	vst.idx.msk $0xffff, v35  }
0x9b: {  	v59 =	vor.u32 v5, v15;
	v27 =	vmul.f32 v39, v20;
	v35 =	vld.idx.msk [tilespmem:v40+s19+$0x0], $0xffff  }
0x9c: {  	v45 =	vor.u32 v2, v18;
	v38 =	vmul.f32 v38, v14;
	v60 =	vld.idx.msk [tilespmem:v41+s19+$0x0], $0xffff  }
0x9d: {  	v34 =	vmul.f32 v34, v13;
	[tilespmem:v33+s19+$0x0] =	vst.idx.msk $0xffff, v27;
	v27 =	vld.idx.msk [tilespmem:v42+s19+$0x0], $0xffff;
	v33 =	vor.u32 v5, v12  }
0x9e: {  	v63 =	vor.u32 v6, v26;
	[tilespmem:v32+s19+$0x0] =	vst.idx.msk $0xffff, v38;
	v62 =	vmul.f32 v43, v23;
	v61 =	vld.idx.msk [tilespmem:v58+s19+$0x0], $0xffff  }
0x9f: {  	v30 =	vmul.f32 v30, v10;
	v52 =	vor.u32 v2, v22;
	[tilespmem:v29+s19+$0x0] =	vst.idx.msk $0xffff, v34;
	v29 =	vld.idx.msk [tilespmem:v44+s19+$0x0], $0xffff  }
0xa0: {  	v47 =	vor.u32 v2, v24;
	v46 =	vld.idx.msk [tilespmem:v59+s19+$0x0], $0xffff;
	[tilespmem:v31+s19+$0x0] =	vst.idx.msk $0xffff, v62;
	v31 =	vmul.f32 v35, v11  }
0xa1: {  	[tilespmem:v28+s19+$0x0] =	vst.idx.msk $0xffff, v30;
	v30 =	vor.u32 v3, v17;
	v28 =	vmul.f32 v60, v21;
	v53 =	vld.idx.msk [tilespmem:v45+s19+$0x0], $0xffff  }
0xa2: {  	v27 =	vmul.f32 v27, v19;
	v54 =	vld.idx.msk [tilespmem:v33+s19+$0x0], $0xffff;
	[tilespmem:v40+s19+$0x0] =	vst.idx.msk $0xffff, v31;
	v31 =	vor.u32 v6, v25  }
0xa3: {  	v49 =	vor.u32 v6, v15;
	[tilespmem:v41+s19+$0x0] =	vst.idx.msk $0xffff, v28;
	v32 =	vmul.f32 v61, v20;
	v55 =	vld.idx.msk [tilespmem:v63+s19+$0x0], $0xffff  }
0xa4: {  	v40 =	vor.u32 v3, v18;
	v48 =	vld.idx.msk [tilespmem:v52+s19+$0x0], $0xffff;
	[tilespmem:v42+s19+$0x0] =	vst.idx.msk $0xffff, v27;
	v27 =	vmul.f32 v29, v14  }
0xa5: {  	v56 =	vmul.f32 v46, v13;
	[tilespmem:v58+s19+$0x0] =	vst.idx.msk $0xffff, v32;
	v29 =	vld.idx.msk [tilespmem:v47+s19+$0x0], $0xffff;
	v32 =	vor.u32 v6, v12  }
0xa6: {  	v28 =	vor.u32 v7, v26;
	v57 =	vld.idx.msk [tilespmem:v30+s19+$0x0], $0xffff;
	[tilespmem:v44+s19+$0x0] =	vst.idx.msk $0xffff, v27;
	v27 =	vmul.f32 v53, v23  }
0xa7: {  	v38 =	vor.u32 v3, v22;
	[tilespmem:v59+s19+$0x0] =	vst.idx.msk $0xffff, v56;
	v44 =	vld.idx.msk [tilespmem:v31+s19+$0x0], $0xffff;
	v58 =	vmul.f32 v54, v10  }
0xa8: {  	v36 =	vor.u32 v3, v24;
	v59 =	vld.idx.msk [tilespmem:v49+s19+$0x0], $0xffff;
	[tilespmem:v45+s19+$0x0] =	vst.idx.msk $0xffff, v27;
	v27 =	vmul.f32 v55, v11  }
0xa9: {  	v35 =	vor.u32 v4, v17;
	v60 =	vmul.f32 v48, v21;
	v61 =	vld.idx.msk [tilespmem:v40+s19+$0x0], $0xffff;
	[tilespmem:v33+s19+$0x0] =	vst.idx.msk $0xffff, v58  }
0xaa: {  	v62 =	vmul.f32 v29, v19;
	v37 =	vld.idx.msk [tilespmem:v32+s19+$0x0], $0xffff;
	[tilespmem:v63+s19+$0x0] =	vst.idx.msk $0xffff, v27;
	v29 =	vor.u32 v7, v25  }
0xab: {  	[tilespmem:v52+s19+$0x0] =	vst.idx.msk $0xffff, v60;
	v27 =	vor.u32 v7, v15;
	v42 =	vmul.f32 v57, v20;
	v34 =	vld.idx.msk [tilespmem:v28+s19+$0x0], $0xffff  }
0xac: {  	v48 =	vld.idx.msk [tilespmem:v38+s19+$0x0], $0xffff;
	[tilespmem:v47+s19+$0x0] =	vst.idx.msk $0xffff, v62;
	v63 =	vmul.f32 v44, v14  }
0xad: {  	v43 =	vor.u32 v4, v22;
	[tilespmem:v30+s19+$0x0] =	vst.idx.msk $0xffff, v42;
	v47 =	vld.idx.msk [tilespmem:v36+s19+$0x0], $0xffff;
	v30 =	vmul.f32 v59, v13  }
0xae: {  	v26 =	vor.u32 v8, v26;
	v44 =	vor.u32 v4, v18;
	v45 =	vld.idx.msk [tilespmem:v35+s19+$0x0], $0xffff;
	[tilespmem:v31+s19+$0x0] =	vst.idx.msk $0xffff, v63  }
0xaf: {  	v31 =	vor.u32 v7, v12;
	v39 =	vld.idx.msk [tilespmem:v29+s19+$0x0], $0xffff;
	[tilespmem:v49+s19+$0x0] =	vst.idx.msk $0xffff, v30;
	v30 =	vmul.f32 v61, v23  }
0xb0: {  	s0 =	simm.s32 $0x8;
	v25 =	vor.u32 v8, v25;
	v42 =	vor.u32 v4, v24;
	v46 =	vmul.f32 v37, v10;
	v41 =	vld.idx.msk [tilespmem:v27+s19+$0x0], $0xffff  }
.LBB2_8:
0xb1: {  	v49 =	vmov s0;
	v50 =	vor.u32 s0, v16;
	s3 =	sadd.s32 $0x1, s0;
	[tilespmem:v40+s19+$0x0] =	vst.idx.msk $0xffff, v30;
	v40 =	vmul.f32 v34, v11;
	v51 =	vmovc v12;
	v12 =	vmovc v17  }
0xb2: {  	p0 =	slt.u32 s0, $0x7C;
	v33 =	vmovc v22;
	v30 =	vmovc v10;
	v10 =	vmov v20;
	v34 =	vmov v24;
	v37 =	vmov v13;
	s9 =	smov.u32 s0;
	s0 =	sadd.s32 $0x4, s0  }
0xb3: {  	v24 =	vmul.f32 v48, v21;
	v13 =	vmovc v23;
	v17 =	vshll.u32 v49, $0x7;
	v20 =	vmov s3;
	s10 =	sadd.s32 $0x2, s9;
	v48 =	vld.idx.msk [tilespmem:v44+s19+$0x0], $0xffff;
	[tilespmem:v32+s19+$0x0] =	vst.idx.msk $0xffff, v46  }
0xb4: {  	v23 =	vor.u32 s3, v16;
	s3 =	sadd.s32 $0x3, s9;
	v32 =	vor.u32 v0, v17;
	v22 =	vshll.u32 v20, $0x7;
	v46 =	vld.idx.msk [tilespmem:v31+s19+$0x0], $0xffff;
	[tilespmem:v28+s19+$0x0] =	vst.idx.msk $0xffff, v40  }
0xb5: {  	v40 =	vmov s10;
	v28 =	vor.u32 v0, v22;
	[tilespmem:v38+s19+$0x0] =	vst.idx.msk $0xffff, v24;
	v38 =	vmul.f32 v47, v19;
	v47 =	vld.idx.msk [tilespmem:v26+s19+$0x0], $0xffff  }
0xb6: {  	v49 =	vor.u32 s10, v16;
	v52 =	vmov s3;
	v45 =	vmul.f32 v45, v10;
	v53 =	vld.idx.msk [tilespmem:v43+s19+$0x0], $0xffff  }
0xb7: {  	v24 =	vshll.u32 v40, $0x7;
	v40 =	vor.u32 s3, v16;
	v20 =	vld.idx.msk [tilespmem:v50+s22+$0x0], $0xffff;
	v50 =	vshll.u32 v52, $0x7;
	[tilespmem:v36+s19+$0x0] =	vst.idx.msk $0xffff, v38  }
0xb8: {  	v39 =	vmul.f32 v39, v14;
	v41 =	vmul.f32 v41, v37;
	v36 =	vor.u32 v0, v50;
	v38 =	vld.idx.msk [tilespmem:v42+s19+$0x0], $0xffff  }
0xb9: {  	v52 =	vld.idx.msk [tilespmem:v32+s19+$0x0], $0xffff;
	[tilespmem:v35+s19+$0x0] =	vst.idx.msk $0xffff, v45;
	v35 =	vmul.f32 v48, v13  }
0xba: {  	v48 =	vor.u32 v5, v33;
	v46 =	vmul.f32 v46, v30;
	v45 =	vld.idx.msk [tilespmem:v23+s22+$0x0], $0xffff;
	[tilespmem:v29+s19+$0x0] =	vst.idx.msk $0xffff, v39  }
0xbb: {  	v29 =	vmul.f32 v47, v11;
	v11 =	vmov v21;
	[tilespmem:v44+s19+$0x0] =	vst.idx.msk $0xffff, v35;
	v35 =	vld.idx.msk [tilespmem:v25+s19+$0x0], $0xffff  }
0xbc: {  	v39 =	vor.u32 v0, v24;
	v21 =	vmul.f32 v53, v11;
	v23 =	vld.idx.msk [tilespmem:v40+s22+$0x0], $0xffff;
	[tilespmem:v27+s19+$0x0] =	vst.idx.msk $0xffff, v41  }
0xbd: {  	v27 =	vor.u32 v2, v17;
	v41 =	vor.u32 v5, v34;
	v40 =	vld.idx.msk [tilespmem:v36+s19+$0x0], $0xffff;
	[tilespmem:v31+s19+$0x0] =	vst.idx.msk $0xffff, v46  }
0xbe: {  	v31 =	vor.u32 v2, v22;
	v44 =	vld.idx.msk [tilespmem:v49+s22+$0x0], $0xffff;
	[tilespmem:v43+s19+$0x0] =	vst.idx.msk $0xffff, v21;
	v21 =	vmul.f32 v38, v19  }
0xbf: {  	v46 =	vor.u32 v5, v18;
	v38 =	vmul.f32 v52, v20;
	v43 =	vld.idx.msk [tilespmem:v48+s19+$0x0], $0xffff;
	[tilespmem:v26+s19+$0x0] =	vst.idx.msk $0xffff, v29  }
0xc0: {  	v29 =	vor.u32 v8, v15;
	v15 =	vmov v18;
	v18 =	vmov v50;
	v26 =	vld.idx.msk [tilespmem:v28+s19+$0x0], $0xffff;
	[tilespmem:v42+s19+$0x0] =	vst.idx.msk $0xffff, v21  }
0xc1: {  	v42 =	vor.u32 v2, v18;
	v35 =	vmul.f32 v35, v14;
	[tilespmem:v32+s19+$0x0] =	vst.idx.msk $0xffff, v38;
	v32 =	vld.idx.msk [tilespmem:v39+s19+$0x0], $0xffff  }
0xc2: {  	v47 =	vor.u32 v5, v12;
	v14 =	vmov v19;
	v38 =	vld.idx.msk [tilespmem:v27+s19+$0x0], $0xffff;
	v21 =	vmov v45  }
0xc3: {  	v40 =	vmul.f32 v40, v23;
	v45 =	vor.u32 v6, v33;
	v49 =	vld.idx.msk [tilespmem:v41+s19+$0x0], $0xffff;
	[tilespmem:v25+s19+$0x0] =	vst.idx.msk $0xffff, v35  }
0xc4: {  	v19 =	vmov v44;
	v35 =	vld.idx.msk [tilespmem:v46+s19+$0x0], $0xffff  }
0xc5: {  	v44 =	vor.u32 v2, v24;
	v25 =	vmul.f32 v43, v11;
	[tilespmem:v36+s19+$0x0] =	vst.idx.msk $0xffff, v40;
	v36 =	vld.idx.msk [tilespmem:v29+s19+$0x0], $0xffff  }
0xc6: {  	v51 =	vor.u32 v8, v51;
	v43 =	vor.u32 v3, v17;
	v26 =	vmul.f32 v26, v21;
	v50 =	vld.idx.msk [tilespmem:v42+s19+$0x0], $0xffff  }
0xc7: {  	v53 =	vor.u32 v6, v34;
	v32 =	vmul.f32 v32, v19;
	v52 =	vld.idx.msk [tilespmem:v47+s19+$0x0], $0xffff;
	[tilespmem:v48+s19+$0x0] =	vst.idx.msk $0xffff, v25  }
0xc8: {  	v54 =	vor.u32 v6, v15;
	v38 =	vmul.f32 v38, v20;
	[tilespmem:v28+s19+$0x0] =	vst.idx.msk $0xffff, v26;
	v26 =	vld.idx.msk [tilespmem:v45+s19+$0x0], $0xffff  }
0xc9: {  	v25 =	vor.u32 v8, v34;
	v28 =	vmul.f32 v49, v14;
	v48 =	vld.idx.msk [tilespmem:v31+s19+$0x0], $0xffff;
	[tilespmem:v39+s19+$0x0] =	vst.idx.msk $0xffff, v32  }
0xca: {  	v40 =	vor.u32 v3, v18;
	v35 =	vmul.f32 v35, v13;
	[tilespmem:v27+s19+$0x0] =	vst.idx.msk $0xffff, v38;
	v27 =	vld.idx.msk [tilespmem:v44+s19+$0x0], $0xffff  }
0xcb: {  	v32 =	vor.u32 v6, v12;
	v36 =	vmul.f32 v36, v37;
	v39 =	vld.idx.msk [tilespmem:v43+s19+$0x0], $0xffff;
	[tilespmem:v41+s19+$0x0] =	vst.idx.msk $0xffff, v28  }
0xcc: {  	v37 =	vmul.f32 v50, v23;
	v28 =	vor.u32 v7, v33;
	v41 =	vld.idx.msk [tilespmem:v53+s19+$0x0], $0xffff;
	[tilespmem:v46+s19+$0x0] =	vst.idx.msk $0xffff, v35  }
0xcd: {  	v38 =	vor.u32 v3, v22;
	v46 =	vmul.f32 v52, v10;
	v49 =	vld.idx.msk [tilespmem:v54+s19+$0x0], $0xffff;
	[tilespmem:v29+s19+$0x0] =	vst.idx.msk $0xffff, v36  }
0xce: {  	v36 =	vor.u32 v3, v24;
	v26 =	vmul.f32 v26, v11;
	[tilespmem:v42+s19+$0x0] =	vst.idx.msk $0xffff, v37;
	v37 =	vld.idx.msk [tilespmem:v51+s19+$0x0], $0xffff  }
0xcf: {  	v35 =	vor.u32 v4, v17;
	v42 =	vmul.f32 v48, v21;
	v50 =	vld.idx.msk [tilespmem:v40+s19+$0x0], $0xffff;
	[tilespmem:v47+s19+$0x0] =	vst.idx.msk $0xffff, v46  }
0xd0: {  	v29 =	vor.u32 v7, v34;
	v46 =	vmul.f32 v27, v19;
	v52 =	vld.idx.msk [tilespmem:v32+s19+$0x0], $0xffff;
	[tilespmem:v45+s19+$0x0] =	vst.idx.msk $0xffff, v26  }
0xd1: {  	v27 =	vor.u32 v7, v15;
	v39 =	vmul.f32 v39, v20;
	[tilespmem:v31+s19+$0x0] =	vst.idx.msk $0xffff, v42;
	v34 =	vld.idx.msk [tilespmem:v28+s19+$0x0], $0xffff  }
.Ltmp5:
0xd2: {  	v26 =	vor.u32 v8, v33;
	v33 =	vmul.f32 v41, v14;
	v48 =	vld.idx.msk [tilespmem:v38+s19+$0x0], $0xffff;
	[tilespmem:v44+s19+$0x0] =	vst.idx.msk $0xffff, v46;
	(pc) =	sbr.rel @p0 .LBB2_8-.Ltmp5, $4  }
0xd3: {  	v44 =	vor.u32 v4, v18;
	v41 =	vmul.f32 v49, v13;
	[tilespmem:v43+s19+$0x0] =	vst.idx.msk $0xffff, v39;
	v47 =	vld.idx.msk [tilespmem:v36+s19+$0x0], $0xffff  }
0xd4: {  	v31 =	vor.u32 v7, v12;
	v45 =	vld.idx.msk [tilespmem:v35+s19+$0x0], $0xffff;
	[tilespmem:v53+s19+$0x0] =	vst.idx.msk $0xffff, v33;
	v33 =	vmul.f32 v37, v30  }
0xd5: {  	v43 =	vor.u32 v4, v22;
	v30 =	vmul.f32 v50, v23;
	v39 =	vld.idx.msk [tilespmem:v29+s19+$0x0], $0xffff;
	[tilespmem:v54+s19+$0x0] =	vst.idx.msk $0xffff, v41  }
0xd6: {  	v42 =	vor.u32 v4, v24;
	v46 =	vmul.f32 v52, v10;
	v41 =	vld.idx.msk [tilespmem:v27+s19+$0x0], $0xffff;
	[tilespmem:v51+s19+$0x0] =	vst.idx.msk $0xffff, v33  }
0xd7: {  	_ =	sdelay $0x1  }
0xd8: {  	v16 =	vmul.f32 v48, v21  }
0xd9: {  	v33 =	vmul.f32 v47, v19  }
0xda: {  	[tilespmem:v38+s19+$0x0] =	vst.idx.msk $0xffff, v16  }
0xdb: {  	v16 =	vld.idx.msk [tilespmem:v43+s19+$0x0], $0xffff;
	[tilespmem:v36+s19+$0x0] =	vst.idx.msk $0xffff, v33  }
0xdc: {  	[tilespmem:v40+s19+$0x0] =	vst.idx.msk $0xffff, v30;
	v30 =	vld.idx.msk [tilespmem:v42+s19+$0x0], $0xffff  }
0xdd: {  	v60 =	vld.idx.msk [tilespmem:v44+s19+$0x0], $0xffff  }
0xde: {  	v61 =	vor.u32 v5, v22  }
0xdf: {  	v37 =	vor.u32 v5, v24  }
0xe0: {  	v62 =	vor.u32 v5, v18;
	v16 =	vmul.f32 v16, v21  }
0xe1: {  	v63 =	vor.u32 v5, v17;
	v30 =	vmul.f32 v30, v19  }
0xe2: {  	v33 =	vmul.f32 v60, v23;
	[tilespmem:v43+s19+$0x0] =	vst.idx.msk $0xffff, v16  }
0xe3: {  	v16 =	vmul.f32 v45, v20;
	v43 =	vld.idx.msk [tilespmem:v61+s19+$0x0], $0xffff;
	[tilespmem:v42+s19+$0x0] =	vst.idx.msk $0xffff, v30  }
0xe4: {  	[tilespmem:v44+s19+$0x0] =	vst.idx.msk $0xffff, v33;
	v30 =	vld.idx.msk [tilespmem:v37+s19+$0x0], $0xffff  }
0xe5: {  	[tilespmem:v35+s19+$0x0] =	vst.idx.msk $0xffff, v16;
	v16 =	vld.idx.msk [tilespmem:v62+s19+$0x0], $0xffff  }
0xe6: {  	v48 =	vor.u32 v6, v22;
	v35 =	vld.idx.msk [tilespmem:v63+s19+$0x0], $0xffff  }
0xe7: {  	v49 =	vor.u32 v6, v24  }
0xe8: {  	v50 =	vor.u32 v6, v18;
	v43 =	vmul.f32 v43, v21  }
0xe9: {  	v51 =	vor.u32 v6, v17;
	v30 =	vmul.f32 v30, v19  }
0xea: {  	v16 =	vmul.f32 v16, v23;
	[tilespmem:v61+s19+$0x0] =	vst.idx.msk $0xffff, v43  }
0xeb: {  	v36 =	vld.idx.msk [tilespmem:v48+s19+$0x0], $0xffff;
	[tilespmem:v37+s19+$0x0] =	vst.idx.msk $0xffff, v30;
	v30 =	vmul.f32 v35, v20  }
0xec: {  	[tilespmem:v62+s19+$0x0] =	vst.idx.msk $0xffff, v16;
	v52 =	vld.idx.msk [tilespmem:v49+s19+$0x0], $0xffff  }
0xed: {  	v16 =	vld.idx.msk [tilespmem:v50+s19+$0x0], $0xffff;
	[tilespmem:v63+s19+$0x0] =	vst.idx.msk $0xffff, v30  }
0xee: {  	v30 =	vor.u32 v7, v22;
	v53 =	vld.idx.msk [tilespmem:v51+s19+$0x0], $0xffff  }
0xef: {  	v54 =	vor.u32 v7, v24;
	v34 =	vmul.f32 v34, v11  }
0xf0: {  	v55 =	vor.u32 v7, v18;
	[tilespmem:v32+s19+$0x0] =	vst.idx.msk $0xffff, v46;
	v36 =	vmul.f32 v36, v21  }
0xf1: {  	v57 =	vor.u32 v7, v17;
	v58 =	vld.idx.msk [tilespmem:v31+s19+$0x0], $0xffff;
	[tilespmem:v28+s19+$0x0] =	vst.idx.msk $0xffff, v34;
	v56 =	vmul.f32 v52, v19  }
0xf2: {  	v15 =	vor.u32 v8, v15;
	v34 =	vld.idx.msk [tilespmem:v26+s19+$0x0], $0xffff;
	v16 =	vmul.f32 v16, v23;
	[tilespmem:v48+s19+$0x0] =	vst.idx.msk $0xffff, v36  }
0xf3: {  	v33 =	vld.idx.msk [tilespmem:v30+s19+$0x0], $0xffff;
	[tilespmem:v49+s19+$0x0] =	vst.idx.msk $0xffff, v56;
	v59 =	vmul.f32 v53, v20  }
0xf4: {  	v12 =	vor.u32 v8, v12;
	v28 =	vmul.f32 v41, v13;
	[tilespmem:v50+s19+$0x0] =	vst.idx.msk $0xffff, v16;
	v60 =	vld.idx.msk [tilespmem:v54+s19+$0x0], $0xffff  }
0xf5: {  	v16 =	vmul.f32 v39, v14;
	v61 =	vld.idx.msk [tilespmem:v55+s19+$0x0], $0xffff;
	[tilespmem:v51+s19+$0x0] =	vst.idx.msk $0xffff, v59  }
0xf6: {  	[tilespmem:v27+s19+$0x0] =	vst.idx.msk $0xffff, v28;
	v62 =	vmul.f32 v58, v10;
	v22 =	vor.u32 v8, v22;
	v32 =	vld.idx.msk [tilespmem:v57+s19+$0x0], $0xffff  }
0xf7: {  	v28 =	vld.idx.msk [tilespmem:v15+s19+$0x0], $0xffff;
	v11 =	vmul.f32 v34, v11;
	[tilespmem:v29+s19+$0x0] =	vst.idx.msk $0xffff, v16;
	v16 =	vor.u32 v8, v24  }
0xf8: {  	v18 =	vor.u32 v8, v18;
	[tilespmem:v31+s19+$0x0] =	vst.idx.msk $0xffff, v62;
	v24 =	vld.idx.msk [tilespmem:v25+s19+$0x0], $0xffff;
	v27 =	vmul.f32 v33, v21  }
0xf9: {  	v17 =	vor.u32 v8, v17;
	[tilespmem:v26+s19+$0x0] =	vst.idx.msk $0xffff, v11;
	v31 =	vld.idx.msk [tilespmem:v12+s19+$0x0], $0xffff;
	v29 =	vmul.f32 v60, v19  }
0xfa: {  	[tilespmem:v30+s19+$0x0] =	vst.idx.msk $0xffff, v27;
	v27 =	vmul.f32 v61, v23  }
0xfb: {  	v30 =	vld.idx.msk [tilespmem:v22+s19+$0x0], $0xffff;
	v32 =	vmul.f32 v32, v20;
	[tilespmem:v54+s19+$0x0] =	vst.idx.msk $0xffff, v29  }
0xfc: {  	v29 =	vld.idx.msk [tilespmem:v16+s19+$0x0], $0xffff;
	[tilespmem:v55+s19+$0x0] =	vst.idx.msk $0xffff, v27  }
0xfd: {  	v11 =	vmul.f32 v28, v13;
	v14 =	vmul.f32 v24, v14;
	[tilespmem:v57+s19+$0x0] =	vst.idx.msk $0xffff, v32;
	v24 =	vld.idx.msk [tilespmem:v18+s19+$0x0], $0xffff  }
0xfe: {  	v10 =	vmul.f32 v31, v10;
	v13 =	vld.idx.msk [tilespmem:v17+s19+$0x0], $0xffff  }
0xff: {  	[tilespmem:v15+s19+$0x0] =	vst.idx.msk $0xffff, v11  }
0x100: {  	[tilespmem:v12+s19+$0x0] =	vst.idx.msk $0xffff, v10;
	v11 =	vmul.f32 v30, v21  }
0x101: {  	[tilespmem:v25+s19+$0x0] =	vst.idx.msk $0xffff, v14;
	v10 =	vmul.f32 v29, v19  }
0x102: {  	[tilespmem:v22+s19+$0x0] =	vst.idx.msk $0xffff, v11;
	v11 =	vmul.f32 v24, v23  }
0x103: {  	s0 =	sshll.u32 s30, $0x9;
	[tilespmem:v16+s19+$0x0] =	vst.idx.msk $0xffff, v10;
	v10 =	vmul.f32 v13, v20  }
0x104: {  	s31 =	sor.u32 $0x800, s31;
	s30 =	sor.u32 $0x1, s30;
	s0 =	sshra.s32 s0, $0x2;
	[tilespmem:v18+s19+$0x0] =	vst.idx.msk $0xffff, v11  }
0x105: {  	p0 =	seq.s32 s29, $0x2B;
	s10 =	sshll.u32 s30, $0x7;
	s0 =	sadd.s32 s0, s31;
	[tilespmem:v17+s19+$0x0] =	vst.idx.msk $0xffff, v10  }
0x106: {  	[spmem:s2] =	stream.indirect.scatter.add.f32 [tilespmem:s19], [sflag:$0x4], $0x80, s0, s23, $0xb8;
	[tilespmem:$0x1D800] =	vst v63  }
0x107: {  	s21 =	simm.s32 $0x0;
	s3 =	sshll.u32 @!p0 s29, $0x8;
	v9 =	vadd.s32 s10, v9;
	_ =	swait.ge [sflag:s20], $0x4000  }
0x108: {  	s9 =	simm.s32 @!p0 $0x80;
	v15 =	vbroadcast v9, $0x0;
	s0 =	sadd.s32 @!p0 $0x100, s3;
	[sflag:s20] =	ssyncset.done $0x0  }
0x109: {  	s10 =	simm.s32 @!p0 $0x1800;
	v9 =	vmov s21;
	s0 =	sand.u32 @!p0 $0xFFFF8700, s0;
	[sflag:s20] =	ssyncadd.s32 $0xFFFFC000  }
0x10a: {  	v11 =	vshll.u32 v9, $0x7;
	v10 =	vor.u32 s21, v15;
	[tilespmem:s10], [sflag:$0x1] =	stream.indirect.gather @!p0 [hbm4b:s1+s9], $0x80, s0, s9, $0xb8;
	[tilespmem:$0x1D800] =	vst v63  }
0x10b: {  	v16 =	vor.u32 v0, v11;
	s9 =	simm.s32 $0x1;
	s10 =	simm.s32 $0x3  }
0x10c: {  	_ =	swait.ge [sflag:s26], $0x4000;
	v12 =	vor.u32 s9, v15;
	v9 =	vmov s10  }
0x10d: {  	v13 =	vmov s9;
	v17 =	vor.u32 s10, v15;
	[sflag:s26] =	ssyncset.done $0x0;
	v14 =	vshll.u32 v9, $0x7  }
0x10e: {  	v25 =	vshll.u32 v13, $0x7;
	[sflag:s26] =	ssyncadd.s32 $0xFFFFC000;
	v18 =	vor.u32 v0, v14  }
0x10f: {  	s21 =	simm.s32 $0x2;
	v19 =	vor.u32 v0, v25;
	v9 =	vld.idx.msk [tilespmem:v10+s22+$0x0], $0xffff  }
0x110: {  	v13 =	vmov s21;
	v21 =	vld.idx.msk [tilespmem:v16+s24+$0x0], $0xffff  }
0x111: {  	v20 =	vor.u32 s21, v15;
	v24 =	vshll.u32 v13, $0x7;
	v10 =	vld.idx.msk [tilespmem:v12+s22+$0x0], $0xffff  }
0x112: {  	v22 =	vor.u32 v0, v24;
	v12 =	vld.idx.msk [tilespmem:v17+s22+$0x0], $0xffff  }
0x113: {  	v17 =	vld.idx.msk [tilespmem:v18+s24+$0x0], $0xffff  }
0x114: {  	v23 =	vld.idx.msk [tilespmem:v19+s24+$0x0], $0xffff  }
0x115: {  	v26 =	vor.u32 v2, v11  }
0x116: {  	v27 =	vor.u32 v2, v14;
	v13 =	vld.idx.msk [tilespmem:v20+s22+$0x0], $0xffff  }
0x117: {  	v28 =	vor.u32 v2, v25;
	v20 =	vld.idx.msk [tilespmem:v22+s24+$0x0], $0xffff;
	v21 =	vmul.f32 v21, v9  }
0x118: {  	v17 =	vmul.f32 v17, v12  }
0x119: {  	[tilespmem:v16+s24+$0x0] =	vst.idx.msk $0xffff, v21;
	v21 =	vmul.f32 v23, v10  }
0x11a: {  	v16 =	vor.u32 v2, v24;
	v23 =	vld.idx.msk [tilespmem:v26+s24+$0x0], $0xffff;
	[tilespmem:v18+s24+$0x0] =	vst.idx.msk $0xffff, v17  }
0x11b: {  	[tilespmem:v19+s24+$0x0] =	vst.idx.msk $0xffff, v21;
	v17 =	vld.idx.msk [tilespmem:v27+s24+$0x0], $0xffff  }
0x11c: {  	v18 =	vmul.f32 v20, v13;
	v19 =	vld.idx.msk [tilespmem:v28+s24+$0x0], $0xffff  }
0x11d: {  	v20 =	vor.u32 v3, v11  }
0x11e: {  	v21 =	vor.u32 v3, v14;
	[tilespmem:v22+s24+$0x0] =	vst.idx.msk $0xffff, v18  }
0x11f: {  	v18 =	vld.idx.msk [tilespmem:v16+s24+$0x0], $0xffff;
	v22 =	vmul.f32 v23, v9;
	v23 =	vor.u32 v3, v25  }
0x120: {  	v17 =	vmul.f32 v17, v12  }
0x121: {  	[tilespmem:v26+s24+$0x0] =	vst.idx.msk $0xffff, v22;
	v19 =	vmul.f32 v19, v10  }
0x122: {  	v22 =	vor.u32 v3, v24;
	v26 =	vld.idx.msk [tilespmem:v20+s24+$0x0], $0xffff;
	[tilespmem:v27+s24+$0x0] =	vst.idx.msk $0xffff, v17  }
0x123: {  	[tilespmem:v28+s24+$0x0] =	vst.idx.msk $0xffff, v19;
	v17 =	vld.idx.msk [tilespmem:v21+s24+$0x0], $0xffff  }
0x124: {  	v18 =	vmul.f32 v18, v13;
	v19 =	vld.idx.msk [tilespmem:v23+s24+$0x0], $0xffff  }
0x125: {  	s3 =	simm.s32 $0x4;
	v27 =	vor.u32 v4, v11  }
0x126: {  	v30 =	vor.u32 s3, v15;
	[tilespmem:v16+s24+$0x0] =	vst.idx.msk $0xffff, v18  }
0x127: {  	v18 =	vld.idx.msk [tilespmem:v22+s24+$0x0], $0xffff;
	v16 =	vmul.f32 v26, v9;
	v26 =	vor.u32 v4, v25  }
0x128: {  	v29 =	vmov s3;
	s9 =	simm.s32 $0x5;
	v28 =	vor.u32 v4, v14;
	v17 =	vmul.f32 v17, v12  }
0x129: {  	[tilespmem:v20+s24+$0x0] =	vst.idx.msk $0xffff, v16;
	v16 =	vshll.u32 v29, $0x7;
	v20 =	vor.u32 s9, v15;
	v19 =	vmul.f32 v19, v10  }
0x12a: {  	s10 =	simm.s32 $0x7;
	v29 =	vld.idx.msk [tilespmem:v27+s24+$0x0], $0xffff;
	v63 =	vor.u32 v0, v16;
	[tilespmem:v21+s24+$0x0] =	vst.idx.msk $0xffff, v17  }
0x12b: {  	v31 =	vor.u32 v4, v24;
	[tilespmem:v23+s24+$0x0] =	vst.idx.msk $0xffff, v19;
	v17 =	vmov s10;
	v19 =	vld.idx.msk [tilespmem:v30+s22+$0x0], $0xffff  }
0x12c: {  	v50 =	vor.u32 s10, v15;
	v18 =	vmul.f32 v18, v13;
	v49 =	vld.idx.msk [tilespmem:v26+s24+$0x0], $0xffff;
	v17 =	vshll.u32 v17, $0x7  }
0x12d: {  	s21 =	simm.s32 $0x6;
	v48 =	vld.idx.msk [tilespmem:v28+s24+$0x0], $0xffff;
	v30 =	vor.u32 v0, v17  }
0x12e: {  	v51 =	vor.u32 s21, v15;
	[tilespmem:v22+s24+$0x0] =	vst.idx.msk $0xffff, v18;
	v18 =	vmov s9;
	v20 =	vld.idx.msk [tilespmem:v20+s22+$0x0], $0xffff  }
0x12f: {  	v54 =	vor.u32 v5, v25;
	v21 =	vshll.u32 v18, $0x7;
	v18 =	vmov s21;
	v53 =	vld.idx.msk [tilespmem:v63+s24+$0x0], $0xffff  }
0x130: {  	v52 =	vld.idx.msk [tilespmem:v31+s24+$0x0], $0xffff;
	v55 =	vor.u32 v0, v21;
	v23 =	vshll.u32 v18, $0x7  }
0x131: {  	v22 =	vld.idx.msk [tilespmem:v50+s22+$0x0], $0xffff;
	v41 =	vor.u32 v0, v23;
	v34 =	vmul.f32 v49, v10  }
0x132: {  	v56 =	vor.u32 v2, v16;
	v57 =	vld.idx.msk [tilespmem:v30+s24+$0x0], $0xffff  }
0x133: {  	v43 =	vor.u32 v5, v24;
	v18 =	vld.idx.msk [tilespmem:v51+s22+$0x0], $0xffff;
	[tilespmem:v26+s24+$0x0] =	vst.idx.msk $0xffff, v34  }
0x134: {  	v58 =	vor.u32 v5, v14;
	v26 =	vmul.f32 v53, v19;
	v34 =	vld.idx.msk [tilespmem:v54+s24+$0x0], $0xffff  }
0x135: {  	v60 =	vor.u32 v2, v17;
	v37 =	vmul.f32 v52, v13;
	v59 =	vld.idx.msk [tilespmem:v55+s24+$0x0], $0xffff  }
0x136: {  	v32 =	vor.u32 v5, v11;
	v33 =	vmul.f32 v48, v12;
	[tilespmem:v63+s24+$0x0] =	vst.idx.msk $0xffff, v26;
	v26 =	vld.idx.msk [tilespmem:v41+s24+$0x0], $0xffff  }
0x137: {  	v42 =	vor.u32 v6, v25;
	[tilespmem:v31+s24+$0x0] =	vst.idx.msk $0xffff, v37;
	v31 =	vld.idx.msk [tilespmem:v56+s24+$0x0], $0xffff;
	v61 =	vmul.f32 v57, v22  }
0x138: {  	v29 =	vmul.f32 v29, v9;
	[tilespmem:v28+s24+$0x0] =	vst.idx.msk $0xffff, v33;
	v33 =	vor.u32 v2, v21;
	v28 =	vld.idx.msk [tilespmem:v43+s24+$0x0], $0xffff  }
0x139: {  	v46 =	vor.u32 v2, v23;
	v62 =	vld.idx.msk [tilespmem:v58+s24+$0x0], $0xffff;
	[tilespmem:v30+s24+$0x0] =	vst.idx.msk $0xffff, v61;
	v30 =	vmul.f32 v34, v10  }
0x13a: {  	[tilespmem:v27+s24+$0x0] =	vst.idx.msk $0xffff, v29;
	v29 =	vor.u32 v3, v16;
	v27 =	vmul.f32 v59, v20;
	v63 =	vld.idx.msk [tilespmem:v60+s24+$0x0], $0xffff  }
0x13b: {  	v52 =	vld.idx.msk [tilespmem:v32+s24+$0x0], $0xffff;
	v26 =	vmul.f32 v26, v18;
	[tilespmem:v54+s24+$0x0] =	vst.idx.msk $0xffff, v30;
	v30 =	vor.u32 v6, v24  }
0x13c: {  	v31 =	vmul.f32 v31, v19;
	[tilespmem:v55+s24+$0x0] =	vst.idx.msk $0xffff, v27;
	v54 =	vor.u32 v6, v14;
	v53 =	vld.idx.msk [tilespmem:v42+s24+$0x0], $0xffff  }
0x13d: {  	v39 =	vor.u32 v3, v17;
	v55 =	vld.idx.msk [tilespmem:v33+s24+$0x0], $0xffff;
	[tilespmem:v41+s24+$0x0] =	vst.idx.msk $0xffff, v26;
	v26 =	vmul.f32 v28, v13  }
0x13e: {  	[tilespmem:v56+s24+$0x0] =	vst.idx.msk $0xffff, v31;
	v28 =	vld.idx.msk [tilespmem:v46+s24+$0x0], $0xffff;
	v56 =	vmul.f32 v62, v12;
	v31 =	vor.u32 v6, v11  }
0x13f: {  	v27 =	vor.u32 v7, v25;
	v57 =	vld.idx.msk [tilespmem:v29+s24+$0x0], $0xffff;
	[tilespmem:v43+s24+$0x0] =	vst.idx.msk $0xffff, v26;
	v26 =	vmul.f32 v63, v22  }
0x140: {  	v37 =	vor.u32 v3, v21;
	[tilespmem:v58+s24+$0x0] =	vst.idx.msk $0xffff, v56;
	v58 =	vmul.f32 v52, v9;
	v43 =	vld.idx.msk [tilespmem:v30+s24+$0x0], $0xffff  }
0x141: {  	v35 =	vor.u32 v3, v23;
	v59 =	vld.idx.msk [tilespmem:v54+s24+$0x0], $0xffff;
	[tilespmem:v60+s24+$0x0] =	vst.idx.msk $0xffff, v26;
	v26 =	vmul.f32 v53, v10  }
0x142: {  	v34 =	vor.u32 v4, v16;
	v60 =	vmul.f32 v55, v20;
	[tilespmem:v32+s24+$0x0] =	vst.idx.msk $0xffff, v58;
	v61 =	vld.idx.msk [tilespmem:v39+s24+$0x0], $0xffff  }
0x143: {  	v62 =	vmul.f32 v28, v18;
	v36 =	vld.idx.msk [tilespmem:v31+s24+$0x0], $0xffff;
	v28 =	vor.u32 v7, v24;
	[tilespmem:v42+s24+$0x0] =	vst.idx.msk $0xffff, v26  }
0x144: {  	v41 =	vmul.f32 v57, v19;
	[tilespmem:v33+s24+$0x0] =	vst.idx.msk $0xffff, v60;
	v26 =	vor.u32 v7, v14;
	v33 =	vld.idx.msk [tilespmem:v27+s24+$0x0], $0xffff  }
0x145: {  	v47 =	vld.idx.msk [tilespmem:v37+s24+$0x0], $0xffff;
	[tilespmem:v46+s24+$0x0] =	vst.idx.msk $0xffff, v62;
	v63 =	vmul.f32 v43, v13  }
0x146: {  	v25 =	vor.u32 v8, v25;
	[tilespmem:v29+s24+$0x0] =	vst.idx.msk $0xffff, v41;
	v46 =	vld.idx.msk [tilespmem:v35+s24+$0x0], $0xffff;
	v29 =	vmul.f32 v59, v12  }
0x147: {  	v24 =	vor.u32 v8, v24;
	v43 =	vor.u32 v4, v17;
	v44 =	vld.idx.msk [tilespmem:v34+s24+$0x0], $0xffff;
	[tilespmem:v30+s24+$0x0] =	vst.idx.msk $0xffff, v63  }
0x148: {  	v30 =	vor.u32 v7, v11;
	[tilespmem:v54+s24+$0x0] =	vst.idx.msk $0xffff, v29;
	v29 =	vmul.f32 v61, v22;
	v38 =	vld.idx.msk [tilespmem:v28+s24+$0x0], $0xffff  }
0x149: {  	s0 =	simm.s32 $0x8;
	v42 =	vor.u32 v4, v21;
	v41 =	vor.u32 v4, v23;
	v45 =	vmul.f32 v36, v9;
	v40 =	vld.idx.msk [tilespmem:v26+s24+$0x0], $0xffff  }
.LBB2_10:
0x14a: {  	v48 =	vmov s0;
	v49 =	vor.u32 s0, v15;
	s3 =	sadd.s32 $0x1, s0;
	[tilespmem:v39+s24+$0x0] =	vst.idx.msk $0xffff, v29;
	v39 =	vmul.f32 v33, v10;
	v50 =	vmovc v11;
	v11 =	vmovc v16  }
0x14b: {  	p1 =	slt.u32 s0, $0x7C;
	v32 =	vmovc v21;
	v29 =	vmovc v9;
	v9 =	vmov v19;
	v33 =	vmov v23;
	v36 =	vmov v12;
	s9 =	smov.u32 s0;
	s0 =	sadd.s32 $0x4, s0  }
0x14c: {  	v23 =	vmul.f32 v47, v20;
	v12 =	vmovc v22;
	v16 =	vshll.u32 v48, $0x7;
	v19 =	vmov s3;
	s10 =	sadd.s32 $0x2, s9;
	v47 =	vld.idx.msk [tilespmem:v43+s24+$0x0], $0xffff;
	[tilespmem:v31+s24+$0x0] =	vst.idx.msk $0xffff, v45  }
0x14d: {  	v22 =	vor.u32 s3, v15;
	s3 =	sadd.s32 $0x3, s9;
	v31 =	vor.u32 v0, v16;
	v21 =	vshll.u32 v19, $0x7;
	v45 =	vld.idx.msk [tilespmem:v30+s24+$0x0], $0xffff;
	[tilespmem:v27+s24+$0x0] =	vst.idx.msk $0xffff, v39  }
0x14e: {  	v39 =	vmov s10;
	v27 =	vor.u32 v0, v21;
	[tilespmem:v37+s24+$0x0] =	vst.idx.msk $0xffff, v23;
	v37 =	vmul.f32 v46, v18;
	v46 =	vld.idx.msk [tilespmem:v25+s24+$0x0], $0xffff  }
0x14f: {  	v48 =	vor.u32 s10, v15;
	v51 =	vmov s3;
	v44 =	vmul.f32 v44, v9;
	v52 =	vld.idx.msk [tilespmem:v42+s24+$0x0], $0xffff  }
0x150: {  	v23 =	vshll.u32 v39, $0x7;
	v39 =	vor.u32 s3, v15;
	v19 =	vld.idx.msk [tilespmem:v49+s22+$0x0], $0xffff;
	v49 =	vshll.u32 v51, $0x7;
	[tilespmem:v35+s24+$0x0] =	vst.idx.msk $0xffff, v37  }
0x151: {  	v38 =	vmul.f32 v38, v13;
	v40 =	vmul.f32 v40, v36;
	v35 =	vor.u32 v0, v49;
	v37 =	vld.idx.msk [tilespmem:v41+s24+$0x0], $0xffff  }
0x152: {  	v51 =	vld.idx.msk [tilespmem:v31+s24+$0x0], $0xffff;
	[tilespmem:v34+s24+$0x0] =	vst.idx.msk $0xffff, v44;
	v34 =	vmul.f32 v47, v12  }
0x153: {  	v47 =	vor.u32 v5, v32;
	v45 =	vmul.f32 v45, v29;
	v44 =	vld.idx.msk [tilespmem:v22+s22+$0x0], $0xffff;
	[tilespmem:v28+s24+$0x0] =	vst.idx.msk $0xffff, v38  }
0x154: {  	v28 =	vmul.f32 v46, v10;
	v10 =	vmov v20;
	[tilespmem:v43+s24+$0x0] =	vst.idx.msk $0xffff, v34;
	v34 =	vld.idx.msk [tilespmem:v24+s24+$0x0], $0xffff  }
0x155: {  	v38 =	vor.u32 v0, v23;
	v20 =	vmul.f32 v52, v10;
	v22 =	vld.idx.msk [tilespmem:v39+s22+$0x0], $0xffff;
	[tilespmem:v26+s24+$0x0] =	vst.idx.msk $0xffff, v40  }
0x156: {  	v26 =	vor.u32 v2, v16;
	v40 =	vor.u32 v5, v33;
	v39 =	vld.idx.msk [tilespmem:v35+s24+$0x0], $0xffff;
	[tilespmem:v30+s24+$0x0] =	vst.idx.msk $0xffff, v45  }
0x157: {  	v30 =	vor.u32 v2, v21;
	v43 =	vld.idx.msk [tilespmem:v48+s22+$0x0], $0xffff;
	[tilespmem:v42+s24+$0x0] =	vst.idx.msk $0xffff, v20;
	v20 =	vmul.f32 v37, v18  }
0x158: {  	v45 =	vor.u32 v5, v17;
	v37 =	vmul.f32 v51, v19;
	v42 =	vld.idx.msk [tilespmem:v47+s24+$0x0], $0xffff;
	[tilespmem:v25+s24+$0x0] =	vst.idx.msk $0xffff, v28  }
0x159: {  	v28 =	vor.u32 v8, v14;
	v14 =	vmov v17;
	v17 =	vmov v49;
	v25 =	vld.idx.msk [tilespmem:v27+s24+$0x0], $0xffff;
	[tilespmem:v41+s24+$0x0] =	vst.idx.msk $0xffff, v20  }
0x15a: {  	v41 =	vor.u32 v2, v17;
	v34 =	vmul.f32 v34, v13;
	[tilespmem:v31+s24+$0x0] =	vst.idx.msk $0xffff, v37;
	v31 =	vld.idx.msk [tilespmem:v38+s24+$0x0], $0xffff  }
0x15b: {  	v46 =	vor.u32 v5, v11;
	v13 =	vmov v18;
	v37 =	vld.idx.msk [tilespmem:v26+s24+$0x0], $0xffff;
	v20 =	vmov v44  }
0x15c: {  	v39 =	vmul.f32 v39, v22;
	v44 =	vor.u32 v6, v32;
	v48 =	vld.idx.msk [tilespmem:v40+s24+$0x0], $0xffff;
	[tilespmem:v24+s24+$0x0] =	vst.idx.msk $0xffff, v34  }
0x15d: {  	v18 =	vmov v43;
	v34 =	vld.idx.msk [tilespmem:v45+s24+$0x0], $0xffff  }
0x15e: {  	v43 =	vor.u32 v2, v23;
	v24 =	vmul.f32 v42, v10;
	[tilespmem:v35+s24+$0x0] =	vst.idx.msk $0xffff, v39;
	v35 =	vld.idx.msk [tilespmem:v28+s24+$0x0], $0xffff  }
0x15f: {  	v50 =	vor.u32 v8, v50;
	v42 =	vor.u32 v3, v16;
	v25 =	vmul.f32 v25, v20;
	v49 =	vld.idx.msk [tilespmem:v41+s24+$0x0], $0xffff  }
0x160: {  	v52 =	vor.u32 v6, v33;
	v31 =	vmul.f32 v31, v18;
	v51 =	vld.idx.msk [tilespmem:v46+s24+$0x0], $0xffff;
	[tilespmem:v47+s24+$0x0] =	vst.idx.msk $0xffff, v24  }
0x161: {  	v53 =	vor.u32 v6, v14;
	v37 =	vmul.f32 v37, v19;
	[tilespmem:v27+s24+$0x0] =	vst.idx.msk $0xffff, v25;
	v25 =	vld.idx.msk [tilespmem:v44+s24+$0x0], $0xffff  }
0x162: {  	v24 =	vor.u32 v8, v33;
	v27 =	vmul.f32 v48, v13;
	v47 =	vld.idx.msk [tilespmem:v30+s24+$0x0], $0xffff;
	[tilespmem:v38+s24+$0x0] =	vst.idx.msk $0xffff, v31  }
0x163: {  	v39 =	vor.u32 v3, v17;
	v34 =	vmul.f32 v34, v12;
	[tilespmem:v26+s24+$0x0] =	vst.idx.msk $0xffff, v37;
	v26 =	vld.idx.msk [tilespmem:v43+s24+$0x0], $0xffff  }
0x164: {  	v31 =	vor.u32 v6, v11;
	v35 =	vmul.f32 v35, v36;
	v38 =	vld.idx.msk [tilespmem:v42+s24+$0x0], $0xffff;
	[tilespmem:v40+s24+$0x0] =	vst.idx.msk $0xffff, v27  }
0x165: {  	v36 =	vmul.f32 v49, v22;
	v27 =	vor.u32 v7, v32;
	v40 =	vld.idx.msk [tilespmem:v52+s24+$0x0], $0xffff;
	[tilespmem:v45+s24+$0x0] =	vst.idx.msk $0xffff, v34  }
0x166: {  	v37 =	vor.u32 v3, v21;
	v45 =	vmul.f32 v51, v9;
	v48 =	vld.idx.msk [tilespmem:v53+s24+$0x0], $0xffff;
	[tilespmem:v28+s24+$0x0] =	vst.idx.msk $0xffff, v35  }
0x167: {  	v35 =	vor.u32 v3, v23;
	v25 =	vmul.f32 v25, v10;
	[tilespmem:v41+s24+$0x0] =	vst.idx.msk $0xffff, v36;
	v36 =	vld.idx.msk [tilespmem:v50+s24+$0x0], $0xffff  }
0x168: {  	v34 =	vor.u32 v4, v16;
	v41 =	vmul.f32 v47, v20;
	v49 =	vld.idx.msk [tilespmem:v39+s24+$0x0], $0xffff;
	[tilespmem:v46+s24+$0x0] =	vst.idx.msk $0xffff, v45  }
0x169: {  	v28 =	vor.u32 v7, v33;
	v45 =	vmul.f32 v26, v18;
	v51 =	vld.idx.msk [tilespmem:v31+s24+$0x0], $0xffff;
	[tilespmem:v44+s24+$0x0] =	vst.idx.msk $0xffff, v25  }
0x16a: {  	v26 =	vor.u32 v7, v14;
	v38 =	vmul.f32 v38, v19;
	[tilespmem:v30+s24+$0x0] =	vst.idx.msk $0xffff, v41;
	v33 =	vld.idx.msk [tilespmem:v27+s24+$0x0], $0xffff  }
.Ltmp6:
0x16b: {  	v25 =	vor.u32 v8, v32;
	v32 =	vmul.f32 v40, v13;
	v47 =	vld.idx.msk [tilespmem:v37+s24+$0x0], $0xffff;
	[tilespmem:v43+s24+$0x0] =	vst.idx.msk $0xffff, v45;
	(pc) =	sbr.rel @p1 .LBB2_10-.Ltmp6, $4  }
0x16c: {  	v43 =	vor.u32 v4, v17;
	v40 =	vmul.f32 v48, v12;
	[tilespmem:v42+s24+$0x0] =	vst.idx.msk $0xffff, v38;
	v46 =	vld.idx.msk [tilespmem:v35+s24+$0x0], $0xffff  }
0x16d: {  	v30 =	vor.u32 v7, v11;
	v44 =	vld.idx.msk [tilespmem:v34+s24+$0x0], $0xffff;
	[tilespmem:v52+s24+$0x0] =	vst.idx.msk $0xffff, v32;
	v32 =	vmul.f32 v36, v29  }
0x16e: {  	v42 =	vor.u32 v4, v21;
	v29 =	vmul.f32 v49, v22;
	v38 =	vld.idx.msk [tilespmem:v28+s24+$0x0], $0xffff;
	[tilespmem:v53+s24+$0x0] =	vst.idx.msk $0xffff, v40  }
0x16f: {  	v41 =	vor.u32 v4, v23;
	v45 =	vmul.f32 v51, v9;
	v40 =	vld.idx.msk [tilespmem:v26+s24+$0x0], $0xffff;
	[tilespmem:v50+s24+$0x0] =	vst.idx.msk $0xffff, v32  }
0x170: {  	_ =	sdelay $0x1  }
0x171: {  	v15 =	vmul.f32 v47, v20  }
0x172: {  	v32 =	vmul.f32 v46, v18  }
0x173: {  	[tilespmem:v37+s24+$0x0] =	vst.idx.msk $0xffff, v15  }
0x174: {  	v15 =	vld.idx.msk [tilespmem:v42+s24+$0x0], $0xffff;
	[tilespmem:v35+s24+$0x0] =	vst.idx.msk $0xffff, v32  }
0x175: {  	[tilespmem:v39+s24+$0x0] =	vst.idx.msk $0xffff, v29;
	v47 =	vld.idx.msk [tilespmem:v41+s24+$0x0], $0xffff  }
0x176: {  	v48 =	vld.idx.msk [tilespmem:v43+s24+$0x0], $0xffff  }
0x177: {  	v49 =	vor.u32 v5, v21  }
0x178: {  	v36 =	vor.u32 v5, v23  }
0x179: {  	v50 =	vor.u32 v5, v17;
	v15 =	vmul.f32 v15, v20  }
0x17a: {  	v51 =	vor.u32 v5, v16;
	v29 =	vmul.f32 v47, v18  }
0x17b: {  	v32 =	vmul.f32 v48, v22;
	[tilespmem:v42+s24+$0x0] =	vst.idx.msk $0xffff, v15  }
0x17c: {  	v52 =	vmul.f32 v44, v19;
	v42 =	vld.idx.msk [tilespmem:v49+s24+$0x0], $0xffff;
	[tilespmem:v41+s24+$0x0] =	vst.idx.msk $0xffff, v29  }
0x17d: {  	[tilespmem:v43+s24+$0x0] =	vst.idx.msk $0xffff, v32;
	v29 =	vld.idx.msk [tilespmem:v36+s24+$0x0], $0xffff  }
0x17e: {  	[tilespmem:v34+s24+$0x0] =	vst.idx.msk $0xffff, v52;
	v53 =	vld.idx.msk [tilespmem:v50+s24+$0x0], $0xffff  }
0x17f: {  	v54 =	vor.u32 v6, v21;
	v34 =	vld.idx.msk [tilespmem:v51+s24+$0x0], $0xffff  }
0x180: {  	v55 =	vor.u32 v6, v23  }
0x181: {  	v56 =	vor.u32 v6, v17;
	v42 =	vmul.f32 v42, v20  }
0x182: {  	v57 =	vor.u32 v6, v16;
	v29 =	vmul.f32 v29, v18  }
0x183: {  	v15 =	vmul.f32 v53, v22;
	[tilespmem:v49+s24+$0x0] =	vst.idx.msk $0xffff, v42  }
0x184: {  	v58 =	vmul.f32 v34, v19;
	v35 =	vld.idx.msk [tilespmem:v54+s24+$0x0], $0xffff;
	[tilespmem:v36+s24+$0x0] =	vst.idx.msk $0xffff, v29  }
0x185: {  	v33 =	vmul.f32 v33, v10;
	[tilespmem:v50+s24+$0x0] =	vst.idx.msk $0xffff, v15;
	v59 =	vld.idx.msk [tilespmem:v55+s24+$0x0], $0xffff  }
0x186: {  	[tilespmem:v51+s24+$0x0] =	vst.idx.msk $0xffff, v58;
	v15 =	vld.idx.msk [tilespmem:v56+s24+$0x0], $0xffff  }
0x187: {  	[tilespmem:v27+s24+$0x0] =	vst.idx.msk $0xffff, v33;
	v60 =	vld.idx.msk [tilespmem:v57+s24+$0x0], $0xffff;
	v29 =	vor.u32 v7, v21  }
0x188: {  	v61 =	vor.u32 v7, v23;
	v33 =	vld.idx.msk [tilespmem:v25+s24+$0x0], $0xffff  }
0x189: {  	v62 =	vor.u32 v7, v17;
	[tilespmem:v31+s24+$0x0] =	vst.idx.msk $0xffff, v45;
	v35 =	vmul.f32 v35, v20  }
0x18a: {  	v45 =	vor.u32 v7, v16;
	v46 =	vld.idx.msk [tilespmem:v30+s24+$0x0], $0xffff;
	v63 =	vmul.f32 v59, v18  }
0x18b: {  	v15 =	vmul.f32 v15, v22;
	[tilespmem:v54+s24+$0x0] =	vst.idx.msk $0xffff, v35  }
0x18c: {  	v14 =	vor.u32 v8, v14;
	v47 =	vmul.f32 v60, v19;
	v32 =	vld.idx.msk [tilespmem:v29+s24+$0x0], $0xffff;
	[tilespmem:v55+s24+$0x0] =	vst.idx.msk $0xffff, v63  }
0x18d: {  	v11 =	vor.u32 v8, v11;
	v10 =	vmul.f32 v33, v10;
	[tilespmem:v56+s24+$0x0] =	vst.idx.msk $0xffff, v15;
	v48 =	vld.idx.msk [tilespmem:v61+s24+$0x0], $0xffff  }
0x18e: {  	v51 =	vmul.f32 v40, v12;
	[tilespmem:v57+s24+$0x0] =	vst.idx.msk $0xffff, v47;
	v50 =	vld.idx.msk [tilespmem:v62+s24+$0x0], $0xffff  }
0x18f: {  	v52 =	vor.u32 v8, v21;
	[tilespmem:v25+s24+$0x0] =	vst.idx.msk $0xffff, v10;
	v53 =	vmul.f32 v46, v9;
	v31 =	vld.idx.msk [tilespmem:v45+s24+$0x0], $0xffff  }
0x190: {  	[tilespmem:v26+s24+$0x0] =	vst.idx.msk $0xffff, v51;
	v49 =	vmul.f32 v38, v13;
	v54 =	vor.u32 v8, v23  }
0x191: {  	v27 =	vld.idx.msk [tilespmem:v14+s24+$0x0], $0xffff;
	[tilespmem:v30+s24+$0x0] =	vst.idx.msk $0xffff, v53;
	v57 =	vor.u32 v8, v17;
	v56 =	vmul.f32 v32, v20  }
0x192: {  	v30 =	vld.idx.msk [tilespmem:v11+s24+$0x0], $0xffff;
	[tilespmem:v28+s24+$0x0] =	vst.idx.msk $0xffff, v49;
	v59 =	vor.u32 v8, v16;
	v58 =	vmul.f32 v48, v18  }
0x193: {  	v55 =	vld.idx.msk [tilespmem:v24+s24+$0x0], $0xffff;
	v60 =	vmul.f32 v50, v22;
	[tilespmem:v29+s24+$0x0] =	vst.idx.msk $0xffff, v56  }
0x194: {  	v31 =	vmul.f32 v31, v19;
	v29 =	vld.idx.msk [tilespmem:v52+s24+$0x0], $0xffff;
	[tilespmem:v61+s24+$0x0] =	vst.idx.msk $0xffff, v58  }
0x195: {  	[tilespmem:v62+s24+$0x0] =	vst.idx.msk $0xffff, v60;
	v28 =	vld.idx.msk [tilespmem:v54+s24+$0x0], $0xffff  }
0x196: {  	v10 =	vmul.f32 v27, v12;
	[tilespmem:v45+s24+$0x0] =	vst.idx.msk $0xffff, v31;
	v62 =	vld.idx.msk [tilespmem:v57+s24+$0x0], $0xffff  }
0x197: {  	v9 =	vmul.f32 v30, v9;
	v63 =	vld.idx.msk [tilespmem:v59+s24+$0x0], $0xffff  }
0x198: {  	[tilespmem:v14+s24+$0x0] =	vst.idx.msk $0xffff, v10;
	v61 =	vmul.f32 v55, v13  }
0x199: {  	[tilespmem:v11+s24+$0x0] =	vst.idx.msk $0xffff, v9;
	v10 =	vmul.f32 v29, v20  }
0x19a: {  	[tilespmem:v24+s24+$0x0] =	vst.idx.msk $0xffff, v61;
	v9 =	vmul.f32 v28, v18  }
0x19b: {  	[tilespmem:v52+s24+$0x0] =	vst.idx.msk $0xffff, v10;
	v10 =	vmul.f32 v62, v22  }
0x19c: {  	s0 =	sshll.u32 s30, $0x9;
	[tilespmem:v54+s24+$0x0] =	vst.idx.msk $0xffff, v9;
	v9 =	vmul.f32 v63, v19  }
0x19d: {  	s0 =	sshra.s32 s0, $0x2;
	[tilespmem:v57+s24+$0x0] =	vst.idx.msk $0xffff, v10  }
.Ltmp7:
0x19e: {  	s0 =	sadd.s32 s0, s31;
	[tilespmem:v59+s24+$0x0] =	vst.idx.msk $0xffff, v9;
	(pc) =	sbr.rel @p0 .LBB2_13-.Ltmp7, $4  }
0x19f: {  	[spmem:s2] =	stream.indirect.scatter.add.f32 [tilespmem:s24], [sflag:$0x4], $0x80, s0, s23, $0xb8;
	[tilespmem:$0x1D800] =	vst v63  }
0x1a0: {  	_ =	swait.ge [sflag:s20], $0x4000  }
0x1a1: {  	[sflag:s20] =	ssyncset.done $0x0  }
0x1a2: {  	[sflag:s20] =	ssyncadd.s32 $0xFFFFC000  }
.Ltmp8:
0x1a3: {  	(pc) =	sbr.rel .LBB2_4-.Ltmp8, $4  }
0x1a4: {  	s0 =	sshll.u32 s29, $0x8  }
0x1a5: {  	s0 =	sadd.s32 $0x180, s0  }
0x1a6: {  	s29 =	sadd.s32 $0x1, s29;
	s0 =	sand.u32 $0xFFFF8780, s0  }
0x1a7: {  	[tilespmem:s24], [sflag:$0x2] =	stream.indirect.gather [hbm4b:s1+s23], $0x80, s0, s23, $0xb8;
	[tilespmem:$0x1D800] =	vst v63  }
.LBB2_14:
0x1a8: {  	_ =	sfence.sel $0x180000  }
0x1a9: {  	[bflag:$0x0] =	sbarrier.arrive $0xFFFF  }
0x1aa: {  	_ =	strace $0x9000004A  }
0x1ab: {  	s0 =	stileid.u32;
	[bflag:$0x2] =	sbarrier.arrive $0xFFFF  }
0x1ac: {  	p0 =	sne.s32 s0, $0x0;
	s0 =	rddreg [dreg:$0x3]  }
0x1ad: {  	s0 =	sadd.s32 @!p0 $0x100000, s0  }
0x1ae: {  	[sflag:s0] =	ssyncadd.tile.s32 @!p0 $0x1;
	_ =	shalt  }
.Lfunc_end2:
_tile_overlayer_lowered:
.L_overlay_start_2:
0x1af: {  	(tag) =	ssettag $0x2  }
0x1b0: {  	s0 =	rddreg [dreg:$0x0];
	s2 =	stileid.u32  }
0x1b1: {  	s1 =	rddreg [dreg:$0x1];
	p0 =	sne.s32 s2, $0x0  }
0x1b2: {  	s3 =	rddreg [dreg:$0x2];
	[bflag:$0x3] =	sbarrier.arrive $0xFFFF;
	s2 =	simm.s32 @!p0 $0x1C04  }
0x1b3: {  	[timem:s3], [sflag:s2] =	dma.local @!p0 [hbm:s0], s1  }
0x1b4: {  	s0 =	simm.s32 @!p0 $0x4  }
0x1b5: {  	_ =	swait.ge @!p0 [sflag:s0], s1  }
0x1b6: {  	s1 =	ssub.s32 @!p0 $0x0, s1;
	[sflag:s0] =	ssyncset.done @!p0 $0x0  }
0x1b7: {  	[sflag:s0] =	ssyncadd.s32 @!p0 s1  }
0x1b8: {  	[bflag:$0x3] =	sbarrier.arrive $0xFFFF  }
0x1b9: {  	_ =	shalt  }

// kernel: kernel.14.cloned.1.call-start
scs
__scs_entry_jumppad:
0x0: {  	(pc) =	sbr.rel $0x88, $3  }
0x1: {  	(tag) =	ssettag $0x0;
	lr =	simm.s32 $0x1  }
0x2: {  	[smem:$0x3F98] =	sst lr;
	_ =	strace $0xD0000000  }
0x3: {  	_ = 	snop  }
0x4: {  	_ = 	snop  }
0x5: {  	_ = 	snop  }
0x6: {  	_ = 	snop  }
0x7: {  	_ = 	snop  }
__scs_overlays_trampoline_lowered:
0x8: {  	[smem:$0x3FA7] =	sst s0  }
0x9: {  	[smem:$0x3FA8] =	sst s1  }
0xa: {  	[smem:$0x3FA9] =	sst s2  }
0xb: {  	[smem:$0x3FAA] =	sst s3  }
0xc: {  	[smem:$0x3FAB] =	sst s4  }
0xd: {  	[smem:$0x3FAC] =	sst s5  }
0xe: {  	[smem:$0x3FAD] =	sst s6  }
0xf: {  	[smem:$0x3FAE] =	sst s7  }
0x10: {  	[smem:$0x3FAF] =	sst s8  }
0x11: {  	[smem:$0x3FB0] =	sst s9;
	s0 =	simm.s32 @!p0 $0x0  }
0x12: {  	s1 =	sld [smem:$0x3F96];
	s0 =	simm.s32 @p0 $0x1  }
0x13: {  	[smem:$0x3FB1] =	sst s0;
	s0 =	simm.s32 @!p1 $0x0  }
0x14: {  	s2 =	sld [smem:$0x3F95];
	s0 =	simm.s32 @p1 $0x1  }
0x15: {  	[smem:$0x3FB2] =	sst s0;
	s0 =	simm.s32 @!p2 $0x0  }
0x16: {  	s3 =	sld [smem:$0x3FDB];
	s0 =	simm.s32 @p2 $0x1  }
0x17: {  	s4 =	simm.s32 $0x1BF5;
	[smem:$0x3FB4] =	sst s0  }
0x18: {  	s0 =	sld [smem:$0x3F97];
	_ =	swait.ge [sflag:s4], $0x0  }
0x19: {  	s7 =	sld [smem:$0x3F98]  }
0x1a: {  	s8 =	sadd.s32 $0xFFFFE003, lr  }
0x1b: {  	s9 =	sadd.s32 $0xFFFFFEF7, lr;
	s5 =	simm.s32 $0xFFFFFFFF;
	p2 =	slt.u32 s8, $0xFFFFF086  }
0x1c: {  	p1 =	slt.u32 s9, $0xF7A;
	s5 =	simm.s32 @!p2 $0x0  }
0x1d: {  	s5 =	simm.s32 @p1 $0x1;
	p0 =	seq.s32 s7, s2  }
0x1e: {  	s7 =	smul.u32 @!p0 $0xF7A, s2;
	p2 =	seq.s32 @!p0 s5, $0x0  }
0x1f: {  	s9 =	smul.u32 $0xF7A, s1;
	s8 =	simm.s32 @!p0 $0x1BF5;
	p2 =	por !p2, p0  }
0x20: {  	[sflag:s8] =	ssyncset.s32 @!p0 $0xFFFFF086;
	s6 =	sadd.s32 @!p0 s3, s7;
	s7 =	simm.s32 @!p0 $0x108  }
0x21: {  	s3 =	sadd.s32 s3, s9;
	s6 =	sadd.s32 @!p0 $0x88, s6;
	s7 =	simm.s32 @p2 $0x1082  }
0x22: {  	[simem:s7], [sflag:s8] =	dma.local @!p0 [hbm:s6], $0xF7A  }
0x23: {  	s9 =	sor.u32 $0xD0000000, s2;
	s6 =	simm.s32 $0x108;
	_ =	swait.ge @!p0 [sflag:s8], $0x0  }
0x24: {  	s3 =	sadd.s32 $0x88, s3;
	s6 =	simm.s32 @!p1 $0x1082;
	[sflag:s4] =	ssyncset.s32 $0xFFFFF086  }
0x25: {  	[simem:s6], [sflag:s4] =	dma.local [hbm:s3], $0xF7A  }
0x26: {  	[smem:$0x3F98] =	sst s1;
	(tag) =	ssettag s2;
	_ =	strace s9  }
0x27: {  	s1 =	sld [smem:$0x3FA8]  }
0x28: {  	s2 =	sld [smem:$0x3FA9]  }
0x29: {  	s4 =	sld [smem:$0x3FAB]  }
0x2a: {  	p0 =	seq.s32 s5, $0x0;
	s5 =	sld [smem:$0x3FAC]  }
0x2b: {  	s6 =	sld [smem:$0x3FAD]  }
0x2c: {  	s7 =	sld [smem:$0x3FAE]  }
0x2d: {  	s3 =	simm.s32 $0x108;
	s8 =	sld [smem:$0x3FAF]  }
0x2e: {  	s3 =	simm.s32 @!p0 $0x1082;
	s9 =	sld [smem:$0x3FB0]  }
0x2f: {  	lr =	sadd.s32 s0, s3;
	s0 =	sld [smem:$0x3FA7]  }
0x30: {  	s3 =	sld [smem:$0x3FAA]  }
0x31: {  	[smem:$0x3FB3] =	sst s10  }
0x32: {  	s10 =	sld [smem:$0x3FB1];
	_ =	sdelay $0x3  }
0x33: {  	p0 =	seq.s32 s10, $0x1;
	s10 =	sld [smem:$0x3FB3];
	_ =	sdelay $0x3  }
0x34: {  	[smem:$0x3FB3] =	sst s10  }
0x35: {  	s10 =	sld [smem:$0x3FB2];
	_ =	sdelay $0x3  }
0x36: {  	p1 =	seq.s32 s10, $0x1;
	s10 =	sld [smem:$0x3FB3];
	_ =	sdelay $0x3  }
0x37: {  	[smem:$0x3FB3] =	sst s10  }
0x38: {  	s10 =	sld [smem:$0x3FB4]  }
0x39: {  	_ = 	snop;
	(pc) =	sbr.ind lr, $3  }
0x3a: {  	_ = 	snop  }
0x3b: {  	_ = 	snop  }
0x3c: {  	p2 =	seq.s32 s10, $0x1;
	s10 =	sld [smem:$0x3FB3]  }
0x3d: {  	_ =	shalt  }
0x3e: {  	_ =	shalt  }
0x3f: {  	_ =	shalt  }
0x40: {  	_ =	shalt  }
0x41: {  	_ =	shalt  }
0x42: {  	_ =	shalt  }
0x43: {  	_ =	shalt  }
0x44: {  	_ =	shalt  }
0x45: {  	_ =	shalt  }
0x46: {  	_ =	shalt  }
0x47: {  	_ =	shalt  }
0x48: {  	_ =	shalt  }
0x49: {  	_ =	shalt  }
0x4a: {  	_ =	shalt  }
0x4b: {  	_ =	shalt  }
0x4c: {  	_ =	shalt  }
0x4d: {  	_ =	shalt  }
0x4e: {  	_ =	shalt  }
0x4f: {  	_ =	shalt  }
0x50: {  	_ =	shalt  }
0x51: {  	_ =	shalt  }
0x52: {  	_ =	shalt  }
0x53: {  	_ =	shalt  }
0x54: {  	_ =	shalt  }
0x55: {  	_ =	shalt  }
0x56: {  	_ =	shalt  }
0x57: {  	_ =	shalt  }
0x58: {  	_ =	shalt  }
0x59: {  	_ =	shalt  }
0x5a: {  	_ =	shalt  }
0x5b: {  	_ =	shalt  }
0x5c: {  	_ =	shalt  }
0x5d: {  	_ =	shalt  }
0x5e: {  	_ =	shalt  }
0x5f: {  	_ =	shalt  }
0x60: {  	_ =	shalt  }
0x61: {  	_ =	shalt  }
0x62: {  	_ =	shalt  }
0x63: {  	_ =	shalt  }
0x64: {  	_ =	shalt  }
0x65: {  	_ =	shalt  }
0x66: {  	_ =	shalt  }
0x67: {  	_ =	shalt  }
0x68: {  	_ =	shalt  }
0x69: {  	_ =	shalt  }
0x6a: {  	_ =	shalt  }
0x6b: {  	_ =	shalt  }
0x6c: {  	_ =	shalt  }
0x6d: {  	_ =	shalt  }
0x6e: {  	_ =	shalt  }
0x6f: {  	_ =	shalt  }
0x70: {  	_ =	shalt  }
0x71: {  	_ =	shalt  }
0x72: {  	_ =	shalt  }
0x73: {  	_ =	shalt  }
0x74: {  	_ =	shalt  }
0x75: {  	_ =	shalt  }
0x76: {  	_ =	shalt  }
0x77: {  	_ =	shalt  }
0x78: {  	_ =	shalt  }
0x79: {  	_ =	shalt  }
0x7a: {  	_ =	shalt  }
0x7b: {  	_ =	shalt  }
0x7c: {  	_ =	shalt  }
0x7d: {  	_ =	shalt  }
0x7e: {  	_ =	shalt  }
0x7f: {  	_ =	shalt  }
0x80: {  	_ =	shalt  }
0x81: {  	_ =	shalt  }
0x82: {  	_ =	shalt  }
0x83: {  	_ =	shalt  }
0x84: {  	_ =	shalt  }
0x85: {  	_ =	shalt  }
0x86: {  	_ =	shalt  }
0x87: {  	_ =	shalt  }
.Lfunc_end0:
.L_simem_size_0:
called_computation.2_lowered:
.L_overlay_start_0:
0x88: {  	s2 =	sld [smem:$0x3FD9]  }
0x89: {  	s3 =	sld [smem:$0x3FFE];
	_ =	sdelay $0x1  }
0x8a: {  	s1 =	srdreg.scid  }
0x8b: {  	s0 =	sand.u32 $0x1, s1  }
0x8c: {  	s17 =	sshll.u32 s0, $0xA;
	s2 =	sadd.s32 s3, s2  }
0x8d: {  	s2 =	sadd.s32 s2, s17  }
0x8e: {  	[smem:$0x3FBF] =	sst s2  }
0x8f: {  	_ = 	snop  }
0x90: {  	s2 =	sld [smem:$0x3FD0];
	(tm) =	ssettm $0x1  }
0x91: {  	s18 =	sld [smem:$0x3FFB];
	_ =	sdelay $0x3  }
0x92: {  	_ =	strace s18  }
0x93: {  	s3 =	sld [smem:$0x3FFC];
	_ =	sdelay $0x3  }
0x94: {  	_ =	strace s3  }
0x95: {  	s3 =	sld [smem:$0x3FFD];
	_ =	sdelay $0x3  }
0x96: {  	_ =	strace s3  }
0x97: {  	_ =	strace $0x8FFFFFFF  }
0x98: {  	s19 =	sld [smem:$0x3FDB];
	_ =	sdelay $0x1  }
0x99: {  	s4 =	simm.s32 $_scs_section_size  }
0x9a: {  	s5 =	simm.s32 $_size__tile_overlayer_lowered;
	s6 =	simm.s32 $_tile_overlayer_lowered  }
0x9b: {  	s22 =	simm.s32 $0x1BFF;
	s21 =	sshll.u32 s6, $0x1;
	s3 =	sadd.s32 s4, s19  }
0x9c: {  	s7 =	simm.s32 $0x0;
	s20 =	sshll.u32 s5, $0x1;
	s5 =	sadd.s32 s21, s3  }
0x9d: {  	[timem:s7], [sflag:s22] =	dma.local [hbm:s5], s20  }
0x9e: {  	_ =	swait.ge [sflag:s22], s20  }
0x9f: {  	s4 =	ssub.s32 $0x0, s20;
	[sflag:s22] =	ssyncset.done $0x0  }
0xa0: {  	[sflag:s22] =	ssyncadd.s32 s4;
	_ =	sdelay $0x1  }
0xa1: {  	s23 =	simm.s32 $0x1B8B  }
0xa2: {  	_ =	swait.ge [sflag:s23], $0x1  }
0xa3: {  	[sflag:s23] =	ssyncset.done $0x0  }
0xa4: {  	s25 =	simm.s32 $0x1B8E;
	s24 =	sld [smem:$0x3FFE];
	[sflag:s23] =	ssyncadd.s32 $0xFFFFFFFF  }
0xa5: {  	s26 =	simm.s32 $execute0_lowered;
	[smem:$0x3FD2] =	sst s25  }
0xa6: {  	s5 =	sshll.u32 s26, $0x1;
	_ =	strace $0x8000004C;
	[dreg:$0x1] =	wrdreg $0xFFFFFFFF  }
0xa7: {  	s28 =	simm.s32 $_size_execute0_lowered;
	s3 =	sadd.s32 s3, s5;
	[dreg:$0x0] =	wrdreg $0x0  }
0xa8: {  	s5 =	sshll.u32 s28, $0x1;
	[dreg:$0x2] =	wrdreg s3  }
0xa9: {  	[dreg:$0x3] =	wrdreg s5  }
0xaa: {  	[dreg:$0x4] =	wrdreg $0xC0  }
0xab: {  	_ =	task [dreg:s7], $0x5FFFF  }
0xac: {  	[dreg:$0x1] =	wrdreg $0xFFFFFFFF  }
0xad: {  	[dreg:$0x0] =	wrdreg $0x60  }
0xae: {  	[dreg:$0x2] =	wrdreg s2  }
0xaf: {  	[dreg:$0x3] =	wrdreg s24  }
0xb0: {  	[dreg:$0x4] =	wrdreg $0x98000  }
0xb1: {  	[dreg:$0x5] =	wrdreg $0x9  }
0xb2: {  	_ =	task.clear_ibuf [dreg:s7], $0x6FFFF;
	_ =	strace $0x9000004C  }
0xb3: {  	s29 =	simm.s32 $0x9;
	_ =	strace $0x8000004E  }
0xb4: {  	_ =	swait.ge [sflag:s29], $0x1  }
0xb5: {  	[sflag:s29] =	ssyncadd.s32 $0xFFFFFFFF  }
0xb6: {  	_ =	strace $0x9000004E  }
0xb7: {  	_ =	sfence  }
0xb8: {  	s30 =	sld [smem:$0x0];
	_ =	sdelay $0x2  }
0xb9: {  	s31 =	sshll.u32 s1, $0xD;
	s1 =	sshrl.u32 s1, $0x2  }
0xba: {  	s3 =	sand.u32 $0x4000, s31;
	s1 =	sadd.s32 s1, s30  }
0xbb: {  	s0 =	sor.u32 s3, s0;
	s1 =	sshll.u32 s1, $0x11  }
0xbc: {  	s0 =	sor.u32 s1, s0  }
0xbd: {  	s0 =	sadd.s32 $0x8F2B, s0  }
0xbe: {  	[sflag:s0] =	ssyncadd.remote.s32 $0x1  }
0xbf: {  	_ =	sfence.sel $0xFFFF  }
0xc0: {  	[dreg:$0x0] =	wrdreg $0xFFFFFFFF;
	(pc) =	sbr.abs _section_cstart, $3  }
0xc1: {  	[dreg:$0x1] =	wrdreg $0xFFFFFFFF  }
0xc2: {  	_ =	task.clear_ibuf [dreg:s7], $0x2FFFF;
	_ =	strace $0x9FFFFFFF  }
0xc3: {  	(tm) =	ssettm $0x7FFFFFFF  }
tec
execute0_lowered:
.L_overlay_start_1:
0x0: {  	(tag) =	ssettag $0x1  }
0x1: {  	s1 =	rddreg [dreg:$0x0]  }
0x2: {  	s0 =	rddreg [dreg:$0x1]  }
0x3: {  	s2 =	rddreg [dreg:$0x2]  }
0x4: {  	s4 =	simm.s32 $0x0;
	s3 =	stileid.u32;
	s8 =	srdreg.scid  }
0x5: {  	s18 =	simm.s32 $0x56E00;
	s20 =	simm.s32 $0x4;
	s22 =	simm.s32 $0x1000  }
0x6: {  	s23 =	simm.s32 $0x80;
	s24 =	simm.s32 $0x5800;
	s25 =	simm.s32 $0x1  }
0x7: {  	s26 =	simm.s32 $0x2;
	s28 =	simm.s32 $0x0;
	[smem:$0x7FF] =	sst s4  }
0x8: {  	s5 =	sadd.s32 $0xDE00, s0;
	s9 =	smul.u32 $0x50000, s3;
	s6 =	sadd.s32 $0x2E00, s0  }
0x9: {  	s7 =	sadd.s32 $0x23E00, s0;
	s13 =	sand.u32 $0x1, s8;
	s30 =	sshll.u32 s3, $0x1  }
0xa: {  	s19 =	smul.u32 $0x2800, s3;
	_ =	strace $0x8000004D;
	s12 =	sor.u32 s13, s30  }
0xb: {  	s10 =	ssub.s32 $0x2, s13;
	p0 =	seq.s32 s13, $0x1;
	s16 =	smul.u32 $0x58, s12  }
0xc: {  	s9 =	sshrl.u32 s9, $0x2;
	s11 =	sshrl.u32 s10, $0x1;
	s15 =	smul.u32 $0x580, s12  }
0xd: {  	s18 =	simm.s32 @!p0 $0x2EE00;
	s8 =	sadd.s32 s9, s2;
	s17 =	ssub.s32 s10, s11  }
.Ltmp0:
0xe: {  	s0 =	sadd.s32 s18, s0;
	s9 =	sadd.s32 $0x4000, s8;
	(pc) =	sbr.rel .LBB2_1-.Ltmp0, $4  }
0xf: {  	v0 =	vlaneseq.u32;
	s31 =	sadd.s32 $0x8000, s8;
	s11 =	sadd.s32 $0xC000, s8;
	s12 =	sadd.s32 $0x10000, s8  }
0x10: {  	v1 =	vimm.f32 $0.0e+00;
	v2 =	vor.u32 $0x10, v0;
	s13 =	sadd.s32 s5, s15;
	s14 =	sadd.s32 s6, s15;
	s15 =	sadd.s32 s7, s15  }
0x11: {  	v3 =	vor.u32 $0x20, v0;
	v4 =	vor.u32 $0x30, v0;
	v5 =	vor.u32 $0x40, v0;
	s16 =	sadd.s32 $0x8, s16;
	s17 =	smax.u32 s17, $0x1;
	[dreg:$0x4] =	wrdreg s9  }
0x12: {  	v6 =	vor.u32 $0x50, v0;
	v7 =	vor.u32 $0x60, v0;
	v8 =	vor.u32 $0x70, v0;
	s18 =	sadd.s32 s0, s19;
	s19 =	simm.s32 $0x1800;
	[dreg:$0x5] =	wrdreg s31  }
.LBB2_13:
0x13: {  	s0 =	stileid.u32;
	s28 =	sadd.s32 $0x1, s28  }
0x14: {  	[bflag:$0x0] =	sbarrier.arrive $0xFFFF;
	s0 =	sshll.u32 s0, $0x6;
	p0 =	sne.s32 s28, s17  }
.Ltmp1:
0x15: {  	s3 =	sshrl.u32 s8, $0x3;
	s0 =	sor.u32 $0x1C04, s0;
	(pc) =	sbr.rel @!p0 .LBB2_14-.Ltmp1, $4  }
0x16: {  	[hbm:s18], [sflag:s0] =	dma.local [spmem:s3], $0x2800  }
0x17: {  	_ =	swait.ge [sflag:s20], $0x2800  }
0x18: {  	[sflag:s20] =	ssyncset.done $0x0  }
0x19: {  	[sflag:s20] =	ssyncadd.s32 $0xFFFFD800  }
.LBB2_1:
0x1a: {  	s0 =	simm.s32 $0x0;
	s29 =	simm.s32 $0x200  }
.LBB2_2:
0x1b: {  	p0 =	sne.s32 s29, $0xFE00;
	[tilespmem:s0+$0x1870] =	vst v1  }
0x1c: {  	[tilespmem:s0+$0x1800] =	vst v1  }
0x1d: {  	[tilespmem:s0+$0x1810] =	vst v1  }
.Ltmp2:
0x1e: {  	[tilespmem:s0+$0x1820] =	vst v1;
	(pc) =	sbr.rel @p0 .LBB2_2-.Ltmp2, $4  }
0x1f: {  	[tilespmem:s0+$0x1830] =	vst v1  }
0x20: {  	[tilespmem:s0+$0x1840] =	vst v1  }
0x21: {  	[tilespmem:s0+$0x1850] =	vst v1  }
0x22: {  	[tilespmem:s0+$0x1860] =	vst v1;
	s0 =	sshra.s32 s29, $0x2;
	s29 =	sadd.s32 $0x200, s29  }
0x23: {  	[tilespmem:s0+$0x1870] =	vst v1  }
0x24: {  	[tilespmem:s0+$0x1800] =	vst v1  }
0x25: {  	[tilespmem:s0+$0x1810] =	vst v1  }
0x26: {  	[tilespmem:s0+$0x1820] =	vst v1  }
0x27: {  	[tilespmem:s0+$0x1830] =	vst v1  }
0x28: {  	[tilespmem:s0+$0x1840] =	vst v1  }
0x29: {  	[tilespmem:s0+$0x1850] =	vst v1  }
0x2a: {  	[tilespmem:s0+$0x1860] =	vst v1  }
0x2b: {  	[spmem:s8] =	stream.linear.scatter [tilespmem:s19], [sflag:$0x4], $0x4000, $0x38;
	[tilespmem:$0x1D800] =	vst v63  }
0x2c: {  	_ =	swait.ge [sflag:s20], $0x4000  }
0x2d: {  	[sflag:s20] =	ssyncset.done $0x0  }
0x2e: {  	s21 =	rddreg [dreg:$0x4];
	[sflag:s20] =	ssyncadd.s32 $0xFFFFC000  }
0x2f: {  	[spmem:s21] =	stream.linear.scatter [tilespmem:s19], [sflag:$0x4], $0x4000, $0x38;
	[tilespmem:$0x1D800] =	vst v63  }
0x30: {  	_ =	swait.ge [sflag:s20], $0x4000  }
0x31: {  	[sflag:s20] =	ssyncset.done $0x0  }
0x32: {  	s30 =	rddreg [dreg:$0x5];
	[sflag:s20] =	ssyncadd.s32 $0xFFFFC000  }
0x33: {  	[spmem:s30] =	stream.linear.scatter [tilespmem:s19], [sflag:$0x4], $0x4000, $0x38;
	[tilespmem:$0x1D800] =	vst v63  }
0x34: {  	_ =	swait.ge [sflag:s20], $0x4000  }
0x35: {  	[sflag:s20] =	ssyncset.done $0x0  }
0x36: {  	[sflag:s20] =	ssyncadd.s32 $0xFFFFC000  }
0x37: {  	[spmem:s11] =	stream.linear.scatter [tilespmem:s19], [sflag:$0x4], $0x4000, $0x38;
	[tilespmem:$0x1D800] =	vst v63  }
0x38: {  	_ =	swait.ge [sflag:s20], $0x4000  }
0x39: {  	[sflag:s20] =	ssyncset.done $0x0  }
0x3a: {  	[sflag:s20] =	ssyncadd.s32 $0xFFFFC000  }
0x3b: {  	[spmem:s12] =	stream.linear.scatter [tilespmem:s19], [sflag:$0x4], $0x4000, $0x38;
	[tilespmem:$0x1D800] =	vst v63  }
0x3c: {  	_ =	swait.ge [sflag:s20], $0x4000  }
0x3d: {  	[sflag:s20] =	ssyncset.done $0x0  }
0x3e: {  	s29 =	simm.s32 $0x0;
	[sflag:s20] =	ssyncadd.s32 $0xFFFFC000  }
0x3f: {  	[tilespmem:s29], [sflag:$0x4] =	stream.linear.gather [hbm4b:s13+s29], $0x400, $0x38;
	[tilespmem:$0x1D800] =	vst v63  }
0x40: {  	_ =	swait.ge [sflag:s20], $0x400  }
0x41: {  	[sflag:s20] =	ssyncset.done $0x0  }
0x42: {  	s31 =	simm.s32 $0x800;
	[sflag:s20] =	ssyncadd.s32 $0xFFFFFC00  }
0x43: {  	[tilespmem:s31], [sflag:$0x4] =	stream.linear.gather [hbm4b:s14+s29], $0x400, $0x38;
	[tilespmem:$0x1D800] =	vst v63  }
0x44: {  	_ =	swait.ge [sflag:s20], $0x400  }
0x45: {  	[sflag:s20] =	ssyncset.done $0x0  }
0x46: {  	[sflag:s20] =	ssyncadd.s32 $0xFFFFFC00  }
0x47: {  	[tilespmem:s22], [sflag:$0x4] =	stream.linear.gather [hbm4b:s15+s29], $0x400, $0x38;
	[tilespmem:$0x1D800] =	vst v63  }
0x48: {  	_ =	swait.ge [sflag:s20], $0x400  }
0x49: {  	[sflag:s20] =	ssyncset.done $0x0  }
0x4a: {  	[sflag:s20] =	ssyncadd.s32 $0xFFFFFC00  }
0x4b: {  	[bflag:$0x0] =	sbarrier.arrive $0xFFFF  }
0x4c: {  	[tilespmem:s19], [sflag:$0x1] =	stream.indirect.gather [hbm4b:s1+s23], $0x80, s29, s23, $0xb8;
	[tilespmem:$0x1D800] =	vst v63  }
0x4d: {  	_ = 	snop  }
0x4e: {  	[tilespmem:s24], [sflag:$0x2] =	stream.indirect.gather [hbm4b:s1+s23], $0x80, s23, s23, $0xb8;
	[tilespmem:$0x1D800] =	vst v63  }
.LBB2_4:
0x4f: {  	s0 =	sshrl.u32 s29, $0x2  }
0x50: {  	s21 =	sshll.u32 s29, $0x1;
	p0 =	sgt.u32 s29, $0x27;
	s30 =	sshll.u32 s0, $0x3  }
0x51: {  	p1 =	sne.s32 @!p0 s21, s30  }
0x52: {  	p1 =	por p0, p1  }
.Ltmp3:
0x53: {  	_ = 	snop;
	(pc) =	sbr.rel @p1 .LBB2_6-.Ltmp3, $3  }
0x54: {  	_ =	sdelay $0x1  }
0x55: {  	s0 =	sand.u32 $0x1, s0  }
0x56: {  	s30 =	ssub.s32 s21, s30;
	s31 =	sshll.u32 s0, $0xA  }
0x57: {  	s21 =	sadd.s32 s21, s16  }
0x58: {  	s21 =	sshll.u32 s21, $0x4  }
0x59: {  	s3 =	sxor.u32 $0x400, s31;
	s9 =	sadd.s32 s5, s21  }
0x5a: {  	[tilespmem:s3], [sflag:$0x3] =	stream.linear.gather [hbm4b:s9+s4], $0x400, $0x38;
	[tilespmem:$0x1D800] =	vst v63  }
.Ltmp4:
0x5b: {  	_ = 	snop;
	(pc) =	sbr.rel .LBB2_7-.Ltmp4, $4  }
0x5c: {  	s10 =	sadd.s32 s6, s21;
	s9 =	sor.u32 $0x800, s3  }
0x5d: {  	[tilespmem:s9], [sflag:$0x3] =	stream.linear.gather [hbm4b:s10+s4], $0x400, $0x38;
	[tilespmem:$0x1D800] =	vst v63  }
0x5e: {  	s21 =	sadd.s32 s7, s21;
	s3 =	sor.u32 $0x1000, s3  }
0x5f: {  	[tilespmem:s3], [sflag:$0x3] =	stream.linear.gather [hbm4b:s21+s4], $0x400, $0x38;
	[tilespmem:$0x1D800] =	vst v63  }
.LBB2_6:
0x60: {  	p1 =	sne.s32 @!p0 s30, $0x6  }
0x61: {  	p0 =	por p1, p0  }
0x62: {  	s3 =	simm.s32 @!p0 $0x3  }
0x63: {  	_ =	swait.ge @!p0 [sflag:s3], $0x400  }
0x64: {  	[sflag:s3] =	ssyncset.done @!p0 $0x0  }
0x65: {  	[sflag:s3] =	ssyncadd.s32 @!p0 $0xFFFFFC00  }
0x66: {  	_ =	swait.ge @!p0 [sflag:s3], $0x400  }
0x67: {  	[sflag:s3] =	ssyncset.done @!p0 $0x0  }
0x68: {  	[sflag:s3] =	ssyncadd.s32 @!p0 $0xFFFFFC00  }
0x69: {  	_ =	swait.ge @!p0 [sflag:s3], $0x400  }
0x6a: {  	[sflag:s3] =	ssyncset.done @!p0 $0x0  }
0x6b: {  	[sflag:s3] =	ssyncadd.s32 @!p0 $0xFFFFFC00  }
.LBB2_7:
0x6c: {  	v9 =	vmov s0  }
0x6d: {  	s3 =	sshll.u32 s30, $0x7;
	v9 =	vshll.u32 v9, $0xA  }
0x6e: {  	v10 =	vadd.s32 s3, v9  }
0x6f: {  	s9 =	simm.s32 $0x0;
	v16 =	vbroadcast v10, $0x0  }
0x70: {  	v10 =	vmov s9  }
0x71: {  	v12 =	vshll.u32 v10, $0x7;
	v11 =	vor.u32 s9, v16  }
0x72: {  	s10 =	simm.s32 $0x1;
	s3 =	simm.s32 $0x3;
	v17 =	vor.u32 v0, v12  }
0x73: {  	_ =	swait.ge [sflag:s25], $0x4000;
	v10 =	vmov s3;
	v13 =	vor.u32 s10, v16  }
0x74: {  	[sflag:s25] =	ssyncset.done $0x0;
	v14 =	vmov s10;
	v18 =	vor.u32 s3, v16;
	v15 =	vshll.u32 v10, $0x7  }
0x75: {  	[sflag:s25] =	ssyncadd.s32 $0xFFFFC000;
	v26 =	vshll.u32 v14, $0x7;
	v19 =	vor.u32 v0, v15  }
0x76: {  	s21 =	simm.s32 $0x2;
	v20 =	vor.u32 v0, v26;
	v10 =	vld.idx.msk [tilespmem:v11+s22+$0x0], $0xffff  }
0x77: {  	v14 =	vmov s21;
	v22 =	vld.idx.msk [tilespmem:v17+s19+$0x0], $0xffff  }
0x78: {  	v25 =	vshll.u32 v14, $0x7;
	v21 =	vor.u32 s21, v16;
	v11 =	vld.idx.msk [tilespmem:v13+s22+$0x0], $0xffff  }
0x79: {  	v23 =	vor.u32 v0, v25;
	v13 =	vld.idx.msk [tilespmem:v18+s22+$0x0], $0xffff  }
0x7a: {  	v18 =	vld.idx.msk [tilespmem:v19+s19+$0x0], $0xffff  }
0x7b: {  	v24 =	vld.idx.msk [tilespmem:v20+s19+$0x0], $0xffff  }
0x7c: {  	v27 =	vor.u32 v2, v12  }
0x7d: {  	v28 =	vor.u32 v2, v15;
	v14 =	vld.idx.msk [tilespmem:v21+s22+$0x0], $0xffff  }
0x7e: {  	v29 =	vor.u32 v2, v26;
	v21 =	vld.idx.msk [tilespmem:v23+s19+$0x0], $0xffff;
	v22 =	vmul.f32 v22, v10  }
0x7f: {  	v18 =	vmul.f32 v18, v13  }
0x80: {  	[tilespmem:v17+s19+$0x0] =	vst.idx.msk $0xffff, v22;
	v22 =	vmul.f32 v24, v11  }
0x81: {  	v17 =	vor.u32 v2, v25;
	v24 =	vld.idx.msk [tilespmem:v27+s19+$0x0], $0xffff;
	[tilespmem:v19+s19+$0x0] =	vst.idx.msk $0xffff, v18  }
0x82: {  	v18 =	vld.idx.msk [tilespmem:v28+s19+$0x0], $0xffff;
	[tilespmem:v20+s19+$0x0] =	vst.idx.msk $0xffff, v22  }
0x83: {  	v19 =	vmul.f32 v21, v14;
	v20 =	vld.idx.msk [tilespmem:v29+s19+$0x0], $0xffff  }
0x84: {  	v21 =	vor.u32 v3, v12  }
0x85: {  	v22 =	vor.u32 v3, v15;
	[tilespmem:v23+s19+$0x0] =	vst.idx.msk $0xffff, v19  }
0x86: {  	v19 =	vld.idx.msk [tilespmem:v17+s19+$0x0], $0xffff;
	v23 =	vmul.f32 v24, v10;
	v24 =	vor.u32 v3, v26  }
0x87: {  	v18 =	vmul.f32 v18, v13  }
0x88: {  	[tilespmem:v27+s19+$0x0] =	vst.idx.msk $0xffff, v23;
	v20 =	vmul.f32 v20, v11  }
0x89: {  	v23 =	vor.u32 v3, v25;
	v27 =	vld.idx.msk [tilespmem:v21+s19+$0x0], $0xffff;
	[tilespmem:v28+s19+$0x0] =	vst.idx.msk $0xffff, v18  }
0x8a: {  	v18 =	vld.idx.msk [tilespmem:v22+s19+$0x0], $0xffff;
	[tilespmem:v29+s19+$0x0] =	vst.idx.msk $0xffff, v20  }
0x8b: {  	v19 =	vmul.f32 v19, v14;
	v20 =	vld.idx.msk [tilespmem:v24+s19+$0x0], $0xffff  }
0x8c: {  	v28 =	vor.u32 v4, v12  }
0x8d: {  	v29 =	vor.u32 v4, v15;
	[tilespmem:v17+s19+$0x0] =	vst.idx.msk $0xffff, v19  }
0x8e: {  	s3 =	simm.s32 $0x4;
	v19 =	vld.idx.msk [tilespmem:v23+s19+$0x0], $0xffff;
	v17 =	vmul.f32 v27, v10;
	v27 =	vor.u32 v4, v26  }
0x8f: {  	s10 =	simm.s32 $0x7;
	v30 =	vmov s3;
	v31 =	vor.u32 s3, v16;
	v18 =	vmul.f32 v18, v13  }
0x90: {  	v36 =	vor.u32 s10, v16;
	[tilespmem:v21+s19+$0x0] =	vst.idx.msk $0xffff, v17;
	v17 =	vshll.u32 v30, $0x7;
	v20 =	vmul.f32 v20, v11  }
0x91: {  	v30 =	vld.idx.msk [tilespmem:v28+s19+$0x0], $0xffff;
	[tilespmem:v22+s19+$0x0] =	vst.idx.msk $0xffff, v18;
	v33 =	vor.u32 v0, v17  }
0x92: {  	v32 =	vor.u32 v4, v25;
	s9 =	simm.s32 $0x5;
	v18 =	vmov s10;
	v34 =	vld.idx.msk [tilespmem:v29+s19+$0x0], $0xffff;
	[tilespmem:v24+s19+$0x0] =	vst.idx.msk $0xffff, v20  }
0x93: {  	v21 =	vor.u32 s9, v16;
	v19 =	vmul.f32 v19, v14;
	v18 =	vshll.u32 v18, $0x7;
	v35 =	vld.idx.msk [tilespmem:v27+s19+$0x0], $0xffff  }
0x94: {  	s21 =	simm.s32 $0x6;
	v20 =	vld.idx.msk [tilespmem:v31+s22+$0x0], $0xffff;
	v31 =	vor.u32 v0, v18  }
0x95: {  	v37 =	vor.u32 s21, v16;
	[tilespmem:v23+s19+$0x0] =	vst.idx.msk $0xffff, v19;
	v19 =	vmov s9;
	v23 =	vld.idx.msk [tilespmem:v36+s22+$0x0], $0xffff  }
0x96: {  	v40 =	vor.u32 v5, v26;
	v22 =	vshll.u32 v19, $0x7;
	v19 =	vmov s21;
	v39 =	vld.idx.msk [tilespmem:v33+s19+$0x0], $0xffff  }
0x97: {  	v38 =	vld.idx.msk [tilespmem:v32+s19+$0x0], $0xffff;
	v41 =	vor.u32 v0, v22;
	v24 =	vshll.u32 v19, $0x7  }
0x98: {  	v21 =	vld.idx.msk [tilespmem:v21+s22+$0x0], $0xffff;
	v42 =	vor.u32 v0, v24;
	v35 =	vmul.f32 v35, v11  }
0x99: {  	v58 =	vor.u32 v2, v17;
	v43 =	vld.idx.msk [tilespmem:v31+s19+$0x0], $0xffff  }
0x9a: {  	v44 =	vor.u32 v5, v25;
	v19 =	vld.idx.msk [tilespmem:v37+s22+$0x0], $0xffff;
	[tilespmem:v27+s19+$0x0] =	vst.idx.msk $0xffff, v35  }
0x9b: {  	v59 =	vor.u32 v5, v15;
	v27 =	vmul.f32 v39, v20;
	v35 =	vld.idx.msk [tilespmem:v40+s19+$0x0], $0xffff  }
0x9c: {  	v45 =	vor.u32 v2, v18;
	v38 =	vmul.f32 v38, v14;
	v60 =	vld.idx.msk [tilespmem:v41+s19+$0x0], $0xffff  }
0x9d: {  	v34 =	vmul.f32 v34, v13;
	[tilespmem:v33+s19+$0x0] =	vst.idx.msk $0xffff, v27;
	v27 =	vld.idx.msk [tilespmem:v42+s19+$0x0], $0xffff;
	v33 =	vor.u32 v5, v12  }
0x9e: {  	v63 =	vor.u32 v6, v26;
	[tilespmem:v32+s19+$0x0] =	vst.idx.msk $0xffff, v38;
	v62 =	vmul.f32 v43, v23;
	v61 =	vld.idx.msk [tilespmem:v58+s19+$0x0], $0xffff  }
0x9f: {  	v30 =	vmul.f32 v30, v10;
	v52 =	vor.u32 v2, v22;
	[tilespmem:v29+s19+$0x0] =	vst.idx.msk $0xffff, v34;
	v29 =	vld.idx.msk [tilespmem:v44+s19+$0x0], $0xffff  }
0xa0: {  	v47 =	vor.u32 v2, v24;
	v46 =	vld.idx.msk [tilespmem:v59+s19+$0x0], $0xffff;
	[tilespmem:v31+s19+$0x0] =	vst.idx.msk $0xffff, v62;
	v31 =	vmul.f32 v35, v11  }
0xa1: {  	[tilespmem:v28+s19+$0x0] =	vst.idx.msk $0xffff, v30;
	v30 =	vor.u32 v3, v17;
	v28 =	vmul.f32 v60, v21;
	v53 =	vld.idx.msk [tilespmem:v45+s19+$0x0], $0xffff  }
0xa2: {  	v27 =	vmul.f32 v27, v19;
	v54 =	vld.idx.msk [tilespmem:v33+s19+$0x0], $0xffff;
	[tilespmem:v40+s19+$0x0] =	vst.idx.msk $0xffff, v31;
	v31 =	vor.u32 v6, v25  }
0xa3: {  	v49 =	vor.u32 v6, v15;
	[tilespmem:v41+s19+$0x0] =	vst.idx.msk $0xffff, v28;
	v32 =	vmul.f32 v61, v20;
	v55 =	vld.idx.msk [tilespmem:v63+s19+$0x0], $0xffff  }
0xa4: {  	v40 =	vor.u32 v3, v18;
	v48 =	vld.idx.msk [tilespmem:v52+s19+$0x0], $0xffff;
	[tilespmem:v42+s19+$0x0] =	vst.idx.msk $0xffff, v27;
	v27 =	vmul.f32 v29, v14  }
0xa5: {  	v56 =	vmul.f32 v46, v13;
	[tilespmem:v58+s19+$0x0] =	vst.idx.msk $0xffff, v32;
	v29 =	vld.idx.msk [tilespmem:v47+s19+$0x0], $0xffff;
	v32 =	vor.u32 v6, v12  }
0xa6: {  	v28 =	vor.u32 v7, v26;
	v57 =	vld.idx.msk [tilespmem:v30+s19+$0x0], $0xffff;
	[tilespmem:v44+s19+$0x0] =	vst.idx.msk $0xffff, v27;
	v27 =	vmul.f32 v53, v23  }
0xa7: {  	v38 =	vor.u32 v3, v22;
	[tilespmem:v59+s19+$0x0] =	vst.idx.msk $0xffff, v56;
	v44 =	vld.idx.msk [tilespmem:v31+s19+$0x0], $0xffff;
	v58 =	vmul.f32 v54, v10  }
0xa8: {  	v36 =	vor.u32 v3, v24;
	v59 =	vld.idx.msk [tilespmem:v49+s19+$0x0], $0xffff;
	[tilespmem:v45+s19+$0x0] =	vst.idx.msk $0xffff, v27;
	v27 =	vmul.f32 v55, v11  }
0xa9: {  	v35 =	vor.u32 v4, v17;
	v60 =	vmul.f32 v48, v21;
	v61 =	vld.idx.msk [tilespmem:v40+s19+$0x0], $0xffff;
	[tilespmem:v33+s19+$0x0] =	vst.idx.msk $0xffff, v58  }
0xaa: {  	v62 =	vmul.f32 v29, v19;
	v37 =	vld.idx.msk [tilespmem:v32+s19+$0x0], $0xffff;
	[tilespmem:v63+s19+$0x0] =	vst.idx.msk $0xffff, v27;
	v29 =	vor.u32 v7, v25  }
0xab: {  	[tilespmem:v52+s19+$0x0] =	vst.idx.msk $0xffff, v60;
	v27 =	vor.u32 v7, v15;
	v42 =	vmul.f32 v57, v20;
	v34 =	vld.idx.msk [tilespmem:v28+s19+$0x0], $0xffff  }
0xac: {  	v48 =	vld.idx.msk [tilespmem:v38+s19+$0x0], $0xffff;
	[tilespmem:v47+s19+$0x0] =	vst.idx.msk $0xffff, v62;
	v63 =	vmul.f32 v44, v14  }
0xad: {  	v43 =	vor.u32 v4, v22;
	[tilespmem:v30+s19+$0x0] =	vst.idx.msk $0xffff, v42;
	v47 =	vld.idx.msk [tilespmem:v36+s19+$0x0], $0xffff;
	v30 =	vmul.f32 v59, v13  }
0xae: {  	v26 =	vor.u32 v8, v26;
	v44 =	vor.u32 v4, v18;
	v45 =	vld.idx.msk [tilespmem:v35+s19+$0x0], $0xffff;
	[tilespmem:v31+s19+$0x0] =	vst.idx.msk $0xffff, v63  }
0xaf: {  	v31 =	vor.u32 v7, v12;
	v39 =	vld.idx.msk [tilespmem:v29+s19+$0x0], $0xffff;
	[tilespmem:v49+s19+$0x0] =	vst.idx.msk $0xffff, v30;
	v30 =	vmul.f32 v61, v23  }
0xb0: {  	s0 =	simm.s32 $0x8;
	v25 =	vor.u32 v8, v25;
	v42 =	vor.u32 v4, v24;
	v46 =	vmul.f32 v37, v10;
	v41 =	vld.idx.msk [tilespmem:v27+s19+$0x0], $0xffff  }
.LBB2_8:
0xb1: {  	v49 =	vmov s0;
	v50 =	vor.u32 s0, v16;
	s3 =	sadd.s32 $0x1, s0;
	[tilespmem:v40+s19+$0x0] =	vst.idx.msk $0xffff, v30;
	v40 =	vmul.f32 v34, v11;
	v51 =	vmovc v12;
	v12 =	vmovc v17  }
0xb2: {  	p0 =	slt.u32 s0, $0x7C;
	v33 =	vmovc v22;
	v30 =	vmovc v10;
	v10 =	vmov v20;
	v34 =	vmov v24;
	v37 =	vmov v13;
	s9 =	smov.u32 s0;
	s0 =	sadd.s32 $0x4, s0  }
0xb3: {  	v24 =	vmul.f32 v48, v21;
	v13 =	vmovc v23;
	v17 =	vshll.u32 v49, $0x7;
	v20 =	vmov s3;
	s10 =	sadd.s32 $0x2, s9;
	v48 =	vld.idx.msk [tilespmem:v44+s19+$0x0], $0xffff;
	[tilespmem:v32+s19+$0x0] =	vst.idx.msk $0xffff, v46  }
0xb4: {  	v23 =	vor.u32 s3, v16;
	s3 =	sadd.s32 $0x3, s9;
	v32 =	vor.u32 v0, v17;
	v22 =	vshll.u32 v20, $0x7;
	v46 =	vld.idx.msk [tilespmem:v31+s19+$0x0], $0xffff;
	[tilespmem:v28+s19+$0x0] =	vst.idx.msk $0xffff, v40  }
0xb5: {  	v40 =	vmov s10;
	v28 =	vor.u32 v0, v22;
	[tilespmem:v38+s19+$0x0] =	vst.idx.msk $0xffff, v24;
	v38 =	vmul.f32 v47, v19;
	v47 =	vld.idx.msk [tilespmem:v26+s19+$0x0], $0xffff  }
0xb6: {  	v49 =	vor.u32 s10, v16;
	v52 =	vmov s3;
	v45 =	vmul.f32 v45, v10;
	v53 =	vld.idx.msk [tilespmem:v43+s19+$0x0], $0xffff  }
0xb7: {  	v24 =	vshll.u32 v40, $0x7;
	v40 =	vor.u32 s3, v16;
	v20 =	vld.idx.msk [tilespmem:v50+s22+$0x0], $0xffff;
	v50 =	vshll.u32 v52, $0x7;
	[tilespmem:v36+s19+$0x0] =	vst.idx.msk $0xffff, v38  }
0xb8: {  	v39 =	vmul.f32 v39, v14;
	v41 =	vmul.f32 v41, v37;
	v36 =	vor.u32 v0, v50;
	v38 =	vld.idx.msk [tilespmem:v42+s19+$0x0], $0xffff  }
0xb9: {  	v52 =	vld.idx.msk [tilespmem:v32+s19+$0x0], $0xffff;
	[tilespmem:v35+s19+$0x0] =	vst.idx.msk $0xffff, v45;
	v35 =	vmul.f32 v48, v13  }
0xba: {  	v48 =	vor.u32 v5, v33;
	v46 =	vmul.f32 v46, v30;
	v45 =	vld.idx.msk [tilespmem:v23+s22+$0x0], $0xffff;
	[tilespmem:v29+s19+$0x0] =	vst.idx.msk $0xffff, v39  }
0xbb: {  	v29 =	vmul.f32 v47, v11;
	v11 =	vmov v21;
	[tilespmem:v44+s19+$0x0] =	vst.idx.msk $0xffff, v35;
	v35 =	vld.idx.msk [tilespmem:v25+s19+$0x0], $0xffff  }
0xbc: {  	v39 =	vor.u32 v0, v24;
	v21 =	vmul.f32 v53, v11;
	v23 =	vld.idx.msk [tilespmem:v40+s22+$0x0], $0xffff;
	[tilespmem:v27+s19+$0x0] =	vst.idx.msk $0xffff, v41  }
0xbd: {  	v27 =	vor.u32 v2, v17;
	v41 =	vor.u32 v5, v34;
	v40 =	vld.idx.msk [tilespmem:v36+s19+$0x0], $0xffff;
	[tilespmem:v31+s19+$0x0] =	vst.idx.msk $0xffff, v46  }
0xbe: {  	v31 =	vor.u32 v2, v22;
	v44 =	vld.idx.msk [tilespmem:v49+s22+$0x0], $0xffff;
	[tilespmem:v43+s19+$0x0] =	vst.idx.msk $0xffff, v21;
	v21 =	vmul.f32 v38, v19  }
0xbf: {  	v46 =	vor.u32 v5, v18;
	v38 =	vmul.f32 v52, v20;
	v43 =	vld.idx.msk [tilespmem:v48+s19+$0x0], $0xffff;
	[tilespmem:v26+s19+$0x0] =	vst.idx.msk $0xffff, v29  }
0xc0: {  	v29 =	vor.u32 v8, v15;
	v15 =	vmov v18;
	v18 =	vmov v50;
	v26 =	vld.idx.msk [tilespmem:v28+s19+$0x0], $0xffff;
	[tilespmem:v42+s19+$0x0] =	vst.idx.msk $0xffff, v21  }
0xc1: {  	v42 =	vor.u32 v2, v18;
	v35 =	vmul.f32 v35, v14;
	[tilespmem:v32+s19+$0x0] =	vst.idx.msk $0xffff, v38;
	v32 =	vld.idx.msk [tilespmem:v39+s19+$0x0], $0xffff  }
0xc2: {  	v47 =	vor.u32 v5, v12;
	v14 =	vmov v19;
	v38 =	vld.idx.msk [tilespmem:v27+s19+$0x0], $0xffff;
	v21 =	vmov v45  }
0xc3: {  	v40 =	vmul.f32 v40, v23;
	v45 =	vor.u32 v6, v33;
	v49 =	vld.idx.msk [tilespmem:v41+s19+$0x0], $0xffff;
	[tilespmem:v25+s19+$0x0] =	vst.idx.msk $0xffff, v35  }
0xc4: {  	v19 =	vmov v44;
	v35 =	vld.idx.msk [tilespmem:v46+s19+$0x0], $0xffff  }
0xc5: {  	v44 =	vor.u32 v2, v24;
	v25 =	vmul.f32 v43, v11;
	[tilespmem:v36+s19+$0x0] =	vst.idx.msk $0xffff, v40;
	v36 =	vld.idx.msk [tilespmem:v29+s19+$0x0], $0xffff  }
0xc6: {  	v51 =	vor.u32 v8, v51;
	v43 =	vor.u32 v3, v17;
	v26 =	vmul.f32 v26, v21;
	v50 =	vld.idx.msk [tilespmem:v42+s19+$0x0], $0xffff  }
0xc7: {  	v53 =	vor.u32 v6, v34;
	v32 =	vmul.f32 v32, v19;
	v52 =	vld.idx.msk [tilespmem:v47+s19+$0x0], $0xffff;
	[tilespmem:v48+s19+$0x0] =	vst.idx.msk $0xffff, v25  }
0xc8: {  	v54 =	vor.u32 v6, v15;
	v38 =	vmul.f32 v38, v20;
	[tilespmem:v28+s19+$0x0] =	vst.idx.msk $0xffff, v26;
	v26 =	vld.idx.msk [tilespmem:v45+s19+$0x0], $0xffff  }
0xc9: {  	v25 =	vor.u32 v8, v34;
	v28 =	vmul.f32 v49, v14;
	v48 =	vld.idx.msk [tilespmem:v31+s19+$0x0], $0xffff;
	[tilespmem:v39+s19+$0x0] =	vst.idx.msk $0xffff, v32  }
0xca: {  	v40 =	vor.u32 v3, v18;
	v35 =	vmul.f32 v35, v13;
	[tilespmem:v27+s19+$0x0] =	vst.idx.msk $0xffff, v38;
	v27 =	vld.idx.msk [tilespmem:v44+s19+$0x0], $0xffff  }
0xcb: {  	v32 =	vor.u32 v6, v12;
	v36 =	vmul.f32 v36, v37;
	v39 =	vld.idx.msk [tilespmem:v43+s19+$0x0], $0xffff;
	[tilespmem:v41+s19+$0x0] =	vst.idx.msk $0xffff, v28  }
0xcc: {  	v37 =	vmul.f32 v50, v23;
	v28 =	vor.u32 v7, v33;
	v41 =	vld.idx.msk [tilespmem:v53+s19+$0x0], $0xffff;
	[tilespmem:v46+s19+$0x0] =	vst.idx.msk $0xffff, v35  }
0xcd: {  	v38 =	vor.u32 v3, v22;
	v46 =	vmul.f32 v52, v10;
	v49 =	vld.idx.msk [tilespmem:v54+s19+$0x0], $0xffff;
	[tilespmem:v29+s19+$0x0] =	vst.idx.msk $0xffff, v36  }
0xce: {  	v36 =	vor.u32 v3, v24;
	v26 =	vmul.f32 v26, v11;
	[tilespmem:v42+s19+$0x0] =	vst.idx.msk $0xffff, v37;
	v37 =	vld.idx.msk [tilespmem:v51+s19+$0x0], $0xffff  }
0xcf: {  	v35 =	vor.u32 v4, v17;
	v42 =	vmul.f32 v48, v21;
	v50 =	vld.idx.msk [tilespmem:v40+s19+$0x0], $0xffff;
	[tilespmem:v47+s19+$0x0] =	vst.idx.msk $0xffff, v46  }
0xd0: {  	v29 =	vor.u32 v7, v34;
	v46 =	vmul.f32 v27, v19;
	v52 =	vld.idx.msk [tilespmem:v32+s19+$0x0], $0xffff;
	[tilespmem:v45+s19+$0x0] =	vst.idx.msk $0xffff, v26  }
0xd1: {  	v27 =	vor.u32 v7, v15;
	v39 =	vmul.f32 v39, v20;
	[tilespmem:v31+s19+$0x0] =	vst.idx.msk $0xffff, v42;
	v34 =	vld.idx.msk [tilespmem:v28+s19+$0x0], $0xffff  }
.Ltmp5:
0xd2: {  	v26 =	vor.u32 v8, v33;
	v33 =	vmul.f32 v41, v14;
	v48 =	vld.idx.msk [tilespmem:v38+s19+$0x0], $0xffff;
	[tilespmem:v44+s19+$0x0] =	vst.idx.msk $0xffff, v46;
	(pc) =	sbr.rel @p0 .LBB2_8-.Ltmp5, $4  }
0xd3: {  	v44 =	vor.u32 v4, v18;
	v41 =	vmul.f32 v49, v13;
	[tilespmem:v43+s19+$0x0] =	vst.idx.msk $0xffff, v39;
	v47 =	vld.idx.msk [tilespmem:v36+s19+$0x0], $0xffff  }
0xd4: {  	v31 =	vor.u32 v7, v12;
	v45 =	vld.idx.msk [tilespmem:v35+s19+$0x0], $0xffff;
	[tilespmem:v53+s19+$0x0] =	vst.idx.msk $0xffff, v33;
	v33 =	vmul.f32 v37, v30  }
0xd5: {  	v43 =	vor.u32 v4, v22;
	v30 =	vmul.f32 v50, v23;
	v39 =	vld.idx.msk [tilespmem:v29+s19+$0x0], $0xffff;
	[tilespmem:v54+s19+$0x0] =	vst.idx.msk $0xffff, v41  }
0xd6: {  	v42 =	vor.u32 v4, v24;
	v46 =	vmul.f32 v52, v10;
	v41 =	vld.idx.msk [tilespmem:v27+s19+$0x0], $0xffff;
	[tilespmem:v51+s19+$0x0] =	vst.idx.msk $0xffff, v33  }
0xd7: {  	_ =	sdelay $0x1  }
0xd8: {  	v16 =	vmul.f32 v48, v21  }
0xd9: {  	v33 =	vmul.f32 v47, v19  }
0xda: {  	[tilespmem:v38+s19+$0x0] =	vst.idx.msk $0xffff, v16  }
0xdb: {  	v16 =	vld.idx.msk [tilespmem:v43+s19+$0x0], $0xffff;
	[tilespmem:v36+s19+$0x0] =	vst.idx.msk $0xffff, v33  }
0xdc: {  	[tilespmem:v40+s19+$0x0] =	vst.idx.msk $0xffff, v30;
	v30 =	vld.idx.msk [tilespmem:v42+s19+$0x0], $0xffff  }
0xdd: {  	v60 =	vld.idx.msk [tilespmem:v44+s19+$0x0], $0xffff  }
0xde: {  	v61 =	vor.u32 v5, v22  }
0xdf: {  	v37 =	vor.u32 v5, v24  }
0xe0: {  	v62 =	vor.u32 v5, v18;
	v16 =	vmul.f32 v16, v21  }
0xe1: {  	v63 =	vor.u32 v5, v17;
	v30 =	vmul.f32 v30, v19  }
0xe2: {  	v33 =	vmul.f32 v60, v23;
	[tilespmem:v43+s19+$0x0] =	vst.idx.msk $0xffff, v16  }
0xe3: {  	v16 =	vmul.f32 v45, v20;
	v43 =	vld.idx.msk [tilespmem:v61+s19+$0x0], $0xffff;
	[tilespmem:v42+s19+$0x0] =	vst.idx.msk $0xffff, v30  }
0xe4: {  	[tilespmem:v44+s19+$0x0] =	vst.idx.msk $0xffff, v33;
	v30 =	vld.idx.msk [tilespmem:v37+s19+$0x0], $0xffff  }
0xe5: {  	[tilespmem:v35+s19+$0x0] =	vst.idx.msk $0xffff, v16;
	v16 =	vld.idx.msk [tilespmem:v62+s19+$0x0], $0xffff  }
0xe6: {  	v48 =	vor.u32 v6, v22;
	v35 =	vld.idx.msk [tilespmem:v63+s19+$0x0], $0xffff  }
0xe7: {  	v49 =	vor.u32 v6, v24  }
0xe8: {  	v50 =	vor.u32 v6, v18;
	v43 =	vmul.f32 v43, v21  }
0xe9: {  	v51 =	vor.u32 v6, v17;
	v30 =	vmul.f32 v30, v19  }
0xea: {  	v16 =	vmul.f32 v16, v23;
	[tilespmem:v61+s19+$0x0] =	vst.idx.msk $0xffff, v43  }
0xeb: {  	v36 =	vld.idx.msk [tilespmem:v48+s19+$0x0], $0xffff;
	[tilespmem:v37+s19+$0x0] =	vst.idx.msk $0xffff, v30;
	v30 =	vmul.f32 v35, v20  }
0xec: {  	[tilespmem:v62+s19+$0x0] =	vst.idx.msk $0xffff, v16;
	v52 =	vld.idx.msk [tilespmem:v49+s19+$0x0], $0xffff  }
0xed: {  	v16 =	vld.idx.msk [tilespmem:v50+s19+$0x0], $0xffff;
	[tilespmem:v63+s19+$0x0] =	vst.idx.msk $0xffff, v30  }
0xee: {  	v30 =	vor.u32 v7, v22;
	v53 =	vld.idx.msk [tilespmem:v51+s19+$0x0], $0xffff  }
0xef: {  	v54 =	vor.u32 v7, v24;
	v34 =	vmul.f32 v34, v11  }
0xf0: {  	v55 =	vor.u32 v7, v18;
	[tilespmem:v32+s19+$0x0] =	vst.idx.msk $0xffff, v46;
	v36 =	vmul.f32 v36, v21  }
0xf1: {  	v57 =	vor.u32 v7, v17;
	v58 =	vld.idx.msk [tilespmem:v31+s19+$0x0], $0xffff;
	[tilespmem:v28+s19+$0x0] =	vst.idx.msk $0xffff, v34;
	v56 =	vmul.f32 v52, v19  }
0xf2: {  	v15 =	vor.u32 v8, v15;
	v34 =	vld.idx.msk [tilespmem:v26+s19+$0x0], $0xffff;
	v16 =	vmul.f32 v16, v23;
	[tilespmem:v48+s19+$0x0] =	vst.idx.msk $0xffff, v36  }
0xf3: {  	v33 =	vld.idx.msk [tilespmem:v30+s19+$0x0], $0xffff;
	[tilespmem:v49+s19+$0x0] =	vst.idx.msk $0xffff, v56;
	v59 =	vmul.f32 v53, v20  }
0xf4: {  	v12 =	vor.u32 v8, v12;
	v28 =	vmul.f32 v41, v13;
	[tilespmem:v50+s19+$0x0] =	vst.idx.msk $0xffff, v16;
	v60 =	vld.idx.msk [tilespmem:v54+s19+$0x0], $0xffff  }
0xf5: {  	v16 =	vmul.f32 v39, v14;
	v61 =	vld.idx.msk [tilespmem:v55+s19+$0x0], $0xffff;
	[tilespmem:v51+s19+$0x0] =	vst.idx.msk $0xffff, v59  }
0xf6: {  	[tilespmem:v27+s19+$0x0] =	vst.idx.msk $0xffff, v28;
	v62 =	vmul.f32 v58, v10;
	v22 =	vor.u32 v8, v22;
	v32 =	vld.idx.msk [tilespmem:v57+s19+$0x0], $0xffff  }
0xf7: {  	v28 =	vld.idx.msk [tilespmem:v15+s19+$0x0], $0xffff;
	v11 =	vmul.f32 v34, v11;
	[tilespmem:v29+s19+$0x0] =	vst.idx.msk $0xffff, v16;
	v16 =	vor.u32 v8, v24  }
0xf8: {  	v18 =	vor.u32 v8, v18;
	[tilespmem:v31+s19+$0x0] =	vst.idx.msk $0xffff, v62;
	v24 =	vld.idx.msk [tilespmem:v25+s19+$0x0], $0xffff;
	v27 =	vmul.f32 v33, v21  }
0xf9: {  	v17 =	vor.u32 v8, v17;
	[tilespmem:v26+s19+$0x0] =	vst.idx.msk $0xffff, v11;
	v31 =	vld.idx.msk [tilespmem:v12+s19+$0x0], $0xffff;
	v29 =	vmul.f32 v60, v19  }
0xfa: {  	[tilespmem:v30+s19+$0x0] =	vst.idx.msk $0xffff, v27;
	v27 =	vmul.f32 v61, v23  }
0xfb: {  	v30 =	vld.idx.msk [tilespmem:v22+s19+$0x0], $0xffff;
	v32 =	vmul.f32 v32, v20;
	[tilespmem:v54+s19+$0x0] =	vst.idx.msk $0xffff, v29  }
0xfc: {  	v29 =	vld.idx.msk [tilespmem:v16+s19+$0x0], $0xffff;
	[tilespmem:v55+s19+$0x0] =	vst.idx.msk $0xffff, v27  }
0xfd: {  	v11 =	vmul.f32 v28, v13;
	v14 =	vmul.f32 v24, v14;
	[tilespmem:v57+s19+$0x0] =	vst.idx.msk $0xffff, v32;
	v24 =	vld.idx.msk [tilespmem:v18+s19+$0x0], $0xffff  }
0xfe: {  	v10 =	vmul.f32 v31, v10;
	v13 =	vld.idx.msk [tilespmem:v17+s19+$0x0], $0xffff  }
0xff: {  	[tilespmem:v15+s19+$0x0] =	vst.idx.msk $0xffff, v11  }
0x100: {  	[tilespmem:v12+s19+$0x0] =	vst.idx.msk $0xffff, v10;
	v11 =	vmul.f32 v30, v21  }
0x101: {  	[tilespmem:v25+s19+$0x0] =	vst.idx.msk $0xffff, v14;
	v10 =	vmul.f32 v29, v19  }
0x102: {  	[tilespmem:v22+s19+$0x0] =	vst.idx.msk $0xffff, v11;
	v11 =	vmul.f32 v24, v23  }
0x103: {  	s0 =	sshll.u32 s30, $0x9;
	[tilespmem:v16+s19+$0x0] =	vst.idx.msk $0xffff, v10;
	v10 =	vmul.f32 v13, v20  }
0x104: {  	s31 =	sor.u32 $0x800, s31;
	s30 =	sor.u32 $0x1, s30;
	s0 =	sshra.s32 s0, $0x2;
	[tilespmem:v18+s19+$0x0] =	vst.idx.msk $0xffff, v11  }
0x105: {  	p0 =	seq.s32 s29, $0x2B;
	s10 =	sshll.u32 s30, $0x7;
	s0 =	sadd.s32 s0, s31;
	[tilespmem:v17+s19+$0x0] =	vst.idx.msk $0xffff, v10  }
0x106: {  	[spmem:s2] =	stream.indirect.scatter.add.f32 [tilespmem:s19], [sflag:$0x4], $0x80, s0, s23, $0xb8;
	[tilespmem:$0x1D800] =	vst v63  }
0x107: {  	s21 =	simm.s32 $0x0;
	s3 =	sshll.u32 @!p0 s29, $0x8;
	v9 =	vadd.s32 s10, v9;
	_ =	swait.ge [sflag:s20], $0x4000  }
0x108: {  	s9 =	simm.s32 @!p0 $0x80;
	v15 =	vbroadcast v9, $0x0;
	s0 =	sadd.s32 @!p0 $0x100, s3;
	[sflag:s20] =	ssyncset.done $0x0  }
0x109: {  	s10 =	simm.s32 @!p0 $0x1800;
	v9 =	vmov s21;
	s0 =	sand.u32 @!p0 $0xFFFF8700, s0;
	[sflag:s20] =	ssyncadd.s32 $0xFFFFC000  }
0x10a: {  	v11 =	vshll.u32 v9, $0x7;
	v10 =	vor.u32 s21, v15;
	[tilespmem:s10], [sflag:$0x1] =	stream.indirect.gather @!p0 [hbm4b:s1+s9], $0x80, s0, s9, $0xb8;
	[tilespmem:$0x1D800] =	vst v63  }
0x10b: {  	v16 =	vor.u32 v0, v11;
	s9 =	simm.s32 $0x1;
	s10 =	simm.s32 $0x3  }
0x10c: {  	_ =	swait.ge [sflag:s26], $0x4000;
	v12 =	vor.u32 s9, v15;
	v9 =	vmov s10  }
0x10d: {  	v13 =	vmov s9;
	v17 =	vor.u32 s10, v15;
	[sflag:s26] =	ssyncset.done $0x0;
	v14 =	vshll.u32 v9, $0x7  }
0x10e: {  	v25 =	vshll.u32 v13, $0x7;
	[sflag:s26] =	ssyncadd.s32 $0xFFFFC000;
	v18 =	vor.u32 v0, v14  }
0x10f: {  	s21 =	simm.s32 $0x2;
	v19 =	vor.u32 v0, v25;
	v9 =	vld.idx.msk [tilespmem:v10+s22+$0x0], $0xffff  }
0x110: {  	v13 =	vmov s21;
	v21 =	vld.idx.msk [tilespmem:v16+s24+$0x0], $0xffff  }
0x111: {  	v20 =	vor.u32 s21, v15;
	v24 =	vshll.u32 v13, $0x7;
	v10 =	vld.idx.msk [tilespmem:v12+s22+$0x0], $0xffff  }
0x112: {  	v22 =	vor.u32 v0, v24;
	v12 =	vld.idx.msk [tilespmem:v17+s22+$0x0], $0xffff  }
0x113: {  	v17 =	vld.idx.msk [tilespmem:v18+s24+$0x0], $0xffff  }
0x114: {  	v23 =	vld.idx.msk [tilespmem:v19+s24+$0x0], $0xffff  }
0x115: {  	v26 =	vor.u32 v2, v11  }
0x116: {  	v27 =	vor.u32 v2, v14;
	v13 =	vld.idx.msk [tilespmem:v20+s22+$0x0], $0xffff  }
0x117: {  	v28 =	vor.u32 v2, v25;
	v20 =	vld.idx.msk [tilespmem:v22+s24+$0x0], $0xffff;
	v21 =	vmul.f32 v21, v9  }
0x118: {  	v17 =	vmul.f32 v17, v12  }
0x119: {  	[tilespmem:v16+s24+$0x0] =	vst.idx.msk $0xffff, v21;
	v21 =	vmul.f32 v23, v10  }
0x11a: {  	v16 =	vor.u32 v2, v24;
	v23 =	vld.idx.msk [tilespmem:v26+s24+$0x0], $0xffff;
	[tilespmem:v18+s24+$0x0] =	vst.idx.msk $0xffff, v17  }
0x11b: {  	[tilespmem:v19+s24+$0x0] =	vst.idx.msk $0xffff, v21;
	v17 =	vld.idx.msk [tilespmem:v27+s24+$0x0], $0xffff  }
0x11c: {  	v18 =	vmul.f32 v20, v13;
	v19 =	vld.idx.msk [tilespmem:v28+s24+$0x0], $0xffff  }
0x11d: {  	v20 =	vor.u32 v3, v11  }
0x11e: {  	v21 =	vor.u32 v3, v14;
	[tilespmem:v22+s24+$0x0] =	vst.idx.msk $0xffff, v18  }
0x11f: {  	v18 =	vld.idx.msk [tilespmem:v16+s24+$0x0], $0xffff;
	v22 =	vmul.f32 v23, v9;
	v23 =	vor.u32 v3, v25  }
0x120: {  	v17 =	vmul.f32 v17, v12  }
0x121: {  	[tilespmem:v26+s24+$0x0] =	vst.idx.msk $0xffff, v22;
	v19 =	vmul.f32 v19, v10  }
0x122: {  	v22 =	vor.u32 v3, v24;
	v26 =	vld.idx.msk [tilespmem:v20+s24+$0x0], $0xffff;
	[tilespmem:v27+s24+$0x0] =	vst.idx.msk $0xffff, v17  }
0x123: {  	[tilespmem:v28+s24+$0x0] =	vst.idx.msk $0xffff, v19;
	v17 =	vld.idx.msk [tilespmem:v21+s24+$0x0], $0xffff  }
0x124: {  	v18 =	vmul.f32 v18, v13;
	v19 =	vld.idx.msk [tilespmem:v23+s24+$0x0], $0xffff  }
0x125: {  	s3 =	simm.s32 $0x4;
	v27 =	vor.u32 v4, v11  }
0x126: {  	v30 =	vor.u32 s3, v15;
	[tilespmem:v16+s24+$0x0] =	vst.idx.msk $0xffff, v18  }
0x127: {  	v18 =	vld.idx.msk [tilespmem:v22+s24+$0x0], $0xffff;
	v16 =	vmul.f32 v26, v9;
	v26 =	vor.u32 v4, v25  }
0x128: {  	v29 =	vmov s3;
	s9 =	simm.s32 $0x5;
	v28 =	vor.u32 v4, v14;
	v17 =	vmul.f32 v17, v12  }
0x129: {  	[tilespmem:v20+s24+$0x0] =	vst.idx.msk $0xffff, v16;
	v16 =	vshll.u32 v29, $0x7;
	v20 =	vor.u32 s9, v15;
	v19 =	vmul.f32 v19, v10  }
0x12a: {  	s10 =	simm.s32 $0x7;
	v29 =	vld.idx.msk [tilespmem:v27+s24+$0x0], $0xffff;
	v63 =	vor.u32 v0, v16;
	[tilespmem:v21+s24+$0x0] =	vst.idx.msk $0xffff, v17  }
0x12b: {  	v31 =	vor.u32 v4, v24;
	[tilespmem:v23+s24+$0x0] =	vst.idx.msk $0xffff, v19;
	v17 =	vmov s10;
	v19 =	vld.idx.msk [tilespmem:v30+s22+$0x0], $0xffff  }
0x12c: {  	v50 =	vor.u32 s10, v15;
	v18 =	vmul.f32 v18, v13;
	v49 =	vld.idx.msk [tilespmem:v26+s24+$0x0], $0xffff;
	v17 =	vshll.u32 v17, $0x7  }
0x12d: {  	s21 =	simm.s32 $0x6;
	v48 =	vld.idx.msk [tilespmem:v28+s24+$0x0], $0xffff;
	v30 =	vor.u32 v0, v17  }
0x12e: {  	v51 =	vor.u32 s21, v15;
	[tilespmem:v22+s24+$0x0] =	vst.idx.msk $0xffff, v18;
	v18 =	vmov s9;
	v20 =	vld.idx.msk [tilespmem:v20+s22+$0x0], $0xffff  }
0x12f: {  	v54 =	vor.u32 v5, v25;
	v21 =	vshll.u32 v18, $0x7;
	v18 =	vmov s21;
	v53 =	vld.idx.msk [tilespmem:v63+s24+$0x0], $0xffff  }
0x130: {  	v52 =	vld.idx.msk [tilespmem:v31+s24+$0x0], $0xffff;
	v55 =	vor.u32 v0, v21;
	v23 =	vshll.u32 v18, $0x7  }
0x131: {  	v22 =	vld.idx.msk [tilespmem:v50+s22+$0x0], $0xffff;
	v41 =	vor.u32 v0, v23;
	v34 =	vmul.f32 v49, v10  }
0x132: {  	v56 =	vor.u32 v2, v16;
	v57 =	vld.idx.msk [tilespmem:v30+s24+$0x0], $0xffff  }
0x133: {  	v43 =	vor.u32 v5, v24;
	v18 =	vld.idx.msk [tilespmem:v51+s22+$0x0], $0xffff;
	[tilespmem:v26+s24+$0x0] =	vst.idx.msk $0xffff, v34  }
0x134: {  	v58 =	vor.u32 v5, v14;
	v26 =	vmul.f32 v53, v19;
	v34 =	vld.idx.msk [tilespmem:v54+s24+$0x0], $0xffff  }
0x135: {  	v60 =	vor.u32 v2, v17;
	v37 =	vmul.f32 v52, v13;
	v59 =	vld.idx.msk [tilespmem:v55+s24+$0x0], $0xffff  }
0x136: {  	v32 =	vor.u32 v5, v11;
	v33 =	vmul.f32 v48, v12;
	[tilespmem:v63+s24+$0x0] =	vst.idx.msk $0xffff, v26;
	v26 =	vld.idx.msk [tilespmem:v41+s24+$0x0], $0xffff  }
0x137: {  	v42 =	vor.u32 v6, v25;
	[tilespmem:v31+s24+$0x0] =	vst.idx.msk $0xffff, v37;
	v31 =	vld.idx.msk [tilespmem:v56+s24+$0x0], $0xffff;
	v61 =	vmul.f32 v57, v22  }
0x138: {  	v29 =	vmul.f32 v29, v9;
	[tilespmem:v28+s24+$0x0] =	vst.idx.msk $0xffff, v33;
	v33 =	vor.u32 v2, v21;
	v28 =	vld.idx.msk [tilespmem:v43+s24+$0x0], $0xffff  }
0x139: {  	v46 =	vor.u32 v2, v23;
	v62 =	vld.idx.msk [tilespmem:v58+s24+$0x0], $0xffff;
	[tilespmem:v30+s24+$0x0] =	vst.idx.msk $0xffff, v61;
	v30 =	vmul.f32 v34, v10  }
0x13a: {  	[tilespmem:v27+s24+$0x0] =	vst.idx.msk $0xffff, v29;
	v29 =	vor.u32 v3, v16;
	v27 =	vmul.f32 v59, v20;
	v63 =	vld.idx.msk [tilespmem:v60+s24+$0x0], $0xffff  }
0x13b: {  	v52 =	vld.idx.msk [tilespmem:v32+s24+$0x0], $0xffff;
	v26 =	vmul.f32 v26, v18;
	[tilespmem:v54+s24+$0x0] =	vst.idx.msk $0xffff, v30;
	v30 =	vor.u32 v6, v24  }
0x13c: {  	v31 =	vmul.f32 v31, v19;
	[tilespmem:v55+s24+$0x0] =	vst.idx.msk $0xffff, v27;
	v54 =	vor.u32 v6, v14;
	v53 =	vld.idx.msk [tilespmem:v42+s24+$0x0], $0xffff  }
0x13d: {  	v39 =	vor.u32 v3, v17;
	v55 =	vld.idx.msk [tilespmem:v33+s24+$0x0], $0xffff;
	[tilespmem:v41+s24+$0x0] =	vst.idx.msk $0xffff, v26;
	v26 =	vmul.f32 v28, v13  }
0x13e: {  	[tilespmem:v56+s24+$0x0] =	vst.idx.msk $0xffff, v31;
	v28 =	vld.idx.msk [tilespmem:v46+s24+$0x0], $0xffff;
	v56 =	vmul.f32 v62, v12;
	v31 =	vor.u32 v6, v11  }
0x13f: {  	v27 =	vor.u32 v7, v25;
	v57 =	vld.idx.msk [tilespmem:v29+s24+$0x0], $0xffff;
	[tilespmem:v43+s24+$0x0] =	vst.idx.msk $0xffff, v26;
	v26 =	vmul.f32 v63, v22  }
0x140: {  	v37 =	vor.u32 v3, v21;
	[tilespmem:v58+s24+$0x0] =	vst.idx.msk $0xffff, v56;
	v58 =	vmul.f32 v52, v9;
	v43 =	vld.idx.msk [tilespmem:v30+s24+$0x0], $0xffff  }
0x141: {  	v35 =	vor.u32 v3, v23;
	v59 =	vld.idx.msk [tilespmem:v54+s24+$0x0], $0xffff;
	[tilespmem:v60+s24+$0x0] =	vst.idx.msk $0xffff, v26;
	v26 =	vmul.f32 v53, v10  }
0x142: {  	v34 =	vor.u32 v4, v16;
	v60 =	vmul.f32 v55, v20;
	[tilespmem:v32+s24+$0x0] =	vst.idx.msk $0xffff, v58;
	v61 =	vld.idx.msk [tilespmem:v39+s24+$0x0], $0xffff  }
0x143: {  	v62 =	vmul.f32 v28, v18;
	v36 =	vld.idx.msk [tilespmem:v31+s24+$0x0], $0xffff;
	v28 =	vor.u32 v7, v24;
	[tilespmem:v42+s24+$0x0] =	vst.idx.msk $0xffff, v26  }
0x144: {  	v41 =	vmul.f32 v57, v19;
	[tilespmem:v33+s24+$0x0] =	vst.idx.msk $0xffff, v60;
	v26 =	vor.u32 v7, v14;
	v33 =	vld.idx.msk [tilespmem:v27+s24+$0x0], $0xffff  }
0x145: {  	v47 =	vld.idx.msk [tilespmem:v37+s24+$0x0], $0xffff;
	[tilespmem:v46+s24+$0x0] =	vst.idx.msk $0xffff, v62;
	v63 =	vmul.f32 v43, v13  }
0x146: {  	v25 =	vor.u32 v8, v25;
	[tilespmem:v29+s24+$0x0] =	vst.idx.msk $0xffff, v41;
	v46 =	vld.idx.msk [tilespmem:v35+s24+$0x0], $0xffff;
	v29 =	vmul.f32 v59, v12  }
0x147: {  	v24 =	vor.u32 v8, v24;
	v43 =	vor.u32 v4, v17;
	v44 =	vld.idx.msk [tilespmem:v34+s24+$0x0], $0xffff;
	[tilespmem:v30+s24+$0x0] =	vst.idx.msk $0xffff, v63  }
0x148: {  	v30 =	vor.u32 v7, v11;
	[tilespmem:v54+s24+$0x0] =	vst.idx.msk $0xffff, v29;
	v29 =	vmul.f32 v61, v22;
	v38 =	vld.idx.msk [tilespmem:v28+s24+$0x0], $0xffff  }
0x149: {  	s0 =	simm.s32 $0x8;
	v42 =	vor.u32 v4, v21;
	v41 =	vor.u32 v4, v23;
	v45 =	vmul.f32 v36, v9;
	v40 =	vld.idx.msk [tilespmem:v26+s24+$0x0], $0xffff  }
.LBB2_10:
0x14a: {  	v48 =	vmov s0;
	v49 =	vor.u32 s0, v15;
	s3 =	sadd.s32 $0x1, s0;
	[tilespmem:v39+s24+$0x0] =	vst.idx.msk $0xffff, v29;
	v39 =	vmul.f32 v33, v10;
	v50 =	vmovc v11;
	v11 =	vmovc v16  }
0x14b: {  	p1 =	slt.u32 s0, $0x7C;
	v32 =	vmovc v21;
	v29 =	vmovc v9;
	v9 =	vmov v19;
	v33 =	vmov v23;
	v36 =	vmov v12;
	s9 =	smov.u32 s0;
	s0 =	sadd.s32 $0x4, s0  }
0x14c: {  	v23 =	vmul.f32 v47, v20;
	v12 =	vmovc v22;
	v16 =	vshll.u32 v48, $0x7;
	v19 =	vmov s3;
	s10 =	sadd.s32 $0x2, s9;
	v47 =	vld.idx.msk [tilespmem:v43+s24+$0x0], $0xffff;
	[tilespmem:v31+s24+$0x0] =	vst.idx.msk $0xffff, v45  }
0x14d: {  	v22 =	vor.u32 s3, v15;
	s3 =	sadd.s32 $0x3, s9;
	v31 =	vor.u32 v0, v16;
	v21 =	vshll.u32 v19, $0x7;
	v45 =	vld.idx.msk [tilespmem:v30+s24+$0x0], $0xffff;
	[tilespmem:v27+s24+$0x0] =	vst.idx.msk $0xffff, v39  }
0x14e: {  	v39 =	vmov s10;
	v27 =	vor.u32 v0, v21;
	[tilespmem:v37+s24+$0x0] =	vst.idx.msk $0xffff, v23;
	v37 =	vmul.f32 v46, v18;
	v46 =	vld.idx.msk [tilespmem:v25+s24+$0x0], $0xffff  }
0x14f: {  	v48 =	vor.u32 s10, v15;
	v51 =	vmov s3;
	v44 =	vmul.f32 v44, v9;
	v52 =	vld.idx.msk [tilespmem:v42+s24+$0x0], $0xffff  }
0x150: {  	v23 =	vshll.u32 v39, $0x7;
	v39 =	vor.u32 s3, v15;
	v19 =	vld.idx.msk [tilespmem:v49+s22+$0x0], $0xffff;
	v49 =	vshll.u32 v51, $0x7;
	[tilespmem:v35+s24+$0x0] =	vst.idx.msk $0xffff, v37  }
0x151: {  	v38 =	vmul.f32 v38, v13;
	v40 =	vmul.f32 v40, v36;
	v35 =	vor.u32 v0, v49;
	v37 =	vld.idx.msk [tilespmem:v41+s24+$0x0], $0xffff  }
0x152: {  	v51 =	vld.idx.msk [tilespmem:v31+s24+$0x0], $0xffff;
	[tilespmem:v34+s24+$0x0] =	vst.idx.msk $0xffff, v44;
	v34 =	vmul.f32 v47, v12  }
0x153: {  	v47 =	vor.u32 v5, v32;
	v45 =	vmul.f32 v45, v29;
	v44 =	vld.idx.msk [tilespmem:v22+s22+$0x0], $0xffff;
	[tilespmem:v28+s24+$0x0] =	vst.idx.msk $0xffff, v38  }
0x154: {  	v28 =	vmul.f32 v46, v10;
	v10 =	vmov v20;
	[tilespmem:v43+s24+$0x0] =	vst.idx.msk $0xffff, v34;
	v34 =	vld.idx.msk [tilespmem:v24+s24+$0x0], $0xffff  }
0x155: {  	v38 =	vor.u32 v0, v23;
	v20 =	vmul.f32 v52, v10;
	v22 =	vld.idx.msk [tilespmem:v39+s22+$0x0], $0xffff;
	[tilespmem:v26+s24+$0x0] =	vst.idx.msk $0xffff, v40  }
0x156: {  	v26 =	vor.u32 v2, v16;
	v40 =	vor.u32 v5, v33;
	v39 =	vld.idx.msk [tilespmem:v35+s24+$0x0], $0xffff;
	[tilespmem:v30+s24+$0x0] =	vst.idx.msk $0xffff, v45  }
0x157: {  	v30 =	vor.u32 v2, v21;
	v43 =	vld.idx.msk [tilespmem:v48+s22+$0x0], $0xffff;
	[tilespmem:v42+s24+$0x0] =	vst.idx.msk $0xffff, v20;
	v20 =	vmul.f32 v37, v18  }
0x158: {  	v45 =	vor.u32 v5, v17;
	v37 =	vmul.f32 v51, v19;
	v42 =	vld.idx.msk [tilespmem:v47+s24+$0x0], $0xffff;
	[tilespmem:v25+s24+$0x0] =	vst.idx.msk $0xffff, v28  }
0x159: {  	v28 =	vor.u32 v8, v14;
	v14 =	vmov v17;
	v17 =	vmov v49;
	v25 =	vld.idx.msk [tilespmem:v27+s24+$0x0], $0xffff;
	[tilespmem:v41+s24+$0x0] =	vst.idx.msk $0xffff, v20  }
0x15a: {  	v41 =	vor.u32 v2, v17;
	v34 =	vmul.f32 v34, v13;
	[tilespmem:v31+s24+$0x0] =	vst.idx.msk $0xffff, v37;
	v31 =	vld.idx.msk [tilespmem:v38+s24+$0x0], $0xffff  }
0x15b: {  	v46 =	vor.u32 v5, v11;
	v13 =	vmov v18;
	v37 =	vld.idx.msk [tilespmem:v26+s24+$0x0], $0xffff;
	v20 =	vmov v44  }
0x15c: {  	v39 =	vmul.f32 v39, v22;
	v44 =	vor.u32 v6, v32;
	v48 =	vld.idx.msk [tilespmem:v40+s24+$0x0], $0xffff;
	[tilespmem:v24+s24+$0x0] =	vst.idx.msk $0xffff, v34  }
0x15d: {  	v18 =	vmov v43;
	v34 =	vld.idx.msk [tilespmem:v45+s24+$0x0], $0xffff  }
0x15e: {  	v43 =	vor.u32 v2, v23;
	v24 =	vmul.f32 v42, v10;
	[tilespmem:v35+s24+$0x0] =	vst.idx.msk $0xffff, v39;
	v35 =	vld.idx.msk [tilespmem:v28+s24+$0x0], $0xffff  }
0x15f: {  	v50 =	vor.u32 v8, v50;
	v42 =	vor.u32 v3, v16;
	v25 =	vmul.f32 v25, v20;
	v49 =	vld.idx.msk [tilespmem:v41+s24+$0x0], $0xffff  }
0x160: {  	v52 =	vor.u32 v6, v33;
	v31 =	vmul.f32 v31, v18;
	v51 =	vld.idx.msk [tilespmem:v46+s24+$0x0], $0xffff;
	[tilespmem:v47+s24+$0x0] =	vst.idx.msk $0xffff, v24  }
0x161: {  	v53 =	vor.u32 v6, v14;
	v37 =	vmul.f32 v37, v19;
	[tilespmem:v27+s24+$0x0] =	vst.idx.msk $0xffff, v25;
	v25 =	vld.idx.msk [tilespmem:v44+s24+$0x0], $0xffff  }
0x162: {  	v24 =	vor.u32 v8, v33;
	v27 =	vmul.f32 v48, v13;
	v47 =	vld.idx.msk [tilespmem:v30+s24+$0x0], $0xffff;
	[tilespmem:v38+s24+$0x0] =	vst.idx.msk $0xffff, v31  }
0x163: {  	v39 =	vor.u32 v3, v17;
	v34 =	vmul.f32 v34, v12;
	[tilespmem:v26+s24+$0x0] =	vst.idx.msk $0xffff, v37;
	v26 =	vld.idx.msk [tilespmem:v43+s24+$0x0], $0xffff  }
0x164: {  	v31 =	vor.u32 v6, v11;
	v35 =	vmul.f32 v35, v36;
	v38 =	vld.idx.msk [tilespmem:v42+s24+$0x0], $0xffff;
	[tilespmem:v40+s24+$0x0] =	vst.idx.msk $0xffff, v27  }
0x165: {  	v36 =	vmul.f32 v49, v22;
	v27 =	vor.u32 v7, v32;
	v40 =	vld.idx.msk [tilespmem:v52+s24+$0x0], $0xffff;
	[tilespmem:v45+s24+$0x0] =	vst.idx.msk $0xffff, v34  }
0x166: {  	v37 =	vor.u32 v3, v21;
	v45 =	vmul.f32 v51, v9;
	v48 =	vld.idx.msk [tilespmem:v53+s24+$0x0], $0xffff;
	[tilespmem:v28+s24+$0x0] =	vst.idx.msk $0xffff, v35  }
0x167: {  	v35 =	vor.u32 v3, v23;
	v25 =	vmul.f32 v25, v10;
	[tilespmem:v41+s24+$0x0] =	vst.idx.msk $0xffff, v36;
	v36 =	vld.idx.msk [tilespmem:v50+s24+$0x0], $0xffff  }
0x168: {  	v34 =	vor.u32 v4, v16;
	v41 =	vmul.f32 v47, v20;
	v49 =	vld.idx.msk [tilespmem:v39+s24+$0x0], $0xffff;
	[tilespmem:v46+s24+$0x0] =	vst.idx.msk $0xffff, v45  }
0x169: {  	v28 =	vor.u32 v7, v33;
	v45 =	vmul.f32 v26, v18;
	v51 =	vld.idx.msk [tilespmem:v31+s24+$0x0], $0xffff;
	[tilespmem:v44+s24+$0x0] =	vst.idx.msk $0xffff, v25  }
0x16a: {  	v26 =	vor.u32 v7, v14;
	v38 =	vmul.f32 v38, v19;
	[tilespmem:v30+s24+$0x0] =	vst.idx.msk $0xffff, v41;
	v33 =	vld.idx.msk [tilespmem:v27+s24+$0x0], $0xffff  }
.Ltmp6:
0x16b: {  	v25 =	vor.u32 v8, v32;
	v32 =	vmul.f32 v40, v13;
	v47 =	vld.idx.msk [tilespmem:v37+s24+$0x0], $0xffff;
	[tilespmem:v43+s24+$0x0] =	vst.idx.msk $0xffff, v45;
	(pc) =	sbr.rel @p1 .LBB2_10-.Ltmp6, $4  }
0x16c: {  	v43 =	vor.u32 v4, v17;
	v40 =	vmul.f32 v48, v12;
	[tilespmem:v42+s24+$0x0] =	vst.idx.msk $0xffff, v38;
	v46 =	vld.idx.msk [tilespmem:v35+s24+$0x0], $0xffff  }
0x16d: {  	v30 =	vor.u32 v7, v11;
	v44 =	vld.idx.msk [tilespmem:v34+s24+$0x0], $0xffff;
	[tilespmem:v52+s24+$0x0] =	vst.idx.msk $0xffff, v32;
	v32 =	vmul.f32 v36, v29  }
0x16e: {  	v42 =	vor.u32 v4, v21;
	v29 =	vmul.f32 v49, v22;
	v38 =	vld.idx.msk [tilespmem:v28+s24+$0x0], $0xffff;
	[tilespmem:v53+s24+$0x0] =	vst.idx.msk $0xffff, v40  }
0x16f: {  	v41 =	vor.u32 v4, v23;
	v45 =	vmul.f32 v51, v9;
	v40 =	vld.idx.msk [tilespmem:v26+s24+$0x0], $0xffff;
	[tilespmem:v50+s24+$0x0] =	vst.idx.msk $0xffff, v32  }
0x170: {  	_ =	sdelay $0x1  }
0x171: {  	v15 =	vmul.f32 v47, v20  }
0x172: {  	v32 =	vmul.f32 v46, v18  }
0x173: {  	[tilespmem:v37+s24+$0x0] =	vst.idx.msk $0xffff, v15  }
0x174: {  	v15 =	vld.idx.msk [tilespmem:v42+s24+$0x0], $0xffff;
	[tilespmem:v35+s24+$0x0] =	vst.idx.msk $0xffff, v32  }
0x175: {  	[tilespmem:v39+s24+$0x0] =	vst.idx.msk $0xffff, v29;
	v47 =	vld.idx.msk [tilespmem:v41+s24+$0x0], $0xffff  }
0x176: {  	v48 =	vld.idx.msk [tilespmem:v43+s24+$0x0], $0xffff  }
0x177: {  	v49 =	vor.u32 v5, v21  }
0x178: {  	v36 =	vor.u32 v5, v23  }
0x179: {  	v50 =	vor.u32 v5, v17;
	v15 =	vmul.f32 v15, v20  }
0x17a: {  	v51 =	vor.u32 v5, v16;
	v29 =	vmul.f32 v47, v18  }
0x17b: {  	v32 =	vmul.f32 v48, v22;
	[tilespmem:v42+s24+$0x0] =	vst.idx.msk $0xffff, v15  }
0x17c: {  	v52 =	vmul.f32 v44, v19;
	v42 =	vld.idx.msk [tilespmem:v49+s24+$0x0], $0xffff;
	[tilespmem:v41+s24+$0x0] =	vst.idx.msk $0xffff, v29  }
0x17d: {  	[tilespmem:v43+s24+$0x0] =	vst.idx.msk $0xffff, v32;
	v29 =	vld.idx.msk [tilespmem:v36+s24+$0x0], $0xffff  }
0x17e: {  	[tilespmem:v34+s24+$0x0] =	vst.idx.msk $0xffff, v52;
	v53 =	vld.idx.msk [tilespmem:v50+s24+$0x0], $0xffff  }
0x17f: {  	v54 =	vor.u32 v6, v21;
	v34 =	vld.idx.msk [tilespmem:v51+s24+$0x0], $0xffff  }
0x180: {  	v55 =	vor.u32 v6, v23  }
0x181: {  	v56 =	vor.u32 v6, v17;
	v42 =	vmul.f32 v42, v20  }
0x182: {  	v57 =	vor.u32 v6, v16;
	v29 =	vmul.f32 v29, v18  }
0x183: {  	v15 =	vmul.f32 v53, v22;
	[tilespmem:v49+s24+$0x0] =	vst.idx.msk $0xffff, v42  }
0x184: {  	v58 =	vmul.f32 v34, v19;
	v35 =	vld.idx.msk [tilespmem:v54+s24+$0x0], $0xffff;
	[tilespmem:v36+s24+$0x0] =	vst.idx.msk $0xffff, v29  }
0x185: {  	v33 =	vmul.f32 v33, v10;
	[tilespmem:v50+s24+$0x0] =	vst.idx.msk $0xffff, v15;
	v59 =	vld.idx.msk [tilespmem:v55+s24+$0x0], $0xffff  }
0x186: {  	[tilespmem:v51+s24+$0x0] =	vst.idx.msk $0xffff, v58;
	v15 =	vld.idx.msk [tilespmem:v56+s24+$0x0], $0xffff  }
0x187: {  	[tilespmem:v27+s24+$0x0] =	vst.idx.msk $0xffff, v33;
	v60 =	vld.idx.msk [tilespmem:v57+s24+$0x0], $0xffff;
	v29 =	vor.u32 v7, v21  }
0x188: {  	v61 =	vor.u32 v7, v23;
	v33 =	vld.idx.msk [tilespmem:v25+s24+$0x0], $0xffff  }
0x189: {  	v62 =	vor.u32 v7, v17;
	[tilespmem:v31+s24+$0x0] =	vst.idx.msk $0xffff, v45;
	v35 =	vmul.f32 v35, v20  }
0x18a: {  	v45 =	vor.u32 v7, v16;
	v46 =	vld.idx.msk [tilespmem:v30+s24+$0x0], $0xffff;
	v63 =	vmul.f32 v59, v18  }
0x18b: {  	v15 =	vmul.f32 v15, v22;
	[tilespmem:v54+s24+$0x0] =	vst.idx.msk $0xffff, v35  }
0x18c: {  	v14 =	vor.u32 v8, v14;
	v47 =	vmul.f32 v60, v19;
	v32 =	vld.idx.msk [tilespmem:v29+s24+$0x0], $0xffff;
	[tilespmem:v55+s24+$0x0] =	vst.idx.msk $0xffff, v63  }
0x18d: {  	v11 =	vor.u32 v8, v11;
	v10 =	vmul.f32 v33, v10;
	[tilespmem:v56+s24+$0x0] =	vst.idx.msk $0xffff, v15;
	v48 =	vld.idx.msk [tilespmem:v61+s24+$0x0], $0xffff  }
0x18e: {  	v51 =	vmul.f32 v40, v12;
	[tilespmem:v57+s24+$0x0] =	vst.idx.msk $0xffff, v47;
	v50 =	vld.idx.msk [tilespmem:v62+s24+$0x0], $0xffff  }
0x18f: {  	v52 =	vor.u32 v8, v21;
	[tilespmem:v25+s24+$0x0] =	vst.idx.msk $0xffff, v10;
	v53 =	vmul.f32 v46, v9;
	v31 =	vld.idx.msk [tilespmem:v45+s24+$0x0], $0xffff  }
0x190: {  	[tilespmem:v26+s24+$0x0] =	vst.idx.msk $0xffff, v51;
	v49 =	vmul.f32 v38, v13;
	v54 =	vor.u32 v8, v23  }
0x191: {  	v27 =	vld.idx.msk [tilespmem:v14+s24+$0x0], $0xffff;
	[tilespmem:v30+s24+$0x0] =	vst.idx.msk $0xffff, v53;
	v57 =	vor.u32 v8, v17;
	v56 =	vmul.f32 v32, v20  }
0x192: {  	v30 =	vld.idx.msk [tilespmem:v11+s24+$0x0], $0xffff;
	[tilespmem:v28+s24+$0x0] =	vst.idx.msk $0xffff, v49;
	v59 =	vor.u32 v8, v16;
	v58 =	vmul.f32 v48, v18  }
0x193: {  	v55 =	vld.idx.msk [tilespmem:v24+s24+$0x0], $0xffff;
	v60 =	vmul.f32 v50, v22;
	[tilespmem:v29+s24+$0x0] =	vst.idx.msk $0xffff, v56  }
0x194: {  	v31 =	vmul.f32 v31, v19;
	v29 =	vld.idx.msk [tilespmem:v52+s24+$0x0], $0xffff;
	[tilespmem:v61+s24+$0x0] =	vst.idx.msk $0xffff, v58  }
0x195: {  	[tilespmem:v62+s24+$0x0] =	vst.idx.msk $0xffff, v60;
	v28 =	vld.idx.msk [tilespmem:v54+s24+$0x0], $0xffff  }
0x196: {  	v10 =	vmul.f32 v27, v12;
	[tilespmem:v45+s24+$0x0] =	vst.idx.msk $0xffff, v31;
	v62 =	vld.idx.msk [tilespmem:v57+s24+$0x0], $0xffff  }
0x197: {  	v9 =	vmul.f32 v30, v9;
	v63 =	vld.idx.msk [tilespmem:v59+s24+$0x0], $0xffff  }
0x198: {  	[tilespmem:v14+s24+$0x0] =	vst.idx.msk $0xffff, v10;
	v61 =	vmul.f32 v55, v13  }
0x199: {  	[tilespmem:v11+s24+$0x0] =	vst.idx.msk $0xffff, v9;
	v10 =	vmul.f32 v29, v20  }
0x19a: {  	[tilespmem:v24+s24+$0x0] =	vst.idx.msk $0xffff, v61;
	v9 =	vmul.f32 v28, v18  }
0x19b: {  	[tilespmem:v52+s24+$0x0] =	vst.idx.msk $0xffff, v10;
	v10 =	vmul.f32 v62, v22  }
0x19c: {  	s0 =	sshll.u32 s30, $0x9;
	[tilespmem:v54+s24+$0x0] =	vst.idx.msk $0xffff, v9;
	v9 =	vmul.f32 v63, v19  }
0x19d: {  	s0 =	sshra.s32 s0, $0x2;
	[tilespmem:v57+s24+$0x0] =	vst.idx.msk $0xffff, v10  }
.Ltmp7:
0x19e: {  	s0 =	sadd.s32 s0, s31;
	[tilespmem:v59+s24+$0x0] =	vst.idx.msk $0xffff, v9;
	(pc) =	sbr.rel @p0 .LBB2_13-.Ltmp7, $4  }
0x19f: {  	[spmem:s2] =	stream.indirect.scatter.add.f32 [tilespmem:s24], [sflag:$0x4], $0x80, s0, s23, $0xb8;
	[tilespmem:$0x1D800] =	vst v63  }
0x1a0: {  	_ =	swait.ge [sflag:s20], $0x4000  }
0x1a1: {  	[sflag:s20] =	ssyncset.done $0x0  }
0x1a2: {  	[sflag:s20] =	ssyncadd.s32 $0xFFFFC000  }
.Ltmp8:
0x1a3: {  	(pc) =	sbr.rel .LBB2_4-.Ltmp8, $4  }
0x1a4: {  	s0 =	sshll.u32 s29, $0x8  }
0x1a5: {  	s0 =	sadd.s32 $0x180, s0  }
0x1a6: {  	s29 =	sadd.s32 $0x1, s29;
	s0 =	sand.u32 $0xFFFF8780, s0  }
0x1a7: {  	[tilespmem:s24], [sflag:$0x2] =	stream.indirect.gather [hbm4b:s1+s23], $0x80, s0, s23, $0xb8;
	[tilespmem:$0x1D800] =	vst v63  }
.LBB2_14:
0x1a8: {  	_ =	sfence.sel $0x180000  }
0x1a9: {  	[bflag:$0x0] =	sbarrier.arrive $0xFFFF  }
0x1aa: {  	_ =	strace $0x9000004D  }
0x1ab: {  	s0 =	stileid.u32;
	[bflag:$0x2] =	sbarrier.arrive $0xFFFF  }
0x1ac: {  	p0 =	sne.s32 s0, $0x0;
	s0 =	rddreg [dreg:$0x3]  }
0x1ad: {  	s0 =	sadd.s32 @!p0 $0x100000, s0  }
0x1ae: {  	[sflag:s0] =	ssyncadd.tile.s32 @!p0 $0x1;
	_ =	shalt  }
.Lfunc_end2:
_tile_overlayer_lowered:
.L_overlay_start_2:
0x1af: {  	(tag) =	ssettag $0x2  }
0x1b0: {  	s0 =	rddreg [dreg:$0x0];
	s2 =	stileid.u32  }
0x1b1: {  	s1 =	rddreg [dreg:$0x1];
	p0 =	sne.s32 s2, $0x0  }
0x1b2: {  	s3 =	rddreg [dreg:$0x2];
	[bflag:$0x3] =	sbarrier.arrive $0xFFFF;
	s2 =	simm.s32 @!p0 $0x1C04  }
0x1b3: {  	[timem:s3], [sflag:s2] =	dma.local @!p0 [hbm:s0], s1  }
0x1b4: {  	s0 =	simm.s32 @!p0 $0x4  }
0x1b5: {  	_ =	swait.ge @!p0 [sflag:s0], s1  }
0x1b6: {  	s1 =	ssub.s32 @!p0 $0x0, s1;
	[sflag:s0] =	ssyncset.done @!p0 $0x0  }
0x1b7: {  	[sflag:s0] =	ssyncadd.s32 @!p0 s1  }
0x1b8: {  	[bflag:$0x3] =	sbarrier.arrive $0xFFFF  }
0x1b9: {  	_ =	shalt  }

// kernel: kernel.8.cloned.1.call-start
scs
__scs_entry_jumppad:
0x0: {  	(pc) =	sbr.rel $0x88, $3  }
0x1: {  	(tag) =	ssettag $0x0;
	lr =	simm.s32 $0x1  }
0x2: {  	[smem:$0x3F98] =	sst lr;
	_ =	strace $0xD0000000  }
0x3: {  	_ = 	snop  }
0x4: {  	_ = 	snop  }
0x5: {  	_ = 	snop  }
0x6: {  	_ = 	snop  }
0x7: {  	_ = 	snop  }
__scs_overlays_trampoline_lowered:
0x8: {  	[smem:$0x3FA7] =	sst s0  }
0x9: {  	[smem:$0x3FA8] =	sst s1  }
0xa: {  	[smem:$0x3FA9] =	sst s2  }
0xb: {  	[smem:$0x3FAA] =	sst s3  }
0xc: {  	[smem:$0x3FAB] =	sst s4  }
0xd: {  	[smem:$0x3FAC] =	sst s5  }
0xe: {  	[smem:$0x3FAD] =	sst s6  }
0xf: {  	[smem:$0x3FAE] =	sst s7  }
0x10: {  	[smem:$0x3FAF] =	sst s8  }
0x11: {  	[smem:$0x3FB0] =	sst s9;
	s0 =	simm.s32 @!p0 $0x0  }
0x12: {  	s1 =	sld [smem:$0x3F96];
	s0 =	simm.s32 @p0 $0x1  }
0x13: {  	[smem:$0x3FB1] =	sst s0;
	s0 =	simm.s32 @!p1 $0x0  }
0x14: {  	s2 =	sld [smem:$0x3F95];
	s0 =	simm.s32 @p1 $0x1  }
0x15: {  	[smem:$0x3FB2] =	sst s0;
	s0 =	simm.s32 @!p2 $0x0  }
0x16: {  	s3 =	sld [smem:$0x3FDB];
	s0 =	simm.s32 @p2 $0x1  }
0x17: {  	s4 =	simm.s32 $0x1BF5;
	[smem:$0x3FB4] =	sst s0  }
0x18: {  	s0 =	sld [smem:$0x3F97];
	_ =	swait.ge [sflag:s4], $0x0  }
0x19: {  	s7 =	sld [smem:$0x3F98]  }
0x1a: {  	s8 =	sadd.s32 $0xFFFFE003, lr  }
0x1b: {  	s9 =	sadd.s32 $0xFFFFFEF7, lr;
	s5 =	simm.s32 $0xFFFFFFFF;
	p2 =	slt.u32 s8, $0xFFFFF086  }
0x1c: {  	p1 =	slt.u32 s9, $0xF7A;
	s5 =	simm.s32 @!p2 $0x0  }
0x1d: {  	s5 =	simm.s32 @p1 $0x1;
	p0 =	seq.s32 s7, s2  }
0x1e: {  	s7 =	smul.u32 @!p0 $0xF7A, s2;
	p2 =	seq.s32 @!p0 s5, $0x0  }
0x1f: {  	s9 =	smul.u32 $0xF7A, s1;
	s8 =	simm.s32 @!p0 $0x1BF5;
	p2 =	por !p2, p0  }
0x20: {  	[sflag:s8] =	ssyncset.s32 @!p0 $0xFFFFF086;
	s6 =	sadd.s32 @!p0 s3, s7;
	s7 =	simm.s32 @!p0 $0x108  }
0x21: {  	s3 =	sadd.s32 s3, s9;
	s6 =	sadd.s32 @!p0 $0x88, s6;
	s7 =	simm.s32 @p2 $0x1082  }
0x22: {  	[simem:s7], [sflag:s8] =	dma.local @!p0 [hbm:s6], $0xF7A  }
0x23: {  	s9 =	sor.u32 $0xD0000000, s2;
	s6 =	simm.s32 $0x108;
	_ =	swait.ge @!p0 [sflag:s8], $0x0  }
0x24: {  	s3 =	sadd.s32 $0x88, s3;
	s6 =	simm.s32 @!p1 $0x1082;
	[sflag:s4] =	ssyncset.s32 $0xFFFFF086  }
0x25: {  	[simem:s6], [sflag:s4] =	dma.local [hbm:s3], $0xF7A  }
0x26: {  	[smem:$0x3F98] =	sst s1;
	(tag) =	ssettag s2;
	_ =	strace s9  }
0x27: {  	s1 =	sld [smem:$0x3FA8]  }
0x28: {  	s2 =	sld [smem:$0x3FA9]  }
0x29: {  	s4 =	sld [smem:$0x3FAB]  }
0x2a: {  	p0 =	seq.s32 s5, $0x0;
	s5 =	sld [smem:$0x3FAC]  }
0x2b: {  	s6 =	sld [smem:$0x3FAD]  }
0x2c: {  	s7 =	sld [smem:$0x3FAE]  }
0x2d: {  	s3 =	simm.s32 $0x108;
	s8 =	sld [smem:$0x3FAF]  }
0x2e: {  	s3 =	simm.s32 @!p0 $0x1082;
	s9 =	sld [smem:$0x3FB0]  }
0x2f: {  	lr =	sadd.s32 s0, s3;
	s0 =	sld [smem:$0x3FA7]  }
0x30: {  	s3 =	sld [smem:$0x3FAA]  }
0x31: {  	[smem:$0x3FB3] =	sst s10  }
0x32: {  	s10 =	sld [smem:$0x3FB1];
	_ =	sdelay $0x3  }
0x33: {  	p0 =	seq.s32 s10, $0x1;
	s10 =	sld [smem:$0x3FB3];
	_ =	sdelay $0x3  }
0x34: {  	[smem:$0x3FB3] =	sst s10  }
0x35: {  	s10 =	sld [smem:$0x3FB2];
	_ =	sdelay $0x3  }
0x36: {  	p1 =	seq.s32 s10, $0x1;
	s10 =	sld [smem:$0x3FB3];
	_ =	sdelay $0x3  }
0x37: {  	[smem:$0x3FB3] =	sst s10  }
0x38: {  	s10 =	sld [smem:$0x3FB4]  }
0x39: {  	_ = 	snop;
	(pc) =	sbr.ind lr, $3  }
0x3a: {  	_ = 	snop  }
0x3b: {  	_ = 	snop  }
0x3c: {  	p2 =	seq.s32 s10, $0x1;
	s10 =	sld [smem:$0x3FB3]  }
0x3d: {  	_ =	shalt  }
0x3e: {  	_ =	shalt  }
0x3f: {  	_ =	shalt  }
0x40: {  	_ =	shalt  }
0x41: {  	_ =	shalt  }
0x42: {  	_ =	shalt  }
0x43: {  	_ =	shalt  }
0x44: {  	_ =	shalt  }
0x45: {  	_ =	shalt  }
0x46: {  	_ =	shalt  }
0x47: {  	_ =	shalt  }
0x48: {  	_ =	shalt  }
0x49: {  	_ =	shalt  }
0x4a: {  	_ =	shalt  }
0x4b: {  	_ =	shalt  }
0x4c: {  	_ =	shalt  }
0x4d: {  	_ =	shalt  }
0x4e: {  	_ =	shalt  }
0x4f: {  	_ =	shalt  }
0x50: {  	_ =	shalt  }
0x51: {  	_ =	shalt  }
0x52: {  	_ =	shalt  }
0x53: {  	_ =	shalt  }
0x54: {  	_ =	shalt  }
0x55: {  	_ =	shalt  }
0x56: {  	_ =	shalt  }
0x57: {  	_ =	shalt  }
0x58: {  	_ =	shalt  }
0x59: {  	_ =	shalt  }
0x5a: {  	_ =	shalt  }
0x5b: {  	_ =	shalt  }
0x5c: {  	_ =	shalt  }
0x5d: {  	_ =	shalt  }
0x5e: {  	_ =	shalt  }
0x5f: {  	_ =	shalt  }
0x60: {  	_ =	shalt  }
0x61: {  	_ =	shalt  }
0x62: {  	_ =	shalt  }
0x63: {  	_ =	shalt  }
0x64: {  	_ =	shalt  }
0x65: {  	_ =	shalt  }
0x66: {  	_ =	shalt  }
0x67: {  	_ =	shalt  }
0x68: {  	_ =	shalt  }
0x69: {  	_ =	shalt  }
0x6a: {  	_ =	shalt  }
0x6b: {  	_ =	shalt  }
0x6c: {  	_ =	shalt  }
0x6d: {  	_ =	shalt  }
0x6e: {  	_ =	shalt  }
0x6f: {  	_ =	shalt  }
0x70: {  	_ =	shalt  }
0x71: {  	_ =	shalt  }
0x72: {  	_ =	shalt  }
0x73: {  	_ =	shalt  }
0x74: {  	_ =	shalt  }
0x75: {  	_ =	shalt  }
0x76: {  	_ =	shalt  }
0x77: {  	_ =	shalt  }
0x78: {  	_ =	shalt  }
0x79: {  	_ =	shalt  }
0x7a: {  	_ =	shalt  }
0x7b: {  	_ =	shalt  }
0x7c: {  	_ =	shalt  }
0x7d: {  	_ =	shalt  }
0x7e: {  	_ =	shalt  }
0x7f: {  	_ =	shalt  }
0x80: {  	_ =	shalt  }
0x81: {  	_ =	shalt  }
0x82: {  	_ =	shalt  }
0x83: {  	_ =	shalt  }
0x84: {  	_ =	shalt  }
0x85: {  	_ =	shalt  }
0x86: {  	_ =	shalt  }
0x87: {  	_ =	shalt  }
.Lfunc_end0:
.L_simem_size_0:
called_computation_lowered:
.L_overlay_start_0:
0x88: {  	s2 =	sld [smem:$0x3FD9]  }
0x89: {  	s3 =	sld [smem:$0x3FFE];
	_ =	sdelay $0x1  }
0x8a: {  	s1 =	srdreg.scid  }
0x8b: {  	s0 =	sand.u32 $0x1, s1  }
0x8c: {  	s16 =	sshll.u32 s0, $0xA;
	s2 =	sadd.s32 s3, s2  }
0x8d: {  	s2 =	sadd.s32 s2, s16  }
0x8e: {  	[smem:$0x3FBF] =	sst s2  }
0x8f: {  	_ = 	snop  }
0x90: {  	(tm) =	ssettm $0x1  }
0x91: {  	s17 =	sld [smem:$0x3FFB];
	_ =	sdelay $0x3  }
0x92: {  	_ =	strace s17  }
0x93: {  	s2 =	sld [smem:$0x3FFC];
	_ =	sdelay $0x3  }
0x94: {  	_ =	strace s2  }
0x95: {  	s2 =	sld [smem:$0x3FFD];
	_ =	sdelay $0x3  }
0x96: {  	_ =	strace s2  }
0x97: {  	_ =	strace $0x8FFFFFFF  }
0x98: {  	s18 =	sld [smem:$0x3FDB];
	_ =	sdelay $0x1  }
0x99: {  	s19 =	simm.s32 $_scs_section_size  }
0x9a: {  	s4 =	simm.s32 $_size__tile_overlayer_lowered;
	s5 =	simm.s32 $_tile_overlayer_lowered  }
0x9b: {  	s22 =	simm.s32 $0x1BFF;
	s21 =	sshll.u32 s5, $0x1;
	s2 =	sadd.s32 s19, s18  }
0x9c: {  	s6 =	simm.s32 $0x0;
	s20 =	sshll.u32 s4, $0x1;
	s4 =	sadd.s32 s21, s2  }
0x9d: {  	[timem:s6], [sflag:s22] =	dma.local [hbm:s4], s20  }
0x9e: {  	_ =	swait.ge [sflag:s22], s20  }
0x9f: {  	s3 =	ssub.s32 $0x0, s20;
	[sflag:s22] =	ssyncset.done $0x0  }
0xa0: {  	[sflag:s22] =	ssyncadd.s32 s3;
	_ =	sdelay $0x1  }
0xa1: {  	s23 =	simm.s32 $0x1B8B  }
0xa2: {  	_ =	swait.ge [sflag:s23], $0x1  }
0xa3: {  	[sflag:s23] =	ssyncset.done $0x0  }
0xa4: {  	s25 =	simm.s32 $0x1B8E;
	s24 =	sld [smem:$0x3FFE];
	[sflag:s23] =	ssyncadd.s32 $0xFFFFFFFF  }
0xa5: {  	s26 =	simm.s32 $execute0_lowered;
	[smem:$0x3FD2] =	sst s25  }
0xa6: {  	s4 =	sshll.u32 s26, $0x1;
	_ =	strace $0x80000046;
	[dreg:$0x1] =	wrdreg $0xFFFFFFFF  }
0xa7: {  	s28 =	simm.s32 $_size_execute0_lowered;
	s2 =	sadd.s32 s2, s4;
	[dreg:$0x0] =	wrdreg $0x0  }
0xa8: {  	s4 =	sshll.u32 s28, $0x1;
	[dreg:$0x2] =	wrdreg s2  }
0xa9: {  	[dreg:$0x3] =	wrdreg s4  }
0xaa: {  	[dreg:$0x4] =	wrdreg $0xC0  }
0xab: {  	_ =	task [dreg:s6], $0x5FFFF  }
0xac: {  	[dreg:$0x1] =	wrdreg $0xFFFFFFFF  }
0xad: {  	[dreg:$0x0] =	wrdreg $0x60  }
0xae: {  	[dreg:$0x2] =	wrdreg s24  }
0xaf: {  	[dreg:$0x3] =	wrdreg $0x18A800  }
0xb0: {  	[dreg:$0x4] =	wrdreg $0x9  }
0xb1: {  	_ =	task.clear_ibuf [dreg:s6], $0x5FFFF;
	_ =	strace $0x90000046  }
0xb2: {  	s29 =	simm.s32 $0x9;
	_ =	strace $0x80000048  }
0xb3: {  	_ =	swait.ge [sflag:s29], $0x1  }
0xb4: {  	[sflag:s29] =	ssyncadd.s32 $0xFFFFFFFF  }
0xb5: {  	_ =	strace $0x90000048  }
0xb6: {  	_ =	sfence  }
0xb7: {  	s30 =	sld [smem:$0x0];
	_ =	sdelay $0x2  }
0xb8: {  	s31 =	sshll.u32 s1, $0xD;
	s1 =	sshrl.u32 s1, $0x2  }
0xb9: {  	s3 =	sand.u32 $0x4000, s31;
	s1 =	sadd.s32 s1, s30  }
0xba: {  	s0 =	sor.u32 s3, s0;
	s1 =	sshll.u32 s1, $0x11  }
0xbb: {  	s0 =	sor.u32 s1, s0  }
0xbc: {  	s0 =	sadd.s32 $0x8F2B, s0  }
0xbd: {  	[sflag:s0] =	ssyncadd.remote.s32 $0x1  }
0xbe: {  	_ =	sfence.sel $0xFFFF  }
0xbf: {  	[dreg:$0x0] =	wrdreg $0xFFFFFFFF;
	(pc) =	sbr.abs _section_cstart, $3  }
0xc0: {  	[dreg:$0x1] =	wrdreg $0xFFFFFFFF  }
0xc1: {  	_ =	task.clear_ibuf [dreg:s6], $0x2FFFF;
	_ =	strace $0x9FFFFFFF  }
0xc2: {  	(tm) =	ssettm $0x7FFFFFFF  }
0xc3: {  	_ =	shalt  }
tec
execute0_lowered:
.L_overlay_start_1:
0x0: {  	(tag) =	ssettag $0x1  }
0x1: {  	s1 =	srdreg.scid  }
0x2: {  	s1 =	sand.u32 $0x1, s1  }
0x3: {  	p0 =	seq.s32 s1, $0x1  }
.Ltmp0:
0x4: {  	_ = 	snop;
	(pc) =	sbr.rel @p0 .LBB2_8-.Ltmp0, $4  }
0x5: {  	s2 =	rddreg [dreg:$0x0]  }
0x6: {  	s3 =	rddreg [dreg:$0x1];
	s6 =	simm.s32 $0x0  }
0x7: {  	[smem:$0x7FF] =	sst s6  }
0x8: {  	s0 =	rddreg [dreg:$0x2];
	_ =	strace $0x80000047;
	s1 =	stileid.u32  }
0x9: {  	s4 =	smul.u32 $0xB00, s1  }
0xa: {  	s5 =	sadd.s32 $0x2E00, s2  }
0xb: {  	s7 =	simm.s32 $0x5800;
	s26 =	simm.s32 $0x2;
	s5 =	sadd.s32 s5, s4  }
0xc: {  	[tilespmem:s7], [sflag:$0x2] =	stream.linear.gather [hbm4b:s5+s6], $0x5800, $0x38;
	[tilespmem:$0x18D00] =	vst v63  }
0xd: {  	_ =	swait.ge [sflag:s26], $0x5800  }
0xe: {  	s28 =	sadd.s32 $0x18E00, s2;
	[sflag:s26] =	ssyncset.done $0x0  }
0xf: {  	s8 =	simm.s32 $0xB000;
	s5 =	sadd.s32 s28, s4;
	[sflag:s26] =	ssyncadd.s32 $0xFFFFA800  }
0x10: {  	[tilespmem:s8], [sflag:$0x2] =	stream.linear.gather [hbm4b:s5+s6], $0x5800, $0x38;
	[tilespmem:$0x18D00] =	vst v63  }
0x11: {  	_ =	swait.ge [sflag:s26], $0x5800  }
0x12: {  	[sflag:s26] =	ssyncset.done $0x0  }
0x13: {  	v0 =	vimm.f32 $0.0e+00;
	[sflag:s26] =	ssyncadd.s32 $0xFFFFA800  }
0x14: {  	[tilespmem:$0x18800] =	vst v0  }
0x15: {  	[tilespmem:$0x18810] =	vst v0  }
0x16: {  	[tilespmem:$0x18820] =	vst v0  }
0x17: {  	[tilespmem:$0x18830] =	vst v0  }
0x18: {  	[tilespmem:$0x18840] =	vst v0  }
0x19: {  	[tilespmem:$0x18850] =	vst v0  }
0x1a: {  	[tilespmem:$0x18860] =	vst v0  }
0x1b: {  	[tilespmem:$0x18870] =	vst v0  }
0x1c: {  	[tilespmem:$0x18880] =	vst v0  }
0x1d: {  	[tilespmem:$0x18890] =	vst v0  }
0x1e: {  	[tilespmem:$0x188A0] =	vst v0  }
0x1f: {  	[tilespmem:$0x188B0] =	vst v0  }
0x20: {  	[tilespmem:$0x188C0] =	vst v0  }
0x21: {  	[tilespmem:$0x188D0] =	vst v0  }
0x22: {  	[tilespmem:$0x188E0] =	vst v0  }
0x23: {  	[tilespmem:$0x188F0] =	vst v0  }
0x24: {  	[tilespmem:$0x18900] =	vst v0  }
0x25: {  	[tilespmem:$0x18910] =	vst v0  }
0x26: {  	[tilespmem:$0x18920] =	vst v0  }
0x27: {  	[tilespmem:$0x18930] =	vst v0  }
0x28: {  	[tilespmem:$0x18940] =	vst v0  }
0x29: {  	[tilespmem:$0x18950] =	vst v0  }
0x2a: {  	[tilespmem:$0x18960] =	vst v0  }
0x2b: {  	[tilespmem:$0x18970] =	vst v0  }
0x2c: {  	[tilespmem:$0x18980] =	vst v0  }
0x2d: {  	[tilespmem:$0x18990] =	vst v0  }
0x2e: {  	[tilespmem:$0x189A0] =	vst v0  }
0x2f: {  	[tilespmem:$0x189B0] =	vst v0  }
0x30: {  	[tilespmem:$0x189C0] =	vst v0  }
0x31: {  	[tilespmem:$0x189D0] =	vst v0  }
0x32: {  	[tilespmem:$0x189E0] =	vst v0  }
0x33: {  	[tilespmem:$0x189F0] =	vst v0  }
0x34: {  	[tilespmem:$0x18A00] =	vst v0  }
0x35: {  	[tilespmem:$0x18A10] =	vst v0  }
0x36: {  	[tilespmem:$0x18A20] =	vst v0  }
0x37: {  	[tilespmem:$0x18A30] =	vst v0  }
0x38: {  	s29 =	smul.u32 $0xA00, s1;
	[tilespmem:$0x18A40] =	vst v0  }
0x39: {  	[tilespmem:$0x18A50] =	vst v0  }
0x3a: {  	s5 =	sshrl.u32 s29, $0x2;
	[tilespmem:$0x18A60] =	vst v0  }
0x3b: {  	s30 =	simm.s32 $0x18800;
	s5 =	sadd.s32 s5, s3;
	[tilespmem:$0x18A70] =	vst v0  }
0x3c: {  	[spmem:s5] =	stream.linear.scatter [tilespmem:s30], [sflag:$0x2], $0x280, $0x38;
	[tilespmem:$0x18D00] =	vst v63  }
0x3d: {  	_ =	swait.ge [sflag:s26], $0x280  }
0x3e: {  	s31 =	sadd.s32 s4, s2;
	[sflag:s26] =	ssyncset.done $0x0  }
0x3f: {  	s4 =	sadd.s32 $0xDE00, s31;
	[sflag:s26] =	ssyncadd.s32 $0xFFFFFD80  }
0x40: {  	s2 =	sadd.s32 $0x23E00, s31;
	s7 =	simm.s32 $0x80;
	[bflag:$0x0] =	sbarrier.arrive $0xFFFF  }
.LBB2_2:
0x41: {  	p0 =	sne.s32 s6, $0x15E00  }
.Ltmp1:
0x42: {  	_ = 	snop;
	(pc) =	sbr.rel @p0 .LBB2_2-.Ltmp1, $4  }
0x43: {  	_ = 	snop  }
0x44: {  	s8 =	sshra.s32 s6, $0x2  }
0x45: {  	s6 =	sadd.s32 $0x200, s6;
	s9 =	sadd.s32 $0xB000, s8;
	s8 =	sadd.s32 $0x5800, s8  }
0x46: {  	[spmem:s3] =	stream.indirect.scatter.add.f32 [tilespmem:s9], [sflag:$0x1], $0x1, s8, s7, $0xb8;
	[tilespmem:$0x18D00] =	vst v63  }
0x47: {  	s6 =	simm.s32 $0x1  }
0x48: {  	_ =	swait.ge [sflag:s6], $0x80  }
0x49: {  	s7 =	simm.s32 $0xAF;
	[sflag:s6] =	ssyncset.done $0x0  }
.LBB2_4:
0x4a: {  	p0 =	sne.s32 s7, $0x1;
	s7 =	sadd.s32 $0xFFFFFFFF, s7;
	[sflag:s6] =	ssyncadd.s32 $0xFFFFFF80  }
.Ltmp2:
0x4b: {  	(pc) =	sbr.rel @p0 .LBB2_4-.Ltmp2, $3  }
0x4c: {  	_ =	sdelay $0x1  }
0x4d: {  	_ =	swait.ge [sflag:s6], $0x80  }
0x4e: {  	[sflag:s6] =	ssyncset.done $0x0  }
0x4f: {  	[sflag:s6] =	ssyncadd.s32 $0xFFFFFF80  }
0x50: {  	s7 =	simm.s32 $0x18800;
	s29 =	simm.s32 $0x2;
	[bflag:$0x0] =	sbarrier.arrive $0xFFFF  }
0x51: {  	[tilespmem:s7], [sflag:$0x2] =	stream.linear.gather [spmem:s5], $0x280, $0x38;
	[tilespmem:$0x18D00] =	vst v63  }
0x52: {  	_ =	swait.ge [sflag:s29], $0x280  }
0x53: {  	[sflag:s29] =	ssyncset.done $0x0  }
0x54: {  	[sflag:s29] =	ssyncadd.s32 $0xFFFFFD80  }
0x55: {  	v0 =	vld [tilespmem:$0x18800];
	_ =	sdelay $0x4  }
0x56: {  	v1 =	vshrl.u32 v0, $0x1;
	v0 =	vmul.f32 $5.000000000e-01, v0  }
0x57: {  	v2 =	vld [tilespmem:$0x18810];
	v1 =	vsub.s32 $0x5F3759DF, v1  }
0x58: {  	v3 =	vmul.f32 v1, v0;
	_ =	sdelay $0x1  }
0x59: {  	v4 =	vld [tilespmem:$0x18820];
	v3 =	vmul.f32 v1, v3;
	_ =	sdelay $0x1  }
0x5a: {  	v5 =	vshrl.u32 v2, $0x1;
	v2 =	vmul.f32 $5.000000000e-01, v2;
	v3 =	vsub.f32 $1.500000000e+00, v3  }
0x5b: {  	v5 =	vsub.s32 $0x5F3759DF, v5  }
0x5c: {  	v1 =	vmul.f32 v1, v3;
	v3 =	vmul.f32 v5, v2  }
0x5d: {  	v6 =	vshrl.u32 v4, $0x1;
	v4 =	vmul.f32 $5.000000000e-01, v4  }
0x5e: {  	v8 =	vld [tilespmem:$0x18830];
	v6 =	vsub.s32 $0x5F3759DF, v6;
	v7 =	vmul.f32 v1, v0;
	v3 =	vmul.f32 v5, v3  }
0x5f: {  	v9 =	vmul.f32 v6, v4  }
0x60: {  	v7 =	vmul.f32 v7, v1;
	v3 =	vsub.f32 $1.500000000e+00, v3  }
0x61: {  	v10 =	vld [tilespmem:$0x18840];
	v9 =	vmul.f32 v6, v9  }
0x62: {  	v7 =	vsub.f32 $1.500000000e+00, v7;
	v3 =	vmul.f32 v5, v3  }
0x63: {  	v5 =	vsub.f32 $1.500000000e+00, v9;
	v9 =	vshrl.u32 v8, $0x1;
	v8 =	vmul.f32 $5.000000000e-01, v8  }
0x64: {  	v9 =	vsub.s32 $0x5F3759DF, v9;
	v1 =	vmul.f32 v7, v1;
	v7 =	vmul.f32 v3, v2  }
0x65: {  	v5 =	vmul.f32 v6, v5;
	v6 =	vmul.f32 v9, v8  }
0x66: {  	v13 =	vshrl.u32 v10, $0x1;
	v10 =	vmul.f32 $5.000000000e-01, v10;
	v7 =	vmul.f32 v7, v3  }
0x67: {  	v12 =	vld [tilespmem:$0x18850];
	v11 =	vmul.f32 v5, v4;
	v6 =	vmul.f32 v9, v6  }
0x68: {  	v13 =	vsub.s32 $0x5F3759DF, v13;
	v0 =	vmul.f32 v1, v0;
	v7 =	vsub.f32 $1.500000000e+00, v7  }
0x69: {  	v14 =	vmul.f32 v13, v10;
	v11 =	vmul.f32 v11, v5;
	v6 =	vsub.f32 $1.500000000e+00, v6  }
0x6a: {  	v0 =	vmul.f32 v0, v1;
	v3 =	vmul.f32 v7, v3  }
0x6b: {  	v7 =	vsub.f32 $1.500000000e+00, v11;
	v6 =	vmul.f32 v9, v6;
	v9 =	vmul.f32 v13, v14  }
0x6c: {  	v11 =	vshrl.u32 v12, $0x1;
	v12 =	vmul.f32 $5.000000000e-01, v12;
	v0 =	vsub.f32 $1.500000000e+00, v0  }
0x6d: {  	v15 =	vld [tilespmem:$0x18860];
	v11 =	vsub.s32 $0x5F3759DF, v11;
	v5 =	vmul.f32 v7, v5;
	v7 =	vmul.f32 v6, v8  }
0x6e: {  	v2 =	vmul.f32 v3, v2;
	v9 =	vsub.f32 $1.500000000e+00, v9;
	v14 =	vmul.f32 v11, v12  }
0x6f: {  	v0 =	vmul.f32 v0, v1;
	v7 =	vmul.f32 v7, v6  }
0x70: {  	v9 =	vmul.f32 v13, v9;
	v13 =	vmul.f32 v11, v14  }
0x71: {  	v4 =	vmul.f32 v5, v4;
	v1 =	vmul.f32 v2, v3;
	v2 =	vsub.f32 $1.500000000e+00, v7  }
0x72: {  	v14 =	vmul.f32 $5.000000000e-01, v15;
	v7 =	vmul.f32 v9, v10;
	v13 =	vsub.f32 $1.500000000e+00, v13  }
0x73: {  	v4 =	vmul.f32 v4, v5;
	v6 =	vmul.f32 v2, v6;
	v2 =	vshrl.u32 v15, $0x1  }
0x74: {  	v7 =	vmul.f32 v7, v9;
	v11 =	vmul.f32 v11, v13;
	v13 =	vsub.s32 $0x5F3759DF, v2  }
0x75: {  	v2 =	vmul.f32 v6, v8;
	v8 =	vmul.f32 v13, v14  }
0x76: {  	v16 =	vld [tilespmem:$0x18870];
	v1 =	vsub.f32 $1.500000000e+00, v1;
	v7 =	vsub.f32 $1.500000000e+00, v7;
	v15 =	vmul.f32 v11, v12  }
0x77: {  	v4 =	vsub.f32 $1.500000000e+00, v4;
	v17 =	vmul.f32 v2, v6;
	v8 =	vmul.f32 v13, v8  }
0x78: {  	v7 =	vmul.f32 v7, v9;
	v9 =	vmul.f32 v15, v11  }
0x79: {  	v2 =	vmul.f32 v1, v3;
	v1 =	vmul.f32 v4, v5;
	v3 =	vsub.f32 $1.500000000e+00, v8  }
0x7a: {  	v24 =	vld [tilespmem:$0x18890];
	v4 =	vsub.f32 $1.500000000e+00, v17;
	v5 =	vmul.f32 v7, v10;
	v8 =	vsub.f32 $1.500000000e+00, v9  }
0x7b: {  	v10 =	vmul.f32 $5.000000000e-01, v16;
	v9 =	vmul.f32 v13, v3;
	v3 =	vshrl.u32 v16, $0x1;
	v13 =	vld [tilespmem:$0x18880]  }
0x7c: {  	v5 =	vmul.f32 v5, v7;
	v8 =	vmul.f32 v8, v11;
	v11 =	vsub.s32 $0x5F3759DF, v3  }
0x7d: {  	v15 =	vmul.f32 v9, v14;
	v16 =	vmul.f32 v11, v10  }
0x7e: {  	v3 =	vmul.f32 v4, v6;
	v4 =	vmul.f32 v8, v12  }
0x7f: {  	v18 =	vshrl.u32 v24, $0x1;
	v6 =	vmul.f32 v15, v9;
	v12 =	vmul.f32 v11, v16  }
0x80: {  	v15 =	vmul.f32 v4, v8;
	v4 =	vshrl.u32 v13, $0x1;
	v13 =	vmul.f32 $5.000000000e-01, v13  }
0x81: {  	v6 =	vsub.f32 $1.500000000e+00, v6;
	v12 =	vsub.f32 $1.500000000e+00, v12;
	v25 =	vsub.s32 $0x5F3759DF, v4  }
0x82: {  	v17 =	vmul.f32 $5.000000000e-01, v24;
	v5 =	vsub.f32 $1.500000000e+00, v5;
	v4 =	vmul.f32 v25, v13  }
0x83: {  	v6 =	vmul.f32 v6, v9;
	v9 =	vmul.f32 v11, v12;
	v11 =	vsub.s32 $0x5F3759DF, v18  }
0x84: {  	v19 =	vld [tilespmem:$0x188A0];
	v12 =	vmul.f32 v25, v4;
	v18 =	vmul.f32 v11, v17  }
0x85: {  	v4 =	vmul.f32 v5, v7;
	v7 =	vmul.f32 v9, v10  }
0x86: {  	v5 =	vsub.f32 $1.500000000e+00, v15;
	v14 =	vmul.f32 v6, v14;
	v15 =	vmul.f32 v11, v18  }
0x87: {  	v12 =	vsub.f32 $1.500000000e+00, v12;
	v7 =	vmul.f32 v7, v9  }
0x88: {  	v5 =	vmul.f32 v5, v8;
	v8 =	vmul.f32 v14, v6;
	v14 =	vsub.f32 $1.500000000e+00, v15;
	v15 =	vld [tilespmem:$0x188B0]  }
0x89: {  	v26 =	vshrl.u32 v19, $0x1;
	v27 =	vmul.f32 $5.000000000e-01, v19;
	v7 =	vsub.f32 $1.500000000e+00, v7  }
0x8a: {  	v21 =	vld [tilespmem:$0x188C0];
	v12 =	vmul.f32 v25, v12;
	v11 =	vmul.f32 v11, v14;
	v14 =	vsub.s32 $0x5F3759DF, v26  }
0x8b: {  	v22 =	vld [tilespmem:$0x188D0];
	v7 =	vmul.f32 v7, v9;
	v9 =	vmul.f32 v14, v27  }
0x8c: {  	v8 =	vsub.f32 $1.500000000e+00, v8;
	v28 =	vmul.f32 v12, v13;
	v30 =	vmul.f32 v11, v17  }
0x8d: {  	v9 =	vmul.f32 v14, v9;
	v20 =	vshrl.u32 v15, $0x1;
	v15 =	vmul.f32 $5.000000000e-01, v15  }
0x8e: {  	v6 =	vmul.f32 v8, v6;
	v29 =	vmul.f32 v28, v12;
	v20 =	vsub.s32 $0x5F3759DF, v20  }
0x8f: {  	v19 =	vmul.f32 v30, v11;
	v8 =	vsub.f32 $1.500000000e+00, v9;
	v9 =	vmul.f32 v20, v15  }
0x90: {  	v33 =	vmul.f32 $5.000000000e-01, v21;
	v36 =	vmul.f32 $5.000000000e-01, v22;
	v16 =	vsub.f32 $1.500000000e+00, v29  }
0x91: {  	v10 =	vmul.f32 v7, v10;
	v31 =	vsub.f32 $1.500000000e+00, v19;
	v9 =	vmul.f32 v20, v9  }
0x92: {  	v37 =	vld [tilespmem:$0x188F0];
	v12 =	vmul.f32 v16, v12;
	v8 =	vmul.f32 v14, v8  }
0x93: {  	v10 =	vmul.f32 v10, v7;
	v11 =	vmul.f32 v31, v11;
	v9 =	vsub.f32 $1.500000000e+00, v9  }
0x94: {  	v32 =	vshrl.u32 v21, $0x1;
	v13 =	vmul.f32 v12, v13;
	v14 =	vmul.f32 v8, v27  }
0x95: {  	v16 =	vmul.f32 v11, v17;
	v17 =	vsub.s32 $0x5F3759DF, v32;
	v20 =	vmul.f32 v20, v9  }
0x96: {  	v9 =	vmul.f32 v13, v12;
	v13 =	vmul.f32 v17, v33  }
0x97: {  	v35 =	vshrl.u32 v22, $0x1;
	v18 =	vmul.f32 $5.000000000e-01, v37;
	v14 =	vmul.f32 v14, v8  }
0x98: {  	v10 =	vsub.f32 $1.500000000e+00, v10;
	v16 =	vmul.f32 v16, v11;
	v13 =	vmul.f32 v17, v13  }
0x99: {  	v14 =	vsub.f32 $1.500000000e+00, v14;
	v34 =	vmul.f32 v20, v15;
	v23 =	vsub.f32 $1.500000000e+00, v9  }
0x9a: {  	v9 =	vmul.f32 v10, v7;
	v16 =	vsub.f32 $1.500000000e+00, v16;
	v10 =	vsub.f32 $1.500000000e+00, v13  }
0x9b: {  	v24 =	vshrl.u32 v37, $0x1;
	v14 =	vmul.f32 v14, v8;
	v8 =	vmul.f32 v23, v12;
	v12 =	vld [tilespmem:$0x188E0]  }
0x9c: {  	v7 =	vmul.f32 v16, v11;
	v16 =	vsub.s32 $0x5F3759DF, v35;
	v10 =	vmul.f32 v17, v10  }
0x9d: {  	v24 =	vsub.s32 $0x5F3759DF, v24;
	v21 =	vmul.f32 v34, v20;
	v39 =	vmul.f32 v16, v36  }
0x9e: {  	v25 =	vmul.f32 v24, v18;
	v38 =	vmul.f32 v10, v33  }
0x9f: {  	v11 =	vmul.f32 v14, v27;
	v13 =	vsub.f32 $1.500000000e+00, v21;
	v42 =	vmul.f32 v16, v39  }
0xa0: {  	v40 =	vshrl.u32 v12, $0x1;
	v41 =	vmul.f32 $5.000000000e-01, v12;
	v12 =	vmul.f32 v38, v10  }
0xa1: {  	v13 =	vmul.f32 v13, v20;
	v43 =	vsub.s32 $0x5F3759DF, v40;
	v20 =	vsub.f32 $1.500000000e+00, v42  }
0xa2: {  	v46 =	vld [tilespmem:$0x18900];
	v11 =	vmul.f32 v11, v14;
	v22 =	vmul.f32 v43, v41;
	v12 =	vsub.f32 $1.500000000e+00, v12  }
0xa3: {  	v15 =	vmul.f32 v13, v15;
	v16 =	vmul.f32 v16, v20  }
0xa4: {  	v22 =	vmul.f32 v43, v22;
	v12 =	vmul.f32 v12, v10  }
0xa5: {  	v10 =	vmul.f32 v15, v13;
	v45 =	vmul.f32 v16, v36  }
0xa6: {  	v44 =	vmul.f32 v24, v25;
	v11 =	vsub.f32 $1.500000000e+00, v11;
	v15 =	vsub.f32 $1.500000000e+00, v22  }
0xa7: {  	v54 =	vld [tilespmem:$0x18920];
	v21 =	vmul.f32 $5.000000000e-01, v46;
	v10 =	vsub.f32 $1.500000000e+00, v10;
	v22 =	vmul.f32 v45, v16  }
0xa8: {  	v20 =	vsub.f32 $1.500000000e+00, v44;
	v11 =	vmul.f32 v11, v14;
	v15 =	vmul.f32 v43, v15  }
0xa9: {  	v19 =	vmul.f32 v12, v33;
	v10 =	vmul.f32 v10, v13;
	v13 =	vsub.f32 $1.500000000e+00, v22  }
0xaa: {  	v20 =	vmul.f32 v24, v20;
	v47 =	vmul.f32 v15, v41  }
0xab: {  	v50 =	vshrl.u32 v46, $0x1;
	v19 =	vmul.f32 v19, v12;
	v13 =	vmul.f32 v13, v16  }
0xac: {  	v51 =	vld [tilespmem:$0x18910];
	v56 =	vshrl.u32 v54, $0x1;
	v49 =	vmul.f32 v20, v18;
	v48 =	vmul.f32 v47, v15  }
0xad: {  	v14 =	vsub.f32 $1.500000000e+00, v19;
	v16 =	vsub.s32 $0x5F3759DF, v50;
	v17 =	vmul.f32 v13, v36  }
0xae: {  	v22 =	vmul.f32 v49, v20;
	v52 =	vmul.f32 v16, v21;
	v19 =	vsub.f32 $1.500000000e+00, v48  }
0xaf: {  	v25 =	vsub.s32 $0x5F3759DF, v56;
	v12 =	vmul.f32 v14, v12;
	v17 =	vmul.f32 v17, v13  }
0xb0: {  	v53 =	vmul.f32 v16, v52;
	v14 =	vmul.f32 v19, v15;
	v15 =	vsub.f32 $1.500000000e+00, v22  }
0xb1: {  	v24 =	vmul.f32 $5.000000000e-01, v51;
	v22 =	vmul.f32 $5.000000000e-01, v54;
	v17 =	vsub.f32 $1.500000000e+00, v17  }
0xb2: {  	v23 =	vmul.f32 v14, v41;
	v20 =	vmul.f32 v15, v20;
	v15 =	vsub.f32 $1.500000000e+00, v53  }
0xb3: {  	v55 =	vshrl.u32 v51, $0x1;
	v27 =	vld [tilespmem:$0x18930];
	v58 =	vmul.f32 v25, v22;
	v13 =	vmul.f32 v17, v13  }
0xb4: {  	v19 =	vsub.s32 $0x5F3759DF, v55;
	v18 =	vmul.f32 v20, v18;
	v16 =	vmul.f32 v16, v15  }
0xb5: {  	v15 =	vmul.f32 v19, v24;
	v59 =	vmul.f32 v25, v58  }
0xb6: {  	v63 =	vld [tilespmem:$0x18940];
	v23 =	vmul.f32 v23, v14;
	v18 =	vmul.f32 v18, v20  }
0xb7: {  	v33 =	vld [tilespmem:$0x18950];
	v26 =	vmul.f32 v16, v21;
	v15 =	vmul.f32 v19, v15;
	v17 =	vsub.f32 $1.500000000e+00, v59  }
0xb8: {  	v62 =	vmul.f32 $5.000000000e-01, v27;
	v58 =	vld [tilespmem:$0x18990];
	v57 =	vsub.f32 $1.500000000e+00, v23;
	v18 =	vsub.f32 $1.500000000e+00, v18  }
0xb9: {  	v26 =	vmul.f32 v26, v16;
	v28 =	vsub.f32 $1.500000000e+00, v15;
	v17 =	vmul.f32 v25, v17  }
0xba: {  	v61 =	vshrl.u32 v27, $0x1;
	v15 =	vmul.f32 v57, v14;
	v14 =	vmul.f32 v18, v20  }
0xbb: {  	v60 =	vsub.f32 $1.500000000e+00, v26;
	v19 =	vmul.f32 v19, v28;
	v32 =	vmul.f32 v17, v22  }
0xbc: {  	v20 =	vsub.s32 $0x5F3759DF, v61;
	v26 =	vmul.f32 $5.000000000e-01, v63;
	v28 =	vmul.f32 $5.000000000e-01, v33  }
0xbd: {  	v29 =	vshrl.u32 v63, $0x1;
	v63 =	vmul.f32 $5.000000000e-01, v58;
	v31 =	vmul.f32 v20, v62  }
0xbe: {  	v16 =	vmul.f32 v60, v16;
	v30 =	vmul.f32 v19, v24  }
0xbf: {  	v29 =	vsub.s32 $0x5F3759DF, v29;
	v52 =	vld [tilespmem:$0x18980];
	v27 =	vmul.f32 v32, v17;
	v25 =	vmul.f32 v20, v31  }
0xc0: {  	v36 =	vshrl.u32 v33, $0x1;
	v32 =	vld [tilespmem:$0x18970];
	v21 =	vmul.f32 v16, v21;
	v18 =	vmul.f32 v30, v19  }
0xc1: {  	v30 =	vmul.f32 v29, v26;
	v34 =	vsub.f32 $1.500000000e+00, v27;
	v27 =	vsub.s32 $0x5F3759DF, v36  }
0xc2: {  	v31 =	vld [tilespmem:$0x18960];
	v25 =	vsub.f32 $1.500000000e+00, v25;
	v38 =	vmul.f32 v27, v28;
	v21 =	vmul.f32 v21, v16  }
0xc3: {  	v18 =	vsub.f32 $1.500000000e+00, v18;
	v35 =	vmul.f32 v29, v30;
	v17 =	vmul.f32 v34, v17  }
0xc4: {  	v59 =	vshrl.u32 v52, $0x1;
	v20 =	vmul.f32 v20, v25;
	v39 =	vmul.f32 v27, v38  }
0xc5: {  	v51 =	vmul.f32 $5.000000000e-01, v32;
	v18 =	vmul.f32 v18, v19;
	v25 =	vsub.f32 $1.500000000e+00, v35  }
0xc6: {  	v50 =	vshrl.u32 v32, $0x1;
	v22 =	vmul.f32 v17, v22;
	v37 =	vmul.f32 v20, v62  }
0xc7: {  	v43 =	vmul.f32 $5.000000000e-01, v31;
	v53 =	vsub.s32 $0x5F3759DF, v50;
	v25 =	vmul.f32 v29, v25  }
0xc8: {  	v55 =	vmul.f32 v53, v51;
	v29 =	vsub.f32 $1.500000000e+00, v39;
	v19 =	vmul.f32 v37, v20  }
0xc9: {  	v21 =	vsub.f32 $1.500000000e+00, v21;
	v24 =	vmul.f32 v18, v24;
	v41 =	vmul.f32 v25, v26  }
0xca: {  	v22 =	vmul.f32 v22, v17;
	v27 =	vmul.f32 v27, v29;
	v19 =	vsub.f32 $1.500000000e+00, v19  }
0xcb: {  	v42 =	vshrl.u32 v31, $0x1;
	v40 =	vmul.f32 v24, v18;
	v24 =	vmul.f32 v41, v25  }
0xcc: {  	v39 =	vld [tilespmem:$0x189A0];
	v45 =	vmul.f32 v27, v28;
	v19 =	vmul.f32 v19, v20;
	v20 =	vsub.s32 $0x5F3759DF, v42  }
0xcd: {  	v16 =	vmul.f32 v21, v16;
	v22 =	vsub.f32 $1.500000000e+00, v22;
	v44 =	vmul.f32 v20, v43  }
0xce: {  	v57 =	vmul.f32 v53, v55;
	v24 =	vsub.f32 $1.500000000e+00, v24;
	v46 =	vmul.f32 v45, v27  }
0xcf: {  	v21 =	vsub.f32 $1.500000000e+00, v40;
	v17 =	vmul.f32 v22, v17;
	v29 =	vmul.f32 v20, v44  }
0xd0: {  	v23 =	vmul.f32 v19, v62;
	v24 =	vmul.f32 v24, v25;
	v25 =	vsub.f32 $1.500000000e+00, v46  }
0xd1: {  	v31 =	vmul.f32 $5.000000000e-01, v39;
	v18 =	vmul.f32 v21, v18;
	v47 =	vsub.f32 $1.500000000e+00, v29  }
0xd2: {  	v62 =	vshrl.u32 v58, $0x1;
	v23 =	vmul.f32 v23, v19;
	v25 =	vmul.f32 v25, v27  }
0xd3: {  	v34 =	vsub.s32 $0x5F3759DF, v62;
	v49 =	vmul.f32 v24, v26;
	v21 =	vmul.f32 v20, v47  }
0xd4: {  	v29 =	vmul.f32 $5.000000000e-01, v52;
	v56 =	vmul.f32 v25, v28;
	v28 =	vsub.f32 $1.500000000e+00, v57  }
0xd5: {  	v50 =	vld [tilespmem:$0x189C0];
	v48 =	vsub.f32 $1.500000000e+00, v23;
	v23 =	vmul.f32 v49, v24;
	v54 =	vmul.f32 v21, v43  }
0xd6: {  	v32 =	vsub.s32 $0x5F3759DF, v59;
	v42 =	vmul.f32 v34, v63;
	v27 =	vmul.f32 v53, v28  }
0xd7: {  	v60 =	vmul.f32 v32, v29;
	v23 =	vsub.f32 $1.500000000e+00, v23;
	v20 =	vmul.f32 v54, v21  }
0xd8: {  	v22 =	vmul.f32 v56, v25;
	v40 =	vmul.f32 v27, v51  }
0xd9: {  	v45 =	vld [tilespmem:$0x189B0];
	v33 =	vsub.f32 $1.500000000e+00, v20;
	v20 =	vmul.f32 v23, v24;
	v23 =	vmul.f32 v32, v60  }
0xda: {  	v57 =	vmul.f32 $5.000000000e-01, v50;
	v19 =	vmul.f32 v48, v19;
	v22 =	vsub.f32 $1.500000000e+00, v22  }
0xdb: {  	v44 =	vmul.f32 v40, v27;
	v61 =	vmul.f32 v33, v21;
	v41 =	vsub.f32 $1.500000000e+00, v23  }
0xdc: {  	v46 =	vshrl.u32 v39, $0x1;
	v21 =	vmul.f32 v22, v25;
	v23 =	vmul.f32 v34, v42  }
0xdd: {  	v33 =	vsub.s32 $0x5F3759DF, v46;
	v30 =	vmul.f32 v61, v43;
	v22 =	vmul.f32 v32, v41  }
0xde: {  	v47 =	vmul.f32 v33, v31;
	v23 =	vsub.f32 $1.500000000e+00, v23;
	v32 =	vmul.f32 $5.000000000e-01, v45  }
0xdf: {  	v48 =	vshrl.u32 v45, $0x1;
	v43 =	vmul.f32 v30, v61;
	v35 =	vmul.f32 v22, v29  }
0xe0: {  	v30 =	vsub.f32 $1.500000000e+00, v44;
	v23 =	vmul.f32 v34, v23;
	v34 =	vsub.s32 $0x5F3759DF, v48  }
0xe1: {  	v37 =	vmul.f32 v34, v32;
	v35 =	vmul.f32 v35, v22  }
0xe2: {  	v27 =	vmul.f32 v30, v27;
	v30 =	vmul.f32 v33, v47  }
0xe3: {  	v36 =	vmul.f32 v23, v63;
	v25 =	vsub.f32 $1.500000000e+00, v43;
	v35 =	vsub.f32 $1.500000000e+00, v35  }
0xe4: {  	v49 =	vmul.f32 v34, v37;
	v26 =	vmul.f32 v27, v51;
	v30 =	vsub.f32 $1.500000000e+00, v30  }
0xe5: {  	v38 =	vld [tilespmem:$0x189D0];
	v36 =	vmul.f32 v36, v23;
	v35 =	vmul.f32 v35, v22  }
0xe6: {  	v30 =	vmul.f32 v33, v30;
	v22 =	vmul.f32 v25, v61  }
0xe7: {  	v52 =	vsub.f32 $1.500000000e+00, v36;
	v26 =	vmul.f32 v26, v27;
	v33 =	vsub.f32 $1.500000000e+00, v49  }
0xe8: {  	v56 =	vshrl.u32 v50, $0x1;
	v44 =	vld [tilespmem:$0x189E0];
	v51 =	vmul.f32 v35, v29;
	v53 =	vmul.f32 v30, v31  }
0xe9: {  	v23 =	vmul.f32 v52, v23;
	v55 =	vmul.f32 v34, v33;
	v33 =	vsub.s32 $0x5F3759DF, v56  }
0xea: {  	v62 =	vshrl.u32 v38, $0x1;
	v52 =	vld [tilespmem:$0x18A00];
	v37 =	vmul.f32 v33, v57;
	v24 =	vmul.f32 v51, v35  }
0xeb: {  	v26 =	vsub.f32 $1.500000000e+00, v26;
	v54 =	vmul.f32 v53, v30;
	v28 =	vmul.f32 v23, v63  }
0xec: {  	v29 =	vsub.s32 $0x5F3759DF, v62;
	v58 =	vmul.f32 v55, v32;
	v63 =	vmul.f32 $5.000000000e-01, v38  }
0xed: {  	v51 =	vshrl.u32 v44, $0x1;
	v37 =	vmul.f32 v33, v37;
	v25 =	vsub.f32 $1.500000000e+00, v54  }
0xee: {  	v28 =	vmul.f32 v28, v23;
	v36 =	vmul.f32 v58, v55;
	v24 =	vsub.f32 $1.500000000e+00, v24  }
0xef: {  	v46 =	vmul.f32 v29, v63;
	v61 =	vsub.f32 $1.500000000e+00, v37;
	v38 =	vmul.f32 $5.000000000e-01, v52  }
0xf0: {  	v50 =	vld [tilespmem:$0x189F0];
	v30 =	vmul.f32 v25, v30;
	v25 =	vmul.f32 v26, v27;
	v60 =	vsub.f32 $1.500000000e+00, v36  }
0xf1: {  	v28 =	vsub.f32 $1.500000000e+00, v28;
	v24 =	vmul.f32 v24, v35;
	v49 =	vmul.f32 v29, v46  }
0xf2: {  	v56 =	vshrl.u32 v52, $0x1;
	v59 =	vmul.f32 v30, v31;
	v27 =	vmul.f32 v60, v55  }
0xf3: {  	v36 =	vsub.s32 $0x5F3759DF, v56;
	v23 =	vmul.f32 v28, v23;
	v28 =	vmul.f32 v33, v61  }
0xf4: {  	v35 =	vsub.f32 $1.500000000e+00, v49;
	v26 =	vmul.f32 v59, v30;
	v32 =	vmul.f32 v27, v32  }
0xf5: {  	v39 =	vld [tilespmem:$0x18A10];
	v54 =	vshrl.u32 v50, $0x1;
	v42 =	vmul.f32 v36, v38;
	v45 =	vmul.f32 v28, v57  }
0xf6: {  	v29 =	vmul.f32 v29, v35;
	v26 =	vsub.f32 $1.500000000e+00, v26;
	v47 =	vmul.f32 v32, v27  }
0xf7: {  	v37 =	vsub.s32 $0x5F3759DF, v51;
	v33 =	vmul.f32 $5.000000000e-01, v44;
	v48 =	vmul.f32 v45, v28  }
0xf8: {  	v40 =	vmul.f32 v29, v63;
	v26 =	vmul.f32 v26, v30;
	v30 =	vsub.f32 $1.500000000e+00, v47  }
0xf9: {  	v51 =	vld [tilespmem:$0x18A40];
	v55 =	vmul.f32 $5.000000000e-01, v50;
	v53 =	vmul.f32 v37, v33;
	v32 =	vsub.f32 $1.500000000e+00, v48  }
0xfa: {  	v58 =	vshrl.u32 v39, $0x1;
	v49 =	vld [tilespmem:$0x18A30];
	v40 =	vmul.f32 v40, v29;
	v27 =	vmul.f32 v30, v27  }
0xfb: {  	v28 =	vmul.f32 v32, v28;
	v30 =	vmul.f32 v37, v53;
	v32 =	vsub.s32 $0x5F3759DF, v54  }
0xfc: {  	v39 =	vmul.f32 $5.000000000e-01, v39;
	v40 =	vsub.f32 $1.500000000e+00, v40;
	v41 =	vmul.f32 v32, v55  }
0xfd: {  	v34 =	vmul.f32 v28, v57;
	v30 =	vsub.f32 $1.500000000e+00, v30;
	v57 =	vmul.f32 v36, v42  }
0xfe: {  	v42 =	vsub.s32 $0x5F3759DF, v58;
	v29 =	vmul.f32 v40, v29;
	v58 =	vmul.f32 $5.000000000e-01, v51  }
0xff: {  	v54 =	vshrl.u32 v49, $0x1;
	v41 =	vmul.f32 v32, v41;
	v30 =	vmul.f32 v37, v30  }
0x100: {  	v59 =	vmul.f32 v42, v39;
	v37 =	vsub.f32 $1.500000000e+00, v57;
	v31 =	vmul.f32 v29, v63  }
0x101: {  	v34 =	vmul.f32 v34, v28;
	v41 =	vsub.f32 $1.500000000e+00, v41;
	v43 =	vmul.f32 v30, v33  }
0x102: {  	v57 =	vshrl.u32 v51, $0x1;
	v36 =	vmul.f32 v36, v37;
	v31 =	vmul.f32 v31, v29  }
0x103: {  	[tilespmem:$0x18860] =	vst v6;
	v6 =	vsub.s32 $0x5F3759DF, v57;
	v32 =	vmul.f32 v32, v41;
	v41 =	vmul.f32 v42, v59  }
0x104: {  	v63 =	vld [tilespmem:$0x18A20];
	v34 =	vsub.f32 $1.500000000e+00, v34;
	v43 =	vmul.f32 v43, v30;
	v61 =	vmul.f32 v36, v38  }
0x105: {  	[tilespmem:$0x18870] =	vst v9;
	v9 =	vmul.f32 v6, v58;
	v60 =	vmul.f32 v32, v55;
	v41 =	vsub.f32 $1.500000000e+00, v41  }
0x106: {  	v28 =	vmul.f32 v34, v28;
	v43 =	vsub.f32 $1.500000000e+00, v43;
	v40 =	vmul.f32 v61, v36  }
0x107: {  	v31 =	vsub.f32 $1.500000000e+00, v31;
	v37 =	vmul.f32 v60, v32;
	v41 =	vmul.f32 v42, v41  }
0x108: {  	[tilespmem:$0x18890] =	vst v7;
	v7 =	vmul.f32 v6, v9;
	v30 =	vmul.f32 v43, v30;
	v40 =	vsub.f32 $1.500000000e+00, v40  }
0x109: {  	v48 =	vmul.f32 $5.000000000e-01, v63;
	v37 =	vsub.f32 $1.500000000e+00, v37;
	v62 =	vmul.f32 v41, v39  }
0x10a: {  	v56 =	vld [tilespmem:$0x18A50];
	v7 =	vsub.f32 $1.500000000e+00, v7;
	v33 =	vmul.f32 v30, v33;
	v36 =	vmul.f32 v40, v36  }
0x10b: {  	[tilespmem:$0x18840] =	vst v4;
	v4 =	vsub.s32 $0x5F3759DF, v54;
	v32 =	vmul.f32 v37, v32;
	v37 =	vmul.f32 v62, v41  }
0x10c: {  	v59 =	vld [tilespmem:$0x18A60];
	v47 =	vshrl.u32 v63, $0x1;
	v29 =	vmul.f32 v31, v29;
	v6 =	vmul.f32 v6, v7  }
0x10d: {  	v33 =	vmul.f32 v33, v30;
	v46 =	vmul.f32 v36, v38;
	v44 =	vsub.f32 $1.500000000e+00, v37  }
0x10e: {  	v35 =	vmul.f32 v32, v55;
	v37 =	vsub.s32 $0x5F3759DF, v47;
	v55 =	vmul.f32 $5.000000000e-01, v49  }
0x10f: {  	[tilespmem:$0x18800] =	vst v0;
	v61 =	vshrl.u32 v56, $0x1;
	v50 =	vmul.f32 v37, v48;
	v31 =	vmul.f32 v44, v41  }
0x110: {  	[tilespmem:$0x18820] =	vst v1;
	v9 =	vsub.s32 $0x5F3759DF, v61;
	v45 =	vmul.f32 v35, v32;
	v35 =	vmul.f32 v46, v36  }
0x111: {  	[tilespmem:$0x18850] =	vst v5;
	v60 =	vld [tilespmem:$0x18A70];
	v62 =	vshrl.u32 v59, $0x1;
	v5 =	vmul.f32 v4, v55;
	v0 =	vmul.f32 v31, v39  }
0x112: {  	[tilespmem:$0x188B0] =	vst v10;
	v10 =	vsub.s32 $0x5F3759DF, v62;
	v1 =	vmul.f32 v37, v50;
	v34 =	vsub.f32 $1.500000000e+00, v45  }
0x113: {  	v53 =	vsub.f32 $1.500000000e+00, v35;
	v5 =	vmul.f32 v4, v5;
	v0 =	vmul.f32 v0, v31  }
0x114: {  	[tilespmem:$0x18810] =	vst v2;
	v1 =	vsub.f32 $1.500000000e+00, v1;
	v52 =	vmul.f32 v34, v32;
	v34 =	vmul.f32 $5.000000000e-01, v56  }
0x115: {  	[tilespmem:$0x18830] =	vst v3;
	v3 =	vmul.f32 v53, v36;
	v36 =	vmul.f32 $5.000000000e-01, v59;
	v0 =	vsub.f32 $1.500000000e+00, v0  }
0x116: {  	[tilespmem:$0x188A0] =	vst v11;
	v63 =	vshrl.u32 v60, $0x1;
	v1 =	vmul.f32 v37, v1;
	v11 =	vmul.f32 v9, v34  }
0x117: {  	[tilespmem:$0x18880] =	vst v8;
	v5 =	vsub.f32 $1.500000000e+00, v5;
	v0 =	vmul.f32 v0, v31;
	v31 =	vmul.f32 $5.000000000e-01, v60  }
0x118: {  	[tilespmem:$0x188C0] =	vst v12;
	v32 =	vsub.s32 $0x5F3759DF, v63;
	v12 =	vmul.f32 v10, v36;
	v11 =	vmul.f32 v9, v11  }
0x119: {  	[tilespmem:$0x188D0] =	vst v13;
	v33 =	vsub.f32 $1.500000000e+00, v33;
	v4 =	vmul.f32 v4, v5;
	v5 =	vmul.f32 v32, v31  }
0x11a: {  	[tilespmem:$0x188E0] =	vst v15;
	v8 =	vmul.f32 v1, v48;
	v12 =	vmul.f32 v10, v12;
	v11 =	vsub.f32 $1.500000000e+00, v11  }
0x11b: {  	[tilespmem:$0x188F0] =	vst v14;
	v13 =	vmul.f32 v4, v55;
	v5 =	vmul.f32 v32, v5  }
0x11c: {  	[tilespmem:$0x18900] =	vst v16;
	v2 =	vmul.f32 v33, v30;
	v7 =	vmul.f32 v9, v11;
	v9 =	vsub.f32 $1.500000000e+00, v12  }
0x11d: {  	[tilespmem:$0x18920] =	vst v17;
	v8 =	vmul.f32 v8, v1;
	v11 =	vmul.f32 v13, v4;
	v5 =	vsub.f32 $1.500000000e+00, v5  }
0x11e: {  	[tilespmem:$0x18910] =	vst v18;
	v9 =	vmul.f32 v10, v9;
	v10 =	vmul.f32 v6, v58  }
0x11f: {  	[tilespmem:$0x18930] =	vst v19;
	v12 =	vmul.f32 v7, v34;
	v5 =	vmul.f32 v32, v5  }
0x120: {  	[tilespmem:$0x18940] =	vst v20;
	v10 =	vmul.f32 v10, v6;
	v13 =	vmul.f32 v9, v36  }
0x121: {  	[tilespmem:$0x18950] =	vst v21;
	v12 =	vmul.f32 v12, v7;
	v14 =	vmul.f32 v5, v31  }
0x122: {  	[tilespmem:$0x18960] =	vst v22;
	v8 =	vsub.f32 $1.500000000e+00, v8;
	v11 =	vsub.f32 $1.500000000e+00, v11;
	v13 =	vmul.f32 v13, v9  }
0x123: {  	[tilespmem:$0x18970] =	vst v25;
	v10 =	vsub.f32 $1.500000000e+00, v10;
	v12 =	vsub.f32 $1.500000000e+00, v12;
	v14 =	vmul.f32 v14, v5  }
0x124: {  	[tilespmem:$0x18980] =	vst v24;
	v1 =	vmul.f32 v8, v1;
	v4 =	vmul.f32 v11, v4;
	v8 =	vsub.f32 $1.500000000e+00, v13  }
0x125: {  	[tilespmem:$0x18990] =	vst v23;
	v6 =	vmul.f32 v10, v6;
	v7 =	vmul.f32 v12, v7;
	v10 =	vsub.f32 $1.500000000e+00, v14  }
0x126: {  	[tilespmem:$0x189A0] =	vst v26;
	v8 =	vmul.f32 v8, v9;
	v9 =	vmul.f32 v1, v48  }
0x127: {  	[tilespmem:$0x189B0] =	vst v27;
	v5 =	vmul.f32 v10, v5;
	v10 =	vmul.f32 v4, v55  }
0x128: {  	[tilespmem:$0x189C0] =	vst v28;
	v11 =	vmul.f32 v6, v58;
	v9 =	vmul.f32 v9, v1  }
0x129: {  	[tilespmem:$0x189D0] =	vst v29;
	v12 =	vmul.f32 v7, v34;
	v10 =	vmul.f32 v10, v4  }
0x12a: {  	[tilespmem:$0x189E0] =	vst v2;
	v2 =	vsub.f32 $1.500000000e+00, v9;
	v9 =	vmul.f32 v11, v6;
	v11 =	vmul.f32 v8, v36  }
0x12b: {  	[tilespmem:$0x189F0] =	vst v52;
	v12 =	vmul.f32 v12, v7;
	v13 =	vmul.f32 v5, v31;
	v10 =	vsub.f32 $1.500000000e+00, v10  }
0x12c: {  	[tilespmem:$0x18A00] =	vst v3;
	v1 =	vmul.f32 v2, v1;
	v2 =	vsub.f32 $1.500000000e+00, v9;
	v3 =	vmul.f32 v11, v8  }
0x12d: {  	[tilespmem:$0x18A10] =	vst v0;
	v9 =	vmul.f32 v13, v5;
	v0 =	vmul.f32 v10, v4;
	v4 =	vsub.f32 $1.500000000e+00, v12  }
0x12e: {  	[tilespmem:$0x18A20] =	vst v1;
	v1 =	vmul.f32 v2, v6;
	v2 =	vsub.f32 $1.500000000e+00, v3  }
0x12f: {  	v3 =	vsub.f32 $1.500000000e+00, v9;
	[tilespmem:$0x18A30] =	vst v0;
	v0 =	vmul.f32 v4, v7  }
0x130: {  	[tilespmem:$0x18A40] =	vst v1;
	v1 =	vmul.f32 v2, v8  }
0x131: {  	[tilespmem:$0x18A50] =	vst v0;
	v0 =	vmul.f32 v3, v5  }
0x132: {  	[tilespmem:$0x18A60] =	vst v1  }
0x133: {  	[tilespmem:$0x18A70] =	vst v0  }
0x134: {  	[spmem:s5] =	stream.linear.scatter [tilespmem:s7], [sflag:$0x2], $0x280, $0x38;
	[tilespmem:$0x18D00] =	vst v63  }
0x135: {  	_ =	swait.ge [sflag:s29], $0x280  }
0x136: {  	[sflag:s29] =	ssyncset.done $0x0  }
0x137: {  	[sflag:s29] =	ssyncadd.s32 $0xFFFFFD80  }
0x138: {  	s5 =	simm.s32 $0x10800;
	[bflag:$0x0] =	sbarrier.arrive $0xFFFF  }
0x139: {  	[tilespmem:s5], [sflag:$0x2] =	stream.linear.gather [spmem:s3], $0x2800, $0x38;
	[tilespmem:$0x18D00] =	vst v63  }
0x13a: {  	_ =	swait.ge [sflag:s29], $0x2800  }
0x13b: {  	[sflag:s29] =	ssyncset.done $0x0  }
0x13c: {  	s30 =	simm.s32 $0x0;
	s3 =	simm.s32 $0x0;
	[sflag:s29] =	ssyncadd.s32 $0xFFFFD800  }
0x13d: {  	[tilespmem:s3], [sflag:$0x2] =	stream.linear.gather [hbm4b:s4+s3], $0x5800, $0x38;
	[tilespmem:$0x18D00] =	vst v63  }
0x13e: {  	s31 =	sand.u32 $0x40, s3;
	s4 =	sand.u32 $0xFFFFFF80, s30  }
0x13f: {  	v4 =	vlaneseq.u32;
	s4 =	sor.u32 s31, s4  }
0x140: {  	v0 =	vor.u32 s4, v4;
	s7 =	sor.u32 $0x30, s4  }
0x141: {  	s8 =	sor.u32 $0x10, s4;
	v2 =	vor.u32 s7, v4  }
0x142: {  	_ =	swait.ge [sflag:s29], $0x5800;
	v1 =	vor.u32 s8, v4  }
0x143: {  	[sflag:s29] =	ssyncset.done $0x0;
	s4 =	sor.u32 $0x20, s4  }
0x144: {  	[sflag:s29] =	ssyncadd.s32 $0xFFFFA800;
	v3 =	vor.u32 s4, v4  }
0x145: {  	v5 =	vld.idx.msk [tilespmem:v0+s3+$0x0], $0xffff  }
0x146: {  	v9 =	vld.idx.msk [tilespmem:v2+s3+$0x0], $0xffff  }
0x147: {  	s7 =	simm.s32 $0x5800;
	v14 =	vld.idx.msk [tilespmem:v1+s3+$0x0], $0xffff  }
0x148: {  	v12 =	vld.idx.msk [tilespmem:v2+s7+$0x0], $0xffff  }
0x149: {  	v11 =	vld.idx.msk [tilespmem:v3+s3+$0x0], $0xffff  }
0x14a: {  	v8 =	vld.idx.msk [tilespmem:v0+s7+$0x0], $0xffff  }
0x14b: {  	v6 =	vld.idx.msk [tilespmem:v1+s7+$0x0], $0xffff  }
0x14c: {  	s6 =	simm.s32 $0xB000;
	v7 =	vld.idx.msk [tilespmem:v3+s7+$0x0], $0xffff  }
0x14d: {  	v10 =	vld.idx.msk [tilespmem:v2+s6+$0x0], $0xffff  }
0x14e: {  	v13 =	vld.idx.msk [tilespmem:v9+s5+$0x0], $0xffff  }
0x14f: {  	s9 =	simm.s32 $0x0;
	s4 =	simm.s32 $0x13000;
	s8 =	simm.s32 $0x0;
	v9 =	vld.idx.msk [tilespmem:v14+s5+$0x0], $0xffff  }
.LBB2_6:
0x150: {  	s8 =	sadd.s32 $0x4, s8;
	v12 =	vld.idx.msk [tilespmem:v12+s5+$0x0], $0xffff  }
0x151: {  	s9 =	sadd.s32 $0x40, s9;
	s10 =	sshll.u32 s8, $0x4;
	p0 =	slt.u32 s8, $0x57C;
	v11 =	vld.idx.msk [tilespmem:v11+s5+$0x0], $0xffff  }
0x152: {  	s11 =	sand.u32 $0x40, s9;
	s10 =	sand.u32 $0xFFFFFF80, s10;
	v14 =	vld.idx.msk [tilespmem:v5+s5+$0x0], $0xffff  }
0x153: {  	s10 =	sor.u32 s11, s10;
	v15 =	vld.idx.msk [tilespmem:v1+s6+$0x0], $0xffff  }
0x154: {  	v5 =	vmul.f32 v13, v10;
	v16 =	vor.u32 s10, v4;
	s11 =	sor.u32 $0x10, s10;
	s12 =	sor.u32 $0x20, s10;
	s10 =	sor.u32 $0x30, s10;
	v17 =	vld.idx.msk [tilespmem:v3+s6+$0x0], $0xffff  }
0x155: {  	v10 =	vor.u32 s11, v4;
	v13 =	vor.u32 s12, v4;
	v18 =	vor.u32 s10, v4;
	v19 =	vld.idx.msk [tilespmem:v0+s6+$0x0], $0xffff  }
0x156: {  	v5 =	vmul.f32 v12, v5;
	v6 =	vld.idx.msk [tilespmem:v6+s5+$0x0], $0xffff  }
0x157: {  	v7 =	vld.idx.msk [tilespmem:v7+s5+$0x0], $0xffff  }
0x158: {  	v8 =	vld.idx.msk [tilespmem:v8+s5+$0x0], $0xffff;
	[tilespmem:v2+s4+$0x0] =	vst.idx.msk $0xffff, v5;
	v2 =	vmov v18  }
0x159: {  	v9 =	vmul.f32 v9, v15;
	v5 =	vld.idx.msk [tilespmem:v16+s3+$0x0], $0xffff  }
0x15a: {  	v17 =	vmul.f32 v11, v17;
	v15 =	vld.idx.msk [tilespmem:v18+s3+$0x0], $0xffff  }
0x15b: {  	v14 =	vmul.f32 v14, v19;
	v20 =	vld.idx.msk [tilespmem:v10+s3+$0x0], $0xffff  }
0x15c: {  	v9 =	vmul.f32 v6, v9;
	v12 =	vld.idx.msk [tilespmem:v18+s7+$0x0], $0xffff  }
0x15d: {  	v17 =	vmul.f32 v7, v17;
	v11 =	vld.idx.msk [tilespmem:v13+s3+$0x0], $0xffff  }
0x15e: {  	v14 =	vmul.f32 v8, v14;
	v6 =	vld.idx.msk [tilespmem:v10+s7+$0x0], $0xffff;
	[tilespmem:v1+s4+$0x0] =	vst.idx.msk $0xffff, v9;
	v1 =	vmov v10  }
.Ltmp3:
0x15f: {  	v7 =	vld.idx.msk [tilespmem:v13+s7+$0x0], $0xffff;
	[tilespmem:v3+s4+$0x0] =	vst.idx.msk $0xffff, v17;
	v3 =	vmov v13;
	(pc) =	sbr.rel @p0 .LBB2_6-.Ltmp3, $4  }
0x160: {  	v8 =	vld.idx.msk [tilespmem:v16+s7+$0x0], $0xffff;
	[tilespmem:v0+s4+$0x0] =	vst.idx.msk $0xffff, v14;
	v0 =	vmov v16  }
0x161: {  	v10 =	vld.idx.msk [tilespmem:v18+s6+$0x0], $0xffff  }
0x162: {  	v13 =	vld.idx.msk [tilespmem:v15+s5+$0x0], $0xffff  }
0x163: {  	v9 =	vld.idx.msk [tilespmem:v20+s5+$0x0], $0xffff  }
0x164: {  	_ =	sdelay $0x3  }
0x165: {  	v4 =	vld.idx.msk [tilespmem:v12+s5+$0x0], $0xffff  }
0x166: {  	v11 =	vld.idx.msk [tilespmem:v11+s5+$0x0], $0xffff  }
0x167: {  	v5 =	vld.idx.msk [tilespmem:v5+s5+$0x0], $0xffff  }
0x168: {  	v60 =	vld.idx.msk [tilespmem:v1+s6+$0x0], $0xffff  }
0x169: {  	v14 =	vld.idx.msk [tilespmem:v3+s6+$0x0], $0xffff  }
0x16a: {  	v15 =	vld.idx.msk [tilespmem:v0+s6+$0x0], $0xffff  }
0x16b: {  	v6 =	vld.idx.msk [tilespmem:v6+s5+$0x0], $0xffff  }
0x16c: {  	v7 =	vld.idx.msk [tilespmem:v7+s5+$0x0], $0xffff  }
0x16d: {  	v8 =	vld.idx.msk [tilespmem:v8+s5+$0x0], $0xffff;
	v10 =	vmul.f32 v13, v10  }
0x16e: {  	v9 =	vmul.f32 v9, v60  }
0x16f: {  	v4 =	vmul.f32 v4, v10;
	v61 =	vmul.f32 v11, v14  }
0x170: {  	v5 =	vmul.f32 v5, v15;
	v6 =	vmul.f32 v6, v9  }
0x171: {  	[tilespmem:v2+s4+$0x0] =	vst.idx.msk $0xffff, v4;
	v62 =	vmul.f32 v7, v61  }
0x172: {  	v63 =	vmul.f32 v8, v5;
	[tilespmem:v1+s4+$0x0] =	vst.idx.msk $0xffff, v6  }
0x173: {  	[tilespmem:v3+s4+$0x0] =	vst.idx.msk $0xffff, v62  }
0x174: {  	s3 =	simm.s32 $0x0;
	s30 =	simm.s32 $0x13000;
	s31 =	simm.s32 $0x2;
	[tilespmem:v0+s4+$0x0] =	vst.idx.msk $0xffff, v63  }
0x175: {  	[hbm4b:s2+s3] =	stream.linear.scatter [tilespmem:s30], [sflag:$0x2], $0x5800, $0x38;
	[tilespmem:$0x18D00] =	vst v63  }
0x176: {  	_ =	swait.ge [sflag:s31], $0x5800  }
0x177: {  	[sflag:s31] =	ssyncset.done $0x0  }
0x178: {  	[sflag:s31] =	ssyncadd.s32 $0xFFFFA800  }
.LBB2_8:
0x179: {  	_ =	sfence.sel $0x180000  }
0x17a: {  	[bflag:$0x0] =	sbarrier.arrive $0xFFFF  }
0x17b: {  	p0 =	sne.s32 s1, $0x0;
	_ =	strace $0x90000047  }
0x17c: {  	s0 =	sadd.s32 @!p0 $0x100000, s0;
	[bflag:$0x2] =	sbarrier.arrive $0xFFFF  }
0x17d: {  	[sflag:s0] =	ssyncadd.tile.s32 @!p0 $0x1;
	_ =	shalt  }
.Lfunc_end2:
_tile_overlayer_lowered:
.L_overlay_start_2:
0x17e: {  	(tag) =	ssettag $0x2  }
0x17f: {  	s0 =	rddreg [dreg:$0x0];
	s2 =	stileid.u32  }
0x180: {  	s1 =	rddreg [dreg:$0x1];
	p0 =	sne.s32 s2, $0x0  }
0x181: {  	s3 =	rddreg [dreg:$0x2];
	[bflag:$0x3] =	sbarrier.arrive $0xFFFF;
	s2 =	simm.s32 @!p0 $0x1C02  }
0x182: {  	[timem:s3], [sflag:s2] =	dma.local @!p0 [hbm:s0], s1  }
0x183: {  	s0 =	simm.s32 @!p0 $0x2  }
0x184: {  	_ =	swait.ge @!p0 [sflag:s0], s1  }
0x185: {  	s1 =	ssub.s32 @!p0 $0x0, s1;
	[sflag:s0] =	ssyncset.done @!p0 $0x0  }
0x186: {  	[sflag:s0] =	ssyncadd.s32 @!p0 s1  }
0x187: {  	[bflag:$0x3] =	sbarrier.arrive $0xFFFF  }
0x188: {  	_ =	shalt  }

</sc_bundles>
